<compile_context>
chip_gen: v7x
topology: tpu7x:2x2x1
jax: 0.10.2.dev20260603
libtpu: 0.0.44.dev20260713+nightly
codegen_flags: <defaults>
</compile_context>

<pallas_src>
import functools

import jax
import jax.numpy as jnp
from jax import lax
from jax.experimental import pallas as pl
from jax.experimental.pallas import tpu as pltpu
from jax.experimental.pallas import tpu_sc as plsc

NROWS = 16384
NCOLS = 4096
LANES = 16
NCORES = 2
NSUBCORES = 16
NWORKERS = NCORES * NSUBCORES
ROWS_PER_WORKER = NROWS // NWORKERS
BLK = 4
NBUF = 4
NBLK = ROWS_PER_WORKER // BLK
NGRP = NBLK // NBUF
NSEG = NCOLS // LANES


def _cumsum_body(x_hbm, out_hbm, *refs):
    bufs = refs[:NBUF]
    in_sems = refs[NBUF:2 * NBUF]
    out_sems = refs[2 * NBUF:3 * NBUF]

    c = lax.axis_index("c")
    s = lax.axis_index("s")
    wid = s * NCORES + c
    base = wid * ROWS_PER_WORKER

    def in_copy(b, p):
        return pltpu.make_async_copy(
            x_hbm.at[pl.ds(base + b * BLK, BLK)], bufs[p], in_sems[p]
        )

    def out_copy(b, p):
        return pltpu.make_async_copy(
            bufs[p], out_hbm.at[pl.ds(base + b * BLK, BLK)], out_sems[p]
        )

    def compute(buf):
        zeros = tuple(jnp.float32(0.0) for _ in range(BLK))

        @plsc.parallel_loop(0, NSEG, 1, unroll=64, carry=zeros)
        def _(j, carries):
            new = []
            for r in range(BLK):
                seg = buf[r, pl.ds(j * LANES, LANES)]
                out = plsc.cumsum(seg) + carries[r]
                buf[r, pl.ds(j * LANES, LANES)] = out
                new.append(out[LANES - 1])
            return tuple(new)

    for p in range(NBUF):
        in_copy(p, p).start()

    def grp_body(g, carry):
        for p in range(NBUF):
            b = g * NBUF + p
            q = (p + NBUF - 1) % NBUF

            @pl.when(jnp.logical_and(b >= 1, b <= NBLK - NBUF))
            def _():
                out_copy(b - 1, q).wait()
                in_copy(b + NBUF - 1, q).start()

            in_copy(b, p).wait()
            compute(bufs[p])
            out_copy(b, p).start()
        return carry

    lax.fori_loop(0, NGRP, grp_body, 0)

    for q in range(NBUF):
        out_copy(NBLK - NBUF + q, q).wait()


@jax.jit
def kernel(x):
    mesh = plsc.VectorSubcoreMesh(core_axis_name="c", subcore_axis_name="s")
    run = functools.partial(
        pl.kernel,
        mesh=mesh,
        out_type=jax.ShapeDtypeStruct((NROWS, NCOLS), jnp.float32),
        scratch_types=(
            [pltpu.VMEM((BLK, NCOLS), jnp.float32) for _ in range(NBUF)]
            + [pltpu.SemaphoreType.DMA for _ in range(2 * NBUF)]
        ),
        compiler_params=pltpu.CompilerParams(needs_layout_passes=False),
    )(_cumsum_body)
    return run(x)

# --- scband reference (transcript-rebuilt; emitter-appended) ---
"""Pipeline reference for scband-model-new-23656679866954 (READ-ONLY COPY).

The authoritative reference and input builder live on the scoring server;
editing this copy changes nothing except your own understanding.
"""

import jax, jax.numpy as jnp
import numpy as np

DIM = 1

def setup_inputs(seed: int = 0) -> dict:
    key = jax.random.key(seed)
    x = jax.random.normal(key, (16384, 4096), dtype=jnp.float32)
    return {"x": x}

def reference(x):
    # Faithful translation of the CUDA row-wise inclusive prefix sum (cumsum along dim=1)
    return jnp.cumsum(x, axis=DIM)

if __name__ == "__main__":
    import jax
    _d = setup_inputs()
    print(jax.jit(kernel)(*tuple(_d.values())))

</pallas_src>

<mosaic_0001>
#map = affine_map<(d0, d1) -> (0, 0)>
module attributes {stable_mosaic.version = 14 : i64} {
  func.func @_cumsum_body(%arg0: i32, %arg1: i32, %arg2: memref<16384x4096xf32, #tpu.memory_space<hbm>>, %arg3: memref<16384x4096xf32, #tpu.memory_space<hbm>>, %arg4: memref<4x4096xf32, #tpu.memory_space<vmem>>, %arg5: memref<4x4096xf32, #tpu.memory_space<vmem>>, %arg6: memref<4x4096xf32, #tpu.memory_space<vmem>>, %arg7: memref<4x4096xf32, #tpu.memory_space<vmem>>, %arg8: memref<!tpu.dma_semaphore, #tpu.memory_space<semaphore_mem>>, %arg9: memref<!tpu.dma_semaphore, #tpu.memory_space<semaphore_mem>>, %arg10: memref<!tpu.dma_semaphore, #tpu.memory_space<semaphore_mem>>, %arg11: memref<!tpu.dma_semaphore, #tpu.memory_space<semaphore_mem>>, %arg12: memref<!tpu.dma_semaphore, #tpu.memory_space<semaphore_mem>>, %arg13: memref<!tpu.dma_semaphore, #tpu.memory_space<semaphore_mem>>, %arg14: memref<!tpu.dma_semaphore, #tpu.memory_space<semaphore_mem>>, %arg15: memref<!tpu.dma_semaphore, #tpu.memory_space<semaphore_mem>>) attributes {dimension_semantics = [#tpu.dimension_semantics<core_parallel>, #tpu.dimension_semantics<subcore_parallel>], iteration_bounds = array<i64: 2, 16>, scalar_prefetch = 0 : i64, scratch_operands = 12 : i64, tpu.core_type = #tpu.core_type<sc_vector_subcore>, window_params = [{transform_indices = #map}, {transform_indices = #map}]} {
    %mul3A = arith.constant 2 : i32
    %mul3A_0 = arith.muli %arg1, %mul3A : i32
    %add3A = arith.addi %mul3A_0, %arg0 : i32
    %mul3A_1 = arith.constant 512 : i32
    %mul3A_2 = arith.muli %add3A, %mul3A_1 : i32
    %add3A_3 = arith.constant 0 : i32
    %add3A_4 = arith.addi %mul3A_2, %add3A_3 : i32
    %dma_start3A = arith.constant 0 : i32
    %dma_start3A_5 = tpu.memref_slice %arg2[%add3A_4, %dma_start3A] : memref<16384x4096xf32, #tpu.memory_space<hbm>> -> memref<4x4096xf32, #tpu.memory_space<hbm>>
    %dma_start3A_6 = arith.constant 0 : i32
    %dma_start3A_7 = tpu.memref_slice %arg2[%add3A_4, %dma_start3A_6] : memref<16384x4096xf32, #tpu.memory_space<hbm>> -> memref<4x4096xf32, #tpu.memory_space<hbm>>
    tpu.enqueue_dma source(%dma_start3A_7 : memref<4x4096xf32, #tpu.memory_space<hbm>>) target(%arg4 : memref<4x4096xf32, #tpu.memory_space<vmem>>) target_semaphore(%arg8 : memref<!tpu.dma_semaphore, #tpu.memory_space<semaphore_mem>>)
    %add3A_8 = arith.constant 4 : i32
    %add3A_9 = arith.addi %mul3A_2, %add3A_8 : i32
    %dma_start3A_10 = arith.constant 0 : i32
    %dma_start3A_11 = tpu.memref_slice %arg2[%add3A_9, %dma_start3A_10] : memref<16384x4096xf32, #tpu.memory_space<hbm>> -> memref<4x4096xf32, #tpu.memory_space<hbm>>
    %dma_start3A_12 = arith.constant 0 : i32
    %dma_start3A_13 = tpu.memref_slice %arg2[%add3A_9, %dma_start3A_12] : memref<16384x4096xf32, #tpu.memory_space<hbm>> -> memref<4x4096xf32, #tpu.memory_space<hbm>>
    tpu.enqueue_dma source(%dma_start3A_13 : memref<4x4096xf32, #tpu.memory_space<hbm>>) target(%arg5 : memref<4x4096xf32, #tpu.memory_space<vmem>>) target_semaphore(%arg9 : memref<!tpu.dma_semaphore, #tpu.memory_space<semaphore_mem>>)
    %add3A_14 = arith.constant 8 : i32
    %add3A_15 = arith.addi %mul3A_2, %add3A_14 : i32
    %dma_start3A_16 = arith.constant 0 : i32
    %dma_start3A_17 = tpu.memref_slice %arg2[%add3A_15, %dma_start3A_16] : memref<16384x4096xf32, #tpu.memory_space<hbm>> -> memref<4x4096xf32, #tpu.memory_space<hbm>>
    %dma_start3A_18 = arith.constant 0 : i32
    %dma_start3A_19 = tpu.memref_slice %arg2[%add3A_15, %dma_start3A_18] : memref<16384x4096xf32, #tpu.memory_space<hbm>> -> memref<4x4096xf32, #tpu.memory_space<hbm>>
    tpu.enqueue_dma source(%dma_start3A_19 : memref<4x4096xf32, #tpu.memory_space<hbm>>) target(%arg6 : memref<4x4096xf32, #tpu.memory_space<vmem>>) target_semaphore(%arg10 : memref<!tpu.dma_semaphore, #tpu.memory_space<semaphore_mem>>)
    %add3A_20 = arith.constant 12 : i32
    %add3A_21 = arith.addi %mul3A_2, %add3A_20 : i32
    %dma_start3A_22 = arith.constant 0 : i32
    %dma_start3A_23 = tpu.memref_slice %arg2[%add3A_21, %dma_start3A_22] : memref<16384x4096xf32, #tpu.memory_space<hbm>> -> memref<4x4096xf32, #tpu.memory_space<hbm>>
    %dma_start3A_24 = arith.constant 0 : i32
    %dma_start3A_25 = tpu.memref_slice %arg2[%add3A_21, %dma_start3A_24] : memref<16384x4096xf32, #tpu.memory_space<hbm>> -> memref<4x4096xf32, #tpu.memory_space<hbm>>
    tpu.enqueue_dma source(%dma_start3A_25 : memref<4x4096xf32, #tpu.memory_space<hbm>>) target(%arg7 : memref<4x4096xf32, #tpu.memory_space<vmem>>) target_semaphore(%arg11 : memref<!tpu.dma_semaphore, #tpu.memory_space<semaphore_mem>>)
    %scan3A = arith.constant 0 : i32
    %scan3A_26 = arith.constant 0 : i32
    %scan3A_27 = arith.constant 32 : i32
    %scan3A_28 = arith.addi %scan3A_26, %scan3A_27 : i32
    %scan3A_29 = arith.constant 1 : i32
    scf.for %scan3A_54 = %scan3A_26 to %scan3A_28 step %scan3A_29  : i32 {
      %mul3A_55 = arith.constant 4 : i32
      %mul3A_56 = arith.muli %scan3A_54, %mul3A_55 : i32
      %add3A_57 = arith.constant 0 : i32
      %add3A_58 = arith.addi %mul3A_56, %add3A_57 : i32
      %ge3A = arith.constant 1 : i32
      %ge3A_59 = arith.cmpi sge, %add3A_58, %ge3A : i32
      %le3A = arith.constant 124 : i32
      %le3A_60 = arith.cmpi sle, %add3A_58, %le3A : i32
      %and3A = arith.andi %ge3A_59, %le3A_60 : i1
      %convert_element_type3A = arith.extui %and3A : i1 to i32
      %cond3A = arith.constant 0 : i32
      %cond3A_61 = arith.cmpi ne, %convert_element_type3A, %cond3A : i32
      scf.if %cond3A_61 {
        %sub3A = arith.constant 1 : i32
        %sub3A_185 = arith.subi %add3A_58, %sub3A : i32
        %mul3A_186 = arith.constant 4 : i32
        %mul3A_187 = arith.muli %sub3A_185, %mul3A_186 : i32
        %add3A_188 = arith.addi %mul3A_2, %mul3A_187 : i32
        %dma_wait3A_189 = arith.constant 0 : i32
        %dma_wait3A_190 = tpu.memref_slice %arg3[%add3A_188, %dma_wait3A_189] : memref<16384x4096xf32, #tpu.memory_space<hbm>> -> memref<4x4096xf32, #tpu.memory_space<hbm>>
        %dma_wait3A_191 = arith.constant 0 : i32
        %dma_wait3A_192 = tpu.memref_slice %arg3[%add3A_188, %dma_wait3A_191] : memref<16384x4096xf32, #tpu.memory_space<hbm>> -> memref<4x4096xf32, #tpu.memory_space<hbm>>
        tpu.wait_dma2 semaphore(%arg15 : memref<!tpu.dma_semaphore, #tpu.memory_space<semaphore_mem>>) src(%arg7 : memref<4x4096xf32, #tpu.memory_space<vmem>>) dst(%dma_wait3A_192 : memref<4x4096xf32, #tpu.memory_space<hbm>>)
        %add3A_193 = arith.constant 4 : i32
        %add3A_194 = arith.addi %add3A_58, %add3A_193 : i32
        %sub3A_195 = arith.constant 1 : i32
        %sub3A_196 = arith.subi %add3A_194, %sub3A_195 : i32
        %mul3A_197 = arith.constant 4 : i32
        %mul3A_198 = arith.muli %sub3A_196, %mul3A_197 : i32
        %add3A_199 = arith.addi %mul3A_2, %mul3A_198 : i32
        %dma_start3A_200 = arith.constant 0 : i32
        %dma_start3A_201 = tpu.memref_slice %arg2[%add3A_199, %dma_start3A_200] : memref<16384x4096xf32, #tpu.memory_space<hbm>> -> memref<4x4096xf32, #tpu.memory_space<hbm>>
        %dma_start3A_202 = arith.constant 0 : i32
        %dma_start3A_203 = tpu.memref_slice %arg2[%add3A_199, %dma_start3A_202] : memref<16384x4096xf32, #tpu.memory_space<hbm>> -> memref<4x4096xf32, #tpu.memory_space<hbm>>
        tpu.enqueue_dma source(%dma_start3A_203 : memref<4x4096xf32, #tpu.memory_space<hbm>>) target(%arg7 : memref<4x4096xf32, #tpu.memory_space<vmem>>) target_semaphore(%arg11 : memref<!tpu.dma_semaphore, #tpu.memory_space<semaphore_mem>>)
      } else {
      }
      %mul3A_62 = arith.constant 4 : i32
      %mul3A_63 = arith.muli %add3A_58, %mul3A_62 : i32
      %add3A_64 = arith.addi %mul3A_2, %mul3A_63 : i32
      %dma_wait3A_65 = arith.constant 0 : i32
      %dma_wait3A_66 = tpu.memref_slice %arg2[%add3A_64, %dma_wait3A_65] : memref<16384x4096xf32, #tpu.memory_space<hbm>> -> memref<4x4096xf32, #tpu.memory_space<hbm>>
      %dma_wait3A_67 = arith.constant 0 : i32
      %dma_wait3A_68 = tpu.memref_slice %arg2[%add3A_64, %dma_wait3A_67] : memref<16384x4096xf32, #tpu.memory_space<hbm>> -> memref<4x4096xf32, #tpu.memory_space<hbm>>
      tpu.wait_dma2 semaphore(%arg8 : memref<!tpu.dma_semaphore, #tpu.memory_space<semaphore_mem>>) src(%dma_wait3A_68 : memref<4x4096xf32, #tpu.memory_space<hbm>>) dst(%arg4 : memref<4x4096xf32, #tpu.memory_space<vmem>>)
      %parallel_loop3A = arith.constant 0 : i32
      %parallel_loop3A_69 = arith.constant 256 : i32
      %parallel_loop3A_70 = arith.constant 1 : i32
      %parallel_loop3A_71 = arith.constant 0.000000e+00 : f32
      %parallel_loop3A_72 = arith.constant 0.000000e+00 : f32
      %parallel_loop3A_73 = arith.constant 0.000000e+00 : f32
      %parallel_loop3A_74 = arith.constant 0.000000e+00 : f32
      %parallel_loop3A_75:4 = scf.for %parallel_loop3A_185 = %parallel_loop3A to %parallel_loop3A_69 step %parallel_loop3A_70 iter_args(%parallel_loop3A_186 = %parallel_loop3A_71, %parallel_loop3A_187 = %parallel_loop3A_72, %parallel_loop3A_188 = %parallel_loop3A_73, %parallel_loop3A_189 = %parallel_loop3A_74) -> (f32, f32, f32, f32)  : i32 {
        %parallel_loop3A_190 = arith.constant 16 : i32
        %parallel_loop3A_191 = arith.muli %parallel_loop3A_185, %parallel_loop3A_190 : i32
        %parallel_loop3A_192 = arith.constant 0 : i32
        %parallel_loop3A_193 = arith.index_cast %parallel_loop3A_192 : i32 to index
        %parallel_loop3A_194 = arith.index_cast %parallel_loop3A_191 : i32 to index
        %parallel_loop3A_195 = tpu.vector_load %arg4[%parallel_loop3A_193, %parallel_loop3A_194] {strides = array<i32>} : memref<4x4096xf32, #tpu.memory_space<vmem>>, vector<16xf32>,
        %parallel_loop3A_196 = arith.constant true
        %parallel_loop3A_197 = vector.broadcast %parallel_loop3A_196 : i1 to vector<16xi1>
        %parallel_loop3A_198 = tpu.scan <sum>, %parallel_loop3A_195 masked %parallel_loop3A_197 : vector<16xf32>, vector<16xi1> -> vector<16xf32>
        %parallel_loop3A_199 = vector.broadcast %parallel_loop3A_186 : f32 to vector<16xf32>
        %parallel_loop3A_200 = arith.addf %parallel_loop3A_198, %parallel_loop3A_199 : vector<16xf32>
        %parallel_loop3A_201 = arith.constant 16 : i32
        %parallel_loop3A_202 = arith.muli %parallel_loop3A_185, %parallel_loop3A_201 : i32
        %parallel_loop3A_203 = arith.constant 0 : i32
        %parallel_loop3A_204 = arith.index_cast %parallel_loop3A_203 : i32 to index
        %parallel_loop3A_205 = arith.index_cast %parallel_loop3A_202 : i32 to index
        %parallel_loop3A_206 = tpu.vector_load %arg4[%parallel_loop3A_204, %parallel_loop3A_205] {strides = array<i32>} : memref<4x4096xf32, #tpu.memory_space<vmem>>, vector<16xf32>,
        tpu.vector_store %arg4[%parallel_loop3A_204, %parallel_loop3A_205], %parallel_loop3A_200 {strides = array<i32>} : memref<4x4096xf32, #tpu.memory_space<vmem>>, vector<16xf32>,
        %parallel_loop3A_207 = vector.extract_strided_slice %parallel_loop3A_200 {offsets = [15], sizes = [1], strides = [1]} : vector<16xf32> to vector<1xf32>
        %parallel_loop3A_208 = vector.extract %parallel_loop3A_207[0] : f32 from vector<1xf32>
        %parallel_loop3A_209 = arith.constant 16 : i32
        %parallel_loop3A_210 = arith.muli %parallel_loop3A_185, %parallel_loop3A_209 : i32
        %parallel_loop3A_211 = arith.constant 1 : i32
        %parallel_loop3A_212 = arith.index_cast %parallel_loop3A_211 : i32 to index
        %parallel_loop3A_213 = arith.index_cast %parallel_loop3A_210 : i32 to index
        %parallel_loop3A_214 = tpu.vector_load %arg4[%parallel_loop3A_212, %parallel_loop3A_213] {strides = array<i32>} : memref<4x4096xf32, #tpu.memory_space<vmem>>, vector<16xf32>,
        %parallel_loop3A_215 = arith.constant true
        %parallel_loop3A_216 = vector.broadcast %parallel_loop3A_215 : i1 to vector<16xi1>
        %parallel_loop3A_217 = tpu.scan <sum>, %parallel_loop3A_214 masked %parallel_loop3A_216 : vector<16xf32>, vector<16xi1> -> vector<16xf32>
        %parallel_loop3A_218 = vector.broadcast %parallel_loop3A_187 : f32 to vector<16xf32>
        %parallel_loop3A_219 = arith.addf %parallel_loop3A_217, %parallel_loop3A_218 : vector<16xf32>
        %parallel_loop3A_220 = arith.constant 16 : i32
        %parallel_loop3A_221 = arith.muli %parallel_loop3A_185, %parallel_loop3A_220 : i32
        %parallel_loop3A_222 = arith.constant 1 : i32
        %parallel_loop3A_223 = arith.index_cast %parallel_loop3A_222 : i32 to index
        %parallel_loop3A_224 = arith.index_cast %parallel_loop3A_221 : i32 to index
        %parallel_loop3A_225 = tpu.vector_load %arg4[%parallel_loop3A_223, %parallel_loop3A_224] {strides = array<i32>} : memref<4x4096xf32, #tpu.memory_space<vmem>>, vector<16xf32>,
        tpu.vector_store %arg4[%parallel_loop3A_223, %parallel_loop3A_224], %parallel_loop3A_219 {strides = array<i32>} : memref<4x4096xf32, #tpu.memory_space<vmem>>, vector<16xf32>,
        %parallel_loop3A_226 = vector.extract_strided_slice %parallel_loop3A_219 {offsets = [15], sizes = [1], strides = [1]} : vector<16xf32> to vector<1xf32>
        %parallel_loop3A_227 = vector.extract %parallel_loop3A_226[0] : f32 from vector<1xf32>
        %parallel_loop3A_228 = arith.constant 16 : i32
        %parallel_loop3A_229 = arith.muli %parallel_loop3A_185, %parallel_loop3A_228 : i32
        %parallel_loop3A_230 = arith.constant 2 : i32
        %parallel_loop3A_231 = arith.index_cast %parallel_loop3A_230 : i32 to index
        %parallel_loop3A_232 = arith.index_cast %parallel_loop3A_229 : i32 to index
        %parallel_loop3A_233 = tpu.vector_load %arg4[%parallel_loop3A_231, %parallel_loop3A_232] {strides = array<i32>} : memref<4x4096xf32, #tpu.memory_space<vmem>>, vector<16xf32>,
        %parallel_loop3A_234 = arith.constant true
        %parallel_loop3A_235 = vector.broadcast %parallel_loop3A_234 : i1 to vector<16xi1>
        %parallel_loop3A_236 = tpu.scan <sum>, %parallel_loop3A_233 masked %parallel_loop3A_235 : vector<16xf32>, vector<16xi1> -> vector<16xf32>
        %parallel_loop3A_237 = vector.broadcast %parallel_loop3A_188 : f32 to vector<16xf32>
        %parallel_loop3A_238 = arith.addf %parallel_loop3A_236, %parallel_loop3A_237 : vector<16xf32>
        %parallel_loop3A_239 = arith.constant 16 : i32
        %parallel_loop3A_240 = arith.muli %parallel_loop3A_185, %parallel_loop3A_239 : i32
        %parallel_loop3A_241 = arith.constant 2 : i32
        %parallel_loop3A_242 = arith.index_cast %parallel_loop3A_241 : i32 to index
        %parallel_loop3A_243 = arith.index_cast %parallel_loop3A_240 : i32 to index
        %parallel_loop3A_244 = tpu.vector_load %arg4[%parallel_loop3A_242, %parallel_loop3A_243] {strides = array<i32>} : memref<4x4096xf32, #tpu.memory_space<vmem>>, vector<16xf32>,
        tpu.vector_store %arg4[%parallel_loop3A_242, %parallel_loop3A_243], %parallel_loop3A_238 {strides = array<i32>} : memref<4x4096xf32, #tpu.memory_space<vmem>>, vector<16xf32>,
        %parallel_loop3A_245 = vector.extract_strided_slice %parallel_loop3A_238 {offsets = [15], sizes = [1], strides = [1]} : vector<16xf32> to vector<1xf32>
        %parallel_loop3A_246 = vector.extract %parallel_loop3A_245[0] : f32 from vector<1xf32>
        %parallel_loop3A_247 = arith.constant 16 : i32
        %parallel_loop3A_248 = arith.muli %parallel_loop3A_185, %parallel_loop3A_247 : i32
        %parallel_loop3A_249 = arith.constant 3 : i32
        %parallel_loop3A_250 = arith.index_cast %parallel_loop3A_249 : i32 to index
        %parallel_loop3A_251 = arith.index_cast %parallel_loop3A_248 : i32 to index
        %parallel_loop3A_252 = tpu.vector_load %arg4[%parallel_loop3A_250, %parallel_loop3A_251] {strides = array<i32>} : memref<4x4096xf32, #tpu.memory_space<vmem>>, vector<16xf32>,
        %parallel_loop3A_253 = arith.constant true
        %parallel_loop3A_254 = vector.broadcast %parallel_loop3A_253 : i1 to vector<16xi1>
        %parallel_loop3A_255 = tpu.scan <sum>, %parallel_loop3A_252 masked %parallel_loop3A_254 : vector<16xf32>, vector<16xi1> -> vector<16xf32>
        %parallel_loop3A_256 = vector.broadcast %parallel_loop3A_189 : f32 to vector<16xf32>
        %parallel_loop3A_257 = arith.addf %parallel_loop3A_255, %parallel_loop3A_256 : vector<16xf32>
        %parallel_loop3A_258 = arith.constant 16 : i32
        %parallel_loop3A_259 = arith.muli %parallel_loop3A_185, %parallel_loop3A_258 : i32
        %parallel_loop3A_260 = arith.constant 3 : i32
        %parallel_loop3A_261 = arith.index_cast %parallel_loop3A_260 : i32 to index
        %parallel_loop3A_262 = arith.index_cast %parallel_loop3A_259 : i32 to index
        %parallel_loop3A_263 = tpu.vector_load %arg4[%parallel_loop3A_261, %parallel_loop3A_262] {strides = array<i32>} : memref<4x4096xf32, #tpu.memory_space<vmem>>, vector<16xf32>,
        tpu.vector_store %arg4[%parallel_loop3A_261, %parallel_loop3A_262], %parallel_loop3A_257 {strides = array<i32>} : memref<4x4096xf32, #tpu.memory_space<vmem>>, vector<16xf32>,
        %parallel_loop3A_264 = vector.extract_strided_slice %parallel_loop3A_257 {offsets = [15], sizes = [1], strides = [1]} : vector<16xf32> to vector<1xf32>
        %parallel_loop3A_265 = vector.extract %parallel_loop3A_264[0] : f32 from vector<1xf32>
        scf.yield %parallel_loop3A_208, %parallel_loop3A_227, %parallel_loop3A_246, %parallel_loop3A_265 : f32, f32, f32, f32
      } {sc.loop_unroll_factor = 64 : i64, sc.parallel_access}
      %mul3A_76 = arith.constant 4 : i32
      %mul3A_77 = arith.muli %add3A_58, %mul3A_76 : i32
      %add3A_78 = arith.addi %mul3A_2, %mul3A_77 : i32
      %dma_start3A_79 = arith.constant 0 : i32
      %dma_start3A_80 = tpu.memref_slice %arg3[%add3A_78, %dma_start3A_79] : memref<16384x4096xf32, #tpu.memory_space<hbm>> -> memref<4x4096xf32, #tpu.memory_space<hbm>>
      %dma_start3A_81 = arith.constant 0 : i32
      %dma_start3A_82 = tpu.memref_slice %arg3[%add3A_78, %dma_start3A_81] : memref<16384x4096xf32, #tpu.memory_space<hbm>> -> memref<4x4096xf32, #tpu.memory_space<hbm>>
      tpu.enqueue_dma source(%arg4 : memref<4x4096xf32, #tpu.memory_space<vmem>>) target(%dma_start3A_82 : memref<4x4096xf32, #tpu.memory_space<hbm>>) target_semaphore(%arg12 : memref<!tpu.dma_semaphore, #tpu.memory_space<semaphore_mem>>)
      %mul3A_83 = arith.constant 4 : i32
      %mul3A_84 = arith.muli %scan3A_54, %mul3A_83 : i32
      %add3A_85 = arith.constant 1 : i32
      %add3A_86 = arith.addi %mul3A_84, %add3A_85 : i32
      %ge3A_87 = arith.constant 1 : i32
      %ge3A_88 = arith.cmpi sge, %add3A_86, %ge3A_87 : i32
      %le3A_89 = arith.constant 124 : i32
      %le3A_90 = arith.cmpi sle, %add3A_86, %le3A_89 : i32
      %and3A_91 = arith.andi %ge3A_88, %le3A_90 : i1
      %convert_element_type3A_92 = arith.extui %and3A_91 : i1 to i32
      %cond3A_93 = arith.constant 0 : i32
      %cond3A_94 = arith.cmpi ne, %convert_element_type3A_92, %cond3A_93 : i32
      scf.if %cond3A_94 {
        %sub3A = arith.constant 1 : i32
        %sub3A_185 = arith.subi %add3A_86, %sub3A : i32
        %mul3A_186 = arith.constant 4 : i32
        %mul3A_187 = arith.muli %sub3A_185, %mul3A_186 : i32
        %add3A_188 = arith.addi %mul3A_2, %mul3A_187 : i32
        %dma_wait3A_189 = arith.constant 0 : i32
        %dma_wait3A_190 = tpu.memref_slice %arg3[%add3A_188, %dma_wait3A_189] : memref<16384x4096xf32, #tpu.memory_space<hbm>> -> memref<4x4096xf32, #tpu.memory_space<hbm>>
        %dma_wait3A_191 = arith.constant 0 : i32
        %dma_wait3A_192 = tpu.memref_slice %arg3[%add3A_188, %dma_wait3A_191] : memref<16384x4096xf32, #tpu.memory_space<hbm>> -> memref<4x4096xf32, #tpu.memory_space<hbm>>
        tpu.wait_dma2 semaphore(%arg12 : memref<!tpu.dma_semaphore, #tpu.memory_space<semaphore_mem>>) src(%arg4 : memref<4x4096xf32, #tpu.memory_space<vmem>>) dst(%dma_wait3A_192 : memref<4x4096xf32, #tpu.memory_space<hbm>>)
        %add3A_193 = arith.constant 4 : i32
        %add3A_194 = arith.addi %add3A_86, %add3A_193 : i32
        %sub3A_195 = arith.constant 1 : i32
        %sub3A_196 = arith.subi %add3A_194, %sub3A_195 : i32
        %mul3A_197 = arith.constant 4 : i32
        %mul3A_198 = arith.muli %sub3A_196, %mul3A_197 : i32
        %add3A_199 = arith.addi %mul3A_2, %mul3A_198 : i32
        %dma_start3A_200 = arith.constant 0 : i32
        %dma_start3A_201 = tpu.memref_slice %arg2[%add3A_199, %dma_start3A_200] : memref<16384x4096xf32, #tpu.memory_space<hbm>> -> memref<4x4096xf32, #tpu.memory_space<hbm>>
        %dma_start3A_202 = arith.constant 0 : i32
        %dma_start3A_203 = tpu.memref_slice %arg2[%add3A_199, %dma_start3A_202] : memref<16384x4096xf32, #tpu.memory_space<hbm>> -> memref<4x4096xf32, #tpu.memory_space<hbm>>
        tpu.enqueue_dma source(%dma_start3A_203 : memref<4x4096xf32, #tpu.memory_space<hbm>>) target(%arg4 : memref<4x4096xf32, #tpu.memory_space<vmem>>) target_semaphore(%arg8 : memref<!tpu.dma_semaphore, #tpu.memory_space<semaphore_mem>>)
      } else {
      }
      %mul3A_95 = arith.constant 4 : i32
      %mul3A_96 = arith.muli %add3A_86, %mul3A_95 : i32
      %add3A_97 = arith.addi %mul3A_2, %mul3A_96 : i32
      %dma_wait3A_98 = arith.constant 0 : i32
      %dma_wait3A_99 = tpu.memref_slice %arg2[%add3A_97, %dma_wait3A_98] : memref<16384x4096xf32, #tpu.memory_space<hbm>> -> memref<4x4096xf32, #tpu.memory_space<hbm>>
      %dma_wait3A_100 = arith.constant 0 : i32
      %dma_wait3A_101 = tpu.memref_slice %arg2[%add3A_97, %dma_wait3A_100] : memref<16384x4096xf32, #tpu.memory_space<hbm>> -> memref<4x4096xf32, #tpu.memory_space<hbm>>
      tpu.wait_dma2 semaphore(%arg9 : memref<!tpu.dma_semaphore, #tpu.memory_space<semaphore_mem>>) src(%dma_wait3A_101 : memref<4x4096xf32, #tpu.memory_space<hbm>>) dst(%arg5 : memref<4x4096xf32, #tpu.memory_space<vmem>>)
      %parallel_loop3A_102 = arith.constant 0 : i32
      %parallel_loop3A_103 = arith.constant 256 : i32
      %parallel_loop3A_104 = arith.constant 1 : i32
      %parallel_loop3A_105 = arith.constant 0.000000e+00 : f32
      %parallel_loop3A_106 = arith.constant 0.000000e+00 : f32
      %parallel_loop3A_107 = arith.constant 0.000000e+00 : f32
      %parallel_loop3A_108 = arith.constant 0.000000e+00 : f32
      %parallel_loop3A_109:4 = scf.for %parallel_loop3A_185 = %parallel_loop3A_102 to %parallel_loop3A_103 step %parallel_loop3A_104 iter_args(%parallel_loop3A_186 = %parallel_loop3A_105, %parallel_loop3A_187 = %parallel_loop3A_106, %parallel_loop3A_188 = %parallel_loop3A_107, %parallel_loop3A_189 = %parallel_loop3A_108) -> (f32, f32, f32, f32)  : i32 {
        %parallel_loop3A_190 = arith.constant 16 : i32
        %parallel_loop3A_191 = arith.muli %parallel_loop3A_185, %parallel_loop3A_190 : i32
        %parallel_loop3A_192 = arith.constant 0 : i32
        %parallel_loop3A_193 = arith.index_cast %parallel_loop3A_192 : i32 to index
        %parallel_loop3A_194 = arith.index_cast %parallel_loop3A_191 : i32 to index
        %parallel_loop3A_195 = tpu.vector_load %arg5[%parallel_loop3A_193, %parallel_loop3A_194] {strides = array<i32>} : memref<4x4096xf32, #tpu.memory_space<vmem>>, vector<16xf32>,
        %parallel_loop3A_196 = arith.constant true
        %parallel_loop3A_197 = vector.broadcast %parallel_loop3A_196 : i1 to vector<16xi1>
        %parallel_loop3A_198 = tpu.scan <sum>, %parallel_loop3A_195 masked %parallel_loop3A_197 : vector<16xf32>, vector<16xi1> -> vector<16xf32>
        %parallel_loop3A_199 = vector.broadcast %parallel_loop3A_186 : f32 to vector<16xf32>
        %parallel_loop3A_200 = arith.addf %parallel_loop3A_198, %parallel_loop3A_199 : vector<16xf32>
        %parallel_loop3A_201 = arith.constant 16 : i32
        %parallel_loop3A_202 = arith.muli %parallel_loop3A_185, %parallel_loop3A_201 : i32
        %parallel_loop3A_203 = arith.constant 0 : i32
        %parallel_loop3A_204 = arith.index_cast %parallel_loop3A_203 : i32 to index
        %parallel_loop3A_205 = arith.index_cast %parallel_loop3A_202 : i32 to index
        %parallel_loop3A_206 = tpu.vector_load %arg5[%parallel_loop3A_204, %parallel_loop3A_205] {strides = array<i32>} : memref<4x4096xf32, #tpu.memory_space<vmem>>, vector<16xf32>,
        tpu.vector_store %arg5[%parallel_loop3A_204, %parallel_loop3A_205], %parallel_loop3A_200 {strides = array<i32>} : memref<4x4096xf32, #tpu.memory_space<vmem>>, vector<16xf32>,
        %parallel_loop3A_207 = vector.extract_strided_slice %parallel_loop3A_200 {offsets = [15], sizes = [1], strides = [1]} : vector<16xf32> to vector<1xf32>
        %parallel_loop3A_208 = vector.extract %parallel_loop3A_207[0] : f32 from vector<1xf32>
        %parallel_loop3A_209 = arith.constant 16 : i32
        %parallel_loop3A_210 = arith.muli %parallel_loop3A_185, %parallel_loop3A_209 : i32
        %parallel_loop3A_211 = arith.constant 1 : i32
        %parallel_loop3A_212 = arith.index_cast %parallel_loop3A_211 : i32 to index
        %parallel_loop3A_213 = arith.index_cast %parallel_loop3A_210 : i32 to index
        %parallel_loop3A_214 = tpu.vector_load %arg5[%parallel_loop3A_212, %parallel_loop3A_213] {strides = array<i32>} : memref<4x4096xf32, #tpu.memory_space<vmem>>, vector<16xf32>,
        %parallel_loop3A_215 = arith.constant true
        %parallel_loop3A_216 = vector.broadcast %parallel_loop3A_215 : i1 to vector<16xi1>
        %parallel_loop3A_217 = tpu.scan <sum>, %parallel_loop3A_214 masked %parallel_loop3A_216 : vector<16xf32>, vector<16xi1> -> vector<16xf32>
        %parallel_loop3A_218 = vector.broadcast %parallel_loop3A_187 : f32 to vector<16xf32>
        %parallel_loop3A_219 = arith.addf %parallel_loop3A_217, %parallel_loop3A_218 : vector<16xf32>
        %parallel_loop3A_220 = arith.constant 16 : i32
        %parallel_loop3A_221 = arith.muli %parallel_loop3A_185, %parallel_loop3A_220 : i32
        %parallel_loop3A_222 = arith.constant 1 : i32
        %parallel_loop3A_223 = arith.index_cast %parallel_loop3A_222 : i32 to index
        %parallel_loop3A_224 = arith.index_cast %parallel_loop3A_221 : i32 to index
        %parallel_loop3A_225 = tpu.vector_load %arg5[%parallel_loop3A_223, %parallel_loop3A_224] {strides = array<i32>} : memref<4x4096xf32, #tpu.memory_space<vmem>>, vector<16xf32>,
        tpu.vector_store %arg5[%parallel_loop3A_223, %parallel_loop3A_224], %parallel_loop3A_219 {strides = array<i32>} : memref<4x4096xf32, #tpu.memory_space<vmem>>, vector<16xf32>,
        %parallel_loop3A_226 = vector.extract_strided_slice %parallel_loop3A_219 {offsets = [15], sizes = [1], strides = [1]} : vector<16xf32> to vector<1xf32>
        %parallel_loop3A_227 = vector.extract %parallel_loop3A_226[0] : f32 from vector<1xf32>
        %parallel_loop3A_228 = arith.constant 16 : i32
        %parallel_loop3A_229 = arith.muli %parallel_loop3A_185, %parallel_loop3A_228 : i32
        %parallel_loop3A_230 = arith.constant 2 : i32
        %parallel_loop3A_231 = arith.index_cast %parallel_loop3A_230 : i32 to index
        %parallel_loop3A_232 = arith.index_cast %parallel_loop3A_229 : i32 to index
        %parallel_loop3A_233 = tpu.vector_load %arg5[%parallel_loop3A_231, %parallel_loop3A_232] {strides = array<i32>} : memref<4x4096xf32, #tpu.memory_space<vmem>>, vector<16xf32>,
        %parallel_loop3A_234 = arith.constant true
        %parallel_loop3A_235 = vector.broadcast %parallel_loop3A_234 : i1 to vector<16xi1>
        %parallel_loop3A_236 = tpu.scan <sum>, %parallel_loop3A_233 masked %parallel_loop3A_235 : vector<16xf32>, vector<16xi1> -> vector<16xf32>
        %parallel_loop3A_237 = vector.broadcast %parallel_loop3A_188 : f32 to vector<16xf32>
        %parallel_loop3A_238 = arith.addf %parallel_loop3A_236, %parallel_loop3A_237 : vector<16xf32>
        %parallel_loop3A_239 = arith.constant 16 : i32
        %parallel_loop3A_240 = arith.muli %parallel_loop3A_185, %parallel_loop3A_239 : i32
        %parallel_loop3A_241 = arith.constant 2 : i32
        %parallel_loop3A_242 = arith.index_cast %parallel_loop3A_241 : i32 to index
        %parallel_loop3A_243 = arith.index_cast %parallel_loop3A_240 : i32 to index
        %parallel_loop3A_244 = tpu.vector_load %arg5[%parallel_loop3A_242, %parallel_loop3A_243] {strides = array<i32>} : memref<4x4096xf32, #tpu.memory_space<vmem>>, vector<16xf32>,
        tpu.vector_store %arg5[%parallel_loop3A_242, %parallel_loop3A_243], %parallel_loop3A_238 {strides = array<i32>} : memref<4x4096xf32, #tpu.memory_space<vmem>>, vector<16xf32>,
        %parallel_loop3A_245 = vector.extract_strided_slice %parallel_loop3A_238 {offsets = [15], sizes = [1], strides = [1]} : vector<16xf32> to vector<1xf32>
        %parallel_loop3A_246 = vector.extract %parallel_loop3A_245[0] : f32 from vector<1xf32>
        %parallel_loop3A_247 = arith.constant 16 : i32
        %parallel_loop3A_248 = arith.muli %parallel_loop3A_185, %parallel_loop3A_247 : i32
        %parallel_loop3A_249 = arith.constant 3 : i32
        %parallel_loop3A_250 = arith.index_cast %parallel_loop3A_249 : i32 to index
        %parallel_loop3A_251 = arith.index_cast %parallel_loop3A_248 : i32 to index
        %parallel_loop3A_252 = tpu.vector_load %arg5[%parallel_loop3A_250, %parallel_loop3A_251] {strides = array<i32>} : memref<4x4096xf32, #tpu.memory_space<vmem>>, vector<16xf32>,
        %parallel_loop3A_253 = arith.constant true
        %parallel_loop3A_254 = vector.broadcast %parallel_loop3A_253 : i1 to vector<16xi1>
        %parallel_loop3A_255 = tpu.scan <sum>, %parallel_loop3A_252 masked %parallel_loop3A_254 : vector<16xf32>, vector<16xi1> -> vector<16xf32>
        %parallel_loop3A_256 = vector.broadcast %parallel_loop3A_189 : f32 to vector<16xf32>
        %parallel_loop3A_257 = arith.addf %parallel_loop3A_255, %parallel_loop3A_256 : vector<16xf32>
        %parallel_loop3A_258 = arith.constant 16 : i32
        %parallel_loop3A_259 = arith.muli %parallel_loop3A_185, %parallel_loop3A_258 : i32
        %parallel_loop3A_260 = arith.constant 3 : i32
        %parallel_loop3A_261 = arith.index_cast %parallel_loop3A_260 : i32 to index
        %parallel_loop3A_262 = arith.index_cast %parallel_loop3A_259 : i32 to index
        %parallel_loop3A_263 = tpu.vector_load %arg5[%parallel_loop3A_261, %parallel_loop3A_262] {strides = array<i32>} : memref<4x4096xf32, #tpu.memory_space<vmem>>, vector<16xf32>,
        tpu.vector_store %arg5[%parallel_loop3A_261, %parallel_loop3A_262], %parallel_loop3A_257 {strides = array<i32>} : memref<4x4096xf32, #tpu.memory_space<vmem>>, vector<16xf32>,
        %parallel_loop3A_264 = vector.extract_strided_slice %parallel_loop3A_257 {offsets = [15], sizes = [1], strides = [1]} : vector<16xf32> to vector<1xf32>
        %parallel_loop3A_265 = vector.extract %parallel_loop3A_264[0] : f32 from vector<1xf32>
        scf.yield %parallel_loop3A_208, %parallel_loop3A_227, %parallel_loop3A_246, %parallel_loop3A_265 : f32, f32, f32, f32
      } {sc.loop_unroll_factor = 64 : i64, sc.parallel_access}
      %mul3A_110 = arith.constant 4 : i32
      %mul3A_111 = arith.muli %add3A_86, %mul3A_110 : i32
      %add3A_112 = arith.addi %mul3A_2, %mul3A_111 : i32
      %dma_start3A_113 = arith.constant 0 : i32
      %dma_start3A_114 = tpu.memref_slice %arg3[%add3A_112, %dma_start3A_113] : memref<16384x4096xf32, #tpu.memory_space<hbm>> -> memref<4x4096xf32, #tpu.memory_space<hbm>>
      %dma_start3A_115 = arith.constant 0 : i32
      %dma_start3A_116 = tpu.memref_slice %arg3[%add3A_112, %dma_start3A_115] : memref<16384x4096xf32, #tpu.memory_space<hbm>> -> memref<4x4096xf32, #tpu.memory_space<hbm>>
      tpu.enqueue_dma source(%arg5 : memref<4x4096xf32, #tpu.memory_space<vmem>>) target(%dma_start3A_116 : memref<4x4096xf32, #tpu.memory_space<hbm>>) target_semaphore(%arg13 : memref<!tpu.dma_semaphore, #tpu.memory_space<semaphore_mem>>)
      %mul3A_117 = arith.constant 4 : i32
      %mul3A_118 = arith.muli %scan3A_54, %mul3A_117 : i32
      %add3A_119 = arith.constant 2 : i32
      %add3A_120 = arith.addi %mul3A_118, %add3A_119 : i32
      %ge3A_121 = arith.constant 1 : i32
      %ge3A_122 = arith.cmpi sge, %add3A_120, %ge3A_121 : i32
      %le3A_123 = arith.constant 124 : i32
      %le3A_124 = arith.cmpi sle, %add3A_120, %le3A_123 : i32
      %and3A_125 = arith.andi %ge3A_122, %le3A_124 : i1
      %convert_element_type3A_126 = arith.extui %and3A_125 : i1 to i32
      %cond3A_127 = arith.constant 0 : i32
      %cond3A_128 = arith.cmpi ne, %convert_element_type3A_126, %cond3A_127 : i32
      scf.if %cond3A_128 {
        %sub3A = arith.constant 1 : i32
        %sub3A_185 = arith.subi %add3A_120, %sub3A : i32
        %mul3A_186 = arith.constant 4 : i32
        %mul3A_187 = arith.muli %sub3A_185, %mul3A_186 : i32
        %add3A_188 = arith.addi %mul3A_2, %mul3A_187 : i32
        %dma_wait3A_189 = arith.constant 0 : i32
        %dma_wait3A_190 = tpu.memref_slice %arg3[%add3A_188, %dma_wait3A_189] : memref<16384x4096xf32, #tpu.memory_space<hbm>> -> memref<4x4096xf32, #tpu.memory_space<hbm>>
        %dma_wait3A_191 = arith.constant 0 : i32
        %dma_wait3A_192 = tpu.memref_slice %arg3[%add3A_188, %dma_wait3A_191] : memref<16384x4096xf32, #tpu.memory_space<hbm>> -> memref<4x4096xf32, #tpu.memory_space<hbm>>
        tpu.wait_dma2 semaphore(%arg13 : memref<!tpu.dma_semaphore, #tpu.memory_space<semaphore_mem>>) src(%arg5 : memref<4x4096xf32, #tpu.memory_space<vmem>>) dst(%dma_wait3A_192 : memref<4x4096xf32, #tpu.memory_space<hbm>>)
        %add3A_193 = arith.constant 4 : i32
        %add3A_194 = arith.addi %add3A_120, %add3A_193 : i32
        %sub3A_195 = arith.constant 1 : i32
        %sub3A_196 = arith.subi %add3A_194, %sub3A_195 : i32
        %mul3A_197 = arith.constant 4 : i32
        %mul3A_198 = arith.muli %sub3A_196, %mul3A_197 : i32
        %add3A_199 = arith.addi %mul3A_2, %mul3A_198 : i32
        %dma_start3A_200 = arith.constant 0 : i32
        %dma_start3A_201 = tpu.memref_slice %arg2[%add3A_199, %dma_start3A_200] : memref<16384x4096xf32, #tpu.memory_space<hbm>> -> memref<4x4096xf32, #tpu.memory_space<hbm>>
        %dma_start3A_202 = arith.constant 0 : i32
        %dma_start3A_203 = tpu.memref_slice %arg2[%add3A_199, %dma_start3A_202] : memref<16384x4096xf32, #tpu.memory_space<hbm>> -> memref<4x4096xf32, #tpu.memory_space<hbm>>
        tpu.enqueue_dma source(%dma_start3A_203 : memref<4x4096xf32, #tpu.memory_space<hbm>>) target(%arg5 : memref<4x4096xf32, #tpu.memory_space<vmem>>) target_semaphore(%arg9 : memref<!tpu.dma_semaphore, #tpu.memory_space<semaphore_mem>>)
      } else {
      }
      %mul3A_129 = arith.constant 4 : i32
      %mul3A_130 = arith.muli %add3A_120, %mul3A_129 : i32
      %add3A_131 = arith.addi %mul3A_2, %mul3A_130 : i32
      %dma_wait3A_132 = arith.constant 0 : i32
      %dma_wait3A_133 = tpu.memref_slice %arg2[%add3A_131, %dma_wait3A_132] : memref<16384x4096xf32, #tpu.memory_space<hbm>> -> memref<4x4096xf32, #tpu.memory_space<hbm>>
      %dma_wait3A_134 = arith.constant 0 : i32
      %dma_wait3A_135 = tpu.memref_slice %arg2[%add3A_131, %dma_wait3A_134] : memref<16384x4096xf32, #tpu.memory_space<hbm>> -> memref<4x4096xf32, #tpu.memory_space<hbm>>
      tpu.wait_dma2 semaphore(%arg10 : memref<!tpu.dma_semaphore, #tpu.memory_space<semaphore_mem>>) src(%dma_wait3A_135 : memref<4x4096xf32, #tpu.memory_space<hbm>>) dst(%arg6 : memref<4x4096xf32, #tpu.memory_space<vmem>>)
      %parallel_loop3A_136 = arith.constant 0 : i32
      %parallel_loop3A_137 = arith.constant 256 : i32
      %parallel_loop3A_138 = arith.constant 1 : i32
      %parallel_loop3A_139 = arith.constant 0.000000e+00 : f32
      %parallel_loop3A_140 = arith.constant 0.000000e+00 : f32
      %parallel_loop3A_141 = arith.constant 0.000000e+00 : f32
      %parallel_loop3A_142 = arith.constant 0.000000e+00 : f32
      %parallel_loop3A_143:4 = scf.for %parallel_loop3A_185 = %parallel_loop3A_136 to %parallel_loop3A_137 step %parallel_loop3A_138 iter_args(%parallel_loop3A_186 = %parallel_loop3A_139, %parallel_loop3A_187 = %parallel_loop3A_140, %parallel_loop3A_188 = %parallel_loop3A_141, %parallel_loop3A_189 = %parallel_loop3A_142) -> (f32, f32, f32, f32)  : i32 {
        %parallel_loop3A_190 = arith.constant 16 : i32
        %parallel_loop3A_191 = arith.muli %parallel_loop3A_185, %parallel_loop3A_190 : i32
        %parallel_loop3A_192 = arith.constant 0 : i32
        %parallel_loop3A_193 = arith.index_cast %parallel_loop3A_192 : i32 to index
        %parallel_loop3A_194 = arith.index_cast %parallel_loop3A_191 : i32 to index
        %parallel_loop3A_195 = tpu.vector_load %arg6[%parallel_loop3A_193, %parallel_loop3A_194] {strides = array<i32>} : memref<4x4096xf32, #tpu.memory_space<vmem>>, vector<16xf32>,
        %parallel_loop3A_196 = arith.constant true
        %parallel_loop3A_197 = vector.broadcast %parallel_loop3A_196 : i1 to vector<16xi1>
        %parallel_loop3A_198 = tpu.scan <sum>, %parallel_loop3A_195 masked %parallel_loop3A_197 : vector<16xf32>, vector<16xi1> -> vector<16xf32>
        %parallel_loop3A_199 = vector.broadcast %parallel_loop3A_186 : f32 to vector<16xf32>
        %parallel_loop3A_200 = arith.addf %parallel_loop3A_198, %parallel_loop3A_199 : vector<16xf32>
        %parallel_loop3A_201 = arith.constant 16 : i32
        %parallel_loop3A_202 = arith.muli %parallel_loop3A_185, %parallel_loop3A_201 : i32
        %parallel_loop3A_203 = arith.constant 0 : i32
        %parallel_loop3A_204 = arith.index_cast %parallel_loop3A_203 : i32 to index
        %parallel_loop3A_205 = arith.index_cast %parallel_loop3A_202 : i32 to index
        %parallel_loop3A_206 = tpu.vector_load %arg6[%parallel_loop3A_204, %parallel_loop3A_205] {strides = array<i32>} : memref<4x4096xf32, #tpu.memory_space<vmem>>, vector<16xf32>,
        tpu.vector_store %arg6[%parallel_loop3A_204, %parallel_loop3A_205], %parallel_loop3A_200 {strides = array<i32>} : memref<4x4096xf32, #tpu.memory_space<vmem>>, vector<16xf32>,
        %parallel_loop3A_207 = vector.extract_strided_slice %parallel_loop3A_200 {offsets = [15], sizes = [1], strides = [1]} : vector<16xf32> to vector<1xf32>
        %parallel_loop3A_208 = vector.extract %parallel_loop3A_207[0] : f32 from vector<1xf32>
        %parallel_loop3A_209 = arith.constant 16 : i32
        %parallel_loop3A_210 = arith.muli %parallel_loop3A_185, %parallel_loop3A_209 : i32
        %parallel_loop3A_211 = arith.constant 1 : i32
        %parallel_loop3A_212 = arith.index_cast %parallel_loop3A_211 : i32 to index
        %parallel_loop3A_213 = arith.index_cast %parallel_loop3A_210 : i32 to index
        %parallel_loop3A_214 = tpu.vector_load %arg6[%parallel_loop3A_212, %parallel_loop3A_213] {strides = array<i32>} : memref<4x4096xf32, #tpu.memory_space<vmem>>, vector<16xf32>,
        %parallel_loop3A_215 = arith.constant true
        %parallel_loop3A_216 = vector.broadcast %parallel_loop3A_215 : i1 to vector<16xi1>
        %parallel_loop3A_217 = tpu.scan <sum>, %parallel_loop3A_214 masked %parallel_loop3A_216 : vector<16xf32>, vector<16xi1> -> vector<16xf32>
        %parallel_loop3A_218 = vector.broadcast %parallel_loop3A_187 : f32 to vector<16xf32>
        %parallel_loop3A_219 = arith.addf %parallel_loop3A_217, %parallel_loop3A_218 : vector<16xf32>
        %parallel_loop3A_220 = arith.constant 16 : i32
        %parallel_loop3A_221 = arith.muli %parallel_loop3A_185, %parallel_loop3A_220 : i32
        %parallel_loop3A_222 = arith.constant 1 : i32
        %parallel_loop3A_223 = arith.index_cast %parallel_loop3A_222 : i32 to index
        %parallel_loop3A_224 = arith.index_cast %parallel_loop3A_221 : i32 to index
        %parallel_loop3A_225 = tpu.vector_load %arg6[%parallel_loop3A_223, %parallel_loop3A_224] {strides = array<i32>} : memref<4x4096xf32, #tpu.memory_space<vmem>>, vector<16xf32>,
        tpu.vector_store %arg6[%parallel_loop3A_223, %parallel_loop3A_224], %parallel_loop3A_219 {strides = array<i32>} : memref<4x4096xf32, #tpu.memory_space<vmem>>, vector<16xf32>,
        %parallel_loop3A_226 = vector.extract_strided_slice %parallel_loop3A_219 {offsets = [15], sizes = [1], strides = [1]} : vector<16xf32> to vector<1xf32>
        %parallel_loop3A_227 = vector.extract %parallel_loop3A_226[0] : f32 from vector<1xf32>
        %parallel_loop3A_228 = arith.constant 16 : i32
        %parallel_loop3A_229 = arith.muli %parallel_loop3A_185, %parallel_loop3A_228 : i32
        %parallel_loop3A_230 = arith.constant 2 : i32
        %parallel_loop3A_231 = arith.index_cast %parallel_loop3A_230 : i32 to index
        %parallel_loop3A_232 = arith.index_cast %parallel_loop3A_229 : i32 to index
        %parallel_loop3A_233 = tpu.vector_load %arg6[%parallel_loop3A_231, %parallel_loop3A_232] {strides = array<i32>} : memref<4x4096xf32, #tpu.memory_space<vmem>>, vector<16xf32>,
        %parallel_loop3A_234 = arith.constant true
        %parallel_loop3A_235 = vector.broadcast %parallel_loop3A_234 : i1 to vector<16xi1>
        %parallel_loop3A_236 = tpu.scan <sum>, %parallel_loop3A_233 masked %parallel_loop3A_235 : vector<16xf32>, vector<16xi1> -> vector<16xf32>
        %parallel_loop3A_237 = vector.broadcast %parallel_loop3A_188 : f32 to vector<16xf32>
        %parallel_loop3A_238 = arith.addf %parallel_loop3A_236, %parallel_loop3A_237 : vector<16xf32>
        %parallel_loop3A_239 = arith.constant 16 : i32
        %parallel_loop3A_240 = arith.muli %parallel_loop3A_185, %parallel_loop3A_239 : i32
        %parallel_loop3A_241 = arith.constant 2 : i32
        %parallel_loop3A_242 = arith.index_cast %parallel_loop3A_241 : i32 to index
        %parallel_loop3A_243 = arith.index_cast %parallel_loop3A_240 : i32 to index
        %parallel_loop3A_244 = tpu.vector_load %arg6[%parallel_loop3A_242, %parallel_loop3A_243] {strides = array<i32>} : memref<4x4096xf32, #tpu.memory_space<vmem>>, vector<16xf32>,
        tpu.vector_store %arg6[%parallel_loop3A_242, %parallel_loop3A_243], %parallel_loop3A_238 {strides = array<i32>} : memref<4x4096xf32, #tpu.memory_space<vmem>>, vector<16xf32>,
        %parallel_loop3A_245 = vector.extract_strided_slice %parallel_loop3A_238 {offsets = [15], sizes = [1], strides = [1]} : vector<16xf32> to vector<1xf32>
        %parallel_loop3A_246 = vector.extract %parallel_loop3A_245[0] : f32 from vector<1xf32>
        %parallel_loop3A_247 = arith.constant 16 : i32
        %parallel_loop3A_248 = arith.muli %parallel_loop3A_185, %parallel_loop3A_247 : i32
        %parallel_loop3A_249 = arith.constant 3 : i32
        %parallel_loop3A_250 = arith.index_cast %parallel_loop3A_249 : i32 to index
        %parallel_loop3A_251 = arith.index_cast %parallel_loop3A_248 : i32 to index
        %parallel_loop3A_252 = tpu.vector_load %arg6[%parallel_loop3A_250, %parallel_loop3A_251] {strides = array<i32>} : memref<4x4096xf32, #tpu.memory_space<vmem>>, vector<16xf32>,
        %parallel_loop3A_253 = arith.constant true
        %parallel_loop3A_254 = vector.broadcast %parallel_loop3A_253 : i1 to vector<16xi1>
        %parallel_loop3A_255 = tpu.scan <sum>, %parallel_loop3A_252 masked %parallel_loop3A_254 : vector<16xf32>, vector<16xi1> -> vector<16xf32>
        %parallel_loop3A_256 = vector.broadcast %parallel_loop3A_189 : f32 to vector<16xf32>
        %parallel_loop3A_257 = arith.addf %parallel_loop3A_255, %parallel_loop3A_256 : vector<16xf32>
        %parallel_loop3A_258 = arith.constant 16 : i32
        %parallel_loop3A_259 = arith.muli %parallel_loop3A_185, %parallel_loop3A_258 : i32
        %parallel_loop3A_260 = arith.constant 3 : i32
        %parallel_loop3A_261 = arith.index_cast %parallel_loop3A_260 : i32 to index
        %parallel_loop3A_262 = arith.index_cast %parallel_loop3A_259 : i32 to index
        %parallel_loop3A_263 = tpu.vector_load %arg6[%parallel_loop3A_261, %parallel_loop3A_262] {strides = array<i32>} : memref<4x4096xf32, #tpu.memory_space<vmem>>, vector<16xf32>,
        tpu.vector_store %arg6[%parallel_loop3A_261, %parallel_loop3A_262], %parallel_loop3A_257 {strides = array<i32>} : memref<4x4096xf32, #tpu.memory_space<vmem>>, vector<16xf32>,
        %parallel_loop3A_264 = vector.extract_strided_slice %parallel_loop3A_257 {offsets = [15], sizes = [1], strides = [1]} : vector<16xf32> to vector<1xf32>
        %parallel_loop3A_265 = vector.extract %parallel_loop3A_264[0] : f32 from vector<1xf32>
        scf.yield %parallel_loop3A_208, %parallel_loop3A_227, %parallel_loop3A_246, %parallel_loop3A_265 : f32, f32, f32, f32
      } {sc.loop_unroll_factor = 64 : i64, sc.parallel_access}
      %mul3A_144 = arith.constant 4 : i32
      %mul3A_145 = arith.muli %add3A_120, %mul3A_144 : i32
      %add3A_146 = arith.addi %mul3A_2, %mul3A_145 : i32
      %dma_start3A_147 = arith.constant 0 : i32
      %dma_start3A_148 = tpu.memref_slice %arg3[%add3A_146, %dma_start3A_147] : memref<16384x4096xf32, #tpu.memory_space<hbm>> -> memref<4x4096xf32, #tpu.memory_space<hbm>>
      %dma_start3A_149 = arith.constant 0 : i32
      %dma_start3A_150 = tpu.memref_slice %arg3[%add3A_146, %dma_start3A_149] : memref<16384x4096xf32, #tpu.memory_space<hbm>> -> memref<4x4096xf32, #tpu.memory_space<hbm>>
      tpu.enqueue_dma source(%arg6 : memref<4x4096xf32, #tpu.memory_space<vmem>>) target(%dma_start3A_150 : memref<4x4096xf32, #tpu.memory_space<hbm>>) target_semaphore(%arg14 : memref<!tpu.dma_semaphore, #tpu.memory_space<semaphore_mem>>)
      %mul3A_151 = arith.constant 4 : i32
      %mul3A_152 = arith.muli %scan3A_54, %mul3A_151 : i32
      %add3A_153 = arith.constant 3 : i32
      %add3A_154 = arith.addi %mul3A_152, %add3A_153 : i32
      %ge3A_155 = arith.constant 1 : i32
      %ge3A_156 = arith.cmpi sge, %add3A_154, %ge3A_155 : i32
      %le3A_157 = arith.constant 124 : i32
      %le3A_158 = arith.cmpi sle, %add3A_154, %le3A_157 : i32
      %and3A_159 = arith.andi %ge3A_156, %le3A_158 : i1
      %convert_element_type3A_160 = arith.extui %and3A_159 : i1 to i32
      %cond3A_161 = arith.constant 0 : i32
      %cond3A_162 = arith.cmpi ne, %convert_element_type3A_160, %cond3A_161 : i32
      scf.if %cond3A_162 {
        %sub3A = arith.constant 1 : i32
        %sub3A_185 = arith.subi %add3A_154, %sub3A : i32
        %mul3A_186 = arith.constant 4 : i32
        %mul3A_187 = arith.muli %sub3A_185, %mul3A_186 : i32
        %add3A_188 = arith.addi %mul3A_2, %mul3A_187 : i32
        %dma_wait3A_189 = arith.constant 0 : i32
        %dma_wait3A_190 = tpu.memref_slice %arg3[%add3A_188, %dma_wait3A_189] : memref<16384x4096xf32, #tpu.memory_space<hbm>> -> memref<4x4096xf32, #tpu.memory_space<hbm>>
        %dma_wait3A_191 = arith.constant 0 : i32
        %dma_wait3A_192 = tpu.memref_slice %arg3[%add3A_188, %dma_wait3A_191] : memref<16384x4096xf32, #tpu.memory_space<hbm>> -> memref<4x4096xf32, #tpu.memory_space<hbm>>
        tpu.wait_dma2 semaphore(%arg14 : memref<!tpu.dma_semaphore, #tpu.memory_space<semaphore_mem>>) src(%arg6 : memref<4x4096xf32, #tpu.memory_space<vmem>>) dst(%dma_wait3A_192 : memref<4x4096xf32, #tpu.memory_space<hbm>>)
        %add3A_193 = arith.constant 4 : i32
        %add3A_194 = arith.addi %add3A_154, %add3A_193 : i32
        %sub3A_195 = arith.constant 1 : i32
        %sub3A_196 = arith.subi %add3A_194, %sub3A_195 : i32
        %mul3A_197 = arith.constant 4 : i32
        %mul3A_198 = arith.muli %sub3A_196, %mul3A_197 : i32
        %add3A_199 = arith.addi %mul3A_2, %mul3A_198 : i32
        %dma_start3A_200 = arith.constant 0 : i32
        %dma_start3A_201 = tpu.memref_slice %arg2[%add3A_199, %dma_start3A_200] : memref<16384x4096xf32, #tpu.memory_space<hbm>> -> memref<4x4096xf32, #tpu.memory_space<hbm>>
        %dma_start3A_202 = arith.constant 0 : i32
        %dma_start3A_203 = tpu.memref_slice %arg2[%add3A_199, %dma_start3A_202] : memref<16384x4096xf32, #tpu.memory_space<hbm>> -> memref<4x4096xf32, #tpu.memory_space<hbm>>
        tpu.enqueue_dma source(%dma_start3A_203 : memref<4x4096xf32, #tpu.memory_space<hbm>>) target(%arg6 : memref<4x4096xf32, #tpu.memory_space<vmem>>) target_semaphore(%arg10 : memref<!tpu.dma_semaphore, #tpu.memory_space<semaphore_mem>>)
      } else {
      }
      %mul3A_163 = arith.constant 4 : i32
      %mul3A_164 = arith.muli %add3A_154, %mul3A_163 : i32
      %add3A_165 = arith.addi %mul3A_2, %mul3A_164 : i32
      %dma_wait3A_166 = arith.constant 0 : i32
      %dma_wait3A_167 = tpu.memref_slice %arg2[%add3A_165, %dma_wait3A_166] : memref<16384x4096xf32, #tpu.memory_space<hbm>> -> memref<4x4096xf32, #tpu.memory_space<hbm>>
      %dma_wait3A_168 = arith.constant 0 : i32
      %dma_wait3A_169 = tpu.memref_slice %arg2[%add3A_165, %dma_wait3A_168] : memref<16384x4096xf32, #tpu.memory_space<hbm>> -> memref<4x4096xf32, #tpu.memory_space<hbm>>
      tpu.wait_dma2 semaphore(%arg11 : memref<!tpu.dma_semaphore, #tpu.memory_space<semaphore_mem>>) src(%dma_wait3A_169 : memref<4x4096xf32, #tpu.memory_space<hbm>>) dst(%arg7 : memref<4x4096xf32, #tpu.memory_space<vmem>>)
      %parallel_loop3A_170 = arith.constant 0 : i32
      %parallel_loop3A_171 = arith.constant 256 : i32
      %parallel_loop3A_172 = arith.constant 1 : i32
      %parallel_loop3A_173 = arith.constant 0.000000e+00 : f32
      %parallel_loop3A_174 = arith.constant 0.000000e+00 : f32
      %parallel_loop3A_175 = arith.constant 0.000000e+00 : f32
      %parallel_loop3A_176 = arith.constant 0.000000e+00 : f32
      %parallel_loop3A_177:4 = scf.for %parallel_loop3A_185 = %parallel_loop3A_170 to %parallel_loop3A_171 step %parallel_loop3A_172 iter_args(%parallel_loop3A_186 = %parallel_loop3A_173, %parallel_loop3A_187 = %parallel_loop3A_174, %parallel_loop3A_188 = %parallel_loop3A_175, %parallel_loop3A_189 = %parallel_loop3A_176) -> (f32, f32, f32, f32)  : i32 {
        %parallel_loop3A_190 = arith.constant 16 : i32
        %parallel_loop3A_191 = arith.muli %parallel_loop3A_185, %parallel_loop3A_190 : i32
        %parallel_loop3A_192 = arith.constant 0 : i32
        %parallel_loop3A_193 = arith.index_cast %parallel_loop3A_192 : i32 to index
        %parallel_loop3A_194 = arith.index_cast %parallel_loop3A_191 : i32 to index
        %parallel_loop3A_195 = tpu.vector_load %arg7[%parallel_loop3A_193, %parallel_loop3A_194] {strides = array<i32>} : memref<4x4096xf32, #tpu.memory_space<vmem>>, vector<16xf32>,
        %parallel_loop3A_196 = arith.constant true
        %parallel_loop3A_197 = vector.broadcast %parallel_loop3A_196 : i1 to vector<16xi1>
        %parallel_loop3A_198 = tpu.scan <sum>, %parallel_loop3A_195 masked %parallel_loop3A_197 : vector<16xf32>, vector<16xi1> -> vector<16xf32>
        %parallel_loop3A_199 = vector.broadcast %parallel_loop3A_186 : f32 to vector<16xf32>
        %parallel_loop3A_200 = arith.addf %parallel_loop3A_198, %parallel_loop3A_199 : vector<16xf32>
        %parallel_loop3A_201 = arith.constant 16 : i32
        %parallel_loop3A_202 = arith.muli %parallel_loop3A_185, %parallel_loop3A_201 : i32
        %parallel_loop3A_203 = arith.constant 0 : i32
        %parallel_loop3A_204 = arith.index_cast %parallel_loop3A_203 : i32 to index
        %parallel_loop3A_205 = arith.index_cast %parallel_loop3A_202 : i32 to index
        %parallel_loop3A_206 = tpu.vector_load %arg7[%parallel_loop3A_204, %parallel_loop3A_205] {strides = array<i32>} : memref<4x4096xf32, #tpu.memory_space<vmem>>, vector<16xf32>,
        tpu.vector_store %arg7[%parallel_loop3A_204, %parallel_loop3A_205], %parallel_loop3A_200 {strides = array<i32>} : memref<4x4096xf32, #tpu.memory_space<vmem>>, vector<16xf32>,
        %parallel_loop3A_207 = vector.extract_strided_slice %parallel_loop3A_200 {offsets = [15], sizes = [1], strides = [1]} : vector<16xf32> to vector<1xf32>
        %parallel_loop3A_208 = vector.extract %parallel_loop3A_207[0] : f32 from vector<1xf32>
        %parallel_loop3A_209 = arith.constant 16 : i32
        %parallel_loop3A_210 = arith.muli %parallel_loop3A_185, %parallel_loop3A_209 : i32
        %parallel_loop3A_211 = arith.constant 1 : i32
        %parallel_loop3A_212 = arith.index_cast %parallel_loop3A_211 : i32 to index
        %parallel_loop3A_213 = arith.index_cast %parallel_loop3A_210 : i32 to index
        %parallel_loop3A_214 = tpu.vector_load %arg7[%parallel_loop3A_212, %parallel_loop3A_213] {strides = array<i32>} : memref<4x4096xf32, #tpu.memory_space<vmem>>, vector<16xf32>,
        %parallel_loop3A_215 = arith.constant true
        %parallel_loop3A_216 = vector.broadcast %parallel_loop3A_215 : i1 to vector<16xi1>
        %parallel_loop3A_217 = tpu.scan <sum>, %parallel_loop3A_214 masked %parallel_loop3A_216 : vector<16xf32>, vector<16xi1> -> vector<16xf32>
        %parallel_loop3A_218 = vector.broadcast %parallel_loop3A_187 : f32 to vector<16xf32>
        %parallel_loop3A_219 = arith.addf %parallel_loop3A_217, %parallel_loop3A_218 : vector<16xf32>
        %parallel_loop3A_220 = arith.constant 16 : i32
        %parallel_loop3A_221 = arith.muli %parallel_loop3A_185, %parallel_loop3A_220 : i32
        %parallel_loop3A_222 = arith.constant 1 : i32
        %parallel_loop3A_223 = arith.index_cast %parallel_loop3A_222 : i32 to index
        %parallel_loop3A_224 = arith.index_cast %parallel_loop3A_221 : i32 to index
        %parallel_loop3A_225 = tpu.vector_load %arg7[%parallel_loop3A_223, %parallel_loop3A_224] {strides = array<i32>} : memref<4x4096xf32, #tpu.memory_space<vmem>>, vector<16xf32>,
        tpu.vector_store %arg7[%parallel_loop3A_223, %parallel_loop3A_224], %parallel_loop3A_219 {strides = array<i32>} : memref<4x4096xf32, #tpu.memory_space<vmem>>, vector<16xf32>,
        %parallel_loop3A_226 = vector.extract_strided_slice %parallel_loop3A_219 {offsets = [15], sizes = [1], strides = [1]} : vector<16xf32> to vector<1xf32>
        %parallel_loop3A_227 = vector.extract %parallel_loop3A_226[0] : f32 from vector<1xf32>
        %parallel_loop3A_228 = arith.constant 16 : i32
        %parallel_loop3A_229 = arith.muli %parallel_loop3A_185, %parallel_loop3A_228 : i32
        %parallel_loop3A_230 = arith.constant 2 : i32
        %parallel_loop3A_231 = arith.index_cast %parallel_loop3A_230 : i32 to index
        %parallel_loop3A_232 = arith.index_cast %parallel_loop3A_229 : i32 to index
        %parallel_loop3A_233 = tpu.vector_load %arg7[%parallel_loop3A_231, %parallel_loop3A_232] {strides = array<i32>} : memref<4x4096xf32, #tpu.memory_space<vmem>>, vector<16xf32>,
        %parallel_loop3A_234 = arith.constant true
        %parallel_loop3A_235 = vector.broadcast %parallel_loop3A_234 : i1 to vector<16xi1>
        %parallel_loop3A_236 = tpu.scan <sum>, %parallel_loop3A_233 masked %parallel_loop3A_235 : vector<16xf32>, vector<16xi1> -> vector<16xf32>
        %parallel_loop3A_237 = vector.broadcast %parallel_loop3A_188 : f32 to vector<16xf32>
        %parallel_loop3A_238 = arith.addf %parallel_loop3A_236, %parallel_loop3A_237 : vector<16xf32>
        %parallel_loop3A_239 = arith.constant 16 : i32
        %parallel_loop3A_240 = arith.muli %parallel_loop3A_185, %parallel_loop3A_239 : i32
        %parallel_loop3A_241 = arith.constant 2 : i32
        %parallel_loop3A_242 = arith.index_cast %parallel_loop3A_241 : i32 to index
        %parallel_loop3A_243 = arith.index_cast %parallel_loop3A_240 : i32 to index
        %parallel_loop3A_244 = tpu.vector_load %arg7[%parallel_loop3A_242, %parallel_loop3A_243] {strides = array<i32>} : memref<4x4096xf32, #tpu.memory_space<vmem>>, vector<16xf32>,
        tpu.vector_store %arg7[%parallel_loop3A_242, %parallel_loop3A_243], %parallel_loop3A_238 {strides = array<i32>} : memref<4x4096xf32, #tpu.memory_space<vmem>>, vector<16xf32>,
        %parallel_loop3A_245 = vector.extract_strided_slice %parallel_loop3A_238 {offsets = [15], sizes = [1], strides = [1]} : vector<16xf32> to vector<1xf32>
        %parallel_loop3A_246 = vector.extract %parallel_loop3A_245[0] : f32 from vector<1xf32>
        %parallel_loop3A_247 = arith.constant 16 : i32
        %parallel_loop3A_248 = arith.muli %parallel_loop3A_185, %parallel_loop3A_247 : i32
        %parallel_loop3A_249 = arith.constant 3 : i32
        %parallel_loop3A_250 = arith.index_cast %parallel_loop3A_249 : i32 to index
        %parallel_loop3A_251 = arith.index_cast %parallel_loop3A_248 : i32 to index
        %parallel_loop3A_252 = tpu.vector_load %arg7[%parallel_loop3A_250, %parallel_loop3A_251] {strides = array<i32>} : memref<4x4096xf32, #tpu.memory_space<vmem>>, vector<16xf32>,
        %parallel_loop3A_253 = arith.constant true
        %parallel_loop3A_254 = vector.broadcast %parallel_loop3A_253 : i1 to vector<16xi1>
        %parallel_loop3A_255 = tpu.scan <sum>, %parallel_loop3A_252 masked %parallel_loop3A_254 : vector<16xf32>, vector<16xi1> -> vector<16xf32>
        %parallel_loop3A_256 = vector.broadcast %parallel_loop3A_189 : f32 to vector<16xf32>
        %parallel_loop3A_257 = arith.addf %parallel_loop3A_255, %parallel_loop3A_256 : vector<16xf32>
        %parallel_loop3A_258 = arith.constant 16 : i32
        %parallel_loop3A_259 = arith.muli %parallel_loop3A_185, %parallel_loop3A_258 : i32
        %parallel_loop3A_260 = arith.constant 3 : i32
        %parallel_loop3A_261 = arith.index_cast %parallel_loop3A_260 : i32 to index
        %parallel_loop3A_262 = arith.index_cast %parallel_loop3A_259 : i32 to index
        %parallel_loop3A_263 = tpu.vector_load %arg7[%parallel_loop3A_261, %parallel_loop3A_262] {strides = array<i32>} : memref<4x4096xf32, #tpu.memory_space<vmem>>, vector<16xf32>,
        tpu.vector_store %arg7[%parallel_loop3A_261, %parallel_loop3A_262], %parallel_loop3A_257 {strides = array<i32>} : memref<4x4096xf32, #tpu.memory_space<vmem>>, vector<16xf32>,
        %parallel_loop3A_264 = vector.extract_strided_slice %parallel_loop3A_257 {offsets = [15], sizes = [1], strides = [1]} : vector<16xf32> to vector<1xf32>
        %parallel_loop3A_265 = vector.extract %parallel_loop3A_264[0] : f32 from vector<1xf32>
        scf.yield %parallel_loop3A_208, %parallel_loop3A_227, %parallel_loop3A_246, %parallel_loop3A_265 : f32, f32, f32, f32
      } {sc.loop_unroll_factor = 64 : i64, sc.parallel_access}
      %mul3A_178 = arith.constant 4 : i32
      %mul3A_179 = arith.muli %add3A_154, %mul3A_178 : i32
      %add3A_180 = arith.addi %mul3A_2, %mul3A_179 : i32
      %dma_start3A_181 = arith.constant 0 : i32
      %dma_start3A_182 = tpu.memref_slice %arg3[%add3A_180, %dma_start3A_181] : memref<16384x4096xf32, #tpu.memory_space<hbm>> -> memref<4x4096xf32, #tpu.memory_space<hbm>>
      %dma_start3A_183 = arith.constant 0 : i32
      %dma_start3A_184 = tpu.memref_slice %arg3[%add3A_180, %dma_start3A_183] : memref<16384x4096xf32, #tpu.memory_space<hbm>> -> memref<4x4096xf32, #tpu.memory_space<hbm>>
      tpu.enqueue_dma source(%arg7 : memref<4x4096xf32, #tpu.memory_space<vmem>>) target(%dma_start3A_184 : memref<4x4096xf32, #tpu.memory_space<hbm>>) target_semaphore(%arg15 : memref<!tpu.dma_semaphore, #tpu.memory_space<semaphore_mem>>)
    }
    %scan3A_30 = arith.constant 32 : i32
    %add3A_31 = arith.constant 496 : i32
    %add3A_32 = arith.addi %mul3A_2, %add3A_31 : i32
    %dma_wait3A = arith.constant 0 : i32
    %dma_wait3A_33 = tpu.memref_slice %arg3[%add3A_32, %dma_wait3A] : memref<16384x4096xf32, #tpu.memory_space<hbm>> -> memref<4x4096xf32, #tpu.memory_space<hbm>>
    %dma_wait3A_34 = arith.constant 0 : i32
    %dma_wait3A_35 = tpu.memref_slice %arg3[%add3A_32, %dma_wait3A_34] : memref<16384x4096xf32, #tpu.memory_space<hbm>> -> memref<4x4096xf32, #tpu.memory_space<hbm>>
    tpu.wait_dma2 semaphore(%arg12 : memref<!tpu.dma_semaphore, #tpu.memory_space<semaphore_mem>>) src(%arg4 : memref<4x4096xf32, #tpu.memory_space<vmem>>) dst(%dma_wait3A_35 : memref<4x4096xf32, #tpu.memory_space<hbm>>)
    %add3A_36 = arith.constant 500 : i32
    %add3A_37 = arith.addi %mul3A_2, %add3A_36 : i32
    %dma_wait3A_38 = arith.constant 0 : i32
    %dma_wait3A_39 = tpu.memref_slice %arg3[%add3A_37, %dma_wait3A_38] : memref<16384x4096xf32, #tpu.memory_space<hbm>> -> memref<4x4096xf32, #tpu.memory_space<hbm>>
    %dma_wait3A_40 = arith.constant 0 : i32
    %dma_wait3A_41 = tpu.memref_slice %arg3[%add3A_37, %dma_wait3A_40] : memref<16384x4096xf32, #tpu.memory_space<hbm>> -> memref<4x4096xf32, #tpu.memory_space<hbm>>
    tpu.wait_dma2 semaphore(%arg13 : memref<!tpu.dma_semaphore, #tpu.memory_space<semaphore_mem>>) src(%arg5 : memref<4x4096xf32, #tpu.memory_space<vmem>>) dst(%dma_wait3A_41 : memref<4x4096xf32, #tpu.memory_space<hbm>>)
    %add3A_42 = arith.constant 504 : i32
    %add3A_43 = arith.addi %mul3A_2, %add3A_42 : i32
    %dma_wait3A_44 = arith.constant 0 : i32
    %dma_wait3A_45 = tpu.memref_slice %arg3[%add3A_43, %dma_wait3A_44] : memref<16384x4096xf32, #tpu.memory_space<hbm>> -> memref<4x4096xf32, #tpu.memory_space<hbm>>
    %dma_wait3A_46 = arith.constant 0 : i32
    %dma_wait3A_47 = tpu.memref_slice %arg3[%add3A_43, %dma_wait3A_46] : memref<16384x4096xf32, #tpu.memory_space<hbm>> -> memref<4x4096xf32, #tpu.memory_space<hbm>>
    tpu.wait_dma2 semaphore(%arg14 : memref<!tpu.dma_semaphore, #tpu.memory_space<semaphore_mem>>) src(%arg6 : memref<4x4096xf32, #tpu.memory_space<vmem>>) dst(%dma_wait3A_47 : memref<4x4096xf32, #tpu.memory_space<hbm>>)
    %add3A_48 = arith.constant 508 : i32
    %add3A_49 = arith.addi %mul3A_2, %add3A_48 : i32
    %dma_wait3A_50 = arith.constant 0 : i32
    %dma_wait3A_51 = tpu.memref_slice %arg3[%add3A_49, %dma_wait3A_50] : memref<16384x4096xf32, #tpu.memory_space<hbm>> -> memref<4x4096xf32, #tpu.memory_space<hbm>>
    %dma_wait3A_52 = arith.constant 0 : i32
    %dma_wait3A_53 = tpu.memref_slice %arg3[%add3A_49, %dma_wait3A_52] : memref<16384x4096xf32, #tpu.memory_space<hbm>> -> memref<4x4096xf32, #tpu.memory_space<hbm>>
    tpu.wait_dma2 semaphore(%arg15 : memref<!tpu.dma_semaphore, #tpu.memory_space<semaphore_mem>>) src(%arg7 : memref<4x4096xf32, #tpu.memory_space<vmem>>) dst(%dma_wait3A_53 : memref<4x4096xf32, #tpu.memory_space<hbm>>)
    return
  }
}

</mosaic_0001>

<sc_bundles>
// kernel: kernel.3.cloned.1.call-start
scs
__scs_entry_jumppad:
0x0: {  	(pc) =	sbr.rel $0x88, $3  }
0x1: {  	(tag) =	ssettag $0x0;
	lr =	simm.s32 $0x1  }
0x2: {  	[smem:$0x3FA0] =	sst lr;
	_ =	strace $0xD0000000  }
0x3: {  	_ = 	snop  }
0x4: {  	_ = 	snop  }
0x5: {  	_ = 	snop  }
0x6: {  	_ = 	snop  }
0x7: {  	_ = 	snop  }
__scs_overlays_trampoline_lowered:
0x8: {  	[smem:$0x3FAF] =	sst s0  }
0x9: {  	[smem:$0x3FB0] =	sst s1  }
0xa: {  	[smem:$0x3FB1] =	sst s2  }
0xb: {  	[smem:$0x3FB2] =	sst s3  }
0xc: {  	[smem:$0x3FB3] =	sst s4  }
0xd: {  	[smem:$0x3FB4] =	sst s5  }
0xe: {  	[smem:$0x3FB5] =	sst s6  }
0xf: {  	[smem:$0x3FB6] =	sst s7  }
0x10: {  	[smem:$0x3FB7] =	sst s8  }
0x11: {  	[smem:$0x3FB8] =	sst s9;
	s0 =	simm.s32 @!p0 $0x0  }
0x12: {  	s1 =	sld [smem:$0x3F9E];
	s0 =	simm.s32 @p0 $0x1  }
0x13: {  	[smem:$0x3FB9] =	sst s0;
	s0 =	simm.s32 @!p1 $0x0  }
0x14: {  	s2 =	sld [smem:$0x3F9D];
	s0 =	simm.s32 @p1 $0x1  }
0x15: {  	[smem:$0x3FBA] =	sst s0;
	s0 =	simm.s32 @!p2 $0x0  }
0x16: {  	s3 =	sld [smem:$0x3FDB];
	s0 =	simm.s32 @p2 $0x1  }
0x17: {  	s4 =	simm.s32 $0x1BF5;
	[smem:$0x3FBC] =	sst s0  }
0x18: {  	s0 =	sld [smem:$0x3F9F];
	_ =	swait.ge [sflag:s4], $0x0  }
0x19: {  	s7 =	sld [smem:$0x3FA0]  }
0x1a: {  	s8 =	sadd.s32 $0xFFFFE003, lr  }
0x1b: {  	s9 =	sadd.s32 $0xFFFFFEF7, lr;
	s5 =	simm.s32 $0xFFFFFFFF;
	p2 =	slt.u32 s8, $0xFFFFF086  }
0x1c: {  	p1 =	slt.u32 s9, $0xF7A;
	s5 =	simm.s32 @!p2 $0x0  }
0x1d: {  	s5 =	simm.s32 @p1 $0x1;
	p0 =	seq.s32 s7, s2  }
0x1e: {  	s7 =	smul.u32 @!p0 $0xF7A, s2;
	p2 =	seq.s32 @!p0 s5, $0x0  }
0x1f: {  	s9 =	smul.u32 $0xF7A, s1;
	s8 =	simm.s32 @!p0 $0x1BF5;
	p2 =	por !p2, p0  }
0x20: {  	[sflag:s8] =	ssyncset.s32 @!p0 $0xFFFFF086;
	s6 =	sadd.s32 @!p0 s3, s7;
	s7 =	simm.s32 @!p0 $0x108  }
0x21: {  	s3 =	sadd.s32 s3, s9;
	s6 =	sadd.s32 @!p0 $0x88, s6;
	s7 =	simm.s32 @p2 $0x1082  }
0x22: {  	[simem:s7], [sflag:s8] =	dma.local @!p0 [hbm:s6], $0xF7A  }
0x23: {  	s9 =	sor.u32 $0xD0000000, s2;
	s6 =	simm.s32 $0x108;
	_ =	swait.ge @!p0 [sflag:s8], $0x0  }
0x24: {  	s3 =	sadd.s32 $0x88, s3;
	s6 =	simm.s32 @!p1 $0x1082;
	[sflag:s4] =	ssyncset.s32 $0xFFFFF086  }
0x25: {  	[simem:s6], [sflag:s4] =	dma.local [hbm:s3], $0xF7A  }
0x26: {  	[smem:$0x3FA0] =	sst s1;
	(tag) =	ssettag s2;
	_ =	strace s9  }
0x27: {  	s1 =	sld [smem:$0x3FB0]  }
0x28: {  	s2 =	sld [smem:$0x3FB1]  }
0x29: {  	s4 =	sld [smem:$0x3FB3]  }
0x2a: {  	p0 =	seq.s32 s5, $0x0;
	s5 =	sld [smem:$0x3FB4]  }
0x2b: {  	s6 =	sld [smem:$0x3FB5]  }
0x2c: {  	s7 =	sld [smem:$0x3FB6]  }
0x2d: {  	s3 =	simm.s32 $0x108;
	s8 =	sld [smem:$0x3FB7]  }
0x2e: {  	s3 =	simm.s32 @!p0 $0x1082;
	s9 =	sld [smem:$0x3FB8]  }
0x2f: {  	lr =	sadd.s32 s0, s3;
	s0 =	sld [smem:$0x3FAF]  }
0x30: {  	s3 =	sld [smem:$0x3FB2]  }
0x31: {  	[smem:$0x3FBB] =	sst s10  }
0x32: {  	s10 =	sld [smem:$0x3FB9];
	_ =	sdelay $0x3  }
0x33: {  	p0 =	seq.s32 s10, $0x1;
	s10 =	sld [smem:$0x3FBB];
	_ =	sdelay $0x3  }
0x34: {  	[smem:$0x3FBB] =	sst s10  }
0x35: {  	s10 =	sld [smem:$0x3FBA];
	_ =	sdelay $0x3  }
0x36: {  	p1 =	seq.s32 s10, $0x1;
	s10 =	sld [smem:$0x3FBB];
	_ =	sdelay $0x3  }
0x37: {  	[smem:$0x3FBB] =	sst s10  }
0x38: {  	s10 =	sld [smem:$0x3FBC]  }
0x39: {  	_ = 	snop;
	(pc) =	sbr.ind lr, $3  }
0x3a: {  	_ = 	snop  }
0x3b: {  	_ = 	snop  }
0x3c: {  	p2 =	seq.s32 s10, $0x1;
	s10 =	sld [smem:$0x3FBB]  }
0x3d: {  	_ =	shalt  }
0x3e: {  	_ =	shalt  }
0x3f: {  	_ =	shalt  }
0x40: {  	_ =	shalt  }
0x41: {  	_ =	shalt  }
0x42: {  	_ =	shalt  }
0x43: {  	_ =	shalt  }
0x44: {  	_ =	shalt  }
0x45: {  	_ =	shalt  }
0x46: {  	_ =	shalt  }
0x47: {  	_ =	shalt  }
0x48: {  	_ =	shalt  }
0x49: {  	_ =	shalt  }
0x4a: {  	_ =	shalt  }
0x4b: {  	_ =	shalt  }
0x4c: {  	_ =	shalt  }
0x4d: {  	_ =	shalt  }
0x4e: {  	_ =	shalt  }
0x4f: {  	_ =	shalt  }
0x50: {  	_ =	shalt  }
0x51: {  	_ =	shalt  }
0x52: {  	_ =	shalt  }
0x53: {  	_ =	shalt  }
0x54: {  	_ =	shalt  }
0x55: {  	_ =	shalt  }
0x56: {  	_ =	shalt  }
0x57: {  	_ =	shalt  }
0x58: {  	_ =	shalt  }
0x59: {  	_ =	shalt  }
0x5a: {  	_ =	shalt  }
0x5b: {  	_ =	shalt  }
0x5c: {  	_ =	shalt  }
0x5d: {  	_ =	shalt  }
0x5e: {  	_ =	shalt  }
0x5f: {  	_ =	shalt  }
0x60: {  	_ =	shalt  }
0x61: {  	_ =	shalt  }
0x62: {  	_ =	shalt  }
0x63: {  	_ =	shalt  }
0x64: {  	_ =	shalt  }
0x65: {  	_ =	shalt  }
0x66: {  	_ =	shalt  }
0x67: {  	_ =	shalt  }
0x68: {  	_ =	shalt  }
0x69: {  	_ =	shalt  }
0x6a: {  	_ =	shalt  }
0x6b: {  	_ =	shalt  }
0x6c: {  	_ =	shalt  }
0x6d: {  	_ =	shalt  }
0x6e: {  	_ =	shalt  }
0x6f: {  	_ =	shalt  }
0x70: {  	_ =	shalt  }
0x71: {  	_ =	shalt  }
0x72: {  	_ =	shalt  }
0x73: {  	_ =	shalt  }
0x74: {  	_ =	shalt  }
0x75: {  	_ =	shalt  }
0x76: {  	_ =	shalt  }
0x77: {  	_ =	shalt  }
0x78: {  	_ =	shalt  }
0x79: {  	_ =	shalt  }
0x7a: {  	_ =	shalt  }
0x7b: {  	_ =	shalt  }
0x7c: {  	_ =	shalt  }
0x7d: {  	_ =	shalt  }
0x7e: {  	_ =	shalt  }
0x7f: {  	_ =	shalt  }
0x80: {  	_ =	shalt  }
0x81: {  	_ =	shalt  }
0x82: {  	_ =	shalt  }
0x83: {  	_ =	shalt  }
0x84: {  	_ =	shalt  }
0x85: {  	_ =	shalt  }
0x86: {  	_ =	shalt  }
0x87: {  	_ =	shalt  }
.Lfunc_end0:
.L_simem_size_0:
called_computation_lowered:
.L_overlay_start_0:
0x88: {  	s2 =	sld [smem:$0x3FD9]  }
0x89: {  	s3 =	sld [smem:$0x3FFE];
	_ =	sdelay $0x1  }
0x8a: {  	s1 =	srdreg.scid  }
0x8b: {  	s0 =	sand.u32 $0x1, s1  }
0x8c: {  	s18 =	sshll.u32 s0, $0xA;
	s2 =	sadd.s32 s3, s2  }
0x8d: {  	s2 =	sadd.s32 s2, s18  }
0x8e: {  	[smem:$0x3FC7] =	sst s2  }
0x8f: {  	_ = 	snop  }
0x90: {  	s2 =	sld [smem:$0x3FC9]  }
0x91: {  	s19 =	sld [smem:$0x3FD0];
	(tm) =	ssettm $0x1  }
0x92: {  	s4 =	sld [smem:$0x3FFB];
	_ =	sdelay $0x3  }
0x93: {  	_ =	strace s4  }
0x94: {  	s4 =	sld [smem:$0x3FFC];
	_ =	sdelay $0x3  }
0x95: {  	_ =	strace s4  }
0x96: {  	s4 =	sld [smem:$0x3FFD];
	_ =	sdelay $0x3  }
0x97: {  	_ =	strace s4  }
0x98: {  	_ =	strace $0x8FFFFFFF  }
0x99: {  	s20 =	sld [smem:$0x3FDB];
	_ =	sdelay $0x1  }
0x9a: {  	s5 =	simm.s32 $_scs_section_size  }
0x9b: {  	s6 =	simm.s32 $_size__tile_overlayer_lowered;
	s7 =	simm.s32 $_tile_overlayer_lowered  }
0x9c: {  	s23 =	simm.s32 $0x1BFF;
	s22 =	sshll.u32 s7, $0x1;
	s4 =	sadd.s32 s5, s20  }
0x9d: {  	s8 =	simm.s32 $0x0;
	s21 =	sshll.u32 s6, $0x1;
	s6 =	sadd.s32 s22, s4  }
0x9e: {  	[timem:s8], [sflag:s23] =	dma.local [hbm:s6], s21  }
0x9f: {  	_ =	swait.ge [sflag:s23], s21  }
0xa0: {  	s5 =	ssub.s32 $0x0, s21;
	[sflag:s23] =	ssyncset.done $0x0  }
0xa1: {  	[sflag:s23] =	ssyncadd.s32 s5;
	_ =	sdelay $0x1  }
0xa2: {  	s24 =	simm.s32 $0x1B8B  }
0xa3: {  	_ =	swait.ge [sflag:s24], $0x1  }
0xa4: {  	[sflag:s24] =	ssyncset.done $0x0  }
0xa5: {  	s25 =	simm.s32 $0x1B8E;
	[sflag:s24] =	ssyncadd.s32 $0xFFFFFFFF  }
0xa6: {  	s26 =	simm.s32 $execute0_lowered;
	[smem:$0x3FD2] =	sst s25  }
0xa7: {  	s5 =	sshll.u32 s26, $0x1;
	_ =	strace $0x80000046;
	[dreg:$0x1] =	wrdreg $0xFFFFFFFF  }
0xa8: {  	s28 =	simm.s32 $_size_execute0_lowered;
	s4 =	sadd.s32 s4, s5;
	[dreg:$0x0] =	wrdreg $0x0  }
0xa9: {  	s5 =	sshll.u32 s28, $0x1;
	[dreg:$0x2] =	wrdreg s4  }
0xaa: {  	[dreg:$0x3] =	wrdreg s5  }
0xab: {  	[dreg:$0x4] =	wrdreg $0xC0  }
0xac: {  	_ =	task [dreg:s8], $0x5FFFF  }
0xad: {  	[dreg:$0x1] =	wrdreg $0xFFFFFFFF  }
0xae: {  	[dreg:$0x0] =	wrdreg $0x60  }
0xaf: {  	[dreg:$0x2] =	wrdreg s2  }
0xb0: {  	[dreg:$0x3] =	wrdreg s19  }
0xb1: {  	[dreg:$0x4] =	wrdreg $0x9  }
0xb2: {  	_ =	task.clear_ibuf [dreg:s8], $0x5FFFF;
	_ =	strace $0x90000046  }
0xb3: {  	s29 =	simm.s32 $0x9;
	_ =	strace $0x80000048  }
0xb4: {  	_ =	swait.ge [sflag:s29], $0x1  }
0xb5: {  	[sflag:s29] =	ssyncadd.s32 $0xFFFFFFFF  }
0xb6: {  	_ =	strace $0x90000048  }
0xb7: {  	_ =	sfence  }
0xb8: {  	s30 =	sld [smem:$0x0];
	_ =	sdelay $0x2  }
0xb9: {  	s31 =	sshll.u32 s1, $0xD;
	s1 =	sshrl.u32 s1, $0x2  }
0xba: {  	s3 =	sand.u32 $0x4000, s31;
	s1 =	sadd.s32 s1, s30  }
0xbb: {  	s0 =	sor.u32 s3, s0;
	s1 =	sshll.u32 s1, $0x11  }
0xbc: {  	s0 =	sor.u32 s1, s0  }
0xbd: {  	s0 =	sadd.s32 $0x8F2B, s0  }
0xbe: {  	[sflag:s0] =	ssyncadd.remote.s32 $0x1  }
0xbf: {  	_ =	sfence.sel $0xFFFF  }
0xc0: {  	[dreg:$0x0] =	wrdreg $0xFFFFFFFF;
	(pc) =	sbr.abs _section_cstart, $3  }
0xc1: {  	[dreg:$0x1] =	wrdreg $0xFFFFFFFF  }
0xc2: {  	_ =	task.clear_ibuf [dreg:s8], $0x2FFFF;
	_ =	strace $0x9FFFFFFF  }
0xc3: {  	(tm) =	ssettm $0x7FFFFFFF  }
tec
execute0_lowered:
.L_overlay_start_1:
0x0: {  	(tag) =	ssettag $0x1  }
0x1: {  	s0 =	rddreg [dreg:$0x0]  }
0x2: {  	s1 =	rddreg [dreg:$0x1]  }
0x3: {  	s3 =	simm.s32 $0x0;
	s2 =	srdreg.scid;
	s4 =	stileid.u32  }
0x4: {  	s17 =	simm.s32 $0x200;
	s18 =	simm.s32 $0x400;
	s19 =	simm.s32 $0x4000  }
0x5: {  	s20 =	simm.s32 $0x8000;
	s21 =	simm.s32 $0xC000;
	s22 =	simm.s32 $0x1  }
0x6: {  	s23 =	simm.s32 $0x2;
	s24 =	simm.s32 $0x3;
	s25 =	simm.s32 $0x4  }
0x7: {  	s31 =	simm.s32 $0x0;
	[smem:$0x7FF] =	sst s3;
	s2 =	sand.u32 $0x1, s2  }
0x8: {  	s4 =	sshll.u32 s4, $0x13;
	s5 =	ssub.s32 $0x2, s2;
	s2 =	sshll.u32 s2, $0x12  }
0x9: {  	s10 =	sadd.s32 $0x40, s1;
	s6 =	sshrl.u32 s5, $0x1;
	s4 =	sor.u32 s2, s4  }
0xa: {  	_ =	strace $0x80000047;
	s28 =	ssub.s32 s5, s6;
	s29 =	sadd.s32 s0, s4  }
0xb: {  	s6 =	sadd.s32 $0x40, s0;
	s7 =	sadd.s32 $0x1000, s29;
	[dreg:$0x3] =	wrdreg s29  }
0xc: {  	s11 =	sadd.s32 s1, s4;
	s30 =	sadd.s32 $0x1040, s29;
	[dreg:$0x5] =	wrdreg s7  }
0xd: {  	s15 =	sor.u32 $0x2800, s4;
	s2 =	smax.u32 s28, $0x1;
	[dreg:$0x6] =	wrdreg s30  }
0xe: {  	s0 =	sadd.s32 s4, s6;
	s14 =	sadd.s32 $0x2000, s29;
	[dreg:$0x7] =	wrdreg s2  }
0xf: {  	s16 =	sadd.s32 $0x3000, s29;
	[dreg:$0x4] =	wrdreg s0;
	s13 =	sadd.s32 $0x1000, s0  }
.LBB2_1:
0x10: {  	s0 =	rddreg [dreg:$0x3]  }
0x11: {  	[tilespmem:s3], [sflag:$0x1] =	stream.strided.gather [hbm4b:s0+s17], $0x4000, s18, s17, $0x38;
	[tilespmem:$0x10000] =	vst v63  }
0x12: {  	s28 =	rddreg [dreg:$0x4]  }
0x13: {  	[tilespmem:s19], [sflag:$0x2] =	stream.strided.gather [hbm4b:s28+s17], $0x4000, s18, s17, $0x38;
	[tilespmem:$0x10000] =	vst v63  }
0x14: {  	s29 =	rddreg [dreg:$0x5]  }
0x15: {  	[tilespmem:s20], [sflag:$0x3] =	stream.strided.gather [hbm4b:s29+s17], $0x4000, s18, s17, $0x38;
	[tilespmem:$0x10000] =	vst v63  }
0x16: {  	s30 =	rddreg [dreg:$0x6];
	s0 =	simm.s32 $0x0  }
0x17: {  	[tilespmem:s21], [sflag:$0x4] =	stream.strided.gather [hbm4b:s30+s17], $0x4000, s18, s17, $0x38;
	[tilespmem:$0x10000] =	vst v63  }
.LBB2_2:
0x18: {  	s2 =	sshll.u32 s0, $0x2  }
0x19: {  	s5 =	sadd.s32 $0xFFFFFFFC, s2  }
0x1a: {  	p0 =	sgt.u32 s5, $0x7B  }
0x1b: {  	s5 =	simm.s32 @!p0 $0x8  }
0x1c: {  	s7 =	sshll.u32 @!p0 s0, $0xD;
	_ =	swait.ge @!p0 [sflag:s5], $0x4000  }
0x1d: {  	s8 =	simm.s32 @!p0 $0x400;
	s9 =	simm.s32 @!p0 $0xC000;
	[sflag:s5] =	ssyncset.done @!p0 $0x0  }
0x1e: {  	[sflag:s5] =	ssyncadd.s32 @!p0 $0xFFFFC000;
	s5 =	sadd.s32 @!p0 s13, s7;
	s7 =	simm.s32 @!p0 $0x200  }
0x1f: {  	[tilespmem:s9], [sflag:$0x4] =	stream.strided.gather @!p0 [hbm4b:s5+s7], $0x4000, s8, s7, $0x38;
	[tilespmem:$0x10000] =	vst v63  }
0x20: {  	s12 =	simm.f32 $0.0e+00;
	_ =	swait.ge [sflag:s22], $0x4000  }
0x21: {  	s26 =	simm.f32 $0.0e+00;
	s8 =	simm.s32 $0x0;
	[sflag:s22] =	ssyncset.done $0x0  }
0x22: {  	s7 =	simm.f32 $0.0e+00;
	s5 =	simm.f32 $0.0e+00;
	[sflag:s22] =	ssyncadd.s32 $0xFFFFC000  }
.LBB2_3:
0x23: {  	s9 =	sshll.u32 s8, $0x6  }
0x24: {  	s9 =	sand.u32 $0x3FFFFFC0, s9  }
0x25: {  	v0 =	vld [tilespmem:s9+$0x0]  }
0x26: {  	v1 =	vld [tilespmem:s9+$0x80]  }
0x27: {  	v2 =	vld [tilespmem:s9+$0x100]  }
0x28: {  	v3 =	vld [tilespmem:s9+$0x180]  }
0x29: {  	v4 =	vld [tilespmem:s9+$0x10]  }
0x2a: {  	v51 =	vld [tilespmem:s9+$0x90];
	(xrf2) =	vadd.scan.msk.f32 $0xffff, v0  }
0x2b: {  	v52 =	vld [tilespmem:s9+$0x110];
	(xrf2) =	vadd.scan.msk.f32 $0xffff, v1  }
0x2c: {  	v53 =	vld [tilespmem:s9+$0x190];
	(xrf2) =	vadd.scan.msk.f32 $0xffff, v2  }
0x2d: {  	(xrf2) =	vadd.scan.msk.f32 $0xffff, v3  }
0x2e: {  	(xrf2) =	vadd.scan.msk.f32 $0xffff, v4  }
0x2f: {  	(xrf2) =	vadd.scan.msk.f32 $0xffff, v51  }
0x30: {  	(xrf2) =	vadd.scan.msk.f32 $0xffff, v52  }
0x31: {  	(xrf2) =	vadd.scan.msk.f32 $0xffff, v53;
	_ =	sdelay $0x2  }
0x32: {  	v54, _, _ =	vpop (xrf2)  }
0x33: {  	v0 =	vadd.f32 s26, v54;
	v55, _, _ =	vpop (xrf2)  }
0x34: {  	v1 =	vadd.f32 s5, v55;
	v56, _, _ =	vpop (xrf2)  }
0x35: {  	[tilespmem:s9+$0x0] =	vst v0;
	v2 =	vadd.f32 s12, v56;
	v3, _, _ =	vpop (xrf2);
	v0 =	vbroadcast v0, $0xF  }
0x36: {  	[tilespmem:s9+$0x80] =	vst v1;
	v3 =	vadd.f32 s7, v3;
	v4, _, _ =	vpop (xrf2);
	v1 =	vbroadcast v1, $0xF  }
0x37: {  	[tilespmem:s9+$0x100] =	vst v2;
	v0 =	vadd.f32 v4, v0;
	v57, _, _ =	vpop (xrf2);
	v2 =	vbroadcast v2, $0xF  }
0x38: {  	[tilespmem:s9+$0x180] =	vst v3;
	v1 =	vadd.f32 v57, v1;
	v58, _, _ =	vpop (xrf2);
	v3 =	vbroadcast v3, $0xF  }
0x39: {  	[tilespmem:s9+$0x10] =	vst v0;
	v2 =	vadd.f32 v58, v2;
	v59, _, _ =	vpop (xrf2)  }
0x3a: {  	[tilespmem:s9+$0x90] =	vst v1;
	v3 =	vadd.f32 v59, v3  }
0x3b: {  	[tilespmem:s9+$0x110] =	vst v2  }
0x3c: {  	[tilespmem:s9+$0x190] =	vst v3  }
0x3d: {  	v60 =	vld [tilespmem:s9+$0x20]  }
0x3e: {  	v5 =	vld [tilespmem:s9+$0xA0]  }
0x3f: {  	v6 =	vld [tilespmem:s9+$0x120]  }
0x40: {  	v7 =	vld [tilespmem:s9+$0x1A0]  }
0x41: {  	v8 =	vld [tilespmem:s9+$0x30]  }
0x42: {  	v61 =	vld [tilespmem:s9+$0xB0];
	(xrf2) =	vadd.scan.msk.f32 $0xffff, v60  }
0x43: {  	v62 =	vld [tilespmem:s9+$0x130];
	(xrf2) =	vadd.scan.msk.f32 $0xffff, v5  }
0x44: {  	v63 =	vld [tilespmem:s9+$0x1B0];
	(xrf2) =	vadd.scan.msk.f32 $0xffff, v6  }
0x45: {  	v12 =	vld [tilespmem:s9+$0x40];
	(xrf2) =	vadd.scan.msk.f32 $0xffff, v7  }
0x46: {  	v13 =	vld [tilespmem:s9+$0xC0];
	(xrf2) =	vadd.scan.msk.f32 $0xffff, v8  }
0x47: {  	v14 =	vld [tilespmem:s9+$0x140];
	(xrf2) =	vadd.scan.msk.f32 $0xffff, v61  }
0x48: {  	v15 =	vld [tilespmem:s9+$0x1C0];
	(xrf2) =	vadd.scan.msk.f32 $0xffff, v62  }
0x49: {  	v16 =	vld [tilespmem:s9+$0x50];
	(xrf2) =	vadd.scan.msk.f32 $0xffff, v63  }
0x4a: {  	v17 =	vld [tilespmem:s9+$0xD0];
	(xrf2) =	vadd.scan.msk.f32 $0xffff, v12  }
0x4b: {  	v0 =	vbroadcast v0, $0xF;
	v18 =	vld [tilespmem:s9+$0x150];
	(xrf2) =	vadd.scan.msk.f32 $0xffff, v13  }
0x4c: {  	v1 =	vbroadcast v1, $0xF;
	v19 =	vld [tilespmem:s9+$0x1D0];
	v9, _, _ =	vpop (xrf2);
	(xrf2) =	vadd.scan.msk.f32 $0xffff, v14  }
0x4d: {  	v2 =	vbroadcast v2, $0xF;
	v21 =	vld [tilespmem:s9+$0x60];
	v0 =	vadd.f32 v9, v0;
	v20, _, _ =	vpop (xrf2);
	(xrf2) =	vadd.scan.msk.f32 $0xffff, v15  }
0x4e: {  	v3 =	vbroadcast v3, $0xF;
	v23 =	vld [tilespmem:s9+$0xE0];
	v1 =	vadd.f32 v20, v1;
	v22, _, _ =	vpop (xrf2);
	(xrf2) =	vadd.scan.msk.f32 $0xffff, v16  }
0x4f: {  	v25 =	vld [tilespmem:s9+$0x160];
	[tilespmem:s9+$0x20] =	vst v0;
	v2 =	vadd.f32 v22, v2;
	v24, _, _ =	vpop (xrf2);
	v0 =	vbroadcast v0, $0xF;
	(xrf2) =	vadd.scan.msk.f32 $0xffff, v17  }
0x50: {  	v27 =	vld [tilespmem:s9+$0x1E0];
	[tilespmem:s9+$0xA0] =	vst v1;
	v3 =	vadd.f32 v24, v3;
	v26, _, _ =	vpop (xrf2);
	v1 =	vbroadcast v1, $0xF;
	(xrf2) =	vadd.scan.msk.f32 $0xffff, v18  }
0x51: {  	v29 =	vld [tilespmem:s9+$0x70];
	[tilespmem:s9+$0x120] =	vst v2;
	v0 =	vadd.f32 v26, v0;
	v28, _, _ =	vpop (xrf2);
	v2 =	vbroadcast v2, $0xF;
	(xrf2) =	vadd.scan.msk.f32 $0xffff, v19  }
0x52: {  	v31 =	vld [tilespmem:s9+$0xF0];
	[tilespmem:s9+$0x1A0] =	vst v3;
	v1 =	vadd.f32 v28, v1;
	v30, _, _ =	vpop (xrf2);
	v3 =	vbroadcast v3, $0xF;
	(xrf2) =	vadd.scan.msk.f32 $0xffff, v21  }
0x53: {  	v33 =	vld [tilespmem:s9+$0x170];
	[tilespmem:s9+$0x30] =	vst v0;
	v2 =	vadd.f32 v30, v2;
	v32, _, _ =	vpop (xrf2);
	v0 =	vbroadcast v0, $0xF;
	(xrf2) =	vadd.scan.msk.f32 $0xffff, v23  }
0x54: {  	v35 =	vld [tilespmem:s9+$0x1F0];
	[tilespmem:s9+$0xB0] =	vst v1;
	v3 =	vadd.f32 v32, v3;
	v34, _, _ =	vpop (xrf2);
	v1 =	vbroadcast v1, $0xF;
	(xrf2) =	vadd.scan.msk.f32 $0xffff, v25  }
0x55: {  	v37 =	vld [tilespmem:s9+$0x200];
	[tilespmem:s9+$0x130] =	vst v2;
	v0 =	vadd.f32 v34, v0;
	v36, _, _ =	vpop (xrf2);
	v2 =	vbroadcast v2, $0xF;
	(xrf2) =	vadd.scan.msk.f32 $0xffff, v27  }
0x56: {  	v39 =	vld [tilespmem:s9+$0x280];
	[tilespmem:s9+$0x1B0] =	vst v3;
	v1 =	vadd.f32 v36, v1;
	v38, _, _ =	vpop (xrf2);
	v3 =	vbroadcast v3, $0xF;
	(xrf2) =	vadd.scan.msk.f32 $0xffff, v29  }
0x57: {  	v41 =	vld [tilespmem:s9+$0x300];
	[tilespmem:s9+$0x40] =	vst v0;
	v2 =	vadd.f32 v38, v2;
	v40, _, _ =	vpop (xrf2);
	v0 =	vbroadcast v0, $0xF;
	(xrf2) =	vadd.scan.msk.f32 $0xffff, v31  }
0x58: {  	v43 =	vld [tilespmem:s9+$0x380];
	[tilespmem:s9+$0xC0] =	vst v1;
	v3 =	vadd.f32 v40, v3;
	v42, _, _ =	vpop (xrf2);
	v1 =	vbroadcast v1, $0xF;
	(xrf2) =	vadd.scan.msk.f32 $0xffff, v33  }
0x59: {  	v45 =	vld [tilespmem:s9+$0x210];
	[tilespmem:s9+$0x140] =	vst v2;
	v0 =	vadd.f32 v42, v0;
	v44, _, _ =	vpop (xrf2);
	v2 =	vbroadcast v2, $0xF;
	(xrf2) =	vadd.scan.msk.f32 $0xffff, v35  }
0x5a: {  	v47 =	vld [tilespmem:s9+$0x290];
	[tilespmem:s9+$0x1C0] =	vst v3;
	v1 =	vadd.f32 v44, v1;
	v46, _, _ =	vpop (xrf2);
	v3 =	vbroadcast v3, $0xF;
	(xrf2) =	vadd.scan.msk.f32 $0xffff, v37  }
0x5b: {  	v49 =	vld [tilespmem:s9+$0x310];
	[tilespmem:s9+$0x50] =	vst v0;
	v2 =	vadd.f32 v46, v2;
	v48, _, _ =	vpop (xrf2);
	v0 =	vbroadcast v0, $0xF;
	(xrf2) =	vadd.scan.msk.f32 $0xffff, v39  }
0x5c: {  	v51 =	vld [tilespmem:s9+$0x390];
	[tilespmem:s9+$0xD0] =	vst v1;
	v3 =	vadd.f32 v48, v3;
	v50, _, _ =	vpop (xrf2);
	v1 =	vbroadcast v1, $0xF;
	(xrf2) =	vadd.scan.msk.f32 $0xffff, v41  }
0x5d: {  	v53 =	vld [tilespmem:s9+$0x220];
	[tilespmem:s9+$0x150] =	vst v2;
	v0 =	vadd.f32 v50, v0;
	v52, _, _ =	vpop (xrf2);
	v2 =	vbroadcast v2, $0xF;
	(xrf2) =	vadd.scan.msk.f32 $0xffff, v43  }
0x5e: {  	v55 =	vld [tilespmem:s9+$0x2A0];
	[tilespmem:s9+$0x1D0] =	vst v3;
	v1 =	vadd.f32 v52, v1;
	v54, _, _ =	vpop (xrf2);
	v3 =	vbroadcast v3, $0xF;
	(xrf2) =	vadd.scan.msk.f32 $0xffff, v45  }
0x5f: {  	v57 =	vld [tilespmem:s9+$0x320];
	[tilespmem:s9+$0x60] =	vst v0;
	v2 =	vadd.f32 v54, v2;
	v56, _, _ =	vpop (xrf2);
	v0 =	vbroadcast v0, $0xF;
	(xrf2) =	vadd.scan.msk.f32 $0xffff, v47  }
0x60: {  	v59 =	vld [tilespmem:s9+$0x3A0];
	[tilespmem:s9+$0xE0] =	vst v1;
	v3 =	vadd.f32 v56, v3;
	v58, _, _ =	vpop (xrf2);
	v1 =	vbroadcast v1, $0xF;
	(xrf2) =	vadd.scan.msk.f32 $0xffff, v49  }
0x61: {  	v61 =	vld [tilespmem:s9+$0x230];
	[tilespmem:s9+$0x160] =	vst v2;
	v0 =	vadd.f32 v58, v0;
	v60, _, _ =	vpop (xrf2);
	v2 =	vbroadcast v2, $0xF;
	(xrf2) =	vadd.scan.msk.f32 $0xffff, v51  }
0x62: {  	v63 =	vld [tilespmem:s9+$0x2B0];
	[tilespmem:s9+$0x1E0] =	vst v3;
	v1 =	vadd.f32 v60, v1;
	v62, _, _ =	vpop (xrf2);
	v3 =	vbroadcast v3, $0xF;
	(xrf2) =	vadd.scan.msk.f32 $0xffff, v53  }
0x63: {  	v13 =	vld [tilespmem:s9+$0x330];
	[tilespmem:s9+$0x70] =	vst v0;
	v2 =	vadd.f32 v62, v2;
	v12, _, _ =	vpop (xrf2);
	v0 =	vbroadcast v0, $0xF;
	(xrf2) =	vadd.scan.msk.f32 $0xffff, v55  }
0x64: {  	v15 =	vld [tilespmem:s9+$0x3B0];
	[tilespmem:s9+$0xF0] =	vst v1;
	v3 =	vadd.f32 v12, v3;
	v14, _, _ =	vpop (xrf2);
	v1 =	vbroadcast v1, $0xF;
	(xrf2) =	vadd.scan.msk.f32 $0xffff, v57  }
0x65: {  	v17 =	vld [tilespmem:s9+$0x240];
	[tilespmem:s9+$0x170] =	vst v2;
	v0 =	vadd.f32 v14, v0;
	v16, _, _ =	vpop (xrf2);
	v2 =	vbroadcast v2, $0xF;
	(xrf2) =	vadd.scan.msk.f32 $0xffff, v59  }
0x66: {  	v19 =	vld [tilespmem:s9+$0x2C0];
	[tilespmem:s9+$0x1F0] =	vst v3;
	v1 =	vadd.f32 v16, v1;
	v18, _, _ =	vpop (xrf2);
	v3 =	vbroadcast v3, $0xF;
	(xrf2) =	vadd.scan.msk.f32 $0xffff, v61  }
0x67: {  	v21 =	vld [tilespmem:s9+$0x340];
	[tilespmem:s9+$0x200] =	vst v0;
	v2 =	vadd.f32 v18, v2;
	v20, _, _ =	vpop (xrf2);
	v0 =	vbroadcast v0, $0xF;
	(xrf2) =	vadd.scan.msk.f32 $0xffff, v63  }
0x68: {  	v23 =	vld [tilespmem:s9+$0x3C0];
	[tilespmem:s9+$0x280] =	vst v1;
	v3 =	vadd.f32 v20, v3;
	v22, _, _ =	vpop (xrf2);
	v1 =	vbroadcast v1, $0xF;
	(xrf2) =	vadd.scan.msk.f32 $0xffff, v13  }
0x69: {  	v25 =	vld [tilespmem:s9+$0x250];
	[tilespmem:s9+$0x300] =	vst v2;
	v0 =	vadd.f32 v22, v0;
	v24, _, _ =	vpop (xrf2);
	v2 =	vbroadcast v2, $0xF;
	(xrf2) =	vadd.scan.msk.f32 $0xffff, v15  }
0x6a: {  	v27 =	vld [tilespmem:s9+$0x2D0];
	[tilespmem:s9+$0x380] =	vst v3;
	v1 =	vadd.f32 v24, v1;
	v26, _, _ =	vpop (xrf2);
	v3 =	vbroadcast v3, $0xF;
	(xrf2) =	vadd.scan.msk.f32 $0xffff, v17  }
0x6b: {  	v29 =	vld [tilespmem:s9+$0x350];
	[tilespmem:s9+$0x210] =	vst v0;
	v2 =	vadd.f32 v26, v2;
	v28, _, _ =	vpop (xrf2);
	v0 =	vbroadcast v0, $0xF;
	(xrf2) =	vadd.scan.msk.f32 $0xffff, v19  }
0x6c: {  	v31 =	vld [tilespmem:s9+$0x3D0];
	[tilespmem:s9+$0x290] =	vst v1;
	v3 =	vadd.f32 v28, v3;
	v30, _, _ =	vpop (xrf2);
	v1 =	vbroadcast v1, $0xF;
	(xrf2) =	vadd.scan.msk.f32 $0xffff, v21  }
0x6d: {  	v33 =	vld [tilespmem:s9+$0x260];
	[tilespmem:s9+$0x310] =	vst v2;
	v0 =	vadd.f32 v30, v0;
	v32, _, _ =	vpop (xrf2);
	v2 =	vbroadcast v2, $0xF;
	(xrf2) =	vadd.scan.msk.f32 $0xffff, v23  }
0x6e: {  	v35 =	vld [tilespmem:s9+$0x2E0];
	[tilespmem:s9+$0x390] =	vst v3;
	v1 =	vadd.f32 v32, v1;
	v34, _, _ =	vpop (xrf2);
	v3 =	vbroadcast v3, $0xF;
	(xrf2) =	vadd.scan.msk.f32 $0xffff, v25  }
0x6f: {  	v37 =	vld [tilespmem:s9+$0x360];
	[tilespmem:s9+$0x220] =	vst v0;
	v2 =	vadd.f32 v34, v2;
	v36, _, _ =	vpop (xrf2);
	v0 =	vbroadcast v0, $0xF;
	(xrf2) =	vadd.scan.msk.f32 $0xffff, v27  }
0x70: {  	v39 =	vld [tilespmem:s9+$0x3E0];
	[tilespmem:s9+$0x2A0] =	vst v1;
	v3 =	vadd.f32 v36, v3;
	v38, _, _ =	vpop (xrf2);
	v1 =	vbroadcast v1, $0xF;
	(xrf2) =	vadd.scan.msk.f32 $0xffff, v29  }
0x71: {  	v41 =	vld [tilespmem:s9+$0x270];
	[tilespmem:s9+$0x320] =	vst v2;
	v0 =	vadd.f32 v38, v0;
	v40, _, _ =	vpop (xrf2);
	v2 =	vbroadcast v2, $0xF;
	(xrf2) =	vadd.scan.msk.f32 $0xffff, v31  }
0x72: {  	v43 =	vld [tilespmem:s9+$0x2F0];
	[tilespmem:s9+$0x3A0] =	vst v3;
	v1 =	vadd.f32 v40, v1;
	v42, _, _ =	vpop (xrf2);
	v3 =	vbroadcast v3, $0xF;
	(xrf2) =	vadd.scan.msk.f32 $0xffff, v33  }
0x73: {  	v45 =	vld [tilespmem:s9+$0x370];
	[tilespmem:s9+$0x230] =	vst v0;
	v2 =	vadd.f32 v42, v2;
	v44, _, _ =	vpop (xrf2);
	v0 =	vbroadcast v0, $0xF;
	(xrf2) =	vadd.scan.msk.f32 $0xffff, v35  }
0x74: {  	v47 =	vld [tilespmem:s9+$0x3F0];
	[tilespmem:s9+$0x2B0] =	vst v1;
	v3 =	vadd.f32 v44, v3;
	v46, _, _ =	vpop (xrf2);
	v1 =	vbroadcast v1, $0xF;
	(xrf2) =	vadd.scan.msk.f32 $0xffff, v37  }
0x75: {  	v49 =	vld [tilespmem:s9+$0x400];
	[tilespmem:s9+$0x330] =	vst v2;
	v0 =	vadd.f32 v46, v0;
	v48, _, _ =	vpop (xrf2);
	v2 =	vbroadcast v2, $0xF;
	(xrf2) =	vadd.scan.msk.f32 $0xffff, v39  }
0x76: {  	v51 =	vld [tilespmem:s9+$0x480];
	[tilespmem:s9+$0x3B0] =	vst v3;
	v1 =	vadd.f32 v48, v1;
	v50, _, _ =	vpop (xrf2);
	v3 =	vbroadcast v3, $0xF;
	(xrf2) =	vadd.scan.msk.f32 $0xffff, v41  }
0x77: {  	v53 =	vld [tilespmem:s9+$0x500];
	[tilespmem:s9+$0x240] =	vst v0;
	v2 =	vadd.f32 v50, v2;
	v52, _, _ =	vpop (xrf2);
	v0 =	vbroadcast v0, $0xF;
	(xrf2) =	vadd.scan.msk.f32 $0xffff, v43  }
0x78: {  	v55 =	vld [tilespmem:s9+$0x580];
	[tilespmem:s9+$0x2C0] =	vst v1;
	v3 =	vadd.f32 v52, v3;
	v54, _, _ =	vpop (xrf2);
	v1 =	vbroadcast v1, $0xF;
	(xrf2) =	vadd.scan.msk.f32 $0xffff, v45  }
0x79: {  	v57 =	vld [tilespmem:s9+$0x410];
	[tilespmem:s9+$0x340] =	vst v2;
	v0 =	vadd.f32 v54, v0;
	v56, _, _ =	vpop (xrf2);
	v2 =	vbroadcast v2, $0xF;
	(xrf2) =	vadd.scan.msk.f32 $0xffff, v47  }
0x7a: {  	v59 =	vld [tilespmem:s9+$0x490];
	[tilespmem:s9+$0x3C0] =	vst v3;
	v1 =	vadd.f32 v56, v1;
	v58, _, _ =	vpop (xrf2);
	v3 =	vbroadcast v3, $0xF;
	(xrf2) =	vadd.scan.msk.f32 $0xffff, v49  }
0x7b: {  	v61 =	vld [tilespmem:s9+$0x510];
	[tilespmem:s9+$0x250] =	vst v0;
	v2 =	vadd.f32 v58, v2;
	v60, _, _ =	vpop (xrf2);
	v0 =	vbroadcast v0, $0xF;
	(xrf2) =	vadd.scan.msk.f32 $0xffff, v51  }
0x7c: {  	v63 =	vld [tilespmem:s9+$0x590];
	[tilespmem:s9+$0x2D0] =	vst v1;
	v3 =	vadd.f32 v60, v3;
	v62, _, _ =	vpop (xrf2);
	v1 =	vbroadcast v1, $0xF;
	(xrf2) =	vadd.scan.msk.f32 $0xffff, v53  }
0x7d: {  	v13 =	vld [tilespmem:s9+$0x420];
	[tilespmem:s9+$0x350] =	vst v2;
	v0 =	vadd.f32 v62, v0;
	v12, _, _ =	vpop (xrf2);
	v2 =	vbroadcast v2, $0xF;
	(xrf2) =	vadd.scan.msk.f32 $0xffff, v55  }
0x7e: {  	v15 =	vld [tilespmem:s9+$0x4A0];
	[tilespmem:s9+$0x3D0] =	vst v3;
	v1 =	vadd.f32 v12, v1;
	v14, _, _ =	vpop (xrf2);
	v3 =	vbroadcast v3, $0xF;
	(xrf2) =	vadd.scan.msk.f32 $0xffff, v57  }
0x7f: {  	v17 =	vld [tilespmem:s9+$0x520];
	[tilespmem:s9+$0x260] =	vst v0;
	v2 =	vadd.f32 v14, v2;
	v16, _, _ =	vpop (xrf2);
	v0 =	vbroadcast v0, $0xF;
	(xrf2) =	vadd.scan.msk.f32 $0xffff, v59  }
0x80: {  	v19 =	vld [tilespmem:s9+$0x5A0];
	[tilespmem:s9+$0x2E0] =	vst v1;
	v3 =	vadd.f32 v16, v3;
	v18, _, _ =	vpop (xrf2);
	v1 =	vbroadcast v1, $0xF;
	(xrf2) =	vadd.scan.msk.f32 $0xffff, v61  }
0x81: {  	v21 =	vld [tilespmem:s9+$0x430];
	[tilespmem:s9+$0x360] =	vst v2;
	v0 =	vadd.f32 v18, v0;
	v20, _, _ =	vpop (xrf2);
	v2 =	vbroadcast v2, $0xF;
	(xrf2) =	vadd.scan.msk.f32 $0xffff, v63  }
0x82: {  	v23 =	vld [tilespmem:s9+$0x4B0];
	[tilespmem:s9+$0x3E0] =	vst v3;
	v1 =	vadd.f32 v20, v1;
	v22, _, _ =	vpop (xrf2);
	v3 =	vbroadcast v3, $0xF;
	(xrf2) =	vadd.scan.msk.f32 $0xffff, v13  }
0x83: {  	v25 =	vld [tilespmem:s9+$0x530];
	[tilespmem:s9+$0x270] =	vst v0;
	v2 =	vadd.f32 v22, v2;
	v24, _, _ =	vpop (xrf2);
	v0 =	vbroadcast v0, $0xF;
	(xrf2) =	vadd.scan.msk.f32 $0xffff, v15  }
0x84: {  	v27 =	vld [tilespmem:s9+$0x5B0];
	[tilespmem:s9+$0x2F0] =	vst v1;
	v3 =	vadd.f32 v24, v3;
	v26, _, _ =	vpop (xrf2);
	v1 =	vbroadcast v1, $0xF;
	(xrf2) =	vadd.scan.msk.f32 $0xffff, v17  }
0x85: {  	v29 =	vld [tilespmem:s9+$0x440];
	[tilespmem:s9+$0x370] =	vst v2;
	v0 =	vadd.f32 v26, v0;
	v28, _, _ =	vpop (xrf2);
	v2 =	vbroadcast v2, $0xF;
	(xrf2) =	vadd.scan.msk.f32 $0xffff, v19  }
0x86: {  	v31 =	vld [tilespmem:s9+$0x4C0];
	[tilespmem:s9+$0x3F0] =	vst v3;
	v1 =	vadd.f32 v28, v1;
	v30, _, _ =	vpop (xrf2);
	v3 =	vbroadcast v3, $0xF;
	(xrf2) =	vadd.scan.msk.f32 $0xffff, v21  }
0x87: {  	v33 =	vld [tilespmem:s9+$0x540];
	[tilespmem:s9+$0x400] =	vst v0;
	v2 =	vadd.f32 v30, v2;
	v32, _, _ =	vpop (xrf2);
	v0 =	vbroadcast v0, $0xF;
	(xrf2) =	vadd.scan.msk.f32 $0xffff, v23  }
0x88: {  	v35 =	vld [tilespmem:s9+$0x5C0];
	[tilespmem:s9+$0x480] =	vst v1;
	v3 =	vadd.f32 v32, v3;
	v34, _, _ =	vpop (xrf2);
	v1 =	vbroadcast v1, $0xF;
	(xrf2) =	vadd.scan.msk.f32 $0xffff, v25  }
0x89: {  	v37 =	vld [tilespmem:s9+$0x450];
	[tilespmem:s9+$0x500] =	vst v2;
	v0 =	vadd.f32 v34, v0;
	v36, _, _ =	vpop (xrf2);
	v2 =	vbroadcast v2, $0xF;
	(xrf2) =	vadd.scan.msk.f32 $0xffff, v27  }
0x8a: {  	v39 =	vld [tilespmem:s9+$0x4D0];
	[tilespmem:s9+$0x580] =	vst v3;
	v1 =	vadd.f32 v36, v1;
	v38, _, _ =	vpop (xrf2);
	v3 =	vbroadcast v3, $0xF;
	(xrf2) =	vadd.scan.msk.f32 $0xffff, v29  }
0x8b: {  	v41 =	vld [tilespmem:s9+$0x550];
	[tilespmem:s9+$0x410] =	vst v0;
	v2 =	vadd.f32 v38, v2;
	v40, _, _ =	vpop (xrf2);
	v0 =	vbroadcast v0, $0xF;
	(xrf2) =	vadd.scan.msk.f32 $0xffff, v31  }
0x8c: {  	v43 =	vld [tilespmem:s9+$0x5D0];
	[tilespmem:s9+$0x490] =	vst v1;
	v3 =	vadd.f32 v40, v3;
	v42, _, _ =	vpop (xrf2);
	v1 =	vbroadcast v1, $0xF;
	(xrf2) =	vadd.scan.msk.f32 $0xffff, v33  }
0x8d: {  	v45 =	vld [tilespmem:s9+$0x460];
	[tilespmem:s9+$0x510] =	vst v2;
	v0 =	vadd.f32 v42, v0;
	v44, _, _ =	vpop (xrf2);
	v2 =	vbroadcast v2, $0xF;
	(xrf2) =	vadd.scan.msk.f32 $0xffff, v35  }
0x8e: {  	v47 =	vld [tilespmem:s9+$0x4E0];
	[tilespmem:s9+$0x590] =	vst v3;
	v1 =	vadd.f32 v44, v1;
	v46, _, _ =	vpop (xrf2);
	v3 =	vbroadcast v3, $0xF;
	(xrf2) =	vadd.scan.msk.f32 $0xffff, v37  }
0x8f: {  	v49 =	vld [tilespmem:s9+$0x560];
	[tilespmem:s9+$0x420] =	vst v0;
	v2 =	vadd.f32 v46, v2;
	v48, _, _ =	vpop (xrf2);
	v0 =	vbroadcast v0, $0xF;
	(xrf2) =	vadd.scan.msk.f32 $0xffff, v39  }
0x90: {  	v51 =	vld [tilespmem:s9+$0x5E0];
	[tilespmem:s9+$0x4A0] =	vst v1;
	v3 =	vadd.f32 v48, v3;
	v50, _, _ =	vpop (xrf2);
	v1 =	vbroadcast v1, $0xF;
	(xrf2) =	vadd.scan.msk.f32 $0xffff, v41  }
0x91: {  	v53 =	vld [tilespmem:s9+$0x470];
	[tilespmem:s9+$0x520] =	vst v2;
	v0 =	vadd.f32 v50, v0;
	v52, _, _ =	vpop (xrf2);
	v2 =	vbroadcast v2, $0xF;
	(xrf2) =	vadd.scan.msk.f32 $0xffff, v43  }
0x92: {  	v55 =	vld [tilespmem:s9+$0x4F0];
	[tilespmem:s9+$0x5A0] =	vst v3;
	v1 =	vadd.f32 v52, v1;
	v54, _, _ =	vpop (xrf2);
	v3 =	vbroadcast v3, $0xF;
	(xrf2) =	vadd.scan.msk.f32 $0xffff, v45  }
0x93: {  	v57 =	vld [tilespmem:s9+$0x570];
	[tilespmem:s9+$0x430] =	vst v0;
	v2 =	vadd.f32 v54, v2;
	v56, _, _ =	vpop (xrf2);
	v0 =	vbroadcast v0, $0xF;
	(xrf2) =	vadd.scan.msk.f32 $0xffff, v47  }
0x94: {  	v59 =	vld [tilespmem:s9+$0x5F0];
	[tilespmem:s9+$0x4B0] =	vst v1;
	v3 =	vadd.f32 v56, v3;
	v58, _, _ =	vpop (xrf2);
	v1 =	vbroadcast v1, $0xF;
	(xrf2) =	vadd.scan.msk.f32 $0xffff, v49  }
0x95: {  	v61 =	vld [tilespmem:s9+$0x600];
	[tilespmem:s9+$0x530] =	vst v2;
	v0 =	vadd.f32 v58, v0;
	v60, _, _ =	vpop (xrf2);
	v2 =	vbroadcast v2, $0xF;
	(xrf2) =	vadd.scan.msk.f32 $0xffff, v51  }
0x96: {  	v63 =	vld [tilespmem:s9+$0x680];
	[tilespmem:s9+$0x5B0] =	vst v3;
	v1 =	vadd.f32 v60, v1;
	v62, _, _ =	vpop (xrf2);
	v3 =	vbroadcast v3, $0xF;
	(xrf2) =	vadd.scan.msk.f32 $0xffff, v53  }
0x97: {  	v13 =	vld [tilespmem:s9+$0x700];
	[tilespmem:s9+$0x440] =	vst v0;
	v2 =	vadd.f32 v62, v2;
	v12, _, _ =	vpop (xrf2);
	v0 =	vbroadcast v0, $0xF;
	(xrf2) =	vadd.scan.msk.f32 $0xffff, v55  }
0x98: {  	v15 =	vld [tilespmem:s9+$0x780];
	[tilespmem:s9+$0x4C0] =	vst v1;
	v3 =	vadd.f32 v12, v3;
	v14, _, _ =	vpop (xrf2);
	v1 =	vbroadcast v1, $0xF;
	(xrf2) =	vadd.scan.msk.f32 $0xffff, v57  }
0x99: {  	v17 =	vld [tilespmem:s9+$0x610];
	[tilespmem:s9+$0x540] =	vst v2;
	v0 =	vadd.f32 v14, v0;
	v16, _, _ =	vpop (xrf2);
	v2 =	vbroadcast v2, $0xF;
	(xrf2) =	vadd.scan.msk.f32 $0xffff, v59  }
0x9a: {  	v19 =	vld [tilespmem:s9+$0x690];
	[tilespmem:s9+$0x5C0] =	vst v3;
	v1 =	vadd.f32 v16, v1;
	v18, _, _ =	vpop (xrf2);
	v3 =	vbroadcast v3, $0xF;
	(xrf2) =	vadd.scan.msk.f32 $0xffff, v61  }
0x9b: {  	v21 =	vld [tilespmem:s9+$0x710];
	[tilespmem:s9+$0x450] =	vst v0;
	v2 =	vadd.f32 v18, v2;
	v20, _, _ =	vpop (xrf2);
	v0 =	vbroadcast v0, $0xF;
	(xrf2) =	vadd.scan.msk.f32 $0xffff, v63  }
0x9c: {  	v23 =	vld [tilespmem:s9+$0x790];
	[tilespmem:s9+$0x4D0] =	vst v1;
	v3 =	vadd.f32 v20, v3;
	v22, _, _ =	vpop (xrf2);
	v1 =	vbroadcast v1, $0xF;
	(xrf2) =	vadd.scan.msk.f32 $0xffff, v13  }
0x9d: {  	v25 =	vld [tilespmem:s9+$0x620];
	[tilespmem:s9+$0x550] =	vst v2;
	v0 =	vadd.f32 v22, v0;
	v24, _, _ =	vpop (xrf2);
	v2 =	vbroadcast v2, $0xF;
	(xrf2) =	vadd.scan.msk.f32 $0xffff, v15  }
0x9e: {  	v27 =	vld [tilespmem:s9+$0x6A0];
	[tilespmem:s9+$0x5D0] =	vst v3;
	v1 =	vadd.f32 v24, v1;
	v26, _, _ =	vpop (xrf2);
	v3 =	vbroadcast v3, $0xF;
	(xrf2) =	vadd.scan.msk.f32 $0xffff, v17  }
0x9f: {  	v29 =	vld [tilespmem:s9+$0x720];
	[tilespmem:s9+$0x460] =	vst v0;
	v2 =	vadd.f32 v26, v2;
	v28, _, _ =	vpop (xrf2);
	v0 =	vbroadcast v0, $0xF;
	(xrf2) =	vadd.scan.msk.f32 $0xffff, v19  }
0xa0: {  	v31 =	vld [tilespmem:s9+$0x7A0];
	[tilespmem:s9+$0x4E0] =	vst v1;
	v3 =	vadd.f32 v28, v3;
	v30, _, _ =	vpop (xrf2);
	v1 =	vbroadcast v1, $0xF;
	(xrf2) =	vadd.scan.msk.f32 $0xffff, v21  }
0xa1: {  	v33 =	vld [tilespmem:s9+$0x630];
	[tilespmem:s9+$0x560] =	vst v2;
	v0 =	vadd.f32 v30, v0;
	v32, _, _ =	vpop (xrf2);
	v2 =	vbroadcast v2, $0xF;
	(xrf2) =	vadd.scan.msk.f32 $0xffff, v23  }
0xa2: {  	v35 =	vld [tilespmem:s9+$0x6B0];
	[tilespmem:s9+$0x5E0] =	vst v3;
	v1 =	vadd.f32 v32, v1;
	v34, _, _ =	vpop (xrf2);
	v3 =	vbroadcast v3, $0xF;
	(xrf2) =	vadd.scan.msk.f32 $0xffff, v25  }
0xa3: {  	v37 =	vld [tilespmem:s9+$0x730];
	[tilespmem:s9+$0x470] =	vst v0;
	v2 =	vadd.f32 v34, v2;
	v36, _, _ =	vpop (xrf2);
	v0 =	vbroadcast v0, $0xF;
	(xrf2) =	vadd.scan.msk.f32 $0xffff, v27  }
0xa4: {  	v39 =	vld [tilespmem:s9+$0x7B0];
	[tilespmem:s9+$0x4F0] =	vst v1;
	v3 =	vadd.f32 v36, v3;
	v38, _, _ =	vpop (xrf2);
	v1 =	vbroadcast v1, $0xF;
	(xrf2) =	vadd.scan.msk.f32 $0xffff, v29  }
0xa5: {  	v41 =	vld [tilespmem:s9+$0x640];
	[tilespmem:s9+$0x570] =	vst v2;
	v0 =	vadd.f32 v38, v0;
	v40, _, _ =	vpop (xrf2);
	v2 =	vbroadcast v2, $0xF;
	(xrf2) =	vadd.scan.msk.f32 $0xffff, v31  }
0xa6: {  	v43 =	vld [tilespmem:s9+$0x6C0];
	[tilespmem:s9+$0x5F0] =	vst v3;
	v1 =	vadd.f32 v40, v1;
	v42, _, _ =	vpop (xrf2);
	v3 =	vbroadcast v3, $0xF;
	(xrf2) =	vadd.scan.msk.f32 $0xffff, v33  }
0xa7: {  	v45 =	vld [tilespmem:s9+$0x740];
	[tilespmem:s9+$0x600] =	vst v0;
	v2 =	vadd.f32 v42, v2;
	v44, _, _ =	vpop (xrf2);
	v0 =	vbroadcast v0, $0xF;
	(xrf2) =	vadd.scan.msk.f32 $0xffff, v35  }
0xa8: {  	v47 =	vld [tilespmem:s9+$0x7C0];
	[tilespmem:s9+$0x680] =	vst v1;
	v3 =	vadd.f32 v44, v3;
	v46, _, _ =	vpop (xrf2);
	v1 =	vbroadcast v1, $0xF;
	(xrf2) =	vadd.scan.msk.f32 $0xffff, v37  }
0xa9: {  	v49 =	vld [tilespmem:s9+$0x650];
	[tilespmem:s9+$0x700] =	vst v2;
	v0 =	vadd.f32 v46, v0;
	v48, _, _ =	vpop (xrf2);
	v2 =	vbroadcast v2, $0xF;
	(xrf2) =	vadd.scan.msk.f32 $0xffff, v39  }
0xaa: {  	v51 =	vld [tilespmem:s9+$0x6D0];
	[tilespmem:s9+$0x780] =	vst v3;
	v1 =	vadd.f32 v48, v1;
	v50, _, _ =	vpop (xrf2);
	v3 =	vbroadcast v3, $0xF;
	(xrf2) =	vadd.scan.msk.f32 $0xffff, v41  }
0xab: {  	v53 =	vld [tilespmem:s9+$0x750];
	[tilespmem:s9+$0x610] =	vst v0;
	v2 =	vadd.f32 v50, v2;
	v52, _, _ =	vpop (xrf2);
	v0 =	vbroadcast v0, $0xF;
	(xrf2) =	vadd.scan.msk.f32 $0xffff, v43  }
0xac: {  	v55 =	vld [tilespmem:s9+$0x7D0];
	[tilespmem:s9+$0x690] =	vst v1;
	v3 =	vadd.f32 v52, v3;
	v54, _, _ =	vpop (xrf2);
	v1 =	vbroadcast v1, $0xF;
	(xrf2) =	vadd.scan.msk.f32 $0xffff, v45  }
0xad: {  	v57 =	vld [tilespmem:s9+$0x660];
	[tilespmem:s9+$0x710] =	vst v2;
	v0 =	vadd.f32 v54, v0;
	v56, _, _ =	vpop (xrf2);
	v2 =	vbroadcast v2, $0xF;
	(xrf2) =	vadd.scan.msk.f32 $0xffff, v47  }
0xae: {  	v59 =	vld [tilespmem:s9+$0x6E0];
	[tilespmem:s9+$0x790] =	vst v3;
	v1 =	vadd.f32 v56, v1;
	v58, _, _ =	vpop (xrf2);
	v3 =	vbroadcast v3, $0xF;
	(xrf2) =	vadd.scan.msk.f32 $0xffff, v49  }
0xaf: {  	v61 =	vld [tilespmem:s9+$0x760];
	[tilespmem:s9+$0x620] =	vst v0;
	v2 =	vadd.f32 v58, v2;
	v60, _, _ =	vpop (xrf2);
	v0 =	vbroadcast v0, $0xF;
	(xrf2) =	vadd.scan.msk.f32 $0xffff, v51  }
0xb0: {  	v63 =	vld [tilespmem:s9+$0x7E0];
	[tilespmem:s9+$0x6A0] =	vst v1;
	v3 =	vadd.f32 v60, v3;
	v62, _, _ =	vpop (xrf2);
	v1 =	vbroadcast v1, $0xF;
	(xrf2) =	vadd.scan.msk.f32 $0xffff, v53  }
0xb1: {  	v13 =	vld [tilespmem:s9+$0x670];
	[tilespmem:s9+$0x720] =	vst v2;
	v0 =	vadd.f32 v62, v0;
	v12, _, _ =	vpop (xrf2);
	v2 =	vbroadcast v2, $0xF;
	(xrf2) =	vadd.scan.msk.f32 $0xffff, v55  }
0xb2: {  	v15 =	vld [tilespmem:s9+$0x6F0];
	[tilespmem:s9+$0x7A0] =	vst v3;
	v1 =	vadd.f32 v12, v1;
	v14, _, _ =	vpop (xrf2);
	v3 =	vbroadcast v3, $0xF;
	(xrf2) =	vadd.scan.msk.f32 $0xffff, v57  }
0xb3: {  	v17 =	vld [tilespmem:s9+$0x770];
	[tilespmem:s9+$0x630] =	vst v0;
	v2 =	vadd.f32 v14, v2;
	v16, _, _ =	vpop (xrf2);
	v0 =	vbroadcast v0, $0xF;
	(xrf2) =	vadd.scan.msk.f32 $0xffff, v59  }
0xb4: {  	v19 =	vld [tilespmem:s9+$0x7F0];
	[tilespmem:s9+$0x6B0] =	vst v1;
	v3 =	vadd.f32 v16, v3;
	v18, _, _ =	vpop (xrf2);
	v1 =	vbroadcast v1, $0xF;
	(xrf2) =	vadd.scan.msk.f32 $0xffff, v61  }
0xb5: {  	v21 =	vld [tilespmem:s9+$0x800];
	[tilespmem:s9+$0x730] =	vst v2;
	v0 =	vadd.f32 v18, v0;
	v20, _, _ =	vpop (xrf2);
	v2 =	vbroadcast v2, $0xF;
	(xrf2) =	vadd.scan.msk.f32 $0xffff, v63  }
0xb6: {  	v23 =	vld [tilespmem:s9+$0x880];
	[tilespmem:s9+$0x7B0] =	vst v3;
	v1 =	vadd.f32 v20, v1;
	v22, _, _ =	vpop (xrf2);
	v3 =	vbroadcast v3, $0xF;
	(xrf2) =	vadd.scan.msk.f32 $0xffff, v13  }
0xb7: {  	v25 =	vld [tilespmem:s9+$0x900];
	[tilespmem:s9+$0x640] =	vst v0;
	v2 =	vadd.f32 v22, v2;
	v24, _, _ =	vpop (xrf2);
	v0 =	vbroadcast v0, $0xF;
	(xrf2) =	vadd.scan.msk.f32 $0xffff, v15  }
0xb8: {  	v27 =	vld [tilespmem:s9+$0x980];
	[tilespmem:s9+$0x6C0] =	vst v1;
	v3 =	vadd.f32 v24, v3;
	v26, _, _ =	vpop (xrf2);
	v1 =	vbroadcast v1, $0xF;
	(xrf2) =	vadd.scan.msk.f32 $0xffff, v17  }
0xb9: {  	v29 =	vld [tilespmem:s9+$0x810];
	[tilespmem:s9+$0x740] =	vst v2;
	v0 =	vadd.f32 v26, v0;
	v28, _, _ =	vpop (xrf2);
	v2 =	vbroadcast v2, $0xF;
	(xrf2) =	vadd.scan.msk.f32 $0xffff, v19  }
0xba: {  	[tilespmem:s9+$0x7C0] =	vst v3;
	v1 =	vadd.f32 v28, v1;
	v30, _, _ =	vpop (xrf2);
	v3 =	vbroadcast v3, $0xF;
	(xrf2) =	vadd.scan.msk.f32 $0xffff, v21  }
0xbb: {  	[tilespmem:s9+$0x650] =	vst v0;
	v2 =	vadd.f32 v30, v2;
	v31, _, _ =	vpop (xrf2);
	v0 =	vbroadcast v0, $0xF;
	(xrf2) =	vadd.scan.msk.f32 $0xffff, v23  }
0xbc: {  	[tilespmem:s9+$0x6D0] =	vst v1;
	v3 =	vadd.f32 v31, v3;
	v32, _, _ =	vpop (xrf2);
	v1 =	vbroadcast v1, $0xF;
	(xrf2) =	vadd.scan.msk.f32 $0xffff, v25  }
0xbd: {  	[tilespmem:s9+$0x750] =	vst v2;
	v0 =	vadd.f32 v32, v0;
	v33, _, _ =	vpop (xrf2);
	v2 =	vbroadcast v2, $0xF;
	(xrf2) =	vadd.scan.msk.f32 $0xffff, v27  }
0xbe: {  	[tilespmem:s9+$0x7D0] =	vst v3;
	v1 =	vadd.f32 v33, v1;
	v34, _, _ =	vpop (xrf2);
	v3 =	vbroadcast v3, $0xF;
	(xrf2) =	vadd.scan.msk.f32 $0xffff, v29  }
0xbf: {  	[tilespmem:s9+$0x660] =	vst v0;
	v2 =	vadd.f32 v34, v2;
	v35, _, _ =	vpop (xrf2);
	v0 =	vbroadcast v0, $0xF  }
0xc0: {  	[tilespmem:s9+$0x6E0] =	vst v1;
	v3 =	vadd.f32 v35, v3;
	v36, _, _ =	vpop (xrf2);
	v1 =	vbroadcast v1, $0xF  }
0xc1: {  	[tilespmem:s9+$0x760] =	vst v2;
	v0 =	vadd.f32 v36, v0;
	v37, _, _ =	vpop (xrf2);
	v2 =	vbroadcast v2, $0xF  }
0xc2: {  	[tilespmem:s9+$0x7E0] =	vst v3;
	v1 =	vadd.f32 v37, v1;
	v38, _, _ =	vpop (xrf2);
	v3 =	vbroadcast v3, $0xF  }
0xc3: {  	[tilespmem:s9+$0x670] =	vst v0;
	v2 =	vadd.f32 v38, v2;
	v39, _, _ =	vpop (xrf2);
	v0 =	vbroadcast v0, $0xF  }
0xc4: {  	[tilespmem:s9+$0x6F0] =	vst v1;
	v3 =	vadd.f32 v39, v3;
	v40, _, _ =	vpop (xrf2);
	v1 =	vbroadcast v1, $0xF  }
0xc5: {  	[tilespmem:s9+$0x770] =	vst v2;
	v0 =	vadd.f32 v40, v0;
	v41, _, _ =	vpop (xrf2);
	v2 =	vbroadcast v2, $0xF  }
0xc6: {  	[tilespmem:s9+$0x7F0] =	vst v3;
	v1 =	vadd.f32 v41, v1;
	v42, _, _ =	vpop (xrf2);
	v3 =	vbroadcast v3, $0xF  }
0xc7: {  	[tilespmem:s9+$0x800] =	vst v0;
	v2 =	vadd.f32 v42, v2;
	v43, _, _ =	vpop (xrf2);
	v0 =	vbroadcast v0, $0xF  }
0xc8: {  	[tilespmem:s9+$0x880] =	vst v1;
	v3 =	vadd.f32 v43, v3;
	v44, _, _ =	vpop (xrf2)  }
0xc9: {  	[tilespmem:s9+$0x900] =	vst v2;
	v0 =	vadd.f32 v44, v0  }
0xca: {  	[tilespmem:s9+$0x980] =	vst v3  }
0xcb: {  	[tilespmem:s9+$0x810] =	vst v0  }
0xcc: {  	v45 =	vld [tilespmem:s9+$0x890]  }
0xcd: {  	v46 =	vld [tilespmem:s9+$0x910]  }
0xce: {  	v47 =	vld [tilespmem:s9+$0x990]  }
0xcf: {  	v48 =	vld [tilespmem:s9+$0x820]  }
0xd0: {  	v49 =	vld [tilespmem:s9+$0x8A0]  }
0xd1: {  	v50 =	vld [tilespmem:s9+$0x920];
	(xrf2) =	vadd.scan.msk.f32 $0xffff, v45  }
0xd2: {  	v51 =	vld [tilespmem:s9+$0x9A0];
	(xrf2) =	vadd.scan.msk.f32 $0xffff, v46  }
0xd3: {  	v52 =	vld [tilespmem:s9+$0x830];
	(xrf2) =	vadd.scan.msk.f32 $0xffff, v47  }
0xd4: {  	v53 =	vld [tilespmem:s9+$0x8B0];
	(xrf2) =	vadd.scan.msk.f32 $0xffff, v48  }
0xd5: {  	v54 =	vld [tilespmem:s9+$0x930];
	(xrf2) =	vadd.scan.msk.f32 $0xffff, v49  }
0xd6: {  	v55 =	vld [tilespmem:s9+$0x9B0];
	(xrf2) =	vadd.scan.msk.f32 $0xffff, v50  }
0xd7: {  	v56 =	vld [tilespmem:s9+$0x840];
	(xrf2) =	vadd.scan.msk.f32 $0xffff, v51  }
0xd8: {  	v57 =	vld [tilespmem:s9+$0x8C0];
	(xrf2) =	vadd.scan.msk.f32 $0xffff, v52  }
0xd9: {  	v58 =	vld [tilespmem:s9+$0x940];
	(xrf2) =	vadd.scan.msk.f32 $0xffff, v53  }
0xda: {  	v1 =	vbroadcast v1, $0xF;
	v59 =	vld [tilespmem:s9+$0x9C0];
	(xrf2) =	vadd.scan.msk.f32 $0xffff, v54  }
0xdb: {  	v2 =	vbroadcast v2, $0xF;
	v61 =	vld [tilespmem:s9+$0x850];
	v60, _, _ =	vpop (xrf2);
	(xrf2) =	vadd.scan.msk.f32 $0xffff, v55  }
0xdc: {  	v3 =	vbroadcast v3, $0xF;
	v63 =	vld [tilespmem:s9+$0x8D0];
	v1 =	vadd.f32 v60, v1;
	v62, _, _ =	vpop (xrf2);
	(xrf2) =	vadd.scan.msk.f32 $0xffff, v56  }
0xdd: {  	v0 =	vbroadcast v0, $0xF;
	v16 =	vld [tilespmem:s9+$0x950];
	v2 =	vadd.f32 v62, v2;
	v15, _, _ =	vpop (xrf2);
	(xrf2) =	vadd.scan.msk.f32 $0xffff, v57  }
0xde: {  	v18 =	vld [tilespmem:s9+$0x9D0];
	v3 =	vadd.f32 v15, v3;
	v17, _, _ =	vpop (xrf2);
	v10 =	vbroadcast v1, $0xF;
	(xrf2) =	vadd.scan.msk.f32 $0xffff, v58  }
0xdf: {  	v20 =	vld [tilespmem:s9+$0x860];
	v0 =	vadd.f32 v17, v0;
	v19, _, _ =	vpop (xrf2);
	v11 =	vbroadcast v2, $0xF;
	(xrf2) =	vadd.scan.msk.f32 $0xffff, v59  }
0xe0: {  	v22 =	vld [tilespmem:s9+$0x8E0];
	v9 =	vadd.f32 v19, v10;
	v21, _, _ =	vpop (xrf2);
	v12 =	vbroadcast v3, $0xF;
	(xrf2) =	vadd.scan.msk.f32 $0xffff, v61  }
0xe1: {  	v24 =	vld [tilespmem:s9+$0x960];
	v10 =	vadd.f32 v21, v11;
	v23, _, _ =	vpop (xrf2);
	v13 =	vbroadcast v0, $0xF;
	(xrf2) =	vadd.scan.msk.f32 $0xffff, v63  }
0xe2: {  	v26 =	vld [tilespmem:s9+$0x9E0];
	v11 =	vadd.f32 v23, v12;
	v25, _, _ =	vpop (xrf2);
	v14 =	vbroadcast v9, $0xF;
	(xrf2) =	vadd.scan.msk.f32 $0xffff, v16  }
0xe3: {  	v28 =	vld [tilespmem:s9+$0x870];
	v12 =	vadd.f32 v25, v13;
	v27, _, _ =	vpop (xrf2);
	v15 =	vbroadcast v10, $0xF;
	(xrf2) =	vadd.scan.msk.f32 $0xffff, v18  }
0xe4: {  	v30 =	vld [tilespmem:s9+$0x8F0];
	v13 =	vadd.f32 v27, v14;
	v29, _, _ =	vpop (xrf2);
	v16 =	vbroadcast v11, $0xF;
	(xrf2) =	vadd.scan.msk.f32 $0xffff, v20  }
0xe5: {  	v32 =	vld [tilespmem:s9+$0x970];
	v14 =	vadd.f32 v29, v15;
	v31, _, _ =	vpop (xrf2);
	v17 =	vbroadcast v12, $0xF;
	(xrf2) =	vadd.scan.msk.f32 $0xffff, v22  }
0xe6: {  	v34 =	vld [tilespmem:s9+$0x9F0];
	v15 =	vadd.f32 v31, v16;
	v33, _, _ =	vpop (xrf2);
	v18 =	vbroadcast v13, $0xF;
	(xrf2) =	vadd.scan.msk.f32 $0xffff, v24  }
0xe7: {  	v36 =	vld [tilespmem:s9+$0xA00];
	v16 =	vadd.f32 v33, v17;
	v35, _, _ =	vpop (xrf2);
	v19 =	vbroadcast v14, $0xF;
	(xrf2) =	vadd.scan.msk.f32 $0xffff, v26  }
0xe8: {  	v38 =	vld [tilespmem:s9+$0xA80];
	v17 =	vadd.f32 v35, v18;
	v37, _, _ =	vpop (xrf2);
	v20 =	vbroadcast v15, $0xF;
	(xrf2) =	vadd.scan.msk.f32 $0xffff, v28  }
0xe9: {  	v40 =	vld [tilespmem:s9+$0xB00];
	v18 =	vadd.f32 v37, v19;
	v39, _, _ =	vpop (xrf2);
	v21 =	vbroadcast v16, $0xF;
	(xrf2) =	vadd.scan.msk.f32 $0xffff, v30  }
0xea: {  	v42 =	vld [tilespmem:s9+$0xB80];
	v19 =	vadd.f32 v39, v20;
	v41, _, _ =	vpop (xrf2);
	v22 =	vbroadcast v17, $0xF;
	(xrf2) =	vadd.scan.msk.f32 $0xffff, v32  }
0xeb: {  	v44 =	vld [tilespmem:s9+$0xA10];
	v20 =	vadd.f32 v41, v21;
	v43, _, _ =	vpop (xrf2);
	v23 =	vbroadcast v18, $0xF;
	(xrf2) =	vadd.scan.msk.f32 $0xffff, v34  }
0xec: {  	v46 =	vld [tilespmem:s9+$0xA90];
	v21 =	vadd.f32 v43, v22;
	v45, _, _ =	vpop (xrf2);
	v24 =	vbroadcast v19, $0xF;
	(xrf2) =	vadd.scan.msk.f32 $0xffff, v36  }
0xed: {  	v49 =	vld [tilespmem:s9+$0xB10];
	[tilespmem:s9+$0x890] =	vst v1;
	v1 =	vadd.f32 v45, v23;
	v47, _, _ =	vpop (xrf2);
	v48 =	vbroadcast v20, $0xF;
	(xrf2) =	vadd.scan.msk.f32 $0xffff, v38  }
0xee: {  	v52 =	vld [tilespmem:s9+$0xB90];
	[tilespmem:s9+$0x910] =	vst v2;
	v2 =	vadd.f32 v47, v24;
	v50, _, _ =	vpop (xrf2);
	v51 =	vbroadcast v21, $0xF;
	(xrf2) =	vadd.scan.msk.f32 $0xffff, v40  }
0xef: {  	v55 =	vld [tilespmem:s9+$0xA20];
	[tilespmem:s9+$0x990] =	vst v3;
	v3 =	vadd.f32 v50, v48;
	v53, _, _ =	vpop (xrf2);
	v54 =	vbroadcast v1, $0xF;
	(xrf2) =	vadd.scan.msk.f32 $0xffff, v42  }
0xf0: {  	v58 =	vld [tilespmem:s9+$0xAA0];
	[tilespmem:s9+$0x820] =	vst v0;
	v0 =	vadd.f32 v53, v51;
	v56, _, _ =	vpop (xrf2);
	v57 =	vbroadcast v2, $0xF;
	(xrf2) =	vadd.scan.msk.f32 $0xffff, v44  }
0xf1: {  	v61 =	vld [tilespmem:s9+$0xB20];
	[tilespmem:s9+$0x8A0] =	vst v9;
	v9 =	vadd.f32 v56, v54;
	v59, _, _ =	vpop (xrf2);
	v60 =	vbroadcast v3, $0xF;
	(xrf2) =	vadd.scan.msk.f32 $0xffff, v46  }
0xf2: {  	[tilespmem:s9+$0x920] =	vst v10;
	v28 =	vld [tilespmem:s9+$0xBA0];
	v10 =	vadd.f32 v59, v57;
	v62, _, _ =	vpop (xrf2);
	v63 =	vbroadcast v0, $0xF;
	(xrf2) =	vadd.scan.msk.f32 $0xffff, v49  }
0xf3: {  	[tilespmem:s9+$0x9A0] =	vst v11;
	v31 =	vld [tilespmem:s9+$0xA30];
	v11 =	vadd.f32 v62, v60;
	v29, _, _ =	vpop (xrf2);
	v30 =	vbroadcast v9, $0xF;
	(xrf2) =	vadd.scan.msk.f32 $0xffff, v52  }
0xf4: {  	[tilespmem:s9+$0x830] =	vst v12;
	v34 =	vld [tilespmem:s9+$0xAB0];
	v12 =	vadd.f32 v29, v63;
	v32, _, _ =	vpop (xrf2);
	v33 =	vbroadcast v10, $0xF;
	(xrf2) =	vadd.scan.msk.f32 $0xffff, v55  }
0xf5: {  	[tilespmem:s9+$0x8B0] =	vst v13;
	v37 =	vld [tilespmem:s9+$0xB30];
	v13 =	vadd.f32 v32, v30;
	v35, _, _ =	vpop (xrf2);
	v36 =	vbroadcast v11, $0xF;
	(xrf2) =	vadd.scan.msk.f32 $0xffff, v58  }
0xf6: {  	[tilespmem:s9+$0x930] =	vst v14;
	v40 =	vld [tilespmem:s9+$0xBB0];
	v14 =	vadd.f32 v35, v33;
	v38, _, _ =	vpop (xrf2);
	v39 =	vbroadcast v12, $0xF;
	(xrf2) =	vadd.scan.msk.f32 $0xffff, v61  }
0xf7: {  	[tilespmem:s9+$0x9B0] =	vst v15;
	v43 =	vld [tilespmem:s9+$0xA40];
	v15 =	vadd.f32 v38, v36;
	v41, _, _ =	vpop (xrf2);
	v42 =	vbroadcast v13, $0xF;
	(xrf2) =	vadd.scan.msk.f32 $0xffff, v28  }
0xf8: {  	[tilespmem:s9+$0x840] =	vst v16;
	v46 =	vld [tilespmem:s9+$0xAC0];
	v16 =	vadd.f32 v41, v39;
	v44, _, _ =	vpop (xrf2);
	v45 =	vbroadcast v14, $0xF;
	(xrf2) =	vadd.scan.msk.f32 $0xffff, v31  }
0xf9: {  	[tilespmem:s9+$0x8C0] =	vst v17;
	v49 =	vld [tilespmem:s9+$0xB40];
	v17 =	vadd.f32 v44, v42;
	v47, _, _ =	vpop (xrf2);
	v48 =	vbroadcast v15, $0xF;
	(xrf2) =	vadd.scan.msk.f32 $0xffff, v34  }
0xfa: {  	[tilespmem:s9+$0x940] =	vst v18;
	v52 =	vld [tilespmem:s9+$0xBC0];
	v18 =	vadd.f32 v47, v45;
	v50, _, _ =	vpop (xrf2);
	v51 =	vbroadcast v16, $0xF;
	(xrf2) =	vadd.scan.msk.f32 $0xffff, v37  }
0xfb: {  	[tilespmem:s9+$0x9C0] =	vst v19;
	v55 =	vld [tilespmem:s9+$0xA50];
	v19 =	vadd.f32 v50, v48;
	v53, _, _ =	vpop (xrf2);
	v54 =	vbroadcast v17, $0xF;
	(xrf2) =	vadd.scan.msk.f32 $0xffff, v40  }
0xfc: {  	[tilespmem:s9+$0x850] =	vst v20;
	v58 =	vld [tilespmem:s9+$0xAD0];
	v20 =	vadd.f32 v53, v51;
	v56, _, _ =	vpop (xrf2);
	v57 =	vbroadcast v18, $0xF;
	(xrf2) =	vadd.scan.msk.f32 $0xffff, v43  }
0xfd: {  	[tilespmem:s9+$0x8D0] =	vst v21;
	v61 =	vld [tilespmem:s9+$0xB50];
	v21 =	vadd.f32 v56, v54;
	v59, _, _ =	vpop (xrf2);
	v60 =	vbroadcast v19, $0xF;
	(xrf2) =	vadd.scan.msk.f32 $0xffff, v46  }
0xfe: {  	[tilespmem:s9+$0x950] =	vst v1;
	v28 =	vld [tilespmem:s9+$0xBD0];
	v1 =	vadd.f32 v59, v57;
	v62, _, _ =	vpop (xrf2);
	v63 =	vbroadcast v20, $0xF;
	(xrf2) =	vadd.scan.msk.f32 $0xffff, v49  }
0xff: {  	[tilespmem:s9+$0x9D0] =	vst v2;
	v31 =	vld [tilespmem:s9+$0xA60];
	v2 =	vadd.f32 v62, v60;
	v29, _, _ =	vpop (xrf2);
	v30 =	vbroadcast v21, $0xF;
	(xrf2) =	vadd.scan.msk.f32 $0xffff, v52  }
0x100: {  	[tilespmem:s9+$0x860] =	vst v3;
	v34 =	vld [tilespmem:s9+$0xAE0];
	v3 =	vadd.f32 v29, v63;
	v32, _, _ =	vpop (xrf2);
	v33 =	vbroadcast v1, $0xF;
	(xrf2) =	vadd.scan.msk.f32 $0xffff, v55  }
0x101: {  	[tilespmem:s9+$0x8E0] =	vst v0;
	v37 =	vld [tilespmem:s9+$0xB60];
	v0 =	vadd.f32 v32, v30;
	v35, _, _ =	vpop (xrf2);
	v36 =	vbroadcast v2, $0xF;
	(xrf2) =	vadd.scan.msk.f32 $0xffff, v58  }
0x102: {  	[tilespmem:s9+$0x960] =	vst v9;
	v40 =	vld [tilespmem:s9+$0xBE0];
	v9 =	vadd.f32 v35, v33;
	v38, _, _ =	vpop (xrf2);
	v39 =	vbroadcast v3, $0xF;
	(xrf2) =	vadd.scan.msk.f32 $0xffff, v61  }
0x103: {  	[tilespmem:s9+$0x9E0] =	vst v10;
	v43 =	vld [tilespmem:s9+$0xA70];
	v10 =	vadd.f32 v38, v36;
	v41, _, _ =	vpop (xrf2);
	v42 =	vbroadcast v0, $0xF;
	(xrf2) =	vadd.scan.msk.f32 $0xffff, v28  }
0x104: {  	[tilespmem:s9+$0x870] =	vst v11;
	v46 =	vld [tilespmem:s9+$0xAF0];
	v11 =	vadd.f32 v41, v39;
	v44, _, _ =	vpop (xrf2);
	v45 =	vbroadcast v9, $0xF;
	(xrf2) =	vadd.scan.msk.f32 $0xffff, v31  }
0x105: {  	[tilespmem:s9+$0x8F0] =	vst v12;
	v49 =	vld [tilespmem:s9+$0xB70];
	v12 =	vadd.f32 v44, v42;
	v47, _, _ =	vpop (xrf2);
	v48 =	vbroadcast v10, $0xF;
	(xrf2) =	vadd.scan.msk.f32 $0xffff, v34  }
0x106: {  	[tilespmem:s9+$0x970] =	vst v13;
	v52 =	vld [tilespmem:s9+$0xBF0];
	v13 =	vadd.f32 v47, v45;
	v50, _, _ =	vpop (xrf2);
	v51 =	vbroadcast v11, $0xF;
	(xrf2) =	vadd.scan.msk.f32 $0xffff, v37  }
0x107: {  	[tilespmem:s9+$0x9F0] =	vst v14;
	v55 =	vld [tilespmem:s9+$0xC00];
	v14 =	vadd.f32 v50, v48;
	v53, _, _ =	vpop (xrf2);
	v54 =	vbroadcast v12, $0xF;
	(xrf2) =	vadd.scan.msk.f32 $0xffff, v40  }
0x108: {  	[tilespmem:s9+$0xA00] =	vst v15;
	v58 =	vld [tilespmem:s9+$0xC80];
	v15 =	vadd.f32 v53, v51;
	v56, _, _ =	vpop (xrf2);
	v57 =	vbroadcast v13, $0xF;
	(xrf2) =	vadd.scan.msk.f32 $0xffff, v43  }
0x109: {  	[tilespmem:s9+$0xA80] =	vst v16;
	v61 =	vld [tilespmem:s9+$0xD00];
	v16 =	vadd.f32 v56, v54;
	v59, _, _ =	vpop (xrf2);
	v60 =	vbroadcast v14, $0xF;
	(xrf2) =	vadd.scan.msk.f32 $0xffff, v46  }
0x10a: {  	[tilespmem:s9+$0xB00] =	vst v17;
	v28 =	vld [tilespmem:s9+$0xD80];
	v17 =	vadd.f32 v59, v57;
	v62, _, _ =	vpop (xrf2);
	v63 =	vbroadcast v15, $0xF;
	(xrf2) =	vadd.scan.msk.f32 $0xffff, v49  }
0x10b: {  	[tilespmem:s9+$0xB80] =	vst v18;
	v31 =	vld [tilespmem:s9+$0xC10];
	v18 =	vadd.f32 v62, v60;
	v29, _, _ =	vpop (xrf2);
	v30 =	vbroadcast v16, $0xF;
	(xrf2) =	vadd.scan.msk.f32 $0xffff, v52  }
0x10c: {  	[tilespmem:s9+$0xA10] =	vst v19;
	v34 =	vld [tilespmem:s9+$0xC90];
	v19 =	vadd.f32 v29, v63;
	v32, _, _ =	vpop (xrf2);
	v33 =	vbroadcast v17, $0xF;
	(xrf2) =	vadd.scan.msk.f32 $0xffff, v55  }
0x10d: {  	[tilespmem:s9+$0xA90] =	vst v20;
	v37 =	vld [tilespmem:s9+$0xD10];
	v20 =	vadd.f32 v32, v30;
	v35, _, _ =	vpop (xrf2);
	v36 =	vbroadcast v18, $0xF;
	(xrf2) =	vadd.scan.msk.f32 $0xffff, v58  }
0x10e: {  	[tilespmem:s9+$0xB10] =	vst v21;
	v40 =	vld [tilespmem:s9+$0xD90];
	v21 =	vadd.f32 v35, v33;
	v38, _, _ =	vpop (xrf2);
	v39 =	vbroadcast v19, $0xF;
	(xrf2) =	vadd.scan.msk.f32 $0xffff, v61  }
0x10f: {  	[tilespmem:s9+$0xB90] =	vst v1;
	v43 =	vld [tilespmem:s9+$0xC20];
	v1 =	vadd.f32 v38, v36;
	v41, _, _ =	vpop (xrf2);
	v42 =	vbroadcast v20, $0xF;
	(xrf2) =	vadd.scan.msk.f32 $0xffff, v28  }
0x110: {  	[tilespmem:s9+$0xA20] =	vst v2;
	v46 =	vld [tilespmem:s9+$0xCA0];
	v2 =	vadd.f32 v41, v39;
	v44, _, _ =	vpop (xrf2);
	v45 =	vbroadcast v21, $0xF;
	(xrf2) =	vadd.scan.msk.f32 $0xffff, v31  }
0x111: {  	[tilespmem:s9+$0xAA0] =	vst v3;
	v49 =	vld [tilespmem:s9+$0xD20];
	v3 =	vadd.f32 v44, v42;
	v47, _, _ =	vpop (xrf2);
	v48 =	vbroadcast v1, $0xF;
	(xrf2) =	vadd.scan.msk.f32 $0xffff, v34  }
0x112: {  	[tilespmem:s9+$0xB20] =	vst v0;
	v52 =	vld [tilespmem:s9+$0xDA0];
	v0 =	vadd.f32 v47, v45;
	v50, _, _ =	vpop (xrf2);
	v51 =	vbroadcast v2, $0xF;
	(xrf2) =	vadd.scan.msk.f32 $0xffff, v37  }
0x113: {  	[tilespmem:s9+$0xBA0] =	vst v9;
	v55 =	vld [tilespmem:s9+$0xC30];
	v9 =	vadd.f32 v50, v48;
	v53, _, _ =	vpop (xrf2);
	v54 =	vbroadcast v3, $0xF;
	(xrf2) =	vadd.scan.msk.f32 $0xffff, v40  }
0x114: {  	[tilespmem:s9+$0xA30] =	vst v10;
	v58 =	vld [tilespmem:s9+$0xCB0];
	v10 =	vadd.f32 v53, v51;
	v56, _, _ =	vpop (xrf2);
	v57 =	vbroadcast v0, $0xF;
	(xrf2) =	vadd.scan.msk.f32 $0xffff, v43  }
0x115: {  	[tilespmem:s9+$0xAB0] =	vst v11;
	v61 =	vld [tilespmem:s9+$0xD30];
	v11 =	vadd.f32 v56, v54;
	v59, _, _ =	vpop (xrf2);
	v60 =	vbroadcast v9, $0xF;
	(xrf2) =	vadd.scan.msk.f32 $0xffff, v46  }
0x116: {  	[tilespmem:s9+$0xB30] =	vst v12;
	v28 =	vld [tilespmem:s9+$0xDB0];
	v12 =	vadd.f32 v59, v57;
	v62, _, _ =	vpop (xrf2);
	v63 =	vbroadcast v10, $0xF;
	(xrf2) =	vadd.scan.msk.f32 $0xffff, v49  }
0x117: {  	[tilespmem:s9+$0xBB0] =	vst v13;
	v31 =	vld [tilespmem:s9+$0xC40];
	v13 =	vadd.f32 v62, v60;
	v29, _, _ =	vpop (xrf2);
	v30 =	vbroadcast v11, $0xF;
	(xrf2) =	vadd.scan.msk.f32 $0xffff, v52  }
0x118: {  	[tilespmem:s9+$0xA40] =	vst v14;
	v34 =	vld [tilespmem:s9+$0xCC0];
	v14 =	vadd.f32 v29, v63;
	v32, _, _ =	vpop (xrf2);
	v33 =	vbroadcast v12, $0xF;
	(xrf2) =	vadd.scan.msk.f32 $0xffff, v55  }
0x119: {  	[tilespmem:s9+$0xAC0] =	vst v15;
	v37 =	vld [tilespmem:s9+$0xD40];
	v15 =	vadd.f32 v32, v30;
	v35, _, _ =	vpop (xrf2);
	v36 =	vbroadcast v13, $0xF;
	(xrf2) =	vadd.scan.msk.f32 $0xffff, v58  }
0x11a: {  	[tilespmem:s9+$0xB40] =	vst v16;
	v40 =	vld [tilespmem:s9+$0xDC0];
	v16 =	vadd.f32 v35, v33;
	v38, _, _ =	vpop (xrf2);
	v39 =	vbroadcast v14, $0xF;
	(xrf2) =	vadd.scan.msk.f32 $0xffff, v61  }
0x11b: {  	[tilespmem:s9+$0xBC0] =	vst v17;
	v43 =	vld [tilespmem:s9+$0xC50];
	v17 =	vadd.f32 v38, v36;
	v41, _, _ =	vpop (xrf2);
	v42 =	vbroadcast v15, $0xF;
	(xrf2) =	vadd.scan.msk.f32 $0xffff, v28  }
0x11c: {  	[tilespmem:s9+$0xA50] =	vst v18;
	v46 =	vld [tilespmem:s9+$0xCD0];
	v18 =	vadd.f32 v41, v39;
	v44, _, _ =	vpop (xrf2);
	v45 =	vbroadcast v16, $0xF;
	(xrf2) =	vadd.scan.msk.f32 $0xffff, v31  }
0x11d: {  	[tilespmem:s9+$0xAD0] =	vst v19;
	v49 =	vld [tilespmem:s9+$0xD50];
	v19 =	vadd.f32 v44, v42;
	v47, _, _ =	vpop (xrf2);
	v48 =	vbroadcast v17, $0xF;
	(xrf2) =	vadd.scan.msk.f32 $0xffff, v34  }
0x11e: {  	[tilespmem:s9+$0xB50] =	vst v20;
	v52 =	vld [tilespmem:s9+$0xDD0];
	v20 =	vadd.f32 v47, v45;
	v50, _, _ =	vpop (xrf2);
	v51 =	vbroadcast v18, $0xF;
	(xrf2) =	vadd.scan.msk.f32 $0xffff, v37  }
0x11f: {  	[tilespmem:s9+$0xBD0] =	vst v21;
	v55 =	vld [tilespmem:s9+$0xC60];
	v21 =	vadd.f32 v50, v48;
	v53, _, _ =	vpop (xrf2);
	v54 =	vbroadcast v19, $0xF;
	(xrf2) =	vadd.scan.msk.f32 $0xffff, v40  }
0x120: {  	[tilespmem:s9+$0xA60] =	vst v1;
	v58 =	vld [tilespmem:s9+$0xCE0];
	v1 =	vadd.f32 v53, v51;
	v56, _, _ =	vpop (xrf2);
	v57 =	vbroadcast v20, $0xF;
	(xrf2) =	vadd.scan.msk.f32 $0xffff, v43  }
0x121: {  	[tilespmem:s9+$0xAE0] =	vst v2;
	v61 =	vld [tilespmem:s9+$0xD60];
	v2 =	vadd.f32 v56, v54;
	v59, _, _ =	vpop (xrf2);
	v60 =	vbroadcast v21, $0xF;
	(xrf2) =	vadd.scan.msk.f32 $0xffff, v46  }
0x122: {  	[tilespmem:s9+$0xB60] =	vst v3;
	v28 =	vld [tilespmem:s9+$0xDE0];
	v3 =	vadd.f32 v59, v57;
	v62, _, _ =	vpop (xrf2);
	v63 =	vbroadcast v1, $0xF;
	(xrf2) =	vadd.scan.msk.f32 $0xffff, v49  }
0x123: {  	[tilespmem:s9+$0xBE0] =	vst v0;
	v31 =	vld [tilespmem:s9+$0xC70];
	v0 =	vadd.f32 v62, v60;
	v29, _, _ =	vpop (xrf2);
	v30 =	vbroadcast v2, $0xF;
	(xrf2) =	vadd.scan.msk.f32 $0xffff, v52  }
0x124: {  	[tilespmem:s9+$0xA70] =	vst v9;
	v34 =	vld [tilespmem:s9+$0xCF0];
	v9 =	vadd.f32 v29, v63;
	v32, _, _ =	vpop (xrf2);
	v33 =	vbroadcast v3, $0xF;
	(xrf2) =	vadd.scan.msk.f32 $0xffff, v55  }
0x125: {  	[tilespmem:s9+$0xAF0] =	vst v10;
	v37 =	vld [tilespmem:s9+$0xD70];
	v10 =	vadd.f32 v32, v30;
	v35, _, _ =	vpop (xrf2);
	v36 =	vbroadcast v0, $0xF;
	(xrf2) =	vadd.scan.msk.f32 $0xffff, v58  }
0x126: {  	[tilespmem:s9+$0xB70] =	vst v11;
	v40 =	vld [tilespmem:s9+$0xDF0];
	v11 =	vadd.f32 v35, v33;
	v38, _, _ =	vpop (xrf2);
	v39 =	vbroadcast v9, $0xF;
	(xrf2) =	vadd.scan.msk.f32 $0xffff, v61  }
0x127: {  	[tilespmem:s9+$0xBF0] =	vst v12;
	v43 =	vld [tilespmem:s9+$0xE00];
	v12 =	vadd.f32 v38, v36;
	v41, _, _ =	vpop (xrf2);
	v42 =	vbroadcast v10, $0xF;
	(xrf2) =	vadd.scan.msk.f32 $0xffff, v28  }
0x128: {  	[tilespmem:s9+$0xC00] =	vst v13;
	v46 =	vld [tilespmem:s9+$0xE80];
	v13 =	vadd.f32 v41, v39;
	v44, _, _ =	vpop (xrf2);
	v45 =	vbroadcast v11, $0xF;
	(xrf2) =	vadd.scan.msk.f32 $0xffff, v31  }
0x129: {  	[tilespmem:s9+$0xC80] =	vst v14;
	v49 =	vld [tilespmem:s9+$0xF00];
	v14 =	vadd.f32 v44, v42;
	v47, _, _ =	vpop (xrf2);
	v48 =	vbroadcast v12, $0xF;
	(xrf2) =	vadd.scan.msk.f32 $0xffff, v34  }
0x12a: {  	[tilespmem:s9+$0xD00] =	vst v15;
	v52 =	vld [tilespmem:s9+$0xF80];
	v15 =	vadd.f32 v47, v45;
	v50, _, _ =	vpop (xrf2);
	v51 =	vbroadcast v13, $0xF;
	(xrf2) =	vadd.scan.msk.f32 $0xffff, v37  }
0x12b: {  	[tilespmem:s9+$0xD80] =	vst v16;
	v55 =	vld [tilespmem:s9+$0xE10];
	v16 =	vadd.f32 v50, v48;
	v53, _, _ =	vpop (xrf2);
	v54 =	vbroadcast v14, $0xF;
	(xrf2) =	vadd.scan.msk.f32 $0xffff, v40  }
0x12c: {  	[tilespmem:s9+$0xC10] =	vst v17;
	v58 =	vld [tilespmem:s9+$0xE90];
	v17 =	vadd.f32 v53, v51;
	v56, _, _ =	vpop (xrf2);
	v57 =	vbroadcast v15, $0xF;
	(xrf2) =	vadd.scan.msk.f32 $0xffff, v43  }
0x12d: {  	[tilespmem:s9+$0xC90] =	vst v18;
	v61 =	vld [tilespmem:s9+$0xF10];
	v18 =	vadd.f32 v56, v54;
	v59, _, _ =	vpop (xrf2);
	v60 =	vbroadcast v16, $0xF;
	(xrf2) =	vadd.scan.msk.f32 $0xffff, v46  }
0x12e: {  	[tilespmem:s9+$0xD10] =	vst v19;
	v28 =	vld [tilespmem:s9+$0xF90];
	v19 =	vadd.f32 v59, v57;
	v62, _, _ =	vpop (xrf2);
	v63 =	vbroadcast v17, $0xF;
	(xrf2) =	vadd.scan.msk.f32 $0xffff, v49  }
0x12f: {  	[tilespmem:s9+$0xD90] =	vst v20;
	v31 =	vld [tilespmem:s9+$0xE20];
	v20 =	vadd.f32 v62, v60;
	v29, _, _ =	vpop (xrf2);
	v30 =	vbroadcast v18, $0xF;
	(xrf2) =	vadd.scan.msk.f32 $0xffff, v52  }
0x130: {  	[tilespmem:s9+$0xC20] =	vst v21;
	v34 =	vld [tilespmem:s9+$0xEA0];
	v21 =	vadd.f32 v29, v63;
	v32, _, _ =	vpop (xrf2);
	v33 =	vbroadcast v19, $0xF;
	(xrf2) =	vadd.scan.msk.f32 $0xffff, v55  }
0x131: {  	[tilespmem:s9+$0xCA0] =	vst v1;
	v37 =	vld [tilespmem:s9+$0xF20];
	v1 =	vadd.f32 v32, v30;
	v35, _, _ =	vpop (xrf2);
	v36 =	vbroadcast v20, $0xF;
	(xrf2) =	vadd.scan.msk.f32 $0xffff, v58  }
0x132: {  	[tilespmem:s9+$0xD20] =	vst v2;
	v40 =	vld [tilespmem:s9+$0xFA0];
	v2 =	vadd.f32 v35, v33;
	v38, _, _ =	vpop (xrf2);
	v39 =	vbroadcast v21, $0xF;
	(xrf2) =	vadd.scan.msk.f32 $0xffff, v61  }
0x133: {  	[tilespmem:s9+$0xDA0] =	vst v3;
	v43 =	vld [tilespmem:s9+$0xE30];
	v3 =	vadd.f32 v38, v36;
	v41, _, _ =	vpop (xrf2);
	v42 =	vbroadcast v1, $0xF;
	(xrf2) =	vadd.scan.msk.f32 $0xffff, v28  }
0x134: {  	[tilespmem:s9+$0xC30] =	vst v0;
	v46 =	vld [tilespmem:s9+$0xEB0];
	v0 =	vadd.f32 v41, v39;
	v44, _, _ =	vpop (xrf2);
	v45 =	vbroadcast v2, $0xF;
	(xrf2) =	vadd.scan.msk.f32 $0xffff, v31  }
0x135: {  	[tilespmem:s9+$0xCB0] =	vst v9;
	v49 =	vld [tilespmem:s9+$0xF30];
	v9 =	vadd.f32 v44, v42;
	v47, _, _ =	vpop (xrf2);
	v48 =	vbroadcast v3, $0xF;
	(xrf2) =	vadd.scan.msk.f32 $0xffff, v34  }
0x136: {  	[tilespmem:s9+$0xD30] =	vst v10;
	v52 =	vld [tilespmem:s9+$0xFB0];
	v10 =	vadd.f32 v47, v45;
	v50, _, _ =	vpop (xrf2);
	v51 =	vbroadcast v0, $0xF;
	(xrf2) =	vadd.scan.msk.f32 $0xffff, v37  }
0x137: {  	[tilespmem:s9+$0xDB0] =	vst v11;
	v55 =	vld [tilespmem:s9+$0xE40];
	v11 =	vadd.f32 v50, v48;
	v53, _, _ =	vpop (xrf2);
	v54 =	vbroadcast v9, $0xF;
	(xrf2) =	vadd.scan.msk.f32 $0xffff, v40  }
0x138: {  	[tilespmem:s9+$0xC40] =	vst v12;
	v58 =	vld [tilespmem:s9+$0xEC0];
	v12 =	vadd.f32 v53, v51;
	v56, _, _ =	vpop (xrf2);
	v57 =	vbroadcast v10, $0xF;
	(xrf2) =	vadd.scan.msk.f32 $0xffff, v43  }
0x139: {  	[tilespmem:s9+$0xCC0] =	vst v13;
	v61 =	vld [tilespmem:s9+$0xF40];
	v13 =	vadd.f32 v56, v54;
	v59, _, _ =	vpop (xrf2);
	v60 =	vbroadcast v11, $0xF;
	(xrf2) =	vadd.scan.msk.f32 $0xffff, v46  }
0x13a: {  	[tilespmem:s9+$0xD40] =	vst v14;
	v28 =	vld [tilespmem:s9+$0xFC0];
	v14 =	vadd.f32 v59, v57;
	v62, _, _ =	vpop (xrf2);
	v63 =	vbroadcast v12, $0xF;
	(xrf2) =	vadd.scan.msk.f32 $0xffff, v49  }
0x13b: {  	[tilespmem:s9+$0xDC0] =	vst v15;
	v31 =	vld [tilespmem:s9+$0xE50];
	v15 =	vadd.f32 v62, v60;
	v29, _, _ =	vpop (xrf2);
	v30 =	vbroadcast v13, $0xF;
	(xrf2) =	vadd.scan.msk.f32 $0xffff, v52  }
0x13c: {  	[tilespmem:s9+$0xC50] =	vst v16;
	v34 =	vld [tilespmem:s9+$0xED0];
	v16 =	vadd.f32 v29, v63;
	v32, _, _ =	vpop (xrf2);
	v33 =	vbroadcast v14, $0xF;
	(xrf2) =	vadd.scan.msk.f32 $0xffff, v55  }
0x13d: {  	[tilespmem:s9+$0xCD0] =	vst v17;
	v37 =	vld [tilespmem:s9+$0xF50];
	v17 =	vadd.f32 v32, v30;
	v35, _, _ =	vpop (xrf2);
	v36 =	vbroadcast v15, $0xF;
	(xrf2) =	vadd.scan.msk.f32 $0xffff, v58  }
0x13e: {  	[tilespmem:s9+$0xD50] =	vst v18;
	v40 =	vld [tilespmem:s9+$0xFD0];
	v18 =	vadd.f32 v35, v33;
	v38, _, _ =	vpop (xrf2);
	v39 =	vbroadcast v16, $0xF;
	(xrf2) =	vadd.scan.msk.f32 $0xffff, v61  }
0x13f: {  	[tilespmem:s9+$0xDD0] =	vst v19;
	v43 =	vld [tilespmem:s9+$0xE60];
	v19 =	vadd.f32 v38, v36;
	v41, _, _ =	vpop (xrf2);
	v42 =	vbroadcast v17, $0xF;
	(xrf2) =	vadd.scan.msk.f32 $0xffff, v28  }
0x140: {  	[tilespmem:s9+$0xC60] =	vst v20;
	v46 =	vld [tilespmem:s9+$0xEE0];
	v20 =	vadd.f32 v41, v39;
	v44, _, _ =	vpop (xrf2);
	v45 =	vbroadcast v18, $0xF;
	(xrf2) =	vadd.scan.msk.f32 $0xffff, v31  }
0x141: {  	[tilespmem:s9+$0xCE0] =	vst v21;
	v49 =	vld [tilespmem:s9+$0xF60];
	v21 =	vadd.f32 v44, v42;
	v47, _, _ =	vpop (xrf2);
	v48 =	vbroadcast v19, $0xF;
	(xrf2) =	vadd.scan.msk.f32 $0xffff, v34  }
0x142: {  	[tilespmem:s9+$0xD60] =	vst v1;
	v52 =	vld [tilespmem:s9+$0xFE0];
	v1 =	vadd.f32 v47, v45;
	v50, _, _ =	vpop (xrf2);
	v51 =	vbroadcast v20, $0xF;
	(xrf2) =	vadd.scan.msk.f32 $0xffff, v37  }
0x143: {  	[tilespmem:s9+$0xDE0] =	vst v2;
	v55 =	vld [tilespmem:s9+$0xE70];
	v2 =	vadd.f32 v50, v48;
	v53, _, _ =	vpop (xrf2);
	v54 =	vbroadcast v21, $0xF;
	(xrf2) =	vadd.scan.msk.f32 $0xffff, v40  }
0x144: {  	[tilespmem:s9+$0xC70] =	vst v3;
	v58 =	vld [tilespmem:s9+$0xEF0];
	v3 =	vadd.f32 v53, v51;
	v56, _, _ =	vpop (xrf2);
	v57 =	vbroadcast v1, $0xF;
	(xrf2) =	vadd.scan.msk.f32 $0xffff, v43  }
0x145: {  	[tilespmem:s9+$0xCF0] =	vst v0;
	v61 =	vld [tilespmem:s9+$0xF70];
	v0 =	vadd.f32 v56, v54;
	v59, _, _ =	vpop (xrf2);
	v60 =	vbroadcast v2, $0xF;
	(xrf2) =	vadd.scan.msk.f32 $0xffff, v46  }
0x146: {  	[tilespmem:s9+$0xD70] =	vst v9;
	v28 =	vld [tilespmem:s9+$0xFF0];
	v9 =	vadd.f32 v59, v57;
	v62, _, _ =	vpop (xrf2);
	v63 =	vbroadcast v3, $0xF;
	(xrf2) =	vadd.scan.msk.f32 $0xffff, v49  }
0x147: {  	[tilespmem:s9+$0xDF0] =	vst v10;
	v29 =	vadd.f32 v62, v60;
	v30, _, _ =	vpop (xrf2);
	(xrf2) =	vadd.scan.msk.f32 $0xffff, v52;
	v31 =	vbroadcast v0, $0xF  }
0x148: {  	[tilespmem:s9+$0xE00] =	vst v11;
	v32 =	vadd.f32 v30, v63;
	v33, _, _ =	vpop (xrf2);
	(xrf2) =	vadd.scan.msk.f32 $0xffff, v55;
	v34 =	vbroadcast v9, $0xF  }
0x149: {  	[tilespmem:s9+$0xE80] =	vst v12;
	v7 =	vadd.f32 v33, v31;
	v35, _, _ =	vpop (xrf2);
	(xrf2) =	vadd.scan.msk.f32 $0xffff, v58;
	v36 =	vbroadcast v29, $0xF  }
0x14a: {  	[tilespmem:s9+$0xF00] =	vst v13;
	v8 =	vadd.f32 v35, v34;
	v37, _, _ =	vpop (xrf2);
	(xrf2) =	vadd.scan.msk.f32 $0xffff, v61;
	v38 =	vbroadcast v32, $0xF  }
0x14b: {  	[tilespmem:s9+$0xF80] =	vst v14;
	v4 =	vadd.f32 v37, v36;
	v39, _, _ =	vpop (xrf2);
	v40 =	vbroadcast v7, $0xF;
	(xrf2) =	vadd.scan.msk.f32 $0xffff, v28  }
0x14c: {  	[tilespmem:s9+$0xE10] =	vst v15;
	v41, _, _ =	vpop (xrf2);
	v5 =	vadd.f32 v39, v38;
	v42 =	vbroadcast v8, $0xF  }
0x14d: {  	[tilespmem:s9+$0xE90] =	vst v16;
	v43, _, _ =	vpop (xrf2);
	v6 =	vadd.f32 v41, v40;
	v44 =	vbroadcast v4, $0xF  }
0x14e: {  	[tilespmem:s9+$0xF10] =	vst v17;
	v45, _, _ =	vpop (xrf2);
	v12 =	vadd.f32 v43, v42;
	v46 =	vbroadcast v5, $0xF  }
0x14f: {  	[tilespmem:s9+$0xF90] =	vst v18;
	v47, _, _ =	vpop (xrf2);
	v13 =	vadd.f32 v45, v44;
	v48 =	vbroadcast v6, $0xF  }
0x150: {  	[tilespmem:s9+$0xE20] =	vst v19;
	v49, _, _ =	vpop (xrf2);
	v14 =	vadd.f32 v47, v46;
	v50 =	vbroadcast v12, $0xF  }
0x151: {  	[tilespmem:s9+$0xEA0] =	vst v20;
	v51, _, _ =	vpop (xrf2);
	v15 =	vadd.f32 v49, v48;
	v52 =	vbroadcast v13, $0xF  }
0x152: {  	[tilespmem:s9+$0xF20] =	vst v21;
	v53, _, _ =	vpop (xrf2);
	v16 =	vadd.f32 v51, v50;
	v54 =	vbroadcast v14, $0xF  }
0x153: {  	[tilespmem:s9+$0xFA0] =	vst v1;
	v55, _, _ =	vpop (xrf2);
	v56 =	vadd.f32 v53, v52;
	v57 =	vbroadcast v15, $0xF  }
0x154: {  	[tilespmem:s9+$0xE30] =	vst v2;
	v58, _, _ =	vpop (xrf2);
	v59 =	vadd.f32 v55, v54;
	v60 =	vbroadcast v16, $0xF  }
0x155: {  	[tilespmem:s9+$0xEB0] =	vst v3;
	(v2sf) =	vpush v56, $0xF;
	v61 =	vadd.f32 v58, v57;
	v62, _, _ =	vpop (xrf2)  }
0x156: {  	[tilespmem:s9+$0xF30] =	vst v0;
	v63 =	vadd.f32 v62, v60;
	(v2sf) =	vpush v59, $0xF  }
0x157: {  	[tilespmem:s9+$0xFB0] =	vst v9;
	(v2sf) =	vpush v61, $0xF  }
0x158: {  	[tilespmem:s9+$0xE40] =	vst v29;
	(v2sf) =	vpush v63, $0xF  }
0x159: {  	[tilespmem:s9+$0xEC0] =	vst v32  }
0x15a: {  	[tilespmem:s9+$0xF40] =	vst v7  }
0x15b: {  	[tilespmem:s9+$0xFC0] =	vst v8  }
0x15c: {  	[tilespmem:s9+$0xE50] =	vst v4  }
0x15d: {  	[tilespmem:s9+$0xED0] =	vst v5  }
0x15e: {  	[tilespmem:s9+$0xF50] =	vst v6  }
0x15f: {  	[tilespmem:s9+$0xFD0] =	vst v12  }
0x160: {  	[tilespmem:s9+$0xE60] =	vst v13  }
0x161: {  	[tilespmem:s9+$0xEE0] =	vst v14  }
0x162: {  	p0 =	slt.u32 s8, $0xC0;
	[tilespmem:s9+$0xF60] =	vst v15  }
.Ltmp0:
0x163: {  	[tilespmem:s9+$0xFE0] =	vst v16;
	(pc) =	sbr.rel @p0 .LBB2_3-.Ltmp0, $4  }
0x164: {  	[tilespmem:s9+$0xE70] =	vst v56;
	s26 =	spop (v2sf)  }
0x165: {  	[tilespmem:s9+$0xEF0] =	vst v59;
	s5 =	spop (v2sf)  }
0x166: {  	s28 =	sadd.s32 $0x40, s8;
	[tilespmem:s9+$0xF70] =	vst v61;
	s12 =	spop (v2sf)  }
0x167: {  	s8 =	smov.u32 s28;
	[tilespmem:s9+$0xFF0] =	vst v63;
	s7 =	spop (v2sf)  }
0x168: {  	s8 =	sshll.u32 s0, $0xD  }
0x169: {  	s9 =	sadd.s32 s4, s8  }
0x16a: {  	p0 =	sgt.u32 s0, $0x1E;
	s5 =	sadd.s32 s1, s9  }
0x16b: {  	[hbm4b:s5+s17] =	stream.strided.scatter [tilespmem:s3], [sflag:$0x5], $0x4000, s18, s17, $0x38;
	[tilespmem:$0x10000] =	vst v63  }
0x16c: {  	s5 =	simm.s32 @!p0 $0x5  }
0x16d: {  	_ =	swait.ge @!p0 [sflag:s5], $0x4000  }
0x16e: {  	s7 =	simm.s32 @!p0 $0x200;
	s12 =	simm.s32 @!p0 $0x400;
	[sflag:s5] =	ssyncset.done @!p0 $0x0  }
0x16f: {  	s26 =	simm.s32 @!p0 $0x0;
	[sflag:s5] =	ssyncadd.s32 @!p0 $0xFFFFC000;
	s5 =	sadd.s32 @!p0 s14, s8  }
0x170: {  	[tilespmem:s26], [sflag:$0x1] =	stream.strided.gather @!p0 [hbm4b:s5+s7], $0x4000, s12, s7, $0x38;
	[tilespmem:$0x10000] =	vst v63  }
0x171: {  	s30 =	simm.s32 $0x0;
	_ =	swait.ge [sflag:s23], $0x4000  }
0x172: {  	s28 =	simm.f32 $0.0e+00;
	s29 =	simm.f32 $0.0e+00;
	[sflag:s23] =	ssyncset.done $0x0  }
0x173: {  	s5 =	simm.f32 $0.0e+00;
	s26 =	simm.f32 $0.0e+00;
	[sflag:s23] =	ssyncadd.s32 $0xFFFFC000  }
.LBB2_5:
0x174: {  	s7 =	sshll.u32 s30, $0x6  }
0x175: {  	s7 =	sand.u32 $0x3FFFFFC0, s7  }
0x176: {  	v0 =	vld [tilespmem:s7+$0x4000]  }
0x177: {  	v1 =	vld [tilespmem:s7+$0x4080]  }
0x178: {  	v2 =	vld [tilespmem:s7+$0x4100]  }
0x179: {  	v3 =	vld [tilespmem:s7+$0x4180]  }
0x17a: {  	v4 =	vld [tilespmem:s7+$0x4010]  }
0x17b: {  	v51 =	vld [tilespmem:s7+$0x4090];
	(xrf2) =	vadd.scan.msk.f32 $0xffff, v0  }
0x17c: {  	v52 =	vld [tilespmem:s7+$0x4110];
	(xrf2) =	vadd.scan.msk.f32 $0xffff, v1  }
0x17d: {  	v53 =	vld [tilespmem:s7+$0x4190];
	(xrf2) =	vadd.scan.msk.f32 $0xffff, v2  }
0x17e: {  	(xrf2) =	vadd.scan.msk.f32 $0xffff, v3  }
0x17f: {  	(xrf2) =	vadd.scan.msk.f32 $0xffff, v4  }
0x180: {  	(xrf2) =	vadd.scan.msk.f32 $0xffff, v51  }
0x181: {  	(xrf2) =	vadd.scan.msk.f32 $0xffff, v52  }
0x182: {  	(xrf2) =	vadd.scan.msk.f32 $0xffff, v53;
	_ =	sdelay $0x2  }
0x183: {  	v54, _, _ =	vpop (xrf2)  }
0x184: {  	v0 =	vadd.f32 s29, v54;
	v55, _, _ =	vpop (xrf2)  }
0x185: {  	v1 =	vadd.f32 s28, v55;
	v56, _, _ =	vpop (xrf2)  }
0x186: {  	[tilespmem:s7+$0x4000] =	vst v0;
	v2 =	vadd.f32 s26, v56;
	v3, _, _ =	vpop (xrf2);
	v0 =	vbroadcast v0, $0xF  }
0x187: {  	[tilespmem:s7+$0x4080] =	vst v1;
	v3 =	vadd.f32 s5, v3;
	v4, _, _ =	vpop (xrf2);
	v1 =	vbroadcast v1, $0xF  }
0x188: {  	[tilespmem:s7+$0x4100] =	vst v2;
	v0 =	vadd.f32 v4, v0;
	v57, _, _ =	vpop (xrf2);
	v2 =	vbroadcast v2, $0xF  }
0x189: {  	[tilespmem:s7+$0x4180] =	vst v3;
	v1 =	vadd.f32 v57, v1;
	v58, _, _ =	vpop (xrf2);
	v3 =	vbroadcast v3, $0xF  }
0x18a: {  	[tilespmem:s7+$0x4010] =	vst v0;
	v2 =	vadd.f32 v58, v2;
	v59, _, _ =	vpop (xrf2)  }
0x18b: {  	[tilespmem:s7+$0x4090] =	vst v1;
	v3 =	vadd.f32 v59, v3  }
0x18c: {  	[tilespmem:s7+$0x4110] =	vst v2  }
0x18d: {  	[tilespmem:s7+$0x4190] =	vst v3  }
0x18e: {  	v60 =	vld [tilespmem:s7+$0x4020]  }
0x18f: {  	v5 =	vld [tilespmem:s7+$0x40A0]  }
0x190: {  	v6 =	vld [tilespmem:s7+$0x4120]  }
0x191: {  	v7 =	vld [tilespmem:s7+$0x41A0]  }
0x192: {  	v8 =	vld [tilespmem:s7+$0x4030]  }
0x193: {  	v61 =	vld [tilespmem:s7+$0x40B0];
	(xrf2) =	vadd.scan.msk.f32 $0xffff, v60  }
0x194: {  	v62 =	vld [tilespmem:s7+$0x4130];
	(xrf2) =	vadd.scan.msk.f32 $0xffff, v5  }
0x195: {  	v63 =	vld [tilespmem:s7+$0x41B0];
	(xrf2) =	vadd.scan.msk.f32 $0xffff, v6  }
0x196: {  	v12 =	vld [tilespmem:s7+$0x4040];
	(xrf2) =	vadd.scan.msk.f32 $0xffff, v7  }
0x197: {  	v13 =	vld [tilespmem:s7+$0x40C0];
	(xrf2) =	vadd.scan.msk.f32 $0xffff, v8  }
0x198: {  	v14 =	vld [tilespmem:s7+$0x4140];
	(xrf2) =	vadd.scan.msk.f32 $0xffff, v61  }
0x199: {  	v15 =	vld [tilespmem:s7+$0x41C0];
	(xrf2) =	vadd.scan.msk.f32 $0xffff, v62  }
0x19a: {  	v16 =	vld [tilespmem:s7+$0x4050];
	(xrf2) =	vadd.scan.msk.f32 $0xffff, v63  }
0x19b: {  	v17 =	vld [tilespmem:s7+$0x40D0];
	(xrf2) =	vadd.scan.msk.f32 $0xffff, v12  }
0x19c: {  	v0 =	vbroadcast v0, $0xF;
	v18 =	vld [tilespmem:s7+$0x4150];
	(xrf2) =	vadd.scan.msk.f32 $0xffff, v13  }
0x19d: {  	v1 =	vbroadcast v1, $0xF;
	v19 =	vld [tilespmem:s7+$0x41D0];
	v9, _, _ =	vpop (xrf2);
	(xrf2) =	vadd.scan.msk.f32 $0xffff, v14  }
0x19e: {  	v2 =	vbroadcast v2, $0xF;
	v21 =	vld [tilespmem:s7+$0x4060];
	v0 =	vadd.f32 v9, v0;
	v20, _, _ =	vpop (xrf2);
	(xrf2) =	vadd.scan.msk.f32 $0xffff, v15  }
0x19f: {  	v3 =	vbroadcast v3, $0xF;
	v23 =	vld [tilespmem:s7+$0x40E0];
	v1 =	vadd.f32 v20, v1;
	v22, _, _ =	vpop (xrf2);
	(xrf2) =	vadd.scan.msk.f32 $0xffff, v16  }
0x1a0: {  	v25 =	vld [tilespmem:s7+$0x4160];
	[tilespmem:s7+$0x4020] =	vst v0;
	v2 =	vadd.f32 v22, v2;
	v24, _, _ =	vpop (xrf2);
	v0 =	vbroadcast v0, $0xF;
	(xrf2) =	vadd.scan.msk.f32 $0xffff, v17  }
0x1a1: {  	v27 =	vld [tilespmem:s7+$0x41E0];
	[tilespmem:s7+$0x40A0] =	vst v1;
	v3 =	vadd.f32 v24, v3;
	v26, _, _ =	vpop (xrf2);
	v1 =	vbroadcast v1, $0xF;
	(xrf2) =	vadd.scan.msk.f32 $0xffff, v18  }
0x1a2: {  	v29 =	vld [tilespmem:s7+$0x4070];
	[tilespmem:s7+$0x4120] =	vst v2;
	v0 =	vadd.f32 v26, v0;
	v28, _, _ =	vpop (xrf2);
	v2 =	vbroadcast v2, $0xF;
	(xrf2) =	vadd.scan.msk.f32 $0xffff, v19  }
0x1a3: {  	v31 =	vld [tilespmem:s7+$0x40F0];
	[tilespmem:s7+$0x41A0] =	vst v3;
	v1 =	vadd.f32 v28, v1;
	v30, _, _ =	vpop (xrf2);
	v3 =	vbroadcast v3, $0xF;
	(xrf2) =	vadd.scan.msk.f32 $0xffff, v21  }
0x1a4: {  	v33 =	vld [tilespmem:s7+$0x4170];
	[tilespmem:s7+$0x4030] =	vst v0;
	v2 =	vadd.f32 v30, v2;
	v32, _, _ =	vpop (xrf2);
	v0 =	vbroadcast v0, $0xF;
	(xrf2) =	vadd.scan.msk.f32 $0xffff, v23  }
0x1a5: {  	v35 =	vld [tilespmem:s7+$0x41F0];
	[tilespmem:s7+$0x40B0] =	vst v1;
	v3 =	vadd.f32 v32, v3;
	v34, _, _ =	vpop (xrf2);
	v1 =	vbroadcast v1, $0xF;
	(xrf2) =	vadd.scan.msk.f32 $0xffff, v25  }
0x1a6: {  	v37 =	vld [tilespmem:s7+$0x4200];
	[tilespmem:s7+$0x4130] =	vst v2;
	v0 =	vadd.f32 v34, v0;
	v36, _, _ =	vpop (xrf2);
	v2 =	vbroadcast v2, $0xF;
	(xrf2) =	vadd.scan.msk.f32 $0xffff, v27  }
0x1a7: {  	v39 =	vld [tilespmem:s7+$0x4280];
	[tilespmem:s7+$0x41B0] =	vst v3;
	v1 =	vadd.f32 v36, v1;
	v38, _, _ =	vpop (xrf2);
	v3 =	vbroadcast v3, $0xF;
	(xrf2) =	vadd.scan.msk.f32 $0xffff, v29  }
0x1a8: {  	v41 =	vld [tilespmem:s7+$0x4300];
	[tilespmem:s7+$0x4040] =	vst v0;
	v2 =	vadd.f32 v38, v2;
	v40, _, _ =	vpop (xrf2);
	v0 =	vbroadcast v0, $0xF;
	(xrf2) =	vadd.scan.msk.f32 $0xffff, v31  }
0x1a9: {  	v43 =	vld [tilespmem:s7+$0x4380];
	[tilespmem:s7+$0x40C0] =	vst v1;
	v3 =	vadd.f32 v40, v3;
	v42, _, _ =	vpop (xrf2);
	v1 =	vbroadcast v1, $0xF;
	(xrf2) =	vadd.scan.msk.f32 $0xffff, v33  }
0x1aa: {  	v45 =	vld [tilespmem:s7+$0x4210];
	[tilespmem:s7+$0x4140] =	vst v2;
	v0 =	vadd.f32 v42, v0;
	v44, _, _ =	vpop (xrf2);
	v2 =	vbroadcast v2, $0xF;
	(xrf2) =	vadd.scan.msk.f32 $0xffff, v35  }
0x1ab: {  	v47 =	vld [tilespmem:s7+$0x4290];
	[tilespmem:s7+$0x41C0] =	vst v3;
	v1 =	vadd.f32 v44, v1;
	v46, _, _ =	vpop (xrf2);
	v3 =	vbroadcast v3, $0xF;
	(xrf2) =	vadd.scan.msk.f32 $0xffff, v37  }
0x1ac: {  	v49 =	vld [tilespmem:s7+$0x4310];
	[tilespmem:s7+$0x4050] =	vst v0;
	v2 =	vadd.f32 v46, v2;
	v48, _, _ =	vpop (xrf2);
	v0 =	vbroadcast v0, $0xF;
	(xrf2) =	vadd.scan.msk.f32 $0xffff, v39  }
0x1ad: {  	v51 =	vld [tilespmem:s7+$0x4390];
	[tilespmem:s7+$0x40D0] =	vst v1;
	v3 =	vadd.f32 v48, v3;
	v50, _, _ =	vpop (xrf2);
	v1 =	vbroadcast v1, $0xF;
	(xrf2) =	vadd.scan.msk.f32 $0xffff, v41  }
0x1ae: {  	v53 =	vld [tilespmem:s7+$0x4220];
	[tilespmem:s7+$0x4150] =	vst v2;
	v0 =	vadd.f32 v50, v0;
	v52, _, _ =	vpop (xrf2);
	v2 =	vbroadcast v2, $0xF;
	(xrf2) =	vadd.scan.msk.f32 $0xffff, v43  }
0x1af: {  	v55 =	vld [tilespmem:s7+$0x42A0];
	[tilespmem:s7+$0x41D0] =	vst v3;
	v1 =	vadd.f32 v52, v1;
	v54, _, _ =	vpop (xrf2);
	v3 =	vbroadcast v3, $0xF;
	(xrf2) =	vadd.scan.msk.f32 $0xffff, v45  }
0x1b0: {  	v57 =	vld [tilespmem:s7+$0x4320];
	[tilespmem:s7+$0x4060] =	vst v0;
	v2 =	vadd.f32 v54, v2;
	v56, _, _ =	vpop (xrf2);
	v0 =	vbroadcast v0, $0xF;
	(xrf2) =	vadd.scan.msk.f32 $0xffff, v47  }
0x1b1: {  	v59 =	vld [tilespmem:s7+$0x43A0];
	[tilespmem:s7+$0x40E0] =	vst v1;
	v3 =	vadd.f32 v56, v3;
	v58, _, _ =	vpop (xrf2);
	v1 =	vbroadcast v1, $0xF;
	(xrf2) =	vadd.scan.msk.f32 $0xffff, v49  }
0x1b2: {  	v61 =	vld [tilespmem:s7+$0x4230];
	[tilespmem:s7+$0x4160] =	vst v2;
	v0 =	vadd.f32 v58, v0;
	v60, _, _ =	vpop (xrf2);
	v2 =	vbroadcast v2, $0xF;
	(xrf2) =	vadd.scan.msk.f32 $0xffff, v51  }
0x1b3: {  	v63 =	vld [tilespmem:s7+$0x42B0];
	[tilespmem:s7+$0x41E0] =	vst v3;
	v1 =	vadd.f32 v60, v1;
	v62, _, _ =	vpop (xrf2);
	v3 =	vbroadcast v3, $0xF;
	(xrf2) =	vadd.scan.msk.f32 $0xffff, v53  }
0x1b4: {  	v13 =	vld [tilespmem:s7+$0x4330];
	[tilespmem:s7+$0x4070] =	vst v0;
	v2 =	vadd.f32 v62, v2;
	v12, _, _ =	vpop (xrf2);
	v0 =	vbroadcast v0, $0xF;
	(xrf2) =	vadd.scan.msk.f32 $0xffff, v55  }
0x1b5: {  	v15 =	vld [tilespmem:s7+$0x43B0];
	[tilespmem:s7+$0x40F0] =	vst v1;
	v3 =	vadd.f32 v12, v3;
	v14, _, _ =	vpop (xrf2);
	v1 =	vbroadcast v1, $0xF;
	(xrf2) =	vadd.scan.msk.f32 $0xffff, v57  }
0x1b6: {  	v17 =	vld [tilespmem:s7+$0x4240];
	[tilespmem:s7+$0x4170] =	vst v2;
	v0 =	vadd.f32 v14, v0;
	v16, _, _ =	vpop (xrf2);
	v2 =	vbroadcast v2, $0xF;
	(xrf2) =	vadd.scan.msk.f32 $0xffff, v59  }
0x1b7: {  	v19 =	vld [tilespmem:s7+$0x42C0];
	[tilespmem:s7+$0x41F0] =	vst v3;
	v1 =	vadd.f32 v16, v1;
	v18, _, _ =	vpop (xrf2);
	v3 =	vbroadcast v3, $0xF;
	(xrf2) =	vadd.scan.msk.f32 $0xffff, v61  }
0x1b8: {  	v21 =	vld [tilespmem:s7+$0x4340];
	[tilespmem:s7+$0x4200] =	vst v0;
	v2 =	vadd.f32 v18, v2;
	v20, _, _ =	vpop (xrf2);
	v0 =	vbroadcast v0, $0xF;
	(xrf2) =	vadd.scan.msk.f32 $0xffff, v63  }
0x1b9: {  	v23 =	vld [tilespmem:s7+$0x43C0];
	[tilespmem:s7+$0x4280] =	vst v1;
	v3 =	vadd.f32 v20, v3;
	v22, _, _ =	vpop (xrf2);
	v1 =	vbroadcast v1, $0xF;
	(xrf2) =	vadd.scan.msk.f32 $0xffff, v13  }
0x1ba: {  	v25 =	vld [tilespmem:s7+$0x4250];
	[tilespmem:s7+$0x4300] =	vst v2;
	v0 =	vadd.f32 v22, v0;
	v24, _, _ =	vpop (xrf2);
	v2 =	vbroadcast v2, $0xF;
	(xrf2) =	vadd.scan.msk.f32 $0xffff, v15  }
0x1bb: {  	v27 =	vld [tilespmem:s7+$0x42D0];
	[tilespmem:s7+$0x4380] =	vst v3;
	v1 =	vadd.f32 v24, v1;
	v26, _, _ =	vpop (xrf2);
	v3 =	vbroadcast v3, $0xF;
	(xrf2) =	vadd.scan.msk.f32 $0xffff, v17  }
0x1bc: {  	v29 =	vld [tilespmem:s7+$0x4350];
	[tilespmem:s7+$0x4210] =	vst v0;
	v2 =	vadd.f32 v26, v2;
	v28, _, _ =	vpop (xrf2);
	v0 =	vbroadcast v0, $0xF;
	(xrf2) =	vadd.scan.msk.f32 $0xffff, v19  }
0x1bd: {  	v31 =	vld [tilespmem:s7+$0x43D0];
	[tilespmem:s7+$0x4290] =	vst v1;
	v3 =	vadd.f32 v28, v3;
	v30, _, _ =	vpop (xrf2);
	v1 =	vbroadcast v1, $0xF;
	(xrf2) =	vadd.scan.msk.f32 $0xffff, v21  }
0x1be: {  	v33 =	vld [tilespmem:s7+$0x4260];
	[tilespmem:s7+$0x4310] =	vst v2;
	v0 =	vadd.f32 v30, v0;
	v32, _, _ =	vpop (xrf2);
	v2 =	vbroadcast v2, $0xF;
	(xrf2) =	vadd.scan.msk.f32 $0xffff, v23  }
0x1bf: {  	v35 =	vld [tilespmem:s7+$0x42E0];
	[tilespmem:s7+$0x4390] =	vst v3;
	v1 =	vadd.f32 v32, v1;
	v34, _, _ =	vpop (xrf2);
	v3 =	vbroadcast v3, $0xF;
	(xrf2) =	vadd.scan.msk.f32 $0xffff, v25  }
0x1c0: {  	v37 =	vld [tilespmem:s7+$0x4360];
	[tilespmem:s7+$0x4220] =	vst v0;
	v2 =	vadd.f32 v34, v2;
	v36, _, _ =	vpop (xrf2);
	v0 =	vbroadcast v0, $0xF;
	(xrf2) =	vadd.scan.msk.f32 $0xffff, v27  }
0x1c1: {  	v39 =	vld [tilespmem:s7+$0x43E0];
	[tilespmem:s7+$0x42A0] =	vst v1;
	v3 =	vadd.f32 v36, v3;
	v38, _, _ =	vpop (xrf2);
	v1 =	vbroadcast v1, $0xF;
	(xrf2) =	vadd.scan.msk.f32 $0xffff, v29  }
0x1c2: {  	v41 =	vld [tilespmem:s7+$0x4270];
	[tilespmem:s7+$0x4320] =	vst v2;
	v0 =	vadd.f32 v38, v0;
	v40, _, _ =	vpop (xrf2);
	v2 =	vbroadcast v2, $0xF;
	(xrf2) =	vadd.scan.msk.f32 $0xffff, v31  }
0x1c3: {  	v43 =	vld [tilespmem:s7+$0x42F0];
	[tilespmem:s7+$0x43A0] =	vst v3;
	v1 =	vadd.f32 v40, v1;
	v42, _, _ =	vpop (xrf2);
	v3 =	vbroadcast v3, $0xF;
	(xrf2) =	vadd.scan.msk.f32 $0xffff, v33  }
0x1c4: {  	v45 =	vld [tilespmem:s7+$0x4370];
	[tilespmem:s7+$0x4230] =	vst v0;
	v2 =	vadd.f32 v42, v2;
	v44, _, _ =	vpop (xrf2);
	v0 =	vbroadcast v0, $0xF;
	(xrf2) =	vadd.scan.msk.f32 $0xffff, v35  }
0x1c5: {  	v47 =	vld [tilespmem:s7+$0x43F0];
	[tilespmem:s7+$0x42B0] =	vst v1;
	v3 =	vadd.f32 v44, v3;
	v46, _, _ =	vpop (xrf2);
	v1 =	vbroadcast v1, $0xF;
	(xrf2) =	vadd.scan.msk.f32 $0xffff, v37  }
0x1c6: {  	v49 =	vld [tilespmem:s7+$0x4400];
	[tilespmem:s7+$0x4330] =	vst v2;
	v0 =	vadd.f32 v46, v0;
	v48, _, _ =	vpop (xrf2);
	v2 =	vbroadcast v2, $0xF;
	(xrf2) =	vadd.scan.msk.f32 $0xffff, v39  }
0x1c7: {  	v51 =	vld [tilespmem:s7+$0x4480];
	[tilespmem:s7+$0x43B0] =	vst v3;
	v1 =	vadd.f32 v48, v1;
	v50, _, _ =	vpop (xrf2);
	v3 =	vbroadcast v3, $0xF;
	(xrf2) =	vadd.scan.msk.f32 $0xffff, v41  }
0x1c8: {  	v53 =	vld [tilespmem:s7+$0x4500];
	[tilespmem:s7+$0x4240] =	vst v0;
	v2 =	vadd.f32 v50, v2;
	v52, _, _ =	vpop (xrf2);
	v0 =	vbroadcast v0, $0xF;
	(xrf2) =	vadd.scan.msk.f32 $0xffff, v43  }
0x1c9: {  	v55 =	vld [tilespmem:s7+$0x4580];
	[tilespmem:s7+$0x42C0] =	vst v1;
	v3 =	vadd.f32 v52, v3;
	v54, _, _ =	vpop (xrf2);
	v1 =	vbroadcast v1, $0xF;
	(xrf2) =	vadd.scan.msk.f32 $0xffff, v45  }
0x1ca: {  	v57 =	vld [tilespmem:s7+$0x4410];
	[tilespmem:s7+$0x4340] =	vst v2;
	v0 =	vadd.f32 v54, v0;
	v56, _, _ =	vpop (xrf2);
	v2 =	vbroadcast v2, $0xF;
	(xrf2) =	vadd.scan.msk.f32 $0xffff, v47  }
0x1cb: {  	v59 =	vld [tilespmem:s7+$0x4490];
	[tilespmem:s7+$0x43C0] =	vst v3;
	v1 =	vadd.f32 v56, v1;
	v58, _, _ =	vpop (xrf2);
	v3 =	vbroadcast v3, $0xF;
	(xrf2) =	vadd.scan.msk.f32 $0xffff, v49  }
0x1cc: {  	v61 =	vld [tilespmem:s7+$0x4510];
	[tilespmem:s7+$0x4250] =	vst v0;
	v2 =	vadd.f32 v58, v2;
	v60, _, _ =	vpop (xrf2);
	v0 =	vbroadcast v0, $0xF;
	(xrf2) =	vadd.scan.msk.f32 $0xffff, v51  }
0x1cd: {  	v63 =	vld [tilespmem:s7+$0x4590];
	[tilespmem:s7+$0x42D0] =	vst v1;
	v3 =	vadd.f32 v60, v3;
	v62, _, _ =	vpop (xrf2);
	v1 =	vbroadcast v1, $0xF;
	(xrf2) =	vadd.scan.msk.f32 $0xffff, v53  }
0x1ce: {  	v13 =	vld [tilespmem:s7+$0x4420];
	[tilespmem:s7+$0x4350] =	vst v2;
	v0 =	vadd.f32 v62, v0;
	v12, _, _ =	vpop (xrf2);
	v2 =	vbroadcast v2, $0xF;
	(xrf2) =	vadd.scan.msk.f32 $0xffff, v55  }
0x1cf: {  	v15 =	vld [tilespmem:s7+$0x44A0];
	[tilespmem:s7+$0x43D0] =	vst v3;
	v1 =	vadd.f32 v12, v1;
	v14, _, _ =	vpop (xrf2);
	v3 =	vbroadcast v3, $0xF;
	(xrf2) =	vadd.scan.msk.f32 $0xffff, v57  }
0x1d0: {  	v17 =	vld [tilespmem:s7+$0x4520];
	[tilespmem:s7+$0x4260] =	vst v0;
	v2 =	vadd.f32 v14, v2;
	v16, _, _ =	vpop (xrf2);
	v0 =	vbroadcast v0, $0xF;
	(xrf2) =	vadd.scan.msk.f32 $0xffff, v59  }
0x1d1: {  	v19 =	vld [tilespmem:s7+$0x45A0];
	[tilespmem:s7+$0x42E0] =	vst v1;
	v3 =	vadd.f32 v16, v3;
	v18, _, _ =	vpop (xrf2);
	v1 =	vbroadcast v1, $0xF;
	(xrf2) =	vadd.scan.msk.f32 $0xffff, v61  }
0x1d2: {  	v21 =	vld [tilespmem:s7+$0x4430];
	[tilespmem:s7+$0x4360] =	vst v2;
	v0 =	vadd.f32 v18, v0;
	v20, _, _ =	vpop (xrf2);
	v2 =	vbroadcast v2, $0xF;
	(xrf2) =	vadd.scan.msk.f32 $0xffff, v63  }
0x1d3: {  	v23 =	vld [tilespmem:s7+$0x44B0];
	[tilespmem:s7+$0x43E0] =	vst v3;
	v1 =	vadd.f32 v20, v1;
	v22, _, _ =	vpop (xrf2);
	v3 =	vbroadcast v3, $0xF;
	(xrf2) =	vadd.scan.msk.f32 $0xffff, v13  }
0x1d4: {  	v25 =	vld [tilespmem:s7+$0x4530];
	[tilespmem:s7+$0x4270] =	vst v0;
	v2 =	vadd.f32 v22, v2;
	v24, _, _ =	vpop (xrf2);
	v0 =	vbroadcast v0, $0xF;
	(xrf2) =	vadd.scan.msk.f32 $0xffff, v15  }
0x1d5: {  	v27 =	vld [tilespmem:s7+$0x45B0];
	[tilespmem:s7+$0x42F0] =	vst v1;
	v3 =	vadd.f32 v24, v3;
	v26, _, _ =	vpop (xrf2);
	v1 =	vbroadcast v1, $0xF;
	(xrf2) =	vadd.scan.msk.f32 $0xffff, v17  }
0x1d6: {  	v29 =	vld [tilespmem:s7+$0x4440];
	[tilespmem:s7+$0x4370] =	vst v2;
	v0 =	vadd.f32 v26, v0;
	v28, _, _ =	vpop (xrf2);
	v2 =	vbroadcast v2, $0xF;
	(xrf2) =	vadd.scan.msk.f32 $0xffff, v19  }
0x1d7: {  	v31 =	vld [tilespmem:s7+$0x44C0];
	[tilespmem:s7+$0x43F0] =	vst v3;
	v1 =	vadd.f32 v28, v1;
	v30, _, _ =	vpop (xrf2);
	v3 =	vbroadcast v3, $0xF;
	(xrf2) =	vadd.scan.msk.f32 $0xffff, v21  }
0x1d8: {  	v33 =	vld [tilespmem:s7+$0x4540];
	[tilespmem:s7+$0x4400] =	vst v0;
	v2 =	vadd.f32 v30, v2;
	v32, _, _ =	vpop (xrf2);
	v0 =	vbroadcast v0, $0xF;
	(xrf2) =	vadd.scan.msk.f32 $0xffff, v23  }
0x1d9: {  	v35 =	vld [tilespmem:s7+$0x45C0];
	[tilespmem:s7+$0x4480] =	vst v1;
	v3 =	vadd.f32 v32, v3;
	v34, _, _ =	vpop (xrf2);
	v1 =	vbroadcast v1, $0xF;
	(xrf2) =	vadd.scan.msk.f32 $0xffff, v25  }
0x1da: {  	v37 =	vld [tilespmem:s7+$0x4450];
	[tilespmem:s7+$0x4500] =	vst v2;
	v0 =	vadd.f32 v34, v0;
	v36, _, _ =	vpop (xrf2);
	v2 =	vbroadcast v2, $0xF;
	(xrf2) =	vadd.scan.msk.f32 $0xffff, v27  }
0x1db: {  	v39 =	vld [tilespmem:s7+$0x44D0];
	[tilespmem:s7+$0x4580] =	vst v3;
	v1 =	vadd.f32 v36, v1;
	v38, _, _ =	vpop (xrf2);
	v3 =	vbroadcast v3, $0xF;
	(xrf2) =	vadd.scan.msk.f32 $0xffff, v29  }
0x1dc: {  	v41 =	vld [tilespmem:s7+$0x4550];
	[tilespmem:s7+$0x4410] =	vst v0;
	v2 =	vadd.f32 v38, v2;
	v40, _, _ =	vpop (xrf2);
	v0 =	vbroadcast v0, $0xF;
	(xrf2) =	vadd.scan.msk.f32 $0xffff, v31  }
0x1dd: {  	v43 =	vld [tilespmem:s7+$0x45D0];
	[tilespmem:s7+$0x4490] =	vst v1;
	v3 =	vadd.f32 v40, v3;
	v42, _, _ =	vpop (xrf2);
	v1 =	vbroadcast v1, $0xF;
	(xrf2) =	vadd.scan.msk.f32 $0xffff, v33  }
0x1de: {  	v45 =	vld [tilespmem:s7+$0x4460];
	[tilespmem:s7+$0x4510] =	vst v2;
	v0 =	vadd.f32 v42, v0;
	v44, _, _ =	vpop (xrf2);
	v2 =	vbroadcast v2, $0xF;
	(xrf2) =	vadd.scan.msk.f32 $0xffff, v35  }
0x1df: {  	v47 =	vld [tilespmem:s7+$0x44E0];
	[tilespmem:s7+$0x4590] =	vst v3;
	v1 =	vadd.f32 v44, v1;
	v46, _, _ =	vpop (xrf2);
	v3 =	vbroadcast v3, $0xF;
	(xrf2) =	vadd.scan.msk.f32 $0xffff, v37  }
0x1e0: {  	v49 =	vld [tilespmem:s7+$0x4560];
	[tilespmem:s7+$0x4420] =	vst v0;
	v2 =	vadd.f32 v46, v2;
	v48, _, _ =	vpop (xrf2);
	v0 =	vbroadcast v0, $0xF;
	(xrf2) =	vadd.scan.msk.f32 $0xffff, v39  }
0x1e1: {  	v51 =	vld [tilespmem:s7+$0x45E0];
	[tilespmem:s7+$0x44A0] =	vst v1;
	v3 =	vadd.f32 v48, v3;
	v50, _, _ =	vpop (xrf2);
	v1 =	vbroadcast v1, $0xF;
	(xrf2) =	vadd.scan.msk.f32 $0xffff, v41  }
0x1e2: {  	v53 =	vld [tilespmem:s7+$0x4470];
	[tilespmem:s7+$0x4520] =	vst v2;
	v0 =	vadd.f32 v50, v0;
	v52, _, _ =	vpop (xrf2);
	v2 =	vbroadcast v2, $0xF;
	(xrf2) =	vadd.scan.msk.f32 $0xffff, v43  }
0x1e3: {  	v55 =	vld [tilespmem:s7+$0x44F0];
	[tilespmem:s7+$0x45A0] =	vst v3;
	v1 =	vadd.f32 v52, v1;
	v54, _, _ =	vpop (xrf2);
	v3 =	vbroadcast v3, $0xF;
	(xrf2) =	vadd.scan.msk.f32 $0xffff, v45  }
0x1e4: {  	v57 =	vld [tilespmem:s7+$0x4570];
	[tilespmem:s7+$0x4430] =	vst v0;
	v2 =	vadd.f32 v54, v2;
	v56, _, _ =	vpop (xrf2);
	v0 =	vbroadcast v0, $0xF;
	(xrf2) =	vadd.scan.msk.f32 $0xffff, v47  }
0x1e5: {  	v59 =	vld [tilespmem:s7+$0x45F0];
	[tilespmem:s7+$0x44B0] =	vst v1;
	v3 =	vadd.f32 v56, v3;
	v58, _, _ =	vpop (xrf2);
	v1 =	vbroadcast v1, $0xF;
	(xrf2) =	vadd.scan.msk.f32 $0xffff, v49  }
0x1e6: {  	v61 =	vld [tilespmem:s7+$0x4600];
	[tilespmem:s7+$0x4530] =	vst v2;
	v0 =	vadd.f32 v58, v0;
	v60, _, _ =	vpop (xrf2);
	v2 =	vbroadcast v2, $0xF;
	(xrf2) =	vadd.scan.msk.f32 $0xffff, v51  }
0x1e7: {  	v63 =	vld [tilespmem:s7+$0x4680];
	[tilespmem:s7+$0x45B0] =	vst v3;
	v1 =	vadd.f32 v60, v1;
	v62, _, _ =	vpop (xrf2);
	v3 =	vbroadcast v3, $0xF;
	(xrf2) =	vadd.scan.msk.f32 $0xffff, v53  }
0x1e8: {  	v13 =	vld [tilespmem:s7+$0x4700];
	[tilespmem:s7+$0x4440] =	vst v0;
	v2 =	vadd.f32 v62, v2;
	v12, _, _ =	vpop (xrf2);
	v0 =	vbroadcast v0, $0xF;
	(xrf2) =	vadd.scan.msk.f32 $0xffff, v55  }
0x1e9: {  	v15 =	vld [tilespmem:s7+$0x4780];
	[tilespmem:s7+$0x44C0] =	vst v1;
	v3 =	vadd.f32 v12, v3;
	v14, _, _ =	vpop (xrf2);
	v1 =	vbroadcast v1, $0xF;
	(xrf2) =	vadd.scan.msk.f32 $0xffff, v57  }
0x1ea: {  	v17 =	vld [tilespmem:s7+$0x4610];
	[tilespmem:s7+$0x4540] =	vst v2;
	v0 =	vadd.f32 v14, v0;
	v16, _, _ =	vpop (xrf2);
	v2 =	vbroadcast v2, $0xF;
	(xrf2) =	vadd.scan.msk.f32 $0xffff, v59  }
0x1eb: {  	v19 =	vld [tilespmem:s7+$0x4690];
	[tilespmem:s7+$0x45C0] =	vst v3;
	v1 =	vadd.f32 v16, v1;
	v18, _, _ =	vpop (xrf2);
	v3 =	vbroadcast v3, $0xF;
	(xrf2) =	vadd.scan.msk.f32 $0xffff, v61  }
0x1ec: {  	v21 =	vld [tilespmem:s7+$0x4710];
	[tilespmem:s7+$0x4450] =	vst v0;
	v2 =	vadd.f32 v18, v2;
	v20, _, _ =	vpop (xrf2);
	v0 =	vbroadcast v0, $0xF;
	(xrf2) =	vadd.scan.msk.f32 $0xffff, v63  }
0x1ed: {  	v23 =	vld [tilespmem:s7+$0x4790];
	[tilespmem:s7+$0x44D0] =	vst v1;
	v3 =	vadd.f32 v20, v3;
	v22, _, _ =	vpop (xrf2);
	v1 =	vbroadcast v1, $0xF;
	(xrf2) =	vadd.scan.msk.f32 $0xffff, v13  }
0x1ee: {  	v25 =	vld [tilespmem:s7+$0x4620];
	[tilespmem:s7+$0x4550] =	vst v2;
	v0 =	vadd.f32 v22, v0;
	v24, _, _ =	vpop (xrf2);
	v2 =	vbroadcast v2, $0xF;
	(xrf2) =	vadd.scan.msk.f32 $0xffff, v15  }
0x1ef: {  	v27 =	vld [tilespmem:s7+$0x46A0];
	[tilespmem:s7+$0x45D0] =	vst v3;
	v1 =	vadd.f32 v24, v1;
	v26, _, _ =	vpop (xrf2);
	v3 =	vbroadcast v3, $0xF;
	(xrf2) =	vadd.scan.msk.f32 $0xffff, v17  }
0x1f0: {  	v29 =	vld [tilespmem:s7+$0x4720];
	[tilespmem:s7+$0x4460] =	vst v0;
	v2 =	vadd.f32 v26, v2;
	v28, _, _ =	vpop (xrf2);
	v0 =	vbroadcast v0, $0xF;
	(xrf2) =	vadd.scan.msk.f32 $0xffff, v19  }
0x1f1: {  	v31 =	vld [tilespmem:s7+$0x47A0];
	[tilespmem:s7+$0x44E0] =	vst v1;
	v3 =	vadd.f32 v28, v3;
	v30, _, _ =	vpop (xrf2);
	v1 =	vbroadcast v1, $0xF;
	(xrf2) =	vadd.scan.msk.f32 $0xffff, v21  }
0x1f2: {  	v33 =	vld [tilespmem:s7+$0x4630];
	[tilespmem:s7+$0x4560] =	vst v2;
	v0 =	vadd.f32 v30, v0;
	v32, _, _ =	vpop (xrf2);
	v2 =	vbroadcast v2, $0xF;
	(xrf2) =	vadd.scan.msk.f32 $0xffff, v23  }
0x1f3: {  	v35 =	vld [tilespmem:s7+$0x46B0];
	[tilespmem:s7+$0x45E0] =	vst v3;
	v1 =	vadd.f32 v32, v1;
	v34, _, _ =	vpop (xrf2);
	v3 =	vbroadcast v3, $0xF;
	(xrf2) =	vadd.scan.msk.f32 $0xffff, v25  }
0x1f4: {  	v37 =	vld [tilespmem:s7+$0x4730];
	[tilespmem:s7+$0x4470] =	vst v0;
	v2 =	vadd.f32 v34, v2;
	v36, _, _ =	vpop (xrf2);
	v0 =	vbroadcast v0, $0xF;
	(xrf2) =	vadd.scan.msk.f32 $0xffff, v27  }
0x1f5: {  	v39 =	vld [tilespmem:s7+$0x47B0];
	[tilespmem:s7+$0x44F0] =	vst v1;
	v3 =	vadd.f32 v36, v3;
	v38, _, _ =	vpop (xrf2);
	v1 =	vbroadcast v1, $0xF;
	(xrf2) =	vadd.scan.msk.f32 $0xffff, v29  }
0x1f6: {  	v41 =	vld [tilespmem:s7+$0x4640];
	[tilespmem:s7+$0x4570] =	vst v2;
	v0 =	vadd.f32 v38, v0;
	v40, _, _ =	vpop (xrf2);
	v2 =	vbroadcast v2, $0xF;
	(xrf2) =	vadd.scan.msk.f32 $0xffff, v31  }
0x1f7: {  	v43 =	vld [tilespmem:s7+$0x46C0];
	[tilespmem:s7+$0x45F0] =	vst v3;
	v1 =	vadd.f32 v40, v1;
	v42, _, _ =	vpop (xrf2);
	v3 =	vbroadcast v3, $0xF;
	(xrf2) =	vadd.scan.msk.f32 $0xffff, v33  }
0x1f8: {  	v45 =	vld [tilespmem:s7+$0x4740];
	[tilespmem:s7+$0x4600] =	vst v0;
	v2 =	vadd.f32 v42, v2;
	v44, _, _ =	vpop (xrf2);
	v0 =	vbroadcast v0, $0xF;
	(xrf2) =	vadd.scan.msk.f32 $0xffff, v35  }
0x1f9: {  	v47 =	vld [tilespmem:s7+$0x47C0];
	[tilespmem:s7+$0x4680] =	vst v1;
	v3 =	vadd.f32 v44, v3;
	v46, _, _ =	vpop (xrf2);
	v1 =	vbroadcast v1, $0xF;
	(xrf2) =	vadd.scan.msk.f32 $0xffff, v37  }
0x1fa: {  	v49 =	vld [tilespmem:s7+$0x4650];
	[tilespmem:s7+$0x4700] =	vst v2;
	v0 =	vadd.f32 v46, v0;
	v48, _, _ =	vpop (xrf2);
	v2 =	vbroadcast v2, $0xF;
	(xrf2) =	vadd.scan.msk.f32 $0xffff, v39  }
0x1fb: {  	v51 =	vld [tilespmem:s7+$0x46D0];
	[tilespmem:s7+$0x4780] =	vst v3;
	v1 =	vadd.f32 v48, v1;
	v50, _, _ =	vpop (xrf2);
	v3 =	vbroadcast v3, $0xF;
	(xrf2) =	vadd.scan.msk.f32 $0xffff, v41  }
0x1fc: {  	v53 =	vld [tilespmem:s7+$0x4750];
	[tilespmem:s7+$0x4610] =	vst v0;
	v2 =	vadd.f32 v50, v2;
	v52, _, _ =	vpop (xrf2);
	v0 =	vbroadcast v0, $0xF;
	(xrf2) =	vadd.scan.msk.f32 $0xffff, v43  }
0x1fd: {  	v55 =	vld [tilespmem:s7+$0x47D0];
	[tilespmem:s7+$0x4690] =	vst v1;
	v3 =	vadd.f32 v52, v3;
	v54, _, _ =	vpop (xrf2);
	v1 =	vbroadcast v1, $0xF;
	(xrf2) =	vadd.scan.msk.f32 $0xffff, v45  }
0x1fe: {  	v57 =	vld [tilespmem:s7+$0x4660];
	[tilespmem:s7+$0x4710] =	vst v2;
	v0 =	vadd.f32 v54, v0;
	v56, _, _ =	vpop (xrf2);
	v2 =	vbroadcast v2, $0xF;
	(xrf2) =	vadd.scan.msk.f32 $0xffff, v47  }
0x1ff: {  	v59 =	vld [tilespmem:s7+$0x46E0];
	[tilespmem:s7+$0x4790] =	vst v3;
	v1 =	vadd.f32 v56, v1;
	v58, _, _ =	vpop (xrf2);
	v3 =	vbroadcast v3, $0xF;
	(xrf2) =	vadd.scan.msk.f32 $0xffff, v49  }
0x200: {  	v61 =	vld [tilespmem:s7+$0x4760];
	[tilespmem:s7+$0x4620] =	vst v0;
	v2 =	vadd.f32 v58, v2;
	v60, _, _ =	vpop (xrf2);
	v0 =	vbroadcast v0, $0xF;
	(xrf2) =	vadd.scan.msk.f32 $0xffff, v51  }
0x201: {  	v63 =	vld [tilespmem:s7+$0x47E0];
	[tilespmem:s7+$0x46A0] =	vst v1;
	v3 =	vadd.f32 v60, v3;
	v62, _, _ =	vpop (xrf2);
	v1 =	vbroadcast v1, $0xF;
	(xrf2) =	vadd.scan.msk.f32 $0xffff, v53  }
0x202: {  	v13 =	vld [tilespmem:s7+$0x4670];
	[tilespmem:s7+$0x4720] =	vst v2;
	v0 =	vadd.f32 v62, v0;
	v12, _, _ =	vpop (xrf2);
	v2 =	vbroadcast v2, $0xF;
	(xrf2) =	vadd.scan.msk.f32 $0xffff, v55  }
0x203: {  	v15 =	vld [tilespmem:s7+$0x46F0];
	[tilespmem:s7+$0x47A0] =	vst v3;
	v1 =	vadd.f32 v12, v1;
	v14, _, _ =	vpop (xrf2);
	v3 =	vbroadcast v3, $0xF;
	(xrf2) =	vadd.scan.msk.f32 $0xffff, v57  }
0x204: {  	v17 =	vld [tilespmem:s7+$0x4770];
	[tilespmem:s7+$0x4630] =	vst v0;
	v2 =	vadd.f32 v14, v2;
	v16, _, _ =	vpop (xrf2);
	v0 =	vbroadcast v0, $0xF;
	(xrf2) =	vadd.scan.msk.f32 $0xffff, v59  }
0x205: {  	v19 =	vld [tilespmem:s7+$0x47F0];
	[tilespmem:s7+$0x46B0] =	vst v1;
	v3 =	vadd.f32 v16, v3;
	v18, _, _ =	vpop (xrf2);
	v1 =	vbroadcast v1, $0xF;
	(xrf2) =	vadd.scan.msk.f32 $0xffff, v61  }
0x206: {  	v21 =	vld [tilespmem:s7+$0x4800];
	[tilespmem:s7+$0x4730] =	vst v2;
	v0 =	vadd.f32 v18, v0;
	v20, _, _ =	vpop (xrf2);
	v2 =	vbroadcast v2, $0xF;
	(xrf2) =	vadd.scan.msk.f32 $0xffff, v63  }
0x207: {  	v23 =	vld [tilespmem:s7+$0x4880];
	[tilespmem:s7+$0x47B0] =	vst v3;
	v1 =	vadd.f32 v20, v1;
	v22, _, _ =	vpop (xrf2);
	v3 =	vbroadcast v3, $0xF;
	(xrf2) =	vadd.scan.msk.f32 $0xffff, v13  }
0x208: {  	v25 =	vld [tilespmem:s7+$0x4900];
	[tilespmem:s7+$0x4640] =	vst v0;
	v2 =	vadd.f32 v22, v2;
	v24, _, _ =	vpop (xrf2);
	v0 =	vbroadcast v0, $0xF;
	(xrf2) =	vadd.scan.msk.f32 $0xffff, v15  }
0x209: {  	v27 =	vld [tilespmem:s7+$0x4980];
	[tilespmem:s7+$0x46C0] =	vst v1;
	v3 =	vadd.f32 v24, v3;
	v26, _, _ =	vpop (xrf2);
	v1 =	vbroadcast v1, $0xF;
	(xrf2) =	vadd.scan.msk.f32 $0xffff, v17  }
0x20a: {  	v29 =	vld [tilespmem:s7+$0x4810];
	[tilespmem:s7+$0x4740] =	vst v2;
	v0 =	vadd.f32 v26, v0;
	v28, _, _ =	vpop (xrf2);
	v2 =	vbroadcast v2, $0xF;
	(xrf2) =	vadd.scan.msk.f32 $0xffff, v19  }
0x20b: {  	[tilespmem:s7+$0x47C0] =	vst v3;
	v1 =	vadd.f32 v28, v1;
	v30, _, _ =	vpop (xrf2);
	v3 =	vbroadcast v3, $0xF;
	(xrf2) =	vadd.scan.msk.f32 $0xffff, v21  }
0x20c: {  	[tilespmem:s7+$0x4650] =	vst v0;
	v2 =	vadd.f32 v30, v2;
	v31, _, _ =	vpop (xrf2);
	v0 =	vbroadcast v0, $0xF;
	(xrf2) =	vadd.scan.msk.f32 $0xffff, v23  }
0x20d: {  	[tilespmem:s7+$0x46D0] =	vst v1;
	v3 =	vadd.f32 v31, v3;
	v32, _, _ =	vpop (xrf2);
	v1 =	vbroadcast v1, $0xF;
	(xrf2) =	vadd.scan.msk.f32 $0xffff, v25  }
0x20e: {  	[tilespmem:s7+$0x4750] =	vst v2;
	v0 =	vadd.f32 v32, v0;
	v33, _, _ =	vpop (xrf2);
	v2 =	vbroadcast v2, $0xF;
	(xrf2) =	vadd.scan.msk.f32 $0xffff, v27  }
0x20f: {  	[tilespmem:s7+$0x47D0] =	vst v3;
	v1 =	vadd.f32 v33, v1;
	v34, _, _ =	vpop (xrf2);
	v3 =	vbroadcast v3, $0xF;
	(xrf2) =	vadd.scan.msk.f32 $0xffff, v29  }
0x210: {  	[tilespmem:s7+$0x4660] =	vst v0;
	v2 =	vadd.f32 v34, v2;
	v35, _, _ =	vpop (xrf2);
	v0 =	vbroadcast v0, $0xF  }
0x211: {  	[tilespmem:s7+$0x46E0] =	vst v1;
	v3 =	vadd.f32 v35, v3;
	v36, _, _ =	vpop (xrf2);
	v1 =	vbroadcast v1, $0xF  }
0x212: {  	[tilespmem:s7+$0x4760] =	vst v2;
	v0 =	vadd.f32 v36, v0;
	v37, _, _ =	vpop (xrf2);
	v2 =	vbroadcast v2, $0xF  }
0x213: {  	[tilespmem:s7+$0x47E0] =	vst v3;
	v1 =	vadd.f32 v37, v1;
	v38, _, _ =	vpop (xrf2);
	v3 =	vbroadcast v3, $0xF  }
0x214: {  	[tilespmem:s7+$0x4670] =	vst v0;
	v2 =	vadd.f32 v38, v2;
	v39, _, _ =	vpop (xrf2);
	v0 =	vbroadcast v0, $0xF  }
0x215: {  	[tilespmem:s7+$0x46F0] =	vst v1;
	v3 =	vadd.f32 v39, v3;
	v40, _, _ =	vpop (xrf2);
	v1 =	vbroadcast v1, $0xF  }
0x216: {  	[tilespmem:s7+$0x4770] =	vst v2;
	v0 =	vadd.f32 v40, v0;
	v41, _, _ =	vpop (xrf2);
	v2 =	vbroadcast v2, $0xF  }
0x217: {  	[tilespmem:s7+$0x47F0] =	vst v3;
	v1 =	vadd.f32 v41, v1;
	v42, _, _ =	vpop (xrf2);
	v3 =	vbroadcast v3, $0xF  }
0x218: {  	[tilespmem:s7+$0x4800] =	vst v0;
	v2 =	vadd.f32 v42, v2;
	v43, _, _ =	vpop (xrf2);
	v0 =	vbroadcast v0, $0xF  }
0x219: {  	[tilespmem:s7+$0x4880] =	vst v1;
	v3 =	vadd.f32 v43, v3;
	v44, _, _ =	vpop (xrf2)  }
0x21a: {  	[tilespmem:s7+$0x4900] =	vst v2;
	v0 =	vadd.f32 v44, v0  }
0x21b: {  	[tilespmem:s7+$0x4980] =	vst v3  }
0x21c: {  	[tilespmem:s7+$0x4810] =	vst v0  }
0x21d: {  	v45 =	vld [tilespmem:s7+$0x4890]  }
0x21e: {  	v46 =	vld [tilespmem:s7+$0x4910]  }
0x21f: {  	v47 =	vld [tilespmem:s7+$0x4990]  }
0x220: {  	v48 =	vld [tilespmem:s7+$0x4820]  }
0x221: {  	v49 =	vld [tilespmem:s7+$0x48A0]  }
0x222: {  	v50 =	vld [tilespmem:s7+$0x4920];
	(xrf2) =	vadd.scan.msk.f32 $0xffff, v45  }
0x223: {  	v51 =	vld [tilespmem:s7+$0x49A0];
	(xrf2) =	vadd.scan.msk.f32 $0xffff, v46  }
0x224: {  	v52 =	vld [tilespmem:s7+$0x4830];
	(xrf2) =	vadd.scan.msk.f32 $0xffff, v47  }
0x225: {  	v53 =	vld [tilespmem:s7+$0x48B0];
	(xrf2) =	vadd.scan.msk.f32 $0xffff, v48  }
0x226: {  	v54 =	vld [tilespmem:s7+$0x4930];
	(xrf2) =	vadd.scan.msk.f32 $0xffff, v49  }
0x227: {  	v55 =	vld [tilespmem:s7+$0x49B0];
	(xrf2) =	vadd.scan.msk.f32 $0xffff, v50  }
0x228: {  	v56 =	vld [tilespmem:s7+$0x4840];
	(xrf2) =	vadd.scan.msk.f32 $0xffff, v51  }
0x229: {  	v57 =	vld [tilespmem:s7+$0x48C0];
	(xrf2) =	vadd.scan.msk.f32 $0xffff, v52  }
0x22a: {  	v58 =	vld [tilespmem:s7+$0x4940];
	(xrf2) =	vadd.scan.msk.f32 $0xffff, v53  }
0x22b: {  	v1 =	vbroadcast v1, $0xF;
	v59 =	vld [tilespmem:s7+$0x49C0];
	(xrf2) =	vadd.scan.msk.f32 $0xffff, v54  }
0x22c: {  	v2 =	vbroadcast v2, $0xF;
	v61 =	vld [tilespmem:s7+$0x4850];
	v60, _, _ =	vpop (xrf2);
	(xrf2) =	vadd.scan.msk.f32 $0xffff, v55  }
0x22d: {  	v3 =	vbroadcast v3, $0xF;
	v63 =	vld [tilespmem:s7+$0x48D0];
	v1 =	vadd.f32 v60, v1;
	v62, _, _ =	vpop (xrf2);
	(xrf2) =	vadd.scan.msk.f32 $0xffff, v56  }
0x22e: {  	v0 =	vbroadcast v0, $0xF;
	v16 =	vld [tilespmem:s7+$0x4950];
	v2 =	vadd.f32 v62, v2;
	v15, _, _ =	vpop (xrf2);
	(xrf2) =	vadd.scan.msk.f32 $0xffff, v57  }
0x22f: {  	v18 =	vld [tilespmem:s7+$0x49D0];
	v3 =	vadd.f32 v15, v3;
	v17, _, _ =	vpop (xrf2);
	v10 =	vbroadcast v1, $0xF;
	(xrf2) =	vadd.scan.msk.f32 $0xffff, v58  }
0x230: {  	v20 =	vld [tilespmem:s7+$0x4860];
	v0 =	vadd.f32 v17, v0;
	v19, _, _ =	vpop (xrf2);
	v11 =	vbroadcast v2, $0xF;
	(xrf2) =	vadd.scan.msk.f32 $0xffff, v59  }
0x231: {  	v22 =	vld [tilespmem:s7+$0x48E0];
	v9 =	vadd.f32 v19, v10;
	v21, _, _ =	vpop (xrf2);
	v12 =	vbroadcast v3, $0xF;
	(xrf2) =	vadd.scan.msk.f32 $0xffff, v61  }
0x232: {  	v24 =	vld [tilespmem:s7+$0x4960];
	v10 =	vadd.f32 v21, v11;
	v23, _, _ =	vpop (xrf2);
	v13 =	vbroadcast v0, $0xF;
	(xrf2) =	vadd.scan.msk.f32 $0xffff, v63  }
0x233: {  	v26 =	vld [tilespmem:s7+$0x49E0];
	v11 =	vadd.f32 v23, v12;
	v25, _, _ =	vpop (xrf2);
	v14 =	vbroadcast v9, $0xF;
	(xrf2) =	vadd.scan.msk.f32 $0xffff, v16  }
0x234: {  	v28 =	vld [tilespmem:s7+$0x4870];
	v12 =	vadd.f32 v25, v13;
	v27, _, _ =	vpop (xrf2);
	v15 =	vbroadcast v10, $0xF;
	(xrf2) =	vadd.scan.msk.f32 $0xffff, v18  }
0x235: {  	v30 =	vld [tilespmem:s7+$0x48F0];
	v13 =	vadd.f32 v27, v14;
	v29, _, _ =	vpop (xrf2);
	v16 =	vbroadcast v11, $0xF;
	(xrf2) =	vadd.scan.msk.f32 $0xffff, v20  }
0x236: {  	v32 =	vld [tilespmem:s7+$0x4970];
	v14 =	vadd.f32 v29, v15;
	v31, _, _ =	vpop (xrf2);
	v17 =	vbroadcast v12, $0xF;
	(xrf2) =	vadd.scan.msk.f32 $0xffff, v22  }
0x237: {  	v34 =	vld [tilespmem:s7+$0x49F0];
	v15 =	vadd.f32 v31, v16;
	v33, _, _ =	vpop (xrf2);
	v18 =	vbroadcast v13, $0xF;
	(xrf2) =	vadd.scan.msk.f32 $0xffff, v24  }
0x238: {  	v36 =	vld [tilespmem:s7+$0x4A00];
	v16 =	vadd.f32 v33, v17;
	v35, _, _ =	vpop (xrf2);
	v19 =	vbroadcast v14, $0xF;
	(xrf2) =	vadd.scan.msk.f32 $0xffff, v26  }
0x239: {  	v38 =	vld [tilespmem:s7+$0x4A80];
	v17 =	vadd.f32 v35, v18;
	v37, _, _ =	vpop (xrf2);
	v20 =	vbroadcast v15, $0xF;
	(xrf2) =	vadd.scan.msk.f32 $0xffff, v28  }
0x23a: {  	v40 =	vld [tilespmem:s7+$0x4B00];
	v18 =	vadd.f32 v37, v19;
	v39, _, _ =	vpop (xrf2);
	v21 =	vbroadcast v16, $0xF;
	(xrf2) =	vadd.scan.msk.f32 $0xffff, v30  }
0x23b: {  	v42 =	vld [tilespmem:s7+$0x4B80];
	v19 =	vadd.f32 v39, v20;
	v41, _, _ =	vpop (xrf2);
	v22 =	vbroadcast v17, $0xF;
	(xrf2) =	vadd.scan.msk.f32 $0xffff, v32  }
0x23c: {  	v44 =	vld [tilespmem:s7+$0x4A10];
	v20 =	vadd.f32 v41, v21;
	v43, _, _ =	vpop (xrf2);
	v23 =	vbroadcast v18, $0xF;
	(xrf2) =	vadd.scan.msk.f32 $0xffff, v34  }
0x23d: {  	v46 =	vld [tilespmem:s7+$0x4A90];
	v21 =	vadd.f32 v43, v22;
	v45, _, _ =	vpop (xrf2);
	v24 =	vbroadcast v19, $0xF;
	(xrf2) =	vadd.scan.msk.f32 $0xffff, v36  }
0x23e: {  	v49 =	vld [tilespmem:s7+$0x4B10];
	[tilespmem:s7+$0x4890] =	vst v1;
	v1 =	vadd.f32 v45, v23;
	v47, _, _ =	vpop (xrf2);
	v48 =	vbroadcast v20, $0xF;
	(xrf2) =	vadd.scan.msk.f32 $0xffff, v38  }
0x23f: {  	v52 =	vld [tilespmem:s7+$0x4B90];
	[tilespmem:s7+$0x4910] =	vst v2;
	v2 =	vadd.f32 v47, v24;
	v50, _, _ =	vpop (xrf2);
	v51 =	vbroadcast v21, $0xF;
	(xrf2) =	vadd.scan.msk.f32 $0xffff, v40  }
0x240: {  	v55 =	vld [tilespmem:s7+$0x4A20];
	[tilespmem:s7+$0x4990] =	vst v3;
	v3 =	vadd.f32 v50, v48;
	v53, _, _ =	vpop (xrf2);
	v54 =	vbroadcast v1, $0xF;
	(xrf2) =	vadd.scan.msk.f32 $0xffff, v42  }
0x241: {  	v58 =	vld [tilespmem:s7+$0x4AA0];
	[tilespmem:s7+$0x4820] =	vst v0;
	v0 =	vadd.f32 v53, v51;
	v56, _, _ =	vpop (xrf2);
	v57 =	vbroadcast v2, $0xF;
	(xrf2) =	vadd.scan.msk.f32 $0xffff, v44  }
0x242: {  	v61 =	vld [tilespmem:s7+$0x4B20];
	[tilespmem:s7+$0x48A0] =	vst v9;
	v9 =	vadd.f32 v56, v54;
	v59, _, _ =	vpop (xrf2);
	v60 =	vbroadcast v3, $0xF;
	(xrf2) =	vadd.scan.msk.f32 $0xffff, v46  }
0x243: {  	[tilespmem:s7+$0x4920] =	vst v10;
	v28 =	vld [tilespmem:s7+$0x4BA0];
	v10 =	vadd.f32 v59, v57;
	v62, _, _ =	vpop (xrf2);
	v63 =	vbroadcast v0, $0xF;
	(xrf2) =	vadd.scan.msk.f32 $0xffff, v49  }
0x244: {  	[tilespmem:s7+$0x49A0] =	vst v11;
	v31 =	vld [tilespmem:s7+$0x4A30];
	v11 =	vadd.f32 v62, v60;
	v29, _, _ =	vpop (xrf2);
	v30 =	vbroadcast v9, $0xF;
	(xrf2) =	vadd.scan.msk.f32 $0xffff, v52  }
0x245: {  	[tilespmem:s7+$0x4830] =	vst v12;
	v34 =	vld [tilespmem:s7+$0x4AB0];
	v12 =	vadd.f32 v29, v63;
	v32, _, _ =	vpop (xrf2);
	v33 =	vbroadcast v10, $0xF;
	(xrf2) =	vadd.scan.msk.f32 $0xffff, v55  }
0x246: {  	[tilespmem:s7+$0x48B0] =	vst v13;
	v37 =	vld [tilespmem:s7+$0x4B30];
	v13 =	vadd.f32 v32, v30;
	v35, _, _ =	vpop (xrf2);
	v36 =	vbroadcast v11, $0xF;
	(xrf2) =	vadd.scan.msk.f32 $0xffff, v58  }
0x247: {  	[tilespmem:s7+$0x4930] =	vst v14;
	v40 =	vld [tilespmem:s7+$0x4BB0];
	v14 =	vadd.f32 v35, v33;
	v38, _, _ =	vpop (xrf2);
	v39 =	vbroadcast v12, $0xF;
	(xrf2) =	vadd.scan.msk.f32 $0xffff, v61  }
0x248: {  	[tilespmem:s7+$0x49B0] =	vst v15;
	v43 =	vld [tilespmem:s7+$0x4A40];
	v15 =	vadd.f32 v38, v36;
	v41, _, _ =	vpop (xrf2);
	v42 =	vbroadcast v13, $0xF;
	(xrf2) =	vadd.scan.msk.f32 $0xffff, v28  }
0x249: {  	[tilespmem:s7+$0x4840] =	vst v16;
	v46 =	vld [tilespmem:s7+$0x4AC0];
	v16 =	vadd.f32 v41, v39;
	v44, _, _ =	vpop (xrf2);
	v45 =	vbroadcast v14, $0xF;
	(xrf2) =	vadd.scan.msk.f32 $0xffff, v31  }
0x24a: {  	[tilespmem:s7+$0x48C0] =	vst v17;
	v49 =	vld [tilespmem:s7+$0x4B40];
	v17 =	vadd.f32 v44, v42;
	v47, _, _ =	vpop (xrf2);
	v48 =	vbroadcast v15, $0xF;
	(xrf2) =	vadd.scan.msk.f32 $0xffff, v34  }
0x24b: {  	[tilespmem:s7+$0x4940] =	vst v18;
	v52 =	vld [tilespmem:s7+$0x4BC0];
	v18 =	vadd.f32 v47, v45;
	v50, _, _ =	vpop (xrf2);
	v51 =	vbroadcast v16, $0xF;
	(xrf2) =	vadd.scan.msk.f32 $0xffff, v37  }
0x24c: {  	[tilespmem:s7+$0x49C0] =	vst v19;
	v55 =	vld [tilespmem:s7+$0x4A50];
	v19 =	vadd.f32 v50, v48;
	v53, _, _ =	vpop (xrf2);
	v54 =	vbroadcast v17, $0xF;
	(xrf2) =	vadd.scan.msk.f32 $0xffff, v40  }
0x24d: {  	[tilespmem:s7+$0x4850] =	vst v20;
	v58 =	vld [tilespmem:s7+$0x4AD0];
	v20 =	vadd.f32 v53, v51;
	v56, _, _ =	vpop (xrf2);
	v57 =	vbroadcast v18, $0xF;
	(xrf2) =	vadd.scan.msk.f32 $0xffff, v43  }
0x24e: {  	[tilespmem:s7+$0x48D0] =	vst v21;
	v61 =	vld [tilespmem:s7+$0x4B50];
	v21 =	vadd.f32 v56, v54;
	v59, _, _ =	vpop (xrf2);
	v60 =	vbroadcast v19, $0xF;
	(xrf2) =	vadd.scan.msk.f32 $0xffff, v46  }
0x24f: {  	[tilespmem:s7+$0x4950] =	vst v1;
	v28 =	vld [tilespmem:s7+$0x4BD0];
	v1 =	vadd.f32 v59, v57;
	v62, _, _ =	vpop (xrf2);
	v63 =	vbroadcast v20, $0xF;
	(xrf2) =	vadd.scan.msk.f32 $0xffff, v49  }
0x250: {  	[tilespmem:s7+$0x49D0] =	vst v2;
	v31 =	vld [tilespmem:s7+$0x4A60];
	v2 =	vadd.f32 v62, v60;
	v29, _, _ =	vpop (xrf2);
	v30 =	vbroadcast v21, $0xF;
	(xrf2) =	vadd.scan.msk.f32 $0xffff, v52  }
0x251: {  	[tilespmem:s7+$0x4860] =	vst v3;
	v34 =	vld [tilespmem:s7+$0x4AE0];
	v3 =	vadd.f32 v29, v63;
	v32, _, _ =	vpop (xrf2);
	v33 =	vbroadcast v1, $0xF;
	(xrf2) =	vadd.scan.msk.f32 $0xffff, v55  }
0x252: {  	[tilespmem:s7+$0x48E0] =	vst v0;
	v37 =	vld [tilespmem:s7+$0x4B60];
	v0 =	vadd.f32 v32, v30;
	v35, _, _ =	vpop (xrf2);
	v36 =	vbroadcast v2, $0xF;
	(xrf2) =	vadd.scan.msk.f32 $0xffff, v58  }
0x253: {  	[tilespmem:s7+$0x4960] =	vst v9;
	v40 =	vld [tilespmem:s7+$0x4BE0];
	v9 =	vadd.f32 v35, v33;
	v38, _, _ =	vpop (xrf2);
	v39 =	vbroadcast v3, $0xF;
	(xrf2) =	vadd.scan.msk.f32 $0xffff, v61  }
0x254: {  	[tilespmem:s7+$0x49E0] =	vst v10;
	v43 =	vld [tilespmem:s7+$0x4A70];
	v10 =	vadd.f32 v38, v36;
	v41, _, _ =	vpop (xrf2);
	v42 =	vbroadcast v0, $0xF;
	(xrf2) =	vadd.scan.msk.f32 $0xffff, v28  }
0x255: {  	[tilespmem:s7+$0x4870] =	vst v11;
	v46 =	vld [tilespmem:s7+$0x4AF0];
	v11 =	vadd.f32 v41, v39;
	v44, _, _ =	vpop (xrf2);
	v45 =	vbroadcast v9, $0xF;
	(xrf2) =	vadd.scan.msk.f32 $0xffff, v31  }
0x256: {  	[tilespmem:s7+$0x48F0] =	vst v12;
	v49 =	vld [tilespmem:s7+$0x4B70];
	v12 =	vadd.f32 v44, v42;
	v47, _, _ =	vpop (xrf2);
	v48 =	vbroadcast v10, $0xF;
	(xrf2) =	vadd.scan.msk.f32 $0xffff, v34  }
0x257: {  	[tilespmem:s7+$0x4970] =	vst v13;
	v52 =	vld [tilespmem:s7+$0x4BF0];
	v13 =	vadd.f32 v47, v45;
	v50, _, _ =	vpop (xrf2);
	v51 =	vbroadcast v11, $0xF;
	(xrf2) =	vadd.scan.msk.f32 $0xffff, v37  }
0x258: {  	[tilespmem:s7+$0x49F0] =	vst v14;
	v55 =	vld [tilespmem:s7+$0x4C00];
	v14 =	vadd.f32 v50, v48;
	v53, _, _ =	vpop (xrf2);
	v54 =	vbroadcast v12, $0xF;
	(xrf2) =	vadd.scan.msk.f32 $0xffff, v40  }
0x259: {  	[tilespmem:s7+$0x4A00] =	vst v15;
	v58 =	vld [tilespmem:s7+$0x4C80];
	v15 =	vadd.f32 v53, v51;
	v56, _, _ =	vpop (xrf2);
	v57 =	vbroadcast v13, $0xF;
	(xrf2) =	vadd.scan.msk.f32 $0xffff, v43  }
0x25a: {  	[tilespmem:s7+$0x4A80] =	vst v16;
	v61 =	vld [tilespmem:s7+$0x4D00];
	v16 =	vadd.f32 v56, v54;
	v59, _, _ =	vpop (xrf2);
	v60 =	vbroadcast v14, $0xF;
	(xrf2) =	vadd.scan.msk.f32 $0xffff, v46  }
0x25b: {  	[tilespmem:s7+$0x4B00] =	vst v17;
	v28 =	vld [tilespmem:s7+$0x4D80];
	v17 =	vadd.f32 v59, v57;
	v62, _, _ =	vpop (xrf2);
	v63 =	vbroadcast v15, $0xF;
	(xrf2) =	vadd.scan.msk.f32 $0xffff, v49  }
0x25c: {  	[tilespmem:s7+$0x4B80] =	vst v18;
	v31 =	vld [tilespmem:s7+$0x4C10];
	v18 =	vadd.f32 v62, v60;
	v29, _, _ =	vpop (xrf2);
	v30 =	vbroadcast v16, $0xF;
	(xrf2) =	vadd.scan.msk.f32 $0xffff, v52  }
0x25d: {  	[tilespmem:s7+$0x4A10] =	vst v19;
	v34 =	vld [tilespmem:s7+$0x4C90];
	v19 =	vadd.f32 v29, v63;
	v32, _, _ =	vpop (xrf2);
	v33 =	vbroadcast v17, $0xF;
	(xrf2) =	vadd.scan.msk.f32 $0xffff, v55  }
0x25e: {  	[tilespmem:s7+$0x4A90] =	vst v20;
	v37 =	vld [tilespmem:s7+$0x4D10];
	v20 =	vadd.f32 v32, v30;
	v35, _, _ =	vpop (xrf2);
	v36 =	vbroadcast v18, $0xF;
	(xrf2) =	vadd.scan.msk.f32 $0xffff, v58  }
0x25f: {  	[tilespmem:s7+$0x4B10] =	vst v21;
	v40 =	vld [tilespmem:s7+$0x4D90];
	v21 =	vadd.f32 v35, v33;
	v38, _, _ =	vpop (xrf2);
	v39 =	vbroadcast v19, $0xF;
	(xrf2) =	vadd.scan.msk.f32 $0xffff, v61  }
0x260: {  	[tilespmem:s7+$0x4B90] =	vst v1;
	v43 =	vld [tilespmem:s7+$0x4C20];
	v1 =	vadd.f32 v38, v36;
	v41, _, _ =	vpop (xrf2);
	v42 =	vbroadcast v20, $0xF;
	(xrf2) =	vadd.scan.msk.f32 $0xffff, v28  }
0x261: {  	[tilespmem:s7+$0x4A20] =	vst v2;
	v46 =	vld [tilespmem:s7+$0x4CA0];
	v2 =	vadd.f32 v41, v39;
	v44, _, _ =	vpop (xrf2);
	v45 =	vbroadcast v21, $0xF;
	(xrf2) =	vadd.scan.msk.f32 $0xffff, v31  }
0x262: {  	[tilespmem:s7+$0x4AA0] =	vst v3;
	v49 =	vld [tilespmem:s7+$0x4D20];
	v3 =	vadd.f32 v44, v42;
	v47, _, _ =	vpop (xrf2);
	v48 =	vbroadcast v1, $0xF;
	(xrf2) =	vadd.scan.msk.f32 $0xffff, v34  }
0x263: {  	[tilespmem:s7+$0x4B20] =	vst v0;
	v52 =	vld [tilespmem:s7+$0x4DA0];
	v0 =	vadd.f32 v47, v45;
	v50, _, _ =	vpop (xrf2);
	v51 =	vbroadcast v2, $0xF;
	(xrf2) =	vadd.scan.msk.f32 $0xffff, v37  }
0x264: {  	[tilespmem:s7+$0x4BA0] =	vst v9;
	v55 =	vld [tilespmem:s7+$0x4C30];
	v9 =	vadd.f32 v50, v48;
	v53, _, _ =	vpop (xrf2);
	v54 =	vbroadcast v3, $0xF;
	(xrf2) =	vadd.scan.msk.f32 $0xffff, v40  }
0x265: {  	[tilespmem:s7+$0x4A30] =	vst v10;
	v58 =	vld [tilespmem:s7+$0x4CB0];
	v10 =	vadd.f32 v53, v51;
	v56, _, _ =	vpop (xrf2);
	v57 =	vbroadcast v0, $0xF;
	(xrf2) =	vadd.scan.msk.f32 $0xffff, v43  }
0x266: {  	[tilespmem:s7+$0x4AB0] =	vst v11;
	v61 =	vld [tilespmem:s7+$0x4D30];
	v11 =	vadd.f32 v56, v54;
	v59, _, _ =	vpop (xrf2);
	v60 =	vbroadcast v9, $0xF;
	(xrf2) =	vadd.scan.msk.f32 $0xffff, v46  }
0x267: {  	[tilespmem:s7+$0x4B30] =	vst v12;
	v28 =	vld [tilespmem:s7+$0x4DB0];
	v12 =	vadd.f32 v59, v57;
	v62, _, _ =	vpop (xrf2);
	v63 =	vbroadcast v10, $0xF;
	(xrf2) =	vadd.scan.msk.f32 $0xffff, v49  }
0x268: {  	[tilespmem:s7+$0x4BB0] =	vst v13;
	v31 =	vld [tilespmem:s7+$0x4C40];
	v13 =	vadd.f32 v62, v60;
	v29, _, _ =	vpop (xrf2);
	v30 =	vbroadcast v11, $0xF;
	(xrf2) =	vadd.scan.msk.f32 $0xffff, v52  }
0x269: {  	[tilespmem:s7+$0x4A40] =	vst v14;
	v34 =	vld [tilespmem:s7+$0x4CC0];
	v14 =	vadd.f32 v29, v63;
	v32, _, _ =	vpop (xrf2);
	v33 =	vbroadcast v12, $0xF;
	(xrf2) =	vadd.scan.msk.f32 $0xffff, v55  }
0x26a: {  	[tilespmem:s7+$0x4AC0] =	vst v15;
	v37 =	vld [tilespmem:s7+$0x4D40];
	v15 =	vadd.f32 v32, v30;
	v35, _, _ =	vpop (xrf2);
	v36 =	vbroadcast v13, $0xF;
	(xrf2) =	vadd.scan.msk.f32 $0xffff, v58  }
0x26b: {  	[tilespmem:s7+$0x4B40] =	vst v16;
	v40 =	vld [tilespmem:s7+$0x4DC0];
	v16 =	vadd.f32 v35, v33;
	v38, _, _ =	vpop (xrf2);
	v39 =	vbroadcast v14, $0xF;
	(xrf2) =	vadd.scan.msk.f32 $0xffff, v61  }
0x26c: {  	[tilespmem:s7+$0x4BC0] =	vst v17;
	v43 =	vld [tilespmem:s7+$0x4C50];
	v17 =	vadd.f32 v38, v36;
	v41, _, _ =	vpop (xrf2);
	v42 =	vbroadcast v15, $0xF;
	(xrf2) =	vadd.scan.msk.f32 $0xffff, v28  }
0x26d: {  	[tilespmem:s7+$0x4A50] =	vst v18;
	v46 =	vld [tilespmem:s7+$0x4CD0];
	v18 =	vadd.f32 v41, v39;
	v44, _, _ =	vpop (xrf2);
	v45 =	vbroadcast v16, $0xF;
	(xrf2) =	vadd.scan.msk.f32 $0xffff, v31  }
0x26e: {  	[tilespmem:s7+$0x4AD0] =	vst v19;
	v49 =	vld [tilespmem:s7+$0x4D50];
	v19 =	vadd.f32 v44, v42;
	v47, _, _ =	vpop (xrf2);
	v48 =	vbroadcast v17, $0xF;
	(xrf2) =	vadd.scan.msk.f32 $0xffff, v34  }
0x26f: {  	[tilespmem:s7+$0x4B50] =	vst v20;
	v52 =	vld [tilespmem:s7+$0x4DD0];
	v20 =	vadd.f32 v47, v45;
	v50, _, _ =	vpop (xrf2);
	v51 =	vbroadcast v18, $0xF;
	(xrf2) =	vadd.scan.msk.f32 $0xffff, v37  }
0x270: {  	[tilespmem:s7+$0x4BD0] =	vst v21;
	v55 =	vld [tilespmem:s7+$0x4C60];
	v21 =	vadd.f32 v50, v48;
	v53, _, _ =	vpop (xrf2);
	v54 =	vbroadcast v19, $0xF;
	(xrf2) =	vadd.scan.msk.f32 $0xffff, v40  }
0x271: {  	[tilespmem:s7+$0x4A60] =	vst v1;
	v58 =	vld [tilespmem:s7+$0x4CE0];
	v1 =	vadd.f32 v53, v51;
	v56, _, _ =	vpop (xrf2);
	v57 =	vbroadcast v20, $0xF;
	(xrf2) =	vadd.scan.msk.f32 $0xffff, v43  }
0x272: {  	[tilespmem:s7+$0x4AE0] =	vst v2;
	v61 =	vld [tilespmem:s7+$0x4D60];
	v2 =	vadd.f32 v56, v54;
	v59, _, _ =	vpop (xrf2);
	v60 =	vbroadcast v21, $0xF;
	(xrf2) =	vadd.scan.msk.f32 $0xffff, v46  }
0x273: {  	[tilespmem:s7+$0x4B60] =	vst v3;
	v28 =	vld [tilespmem:s7+$0x4DE0];
	v3 =	vadd.f32 v59, v57;
	v62, _, _ =	vpop (xrf2);
	v63 =	vbroadcast v1, $0xF;
	(xrf2) =	vadd.scan.msk.f32 $0xffff, v49  }
0x274: {  	[tilespmem:s7+$0x4BE0] =	vst v0;
	v31 =	vld [tilespmem:s7+$0x4C70];
	v0 =	vadd.f32 v62, v60;
	v29, _, _ =	vpop (xrf2);
	v30 =	vbroadcast v2, $0xF;
	(xrf2) =	vadd.scan.msk.f32 $0xffff, v52  }
0x275: {  	[tilespmem:s7+$0x4A70] =	vst v9;
	v34 =	vld [tilespmem:s7+$0x4CF0];
	v9 =	vadd.f32 v29, v63;
	v32, _, _ =	vpop (xrf2);
	v33 =	vbroadcast v3, $0xF;
	(xrf2) =	vadd.scan.msk.f32 $0xffff, v55  }
0x276: {  	[tilespmem:s7+$0x4AF0] =	vst v10;
	v37 =	vld [tilespmem:s7+$0x4D70];
	v10 =	vadd.f32 v32, v30;
	v35, _, _ =	vpop (xrf2);
	v36 =	vbroadcast v0, $0xF;
	(xrf2) =	vadd.scan.msk.f32 $0xffff, v58  }
0x277: {  	[tilespmem:s7+$0x4B70] =	vst v11;
	v40 =	vld [tilespmem:s7+$0x4DF0];
	v11 =	vadd.f32 v35, v33;
	v38, _, _ =	vpop (xrf2);
	v39 =	vbroadcast v9, $0xF;
	(xrf2) =	vadd.scan.msk.f32 $0xffff, v61  }
0x278: {  	[tilespmem:s7+$0x4BF0] =	vst v12;
	v43 =	vld [tilespmem:s7+$0x4E00];
	v12 =	vadd.f32 v38, v36;
	v41, _, _ =	vpop (xrf2);
	v42 =	vbroadcast v10, $0xF;
	(xrf2) =	vadd.scan.msk.f32 $0xffff, v28  }
0x279: {  	[tilespmem:s7+$0x4C00] =	vst v13;
	v46 =	vld [tilespmem:s7+$0x4E80];
	v13 =	vadd.f32 v41, v39;
	v44, _, _ =	vpop (xrf2);
	v45 =	vbroadcast v11, $0xF;
	(xrf2) =	vadd.scan.msk.f32 $0xffff, v31  }
0x27a: {  	[tilespmem:s7+$0x4C80] =	vst v14;
	v49 =	vld [tilespmem:s7+$0x4F00];
	v14 =	vadd.f32 v44, v42;
	v47, _, _ =	vpop (xrf2);
	v48 =	vbroadcast v12, $0xF;
	(xrf2) =	vadd.scan.msk.f32 $0xffff, v34  }
0x27b: {  	[tilespmem:s7+$0x4D00] =	vst v15;
	v52 =	vld [tilespmem:s7+$0x4F80];
	v15 =	vadd.f32 v47, v45;
	v50, _, _ =	vpop (xrf2);
	v51 =	vbroadcast v13, $0xF;
	(xrf2) =	vadd.scan.msk.f32 $0xffff, v37  }
0x27c: {  	[tilespmem:s7+$0x4D80] =	vst v16;
	v55 =	vld [tilespmem:s7+$0x4E10];
	v16 =	vadd.f32 v50, v48;
	v53, _, _ =	vpop (xrf2);
	v54 =	vbroadcast v14, $0xF;
	(xrf2) =	vadd.scan.msk.f32 $0xffff, v40  }
0x27d: {  	[tilespmem:s7+$0x4C10] =	vst v17;
	v58 =	vld [tilespmem:s7+$0x4E90];
	v17 =	vadd.f32 v53, v51;
	v56, _, _ =	vpop (xrf2);
	v57 =	vbroadcast v15, $0xF;
	(xrf2) =	vadd.scan.msk.f32 $0xffff, v43  }
0x27e: {  	[tilespmem:s7+$0x4C90] =	vst v18;
	v61 =	vld [tilespmem:s7+$0x4F10];
	v18 =	vadd.f32 v56, v54;
	v59, _, _ =	vpop (xrf2);
	v60 =	vbroadcast v16, $0xF;
	(xrf2) =	vadd.scan.msk.f32 $0xffff, v46  }
0x27f: {  	[tilespmem:s7+$0x4D10] =	vst v19;
	v28 =	vld [tilespmem:s7+$0x4F90];
	v19 =	vadd.f32 v59, v57;
	v62, _, _ =	vpop (xrf2);
	v63 =	vbroadcast v17, $0xF;
	(xrf2) =	vadd.scan.msk.f32 $0xffff, v49  }
0x280: {  	[tilespmem:s7+$0x4D90] =	vst v20;
	v31 =	vld [tilespmem:s7+$0x4E20];
	v20 =	vadd.f32 v62, v60;
	v29, _, _ =	vpop (xrf2);
	v30 =	vbroadcast v18, $0xF;
	(xrf2) =	vadd.scan.msk.f32 $0xffff, v52  }
0x281: {  	[tilespmem:s7+$0x4C20] =	vst v21;
	v34 =	vld [tilespmem:s7+$0x4EA0];
	v21 =	vadd.f32 v29, v63;
	v32, _, _ =	vpop (xrf2);
	v33 =	vbroadcast v19, $0xF;
	(xrf2) =	vadd.scan.msk.f32 $0xffff, v55  }
0x282: {  	[tilespmem:s7+$0x4CA0] =	vst v1;
	v37 =	vld [tilespmem:s7+$0x4F20];
	v1 =	vadd.f32 v32, v30;
	v35, _, _ =	vpop (xrf2);
	v36 =	vbroadcast v20, $0xF;
	(xrf2) =	vadd.scan.msk.f32 $0xffff, v58  }
0x283: {  	[tilespmem:s7+$0x4D20] =	vst v2;
	v40 =	vld [tilespmem:s7+$0x4FA0];
	v2 =	vadd.f32 v35, v33;
	v38, _, _ =	vpop (xrf2);
	v39 =	vbroadcast v21, $0xF;
	(xrf2) =	vadd.scan.msk.f32 $0xffff, v61  }
0x284: {  	[tilespmem:s7+$0x4DA0] =	vst v3;
	v43 =	vld [tilespmem:s7+$0x4E30];
	v3 =	vadd.f32 v38, v36;
	v41, _, _ =	vpop (xrf2);
	v42 =	vbroadcast v1, $0xF;
	(xrf2) =	vadd.scan.msk.f32 $0xffff, v28  }
0x285: {  	[tilespmem:s7+$0x4C30] =	vst v0;
	v46 =	vld [tilespmem:s7+$0x4EB0];
	v0 =	vadd.f32 v41, v39;
	v44, _, _ =	vpop (xrf2);
	v45 =	vbroadcast v2, $0xF;
	(xrf2) =	vadd.scan.msk.f32 $0xffff, v31  }
0x286: {  	[tilespmem:s7+$0x4CB0] =	vst v9;
	v49 =	vld [tilespmem:s7+$0x4F30];
	v9 =	vadd.f32 v44, v42;
	v47, _, _ =	vpop (xrf2);
	v48 =	vbroadcast v3, $0xF;
	(xrf2) =	vadd.scan.msk.f32 $0xffff, v34  }
0x287: {  	[tilespmem:s7+$0x4D30] =	vst v10;
	v52 =	vld [tilespmem:s7+$0x4FB0];
	v10 =	vadd.f32 v47, v45;
	v50, _, _ =	vpop (xrf2);
	v51 =	vbroadcast v0, $0xF;
	(xrf2) =	vadd.scan.msk.f32 $0xffff, v37  }
0x288: {  	[tilespmem:s7+$0x4DB0] =	vst v11;
	v55 =	vld [tilespmem:s7+$0x4E40];
	v11 =	vadd.f32 v50, v48;
	v53, _, _ =	vpop (xrf2);
	v54 =	vbroadcast v9, $0xF;
	(xrf2) =	vadd.scan.msk.f32 $0xffff, v40  }
0x289: {  	[tilespmem:s7+$0x4C40] =	vst v12;
	v58 =	vld [tilespmem:s7+$0x4EC0];
	v12 =	vadd.f32 v53, v51;
	v56, _, _ =	vpop (xrf2);
	v57 =	vbroadcast v10, $0xF;
	(xrf2) =	vadd.scan.msk.f32 $0xffff, v43  }
0x28a: {  	[tilespmem:s7+$0x4CC0] =	vst v13;
	v61 =	vld [tilespmem:s7+$0x4F40];
	v13 =	vadd.f32 v56, v54;
	v59, _, _ =	vpop (xrf2);
	v60 =	vbroadcast v11, $0xF;
	(xrf2) =	vadd.scan.msk.f32 $0xffff, v46  }
0x28b: {  	[tilespmem:s7+$0x4D40] =	vst v14;
	v28 =	vld [tilespmem:s7+$0x4FC0];
	v14 =	vadd.f32 v59, v57;
	v62, _, _ =	vpop (xrf2);
	v63 =	vbroadcast v12, $0xF;
	(xrf2) =	vadd.scan.msk.f32 $0xffff, v49  }
0x28c: {  	[tilespmem:s7+$0x4DC0] =	vst v15;
	v31 =	vld [tilespmem:s7+$0x4E50];
	v15 =	vadd.f32 v62, v60;
	v29, _, _ =	vpop (xrf2);
	v30 =	vbroadcast v13, $0xF;
	(xrf2) =	vadd.scan.msk.f32 $0xffff, v52  }
0x28d: {  	[tilespmem:s7+$0x4C50] =	vst v16;
	v34 =	vld [tilespmem:s7+$0x4ED0];
	v16 =	vadd.f32 v29, v63;
	v32, _, _ =	vpop (xrf2);
	v33 =	vbroadcast v14, $0xF;
	(xrf2) =	vadd.scan.msk.f32 $0xffff, v55  }
0x28e: {  	[tilespmem:s7+$0x4CD0] =	vst v17;
	v37 =	vld [tilespmem:s7+$0x4F50];
	v17 =	vadd.f32 v32, v30;
	v35, _, _ =	vpop (xrf2);
	v36 =	vbroadcast v15, $0xF;
	(xrf2) =	vadd.scan.msk.f32 $0xffff, v58  }
0x28f: {  	[tilespmem:s7+$0x4D50] =	vst v18;
	v40 =	vld [tilespmem:s7+$0x4FD0];
	v18 =	vadd.f32 v35, v33;
	v38, _, _ =	vpop (xrf2);
	v39 =	vbroadcast v16, $0xF;
	(xrf2) =	vadd.scan.msk.f32 $0xffff, v61  }
0x290: {  	[tilespmem:s7+$0x4DD0] =	vst v19;
	v43 =	vld [tilespmem:s7+$0x4E60];
	v19 =	vadd.f32 v38, v36;
	v41, _, _ =	vpop (xrf2);
	v42 =	vbroadcast v17, $0xF;
	(xrf2) =	vadd.scan.msk.f32 $0xffff, v28  }
0x291: {  	[tilespmem:s7+$0x4C60] =	vst v20;
	v46 =	vld [tilespmem:s7+$0x4EE0];
	v20 =	vadd.f32 v41, v39;
	v44, _, _ =	vpop (xrf2);
	v45 =	vbroadcast v18, $0xF;
	(xrf2) =	vadd.scan.msk.f32 $0xffff, v31  }
0x292: {  	[tilespmem:s7+$0x4CE0] =	vst v21;
	v49 =	vld [tilespmem:s7+$0x4F60];
	v21 =	vadd.f32 v44, v42;
	v47, _, _ =	vpop (xrf2);
	v48 =	vbroadcast v19, $0xF;
	(xrf2) =	vadd.scan.msk.f32 $0xffff, v34  }
0x293: {  	[tilespmem:s7+$0x4D60] =	vst v1;
	v52 =	vld [tilespmem:s7+$0x4FE0];
	v1 =	vadd.f32 v47, v45;
	v50, _, _ =	vpop (xrf2);
	v51 =	vbroadcast v20, $0xF;
	(xrf2) =	vadd.scan.msk.f32 $0xffff, v37  }
0x294: {  	[tilespmem:s7+$0x4DE0] =	vst v2;
	v55 =	vld [tilespmem:s7+$0x4E70];
	v2 =	vadd.f32 v50, v48;
	v53, _, _ =	vpop (xrf2);
	v54 =	vbroadcast v21, $0xF;
	(xrf2) =	vadd.scan.msk.f32 $0xffff, v40  }
0x295: {  	[tilespmem:s7+$0x4C70] =	vst v3;
	v58 =	vld [tilespmem:s7+$0x4EF0];
	v3 =	vadd.f32 v53, v51;
	v56, _, _ =	vpop (xrf2);
	v57 =	vbroadcast v1, $0xF;
	(xrf2) =	vadd.scan.msk.f32 $0xffff, v43  }
0x296: {  	[tilespmem:s7+$0x4CF0] =	vst v0;
	v61 =	vld [tilespmem:s7+$0x4F70];
	v0 =	vadd.f32 v56, v54;
	v59, _, _ =	vpop (xrf2);
	v60 =	vbroadcast v2, $0xF;
	(xrf2) =	vadd.scan.msk.f32 $0xffff, v46  }
0x297: {  	[tilespmem:s7+$0x4D70] =	vst v9;
	v28 =	vld [tilespmem:s7+$0x4FF0];
	v9 =	vadd.f32 v59, v57;
	v62, _, _ =	vpop (xrf2);
	v63 =	vbroadcast v3, $0xF;
	(xrf2) =	vadd.scan.msk.f32 $0xffff, v49  }
0x298: {  	[tilespmem:s7+$0x4DF0] =	vst v10;
	v29 =	vadd.f32 v62, v60;
	v30, _, _ =	vpop (xrf2);
	(xrf2) =	vadd.scan.msk.f32 $0xffff, v52;
	v31 =	vbroadcast v0, $0xF  }
0x299: {  	[tilespmem:s7+$0x4E00] =	vst v11;
	v32 =	vadd.f32 v30, v63;
	v33, _, _ =	vpop (xrf2);
	(xrf2) =	vadd.scan.msk.f32 $0xffff, v55;
	v34 =	vbroadcast v9, $0xF  }
0x29a: {  	[tilespmem:s7+$0x4E80] =	vst v12;
	v7 =	vadd.f32 v33, v31;
	v35, _, _ =	vpop (xrf2);
	(xrf2) =	vadd.scan.msk.f32 $0xffff, v58;
	v36 =	vbroadcast v29, $0xF  }
0x29b: {  	[tilespmem:s7+$0x4F00] =	vst v13;
	v8 =	vadd.f32 v35, v34;
	v37, _, _ =	vpop (xrf2);
	(xrf2) =	vadd.scan.msk.f32 $0xffff, v61;
	v38 =	vbroadcast v32, $0xF  }
0x29c: {  	[tilespmem:s7+$0x4F80] =	vst v14;
	v4 =	vadd.f32 v37, v36;
	v39, _, _ =	vpop (xrf2);
	v40 =	vbroadcast v7, $0xF;
	(xrf2) =	vadd.scan.msk.f32 $0xffff, v28  }
0x29d: {  	[tilespmem:s7+$0x4E10] =	vst v15;
	v41, _, _ =	vpop (xrf2);
	v5 =	vadd.f32 v39, v38;
	v42 =	vbroadcast v8, $0xF  }
0x29e: {  	[tilespmem:s7+$0x4E90] =	vst v16;
	v43, _, _ =	vpop (xrf2);
	v6 =	vadd.f32 v41, v40;
	v44 =	vbroadcast v4, $0xF  }
0x29f: {  	[tilespmem:s7+$0x4F10] =	vst v17;
	v45, _, _ =	vpop (xrf2);
	v12 =	vadd.f32 v43, v42;
	v46 =	vbroadcast v5, $0xF  }
0x2a0: {  	[tilespmem:s7+$0x4F90] =	vst v18;
	v47, _, _ =	vpop (xrf2);
	v13 =	vadd.f32 v45, v44;
	v48 =	vbroadcast v6, $0xF  }
0x2a1: {  	[tilespmem:s7+$0x4E20] =	vst v19;
	v49, _, _ =	vpop (xrf2);
	v14 =	vadd.f32 v47, v46;
	v50 =	vbroadcast v12, $0xF  }
0x2a2: {  	[tilespmem:s7+$0x4EA0] =	vst v20;
	v51, _, _ =	vpop (xrf2);
	v15 =	vadd.f32 v49, v48;
	v52 =	vbroadcast v13, $0xF  }
0x2a3: {  	[tilespmem:s7+$0x4F20] =	vst v21;
	v53, _, _ =	vpop (xrf2);
	v16 =	vadd.f32 v51, v50;
	v54 =	vbroadcast v14, $0xF  }
0x2a4: {  	[tilespmem:s7+$0x4FA0] =	vst v1;
	v55, _, _ =	vpop (xrf2);
	v56 =	vadd.f32 v53, v52;
	v57 =	vbroadcast v15, $0xF  }
0x2a5: {  	[tilespmem:s7+$0x4E30] =	vst v2;
	v58, _, _ =	vpop (xrf2);
	v59 =	vadd.f32 v55, v54;
	v60 =	vbroadcast v16, $0xF  }
0x2a6: {  	[tilespmem:s7+$0x4EB0] =	vst v3;
	(v2sf) =	vpush v56, $0xF;
	v61 =	vadd.f32 v58, v57;
	v62, _, _ =	vpop (xrf2)  }
0x2a7: {  	[tilespmem:s7+$0x4F30] =	vst v0;
	v63 =	vadd.f32 v62, v60;
	(v2sf) =	vpush v59, $0xF  }
0x2a8: {  	[tilespmem:s7+$0x4FB0] =	vst v9;
	(v2sf) =	vpush v61, $0xF  }
0x2a9: {  	[tilespmem:s7+$0x4E40] =	vst v29;
	(v2sf) =	vpush v63, $0xF  }
0x2aa: {  	[tilespmem:s7+$0x4EC0] =	vst v32  }
0x2ab: {  	[tilespmem:s7+$0x4F40] =	vst v7  }
0x2ac: {  	[tilespmem:s7+$0x4FC0] =	vst v8  }
0x2ad: {  	[tilespmem:s7+$0x4E50] =	vst v4  }
0x2ae: {  	[tilespmem:s7+$0x4ED0] =	vst v5  }
0x2af: {  	[tilespmem:s7+$0x4F50] =	vst v6  }
0x2b0: {  	[tilespmem:s7+$0x4FD0] =	vst v12  }
0x2b1: {  	[tilespmem:s7+$0x4E60] =	vst v13  }
0x2b2: {  	[tilespmem:s7+$0x4EE0] =	vst v14  }
0x2b3: {  	p0 =	slt.u32 s30, $0xC0;
	[tilespmem:s7+$0x4F60] =	vst v15  }
.Ltmp1:
0x2b4: {  	[tilespmem:s7+$0x4FE0] =	vst v16;
	(pc) =	sbr.rel @p0 .LBB2_5-.Ltmp1, $4  }
0x2b5: {  	[tilespmem:s7+$0x4E70] =	vst v56;
	s29 =	spop (v2sf)  }
0x2b6: {  	[tilespmem:s7+$0x4EF0] =	vst v59;
	s28 =	spop (v2sf)  }
0x2b7: {  	s12 =	sadd.s32 $0x40, s30;
	[tilespmem:s7+$0x4F70] =	vst v61;
	s26 =	spop (v2sf)  }
0x2b8: {  	s30 =	smov.u32 s12;
	[tilespmem:s7+$0x4FF0] =	vst v63;
	s5 =	spop (v2sf)  }
0x2b9: {  	s5 =	sadd.s32 s9, s10;
	s9 =	sor.u32 $0x2, s2  }
0x2ba: {  	[hbm4b:s5+s17] =	stream.strided.scatter [tilespmem:s19], [sflag:$0x6], $0x4000, s18, s17, $0x38;
	[tilespmem:$0x10000] =	vst v63  }
0x2bb: {  	p0 =	sgt.u32 s9, $0x7C  }
0x2bc: {  	s5 =	simm.s32 @!p0 $0x6  }
0x2bd: {  	s7 =	sadd.s32 @!p0 s15, s8;
	s12 =	simm.s32 @!p0 $0x400;
	_ =	swait.ge @!p0 [sflag:s5], $0x4000  }
0x2be: {  	s26 =	simm.s32 @!p0 $0x4000;
	s7 =	sand.u32 @!p0 $0xFFE000, s7;
	[sflag:s5] =	ssyncset.done @!p0 $0x0  }
0x2bf: {  	[sflag:s5] =	ssyncadd.s32 @!p0 $0xFFFFC000;
	s5 =	sadd.s32 @!p0 s7, s6;
	s7 =	simm.s32 @!p0 $0x200  }
0x2c0: {  	[tilespmem:s26], [sflag:$0x2] =	stream.strided.gather @!p0 [hbm4b:s5+s7], $0x4000, s12, s7, $0x38;
	[tilespmem:$0x10000] =	vst v63  }
0x2c1: {  	s28 =	simm.f32 $0.0e+00;
	_ =	swait.ge [sflag:s24], $0x4000  }
0x2c2: {  	s29 =	simm.f32 $0.0e+00;
	s12 =	simm.s32 $0x0;
	[sflag:s24] =	ssyncset.done $0x0  }
0x2c3: {  	s5 =	simm.f32 $0.0e+00;
	s26 =	simm.f32 $0.0e+00;
	[sflag:s24] =	ssyncadd.s32 $0xFFFFC000  }
.LBB2_7:
0x2c4: {  	s7 =	sshll.u32 s12, $0x6  }
0x2c5: {  	s7 =	sand.u32 $0x3FFFFFC0, s7  }
0x2c6: {  	v0 =	vld [tilespmem:s7+$0x8000]  }
0x2c7: {  	v1 =	vld [tilespmem:s7+$0x8080]  }
0x2c8: {  	v2 =	vld [tilespmem:s7+$0x8100]  }
0x2c9: {  	v3 =	vld [tilespmem:s7+$0x8180]  }
0x2ca: {  	v4 =	vld [tilespmem:s7+$0x8010]  }
0x2cb: {  	v51 =	vld [tilespmem:s7+$0x8090];
	(xrf2) =	vadd.scan.msk.f32 $0xffff, v0  }
0x2cc: {  	v52 =	vld [tilespmem:s7+$0x8110];
	(xrf2) =	vadd.scan.msk.f32 $0xffff, v1  }
0x2cd: {  	v53 =	vld [tilespmem:s7+$0x8190];
	(xrf2) =	vadd.scan.msk.f32 $0xffff, v2  }
0x2ce: {  	(xrf2) =	vadd.scan.msk.f32 $0xffff, v3  }
0x2cf: {  	(xrf2) =	vadd.scan.msk.f32 $0xffff, v4  }
0x2d0: {  	(xrf2) =	vadd.scan.msk.f32 $0xffff, v51  }
0x2d1: {  	(xrf2) =	vadd.scan.msk.f32 $0xffff, v52  }
0x2d2: {  	(xrf2) =	vadd.scan.msk.f32 $0xffff, v53;
	_ =	sdelay $0x2  }
0x2d3: {  	v54, _, _ =	vpop (xrf2)  }
0x2d4: {  	v0 =	vadd.f32 s29, v54;
	v55, _, _ =	vpop (xrf2)  }
0x2d5: {  	v1 =	vadd.f32 s28, v55;
	v56, _, _ =	vpop (xrf2)  }
0x2d6: {  	[tilespmem:s7+$0x8000] =	vst v0;
	v2 =	vadd.f32 s26, v56;
	v3, _, _ =	vpop (xrf2);
	v0 =	vbroadcast v0, $0xF  }
0x2d7: {  	[tilespmem:s7+$0x8080] =	vst v1;
	v3 =	vadd.f32 s5, v3;
	v4, _, _ =	vpop (xrf2);
	v1 =	vbroadcast v1, $0xF  }
0x2d8: {  	[tilespmem:s7+$0x8100] =	vst v2;
	v0 =	vadd.f32 v4, v0;
	v57, _, _ =	vpop (xrf2);
	v2 =	vbroadcast v2, $0xF  }
0x2d9: {  	[tilespmem:s7+$0x8180] =	vst v3;
	v1 =	vadd.f32 v57, v1;
	v58, _, _ =	vpop (xrf2);
	v3 =	vbroadcast v3, $0xF  }
0x2da: {  	[tilespmem:s7+$0x8010] =	vst v0;
	v2 =	vadd.f32 v58, v2;
	v59, _, _ =	vpop (xrf2)  }
0x2db: {  	[tilespmem:s7+$0x8090] =	vst v1;
	v3 =	vadd.f32 v59, v3  }
0x2dc: {  	[tilespmem:s7+$0x8110] =	vst v2  }
0x2dd: {  	[tilespmem:s7+$0x8190] =	vst v3  }
0x2de: {  	v60 =	vld [tilespmem:s7+$0x8020]  }
0x2df: {  	v5 =	vld [tilespmem:s7+$0x80A0]  }
0x2e0: {  	v6 =	vld [tilespmem:s7+$0x8120]  }
0x2e1: {  	v7 =	vld [tilespmem:s7+$0x81A0]  }
0x2e2: {  	v8 =	vld [tilespmem:s7+$0x8030]  }
0x2e3: {  	v61 =	vld [tilespmem:s7+$0x80B0];
	(xrf2) =	vadd.scan.msk.f32 $0xffff, v60  }
0x2e4: {  	v62 =	vld [tilespmem:s7+$0x8130];
	(xrf2) =	vadd.scan.msk.f32 $0xffff, v5  }
0x2e5: {  	v63 =	vld [tilespmem:s7+$0x81B0];
	(xrf2) =	vadd.scan.msk.f32 $0xffff, v6  }
0x2e6: {  	v12 =	vld [tilespmem:s7+$0x8040];
	(xrf2) =	vadd.scan.msk.f32 $0xffff, v7  }
0x2e7: {  	v13 =	vld [tilespmem:s7+$0x80C0];
	(xrf2) =	vadd.scan.msk.f32 $0xffff, v8  }
0x2e8: {  	v14 =	vld [tilespmem:s7+$0x8140];
	(xrf2) =	vadd.scan.msk.f32 $0xffff, v61  }
0x2e9: {  	v15 =	vld [tilespmem:s7+$0x81C0];
	(xrf2) =	vadd.scan.msk.f32 $0xffff, v62  }
0x2ea: {  	v16 =	vld [tilespmem:s7+$0x8050];
	(xrf2) =	vadd.scan.msk.f32 $0xffff, v63  }
0x2eb: {  	v17 =	vld [tilespmem:s7+$0x80D0];
	(xrf2) =	vadd.scan.msk.f32 $0xffff, v12  }
0x2ec: {  	v0 =	vbroadcast v0, $0xF;
	v18 =	vld [tilespmem:s7+$0x8150];
	(xrf2) =	vadd.scan.msk.f32 $0xffff, v13  }
0x2ed: {  	v1 =	vbroadcast v1, $0xF;
	v19 =	vld [tilespmem:s7+$0x81D0];
	v9, _, _ =	vpop (xrf2);
	(xrf2) =	vadd.scan.msk.f32 $0xffff, v14  }
0x2ee: {  	v2 =	vbroadcast v2, $0xF;
	v21 =	vld [tilespmem:s7+$0x8060];
	v0 =	vadd.f32 v9, v0;
	v20, _, _ =	vpop (xrf2);
	(xrf2) =	vadd.scan.msk.f32 $0xffff, v15  }
0x2ef: {  	v3 =	vbroadcast v3, $0xF;
	v23 =	vld [tilespmem:s7+$0x80E0];
	v1 =	vadd.f32 v20, v1;
	v22, _, _ =	vpop (xrf2);
	(xrf2) =	vadd.scan.msk.f32 $0xffff, v16  }
0x2f0: {  	v25 =	vld [tilespmem:s7+$0x8160];
	[tilespmem:s7+$0x8020] =	vst v0;
	v2 =	vadd.f32 v22, v2;
	v24, _, _ =	vpop (xrf2);
	v0 =	vbroadcast v0, $0xF;
	(xrf2) =	vadd.scan.msk.f32 $0xffff, v17  }
0x2f1: {  	v27 =	vld [tilespmem:s7+$0x81E0];
	[tilespmem:s7+$0x80A0] =	vst v1;
	v3 =	vadd.f32 v24, v3;
	v26, _, _ =	vpop (xrf2);
	v1 =	vbroadcast v1, $0xF;
	(xrf2) =	vadd.scan.msk.f32 $0xffff, v18  }
0x2f2: {  	v29 =	vld [tilespmem:s7+$0x8070];
	[tilespmem:s7+$0x8120] =	vst v2;
	v0 =	vadd.f32 v26, v0;
	v28, _, _ =	vpop (xrf2);
	v2 =	vbroadcast v2, $0xF;
	(xrf2) =	vadd.scan.msk.f32 $0xffff, v19  }
0x2f3: {  	v31 =	vld [tilespmem:s7+$0x80F0];
	[tilespmem:s7+$0x81A0] =	vst v3;
	v1 =	vadd.f32 v28, v1;
	v30, _, _ =	vpop (xrf2);
	v3 =	vbroadcast v3, $0xF;
	(xrf2) =	vadd.scan.msk.f32 $0xffff, v21  }
0x2f4: {  	v33 =	vld [tilespmem:s7+$0x8170];
	[tilespmem:s7+$0x8030] =	vst v0;
	v2 =	vadd.f32 v30, v2;
	v32, _, _ =	vpop (xrf2);
	v0 =	vbroadcast v0, $0xF;
	(xrf2) =	vadd.scan.msk.f32 $0xffff, v23  }
0x2f5: {  	v35 =	vld [tilespmem:s7+$0x81F0];
	[tilespmem:s7+$0x80B0] =	vst v1;
	v3 =	vadd.f32 v32, v3;
	v34, _, _ =	vpop (xrf2);
	v1 =	vbroadcast v1, $0xF;
	(xrf2) =	vadd.scan.msk.f32 $0xffff, v25  }
0x2f6: {  	v37 =	vld [tilespmem:s7+$0x8200];
	[tilespmem:s7+$0x8130] =	vst v2;
	v0 =	vadd.f32 v34, v0;
	v36, _, _ =	vpop (xrf2);
	v2 =	vbroadcast v2, $0xF;
	(xrf2) =	vadd.scan.msk.f32 $0xffff, v27  }
0x2f7: {  	v39 =	vld [tilespmem:s7+$0x8280];
	[tilespmem:s7+$0x81B0] =	vst v3;
	v1 =	vadd.f32 v36, v1;
	v38, _, _ =	vpop (xrf2);
	v3 =	vbroadcast v3, $0xF;
	(xrf2) =	vadd.scan.msk.f32 $0xffff, v29  }
0x2f8: {  	v41 =	vld [tilespmem:s7+$0x8300];
	[tilespmem:s7+$0x8040] =	vst v0;
	v2 =	vadd.f32 v38, v2;
	v40, _, _ =	vpop (xrf2);
	v0 =	vbroadcast v0, $0xF;
	(xrf2) =	vadd.scan.msk.f32 $0xffff, v31  }
0x2f9: {  	v43 =	vld [tilespmem:s7+$0x8380];
	[tilespmem:s7+$0x80C0] =	vst v1;
	v3 =	vadd.f32 v40, v3;
	v42, _, _ =	vpop (xrf2);
	v1 =	vbroadcast v1, $0xF;
	(xrf2) =	vadd.scan.msk.f32 $0xffff, v33  }
0x2fa: {  	v45 =	vld [tilespmem:s7+$0x8210];
	[tilespmem:s7+$0x8140] =	vst v2;
	v0 =	vadd.f32 v42, v0;
	v44, _, _ =	vpop (xrf2);
	v2 =	vbroadcast v2, $0xF;
	(xrf2) =	vadd.scan.msk.f32 $0xffff, v35  }
0x2fb: {  	v47 =	vld [tilespmem:s7+$0x8290];
	[tilespmem:s7+$0x81C0] =	vst v3;
	v1 =	vadd.f32 v44, v1;
	v46, _, _ =	vpop (xrf2);
	v3 =	vbroadcast v3, $0xF;
	(xrf2) =	vadd.scan.msk.f32 $0xffff, v37  }
0x2fc: {  	v49 =	vld [tilespmem:s7+$0x8310];
	[tilespmem:s7+$0x8050] =	vst v0;
	v2 =	vadd.f32 v46, v2;
	v48, _, _ =	vpop (xrf2);
	v0 =	vbroadcast v0, $0xF;
	(xrf2) =	vadd.scan.msk.f32 $0xffff, v39  }
0x2fd: {  	v51 =	vld [tilespmem:s7+$0x8390];
	[tilespmem:s7+$0x80D0] =	vst v1;
	v3 =	vadd.f32 v48, v3;
	v50, _, _ =	vpop (xrf2);
	v1 =	vbroadcast v1, $0xF;
	(xrf2) =	vadd.scan.msk.f32 $0xffff, v41  }
0x2fe: {  	v53 =	vld [tilespmem:s7+$0x8220];
	[tilespmem:s7+$0x8150] =	vst v2;
	v0 =	vadd.f32 v50, v0;
	v52, _, _ =	vpop (xrf2);
	v2 =	vbroadcast v2, $0xF;
	(xrf2) =	vadd.scan.msk.f32 $0xffff, v43  }
0x2ff: {  	v55 =	vld [tilespmem:s7+$0x82A0];
	[tilespmem:s7+$0x81D0] =	vst v3;
	v1 =	vadd.f32 v52, v1;
	v54, _, _ =	vpop (xrf2);
	v3 =	vbroadcast v3, $0xF;
	(xrf2) =	vadd.scan.msk.f32 $0xffff, v45  }
0x300: {  	v57 =	vld [tilespmem:s7+$0x8320];
	[tilespmem:s7+$0x8060] =	vst v0;
	v2 =	vadd.f32 v54, v2;
	v56, _, _ =	vpop (xrf2);
	v0 =	vbroadcast v0, $0xF;
	(xrf2) =	vadd.scan.msk.f32 $0xffff, v47  }
0x301: {  	v59 =	vld [tilespmem:s7+$0x83A0];
	[tilespmem:s7+$0x80E0] =	vst v1;
	v3 =	vadd.f32 v56, v3;
	v58, _, _ =	vpop (xrf2);
	v1 =	vbroadcast v1, $0xF;
	(xrf2) =	vadd.scan.msk.f32 $0xffff, v49  }
0x302: {  	v61 =	vld [tilespmem:s7+$0x8230];
	[tilespmem:s7+$0x8160] =	vst v2;
	v0 =	vadd.f32 v58, v0;
	v60, _, _ =	vpop (xrf2);
	v2 =	vbroadcast v2, $0xF;
	(xrf2) =	vadd.scan.msk.f32 $0xffff, v51  }
0x303: {  	v63 =	vld [tilespmem:s7+$0x82B0];
	[tilespmem:s7+$0x81E0] =	vst v3;
	v1 =	vadd.f32 v60, v1;
	v62, _, _ =	vpop (xrf2);
	v3 =	vbroadcast v3, $0xF;
	(xrf2) =	vadd.scan.msk.f32 $0xffff, v53  }
0x304: {  	v13 =	vld [tilespmem:s7+$0x8330];
	[tilespmem:s7+$0x8070] =	vst v0;
	v2 =	vadd.f32 v62, v2;
	v12, _, _ =	vpop (xrf2);
	v0 =	vbroadcast v0, $0xF;
	(xrf2) =	vadd.scan.msk.f32 $0xffff, v55  }
0x305: {  	v15 =	vld [tilespmem:s7+$0x83B0];
	[tilespmem:s7+$0x80F0] =	vst v1;
	v3 =	vadd.f32 v12, v3;
	v14, _, _ =	vpop (xrf2);
	v1 =	vbroadcast v1, $0xF;
	(xrf2) =	vadd.scan.msk.f32 $0xffff, v57  }
0x306: {  	v17 =	vld [tilespmem:s7+$0x8240];
	[tilespmem:s7+$0x8170] =	vst v2;
	v0 =	vadd.f32 v14, v0;
	v16, _, _ =	vpop (xrf2);
	v2 =	vbroadcast v2, $0xF;
	(xrf2) =	vadd.scan.msk.f32 $0xffff, v59  }
0x307: {  	v19 =	vld [tilespmem:s7+$0x82C0];
	[tilespmem:s7+$0x81F0] =	vst v3;
	v1 =	vadd.f32 v16, v1;
	v18, _, _ =	vpop (xrf2);
	v3 =	vbroadcast v3, $0xF;
	(xrf2) =	vadd.scan.msk.f32 $0xffff, v61  }
0x308: {  	v21 =	vld [tilespmem:s7+$0x8340];
	[tilespmem:s7+$0x8200] =	vst v0;
	v2 =	vadd.f32 v18, v2;
	v20, _, _ =	vpop (xrf2);
	v0 =	vbroadcast v0, $0xF;
	(xrf2) =	vadd.scan.msk.f32 $0xffff, v63  }
0x309: {  	v23 =	vld [tilespmem:s7+$0x83C0];
	[tilespmem:s7+$0x8280] =	vst v1;
	v3 =	vadd.f32 v20, v3;
	v22, _, _ =	vpop (xrf2);
	v1 =	vbroadcast v1, $0xF;
	(xrf2) =	vadd.scan.msk.f32 $0xffff, v13  }
0x30a: {  	v25 =	vld [tilespmem:s7+$0x8250];
	[tilespmem:s7+$0x8300] =	vst v2;
	v0 =	vadd.f32 v22, v0;
	v24, _, _ =	vpop (xrf2);
	v2 =	vbroadcast v2, $0xF;
	(xrf2) =	vadd.scan.msk.f32 $0xffff, v15  }
0x30b: {  	v27 =	vld [tilespmem:s7+$0x82D0];
	[tilespmem:s7+$0x8380] =	vst v3;
	v1 =	vadd.f32 v24, v1;
	v26, _, _ =	vpop (xrf2);
	v3 =	vbroadcast v3, $0xF;
	(xrf2) =	vadd.scan.msk.f32 $0xffff, v17  }
0x30c: {  	v29 =	vld [tilespmem:s7+$0x8350];
	[tilespmem:s7+$0x8210] =	vst v0;
	v2 =	vadd.f32 v26, v2;
	v28, _, _ =	vpop (xrf2);
	v0 =	vbroadcast v0, $0xF;
	(xrf2) =	vadd.scan.msk.f32 $0xffff, v19  }
0x30d: {  	v31 =	vld [tilespmem:s7+$0x83D0];
	[tilespmem:s7+$0x8290] =	vst v1;
	v3 =	vadd.f32 v28, v3;
	v30, _, _ =	vpop (xrf2);
	v1 =	vbroadcast v1, $0xF;
	(xrf2) =	vadd.scan.msk.f32 $0xffff, v21  }
0x30e: {  	v33 =	vld [tilespmem:s7+$0x8260];
	[tilespmem:s7+$0x8310] =	vst v2;
	v0 =	vadd.f32 v30, v0;
	v32, _, _ =	vpop (xrf2);
	v2 =	vbroadcast v2, $0xF;
	(xrf2) =	vadd.scan.msk.f32 $0xffff, v23  }
0x30f: {  	v35 =	vld [tilespmem:s7+$0x82E0];
	[tilespmem:s7+$0x8390] =	vst v3;
	v1 =	vadd.f32 v32, v1;
	v34, _, _ =	vpop (xrf2);
	v3 =	vbroadcast v3, $0xF;
	(xrf2) =	vadd.scan.msk.f32 $0xffff, v25  }
0x310: {  	v37 =	vld [tilespmem:s7+$0x8360];
	[tilespmem:s7+$0x8220] =	vst v0;
	v2 =	vadd.f32 v34, v2;
	v36, _, _ =	vpop (xrf2);
	v0 =	vbroadcast v0, $0xF;
	(xrf2) =	vadd.scan.msk.f32 $0xffff, v27  }
0x311: {  	v39 =	vld [tilespmem:s7+$0x83E0];
	[tilespmem:s7+$0x82A0] =	vst v1;
	v3 =	vadd.f32 v36, v3;
	v38, _, _ =	vpop (xrf2);
	v1 =	vbroadcast v1, $0xF;
	(xrf2) =	vadd.scan.msk.f32 $0xffff, v29  }
0x312: {  	v41 =	vld [tilespmem:s7+$0x8270];
	[tilespmem:s7+$0x8320] =	vst v2;
	v0 =	vadd.f32 v38, v0;
	v40, _, _ =	vpop (xrf2);
	v2 =	vbroadcast v2, $0xF;
	(xrf2) =	vadd.scan.msk.f32 $0xffff, v31  }
0x313: {  	v43 =	vld [tilespmem:s7+$0x82F0];
	[tilespmem:s7+$0x83A0] =	vst v3;
	v1 =	vadd.f32 v40, v1;
	v42, _, _ =	vpop (xrf2);
	v3 =	vbroadcast v3, $0xF;
	(xrf2) =	vadd.scan.msk.f32 $0xffff, v33  }
0x314: {  	v45 =	vld [tilespmem:s7+$0x8370];
	[tilespmem:s7+$0x8230] =	vst v0;
	v2 =	vadd.f32 v42, v2;
	v44, _, _ =	vpop (xrf2);
	v0 =	vbroadcast v0, $0xF;
	(xrf2) =	vadd.scan.msk.f32 $0xffff, v35  }
0x315: {  	v47 =	vld [tilespmem:s7+$0x83F0];
	[tilespmem:s7+$0x82B0] =	vst v1;
	v3 =	vadd.f32 v44, v3;
	v46, _, _ =	vpop (xrf2);
	v1 =	vbroadcast v1, $0xF;
	(xrf2) =	vadd.scan.msk.f32 $0xffff, v37  }
0x316: {  	v49 =	vld [tilespmem:s7+$0x8400];
	[tilespmem:s7+$0x8330] =	vst v2;
	v0 =	vadd.f32 v46, v0;
	v48, _, _ =	vpop (xrf2);
	v2 =	vbroadcast v2, $0xF;
	(xrf2) =	vadd.scan.msk.f32 $0xffff, v39  }
0x317: {  	v51 =	vld [tilespmem:s7+$0x8480];
	[tilespmem:s7+$0x83B0] =	vst v3;
	v1 =	vadd.f32 v48, v1;
	v50, _, _ =	vpop (xrf2);
	v3 =	vbroadcast v3, $0xF;
	(xrf2) =	vadd.scan.msk.f32 $0xffff, v41  }
0x318: {  	v53 =	vld [tilespmem:s7+$0x8500];
	[tilespmem:s7+$0x8240] =	vst v0;
	v2 =	vadd.f32 v50, v2;
	v52, _, _ =	vpop (xrf2);
	v0 =	vbroadcast v0, $0xF;
	(xrf2) =	vadd.scan.msk.f32 $0xffff, v43  }
0x319: {  	v55 =	vld [tilespmem:s7+$0x8580];
	[tilespmem:s7+$0x82C0] =	vst v1;
	v3 =	vadd.f32 v52, v3;
	v54, _, _ =	vpop (xrf2);
	v1 =	vbroadcast v1, $0xF;
	(xrf2) =	vadd.scan.msk.f32 $0xffff, v45  }
0x31a: {  	v57 =	vld [tilespmem:s7+$0x8410];
	[tilespmem:s7+$0x8340] =	vst v2;
	v0 =	vadd.f32 v54, v0;
	v56, _, _ =	vpop (xrf2);
	v2 =	vbroadcast v2, $0xF;
	(xrf2) =	vadd.scan.msk.f32 $0xffff, v47  }
0x31b: {  	v59 =	vld [tilespmem:s7+$0x8490];
	[tilespmem:s7+$0x83C0] =	vst v3;
	v1 =	vadd.f32 v56, v1;
	v58, _, _ =	vpop (xrf2);
	v3 =	vbroadcast v3, $0xF;
	(xrf2) =	vadd.scan.msk.f32 $0xffff, v49  }
0x31c: {  	v61 =	vld [tilespmem:s7+$0x8510];
	[tilespmem:s7+$0x8250] =	vst v0;
	v2 =	vadd.f32 v58, v2;
	v60, _, _ =	vpop (xrf2);
	v0 =	vbroadcast v0, $0xF;
	(xrf2) =	vadd.scan.msk.f32 $0xffff, v51  }
0x31d: {  	v63 =	vld [tilespmem:s7+$0x8590];
	[tilespmem:s7+$0x82D0] =	vst v1;
	v3 =	vadd.f32 v60, v3;
	v62, _, _ =	vpop (xrf2);
	v1 =	vbroadcast v1, $0xF;
	(xrf2) =	vadd.scan.msk.f32 $0xffff, v53  }
0x31e: {  	v13 =	vld [tilespmem:s7+$0x8420];
	[tilespmem:s7+$0x8350] =	vst v2;
	v0 =	vadd.f32 v62, v0;
	v12, _, _ =	vpop (xrf2);
	v2 =	vbroadcast v2, $0xF;
	(xrf2) =	vadd.scan.msk.f32 $0xffff, v55  }
0x31f: {  	v15 =	vld [tilespmem:s7+$0x84A0];
	[tilespmem:s7+$0x83D0] =	vst v3;
	v1 =	vadd.f32 v12, v1;
	v14, _, _ =	vpop (xrf2);
	v3 =	vbroadcast v3, $0xF;
	(xrf2) =	vadd.scan.msk.f32 $0xffff, v57  }
0x320: {  	v17 =	vld [tilespmem:s7+$0x8520];
	[tilespmem:s7+$0x8260] =	vst v0;
	v2 =	vadd.f32 v14, v2;
	v16, _, _ =	vpop (xrf2);
	v0 =	vbroadcast v0, $0xF;
	(xrf2) =	vadd.scan.msk.f32 $0xffff, v59  }
0x321: {  	v19 =	vld [tilespmem:s7+$0x85A0];
	[tilespmem:s7+$0x82E0] =	vst v1;
	v3 =	vadd.f32 v16, v3;
	v18, _, _ =	vpop (xrf2);
	v1 =	vbroadcast v1, $0xF;
	(xrf2) =	vadd.scan.msk.f32 $0xffff, v61  }
0x322: {  	v21 =	vld [tilespmem:s7+$0x8430];
	[tilespmem:s7+$0x8360] =	vst v2;
	v0 =	vadd.f32 v18, v0;
	v20, _, _ =	vpop (xrf2);
	v2 =	vbroadcast v2, $0xF;
	(xrf2) =	vadd.scan.msk.f32 $0xffff, v63  }
0x323: {  	v23 =	vld [tilespmem:s7+$0x84B0];
	[tilespmem:s7+$0x83E0] =	vst v3;
	v1 =	vadd.f32 v20, v1;
	v22, _, _ =	vpop (xrf2);
	v3 =	vbroadcast v3, $0xF;
	(xrf2) =	vadd.scan.msk.f32 $0xffff, v13  }
0x324: {  	v25 =	vld [tilespmem:s7+$0x8530];
	[tilespmem:s7+$0x8270] =	vst v0;
	v2 =	vadd.f32 v22, v2;
	v24, _, _ =	vpop (xrf2);
	v0 =	vbroadcast v0, $0xF;
	(xrf2) =	vadd.scan.msk.f32 $0xffff, v15  }
0x325: {  	v27 =	vld [tilespmem:s7+$0x85B0];
	[tilespmem:s7+$0x82F0] =	vst v1;
	v3 =	vadd.f32 v24, v3;
	v26, _, _ =	vpop (xrf2);
	v1 =	vbroadcast v1, $0xF;
	(xrf2) =	vadd.scan.msk.f32 $0xffff, v17  }
0x326: {  	v29 =	vld [tilespmem:s7+$0x8440];
	[tilespmem:s7+$0x8370] =	vst v2;
	v0 =	vadd.f32 v26, v0;
	v28, _, _ =	vpop (xrf2);
	v2 =	vbroadcast v2, $0xF;
	(xrf2) =	vadd.scan.msk.f32 $0xffff, v19  }
0x327: {  	v31 =	vld [tilespmem:s7+$0x84C0];
	[tilespmem:s7+$0x83F0] =	vst v3;
	v1 =	vadd.f32 v28, v1;
	v30, _, _ =	vpop (xrf2);
	v3 =	vbroadcast v3, $0xF;
	(xrf2) =	vadd.scan.msk.f32 $0xffff, v21  }
0x328: {  	v33 =	vld [tilespmem:s7+$0x8540];
	[tilespmem:s7+$0x8400] =	vst v0;
	v2 =	vadd.f32 v30, v2;
	v32, _, _ =	vpop (xrf2);
	v0 =	vbroadcast v0, $0xF;
	(xrf2) =	vadd.scan.msk.f32 $0xffff, v23  }
0x329: {  	v35 =	vld [tilespmem:s7+$0x85C0];
	[tilespmem:s7+$0x8480] =	vst v1;
	v3 =	vadd.f32 v32, v3;
	v34, _, _ =	vpop (xrf2);
	v1 =	vbroadcast v1, $0xF;
	(xrf2) =	vadd.scan.msk.f32 $0xffff, v25  }
0x32a: {  	v37 =	vld [tilespmem:s7+$0x8450];
	[tilespmem:s7+$0x8500] =	vst v2;
	v0 =	vadd.f32 v34, v0;
	v36, _, _ =	vpop (xrf2);
	v2 =	vbroadcast v2, $0xF;
	(xrf2) =	vadd.scan.msk.f32 $0xffff, v27  }
0x32b: {  	v39 =	vld [tilespmem:s7+$0x84D0];
	[tilespmem:s7+$0x8580] =	vst v3;
	v1 =	vadd.f32 v36, v1;
	v38, _, _ =	vpop (xrf2);
	v3 =	vbroadcast v3, $0xF;
	(xrf2) =	vadd.scan.msk.f32 $0xffff, v29  }
0x32c: {  	v41 =	vld [tilespmem:s7+$0x8550];
	[tilespmem:s7+$0x8410] =	vst v0;
	v2 =	vadd.f32 v38, v2;
	v40, _, _ =	vpop (xrf2);
	v0 =	vbroadcast v0, $0xF;
	(xrf2) =	vadd.scan.msk.f32 $0xffff, v31  }
0x32d: {  	v43 =	vld [tilespmem:s7+$0x85D0];
	[tilespmem:s7+$0x8490] =	vst v1;
	v3 =	vadd.f32 v40, v3;
	v42, _, _ =	vpop (xrf2);
	v1 =	vbroadcast v1, $0xF;
	(xrf2) =	vadd.scan.msk.f32 $0xffff, v33  }
0x32e: {  	v45 =	vld [tilespmem:s7+$0x8460];
	[tilespmem:s7+$0x8510] =	vst v2;
	v0 =	vadd.f32 v42, v0;
	v44, _, _ =	vpop (xrf2);
	v2 =	vbroadcast v2, $0xF;
	(xrf2) =	vadd.scan.msk.f32 $0xffff, v35  }
0x32f: {  	v47 =	vld [tilespmem:s7+$0x84E0];
	[tilespmem:s7+$0x8590] =	vst v3;
	v1 =	vadd.f32 v44, v1;
	v46, _, _ =	vpop (xrf2);
	v3 =	vbroadcast v3, $0xF;
	(xrf2) =	vadd.scan.msk.f32 $0xffff, v37  }
0x330: {  	v49 =	vld [tilespmem:s7+$0x8560];
	[tilespmem:s7+$0x8420] =	vst v0;
	v2 =	vadd.f32 v46, v2;
	v48, _, _ =	vpop (xrf2);
	v0 =	vbroadcast v0, $0xF;
	(xrf2) =	vadd.scan.msk.f32 $0xffff, v39  }
0x331: {  	v51 =	vld [tilespmem:s7+$0x85E0];
	[tilespmem:s7+$0x84A0] =	vst v1;
	v3 =	vadd.f32 v48, v3;
	v50, _, _ =	vpop (xrf2);
	v1 =	vbroadcast v1, $0xF;
	(xrf2) =	vadd.scan.msk.f32 $0xffff, v41  }
0x332: {  	v53 =	vld [tilespmem:s7+$0x8470];
	[tilespmem:s7+$0x8520] =	vst v2;
	v0 =	vadd.f32 v50, v0;
	v52, _, _ =	vpop (xrf2);
	v2 =	vbroadcast v2, $0xF;
	(xrf2) =	vadd.scan.msk.f32 $0xffff, v43  }
0x333: {  	v55 =	vld [tilespmem:s7+$0x84F0];
	[tilespmem:s7+$0x85A0] =	vst v3;
	v1 =	vadd.f32 v52, v1;
	v54, _, _ =	vpop (xrf2);
	v3 =	vbroadcast v3, $0xF;
	(xrf2) =	vadd.scan.msk.f32 $0xffff, v45  }
0x334: {  	v57 =	vld [tilespmem:s7+$0x8570];
	[tilespmem:s7+$0x8430] =	vst v0;
	v2 =	vadd.f32 v54, v2;
	v56, _, _ =	vpop (xrf2);
	v0 =	vbroadcast v0, $0xF;
	(xrf2) =	vadd.scan.msk.f32 $0xffff, v47  }
0x335: {  	v59 =	vld [tilespmem:s7+$0x85F0];
	[tilespmem:s7+$0x84B0] =	vst v1;
	v3 =	vadd.f32 v56, v3;
	v58, _, _ =	vpop (xrf2);
	v1 =	vbroadcast v1, $0xF;
	(xrf2) =	vadd.scan.msk.f32 $0xffff, v49  }
0x336: {  	v61 =	vld [tilespmem:s7+$0x8600];
	[tilespmem:s7+$0x8530] =	vst v2;
	v0 =	vadd.f32 v58, v0;
	v60, _, _ =	vpop (xrf2);
	v2 =	vbroadcast v2, $0xF;
	(xrf2) =	vadd.scan.msk.f32 $0xffff, v51  }
0x337: {  	v63 =	vld [tilespmem:s7+$0x8680];
	[tilespmem:s7+$0x85B0] =	vst v3;
	v1 =	vadd.f32 v60, v1;
	v62, _, _ =	vpop (xrf2);
	v3 =	vbroadcast v3, $0xF;
	(xrf2) =	vadd.scan.msk.f32 $0xffff, v53  }
0x338: {  	v13 =	vld [tilespmem:s7+$0x8700];
	[tilespmem:s7+$0x8440] =	vst v0;
	v2 =	vadd.f32 v62, v2;
	v12, _, _ =	vpop (xrf2);
	v0 =	vbroadcast v0, $0xF;
	(xrf2) =	vadd.scan.msk.f32 $0xffff, v55  }
0x339: {  	v15 =	vld [tilespmem:s7+$0x8780];
	[tilespmem:s7+$0x84C0] =	vst v1;
	v3 =	vadd.f32 v12, v3;
	v14, _, _ =	vpop (xrf2);
	v1 =	vbroadcast v1, $0xF;
	(xrf2) =	vadd.scan.msk.f32 $0xffff, v57  }
0x33a: {  	v17 =	vld [tilespmem:s7+$0x8610];
	[tilespmem:s7+$0x8540] =	vst v2;
	v0 =	vadd.f32 v14, v0;
	v16, _, _ =	vpop (xrf2);
	v2 =	vbroadcast v2, $0xF;
	(xrf2) =	vadd.scan.msk.f32 $0xffff, v59  }
0x33b: {  	v19 =	vld [tilespmem:s7+$0x8690];
	[tilespmem:s7+$0x85C0] =	vst v3;
	v1 =	vadd.f32 v16, v1;
	v18, _, _ =	vpop (xrf2);
	v3 =	vbroadcast v3, $0xF;
	(xrf2) =	vadd.scan.msk.f32 $0xffff, v61  }
0x33c: {  	v21 =	vld [tilespmem:s7+$0x8710];
	[tilespmem:s7+$0x8450] =	vst v0;
	v2 =	vadd.f32 v18, v2;
	v20, _, _ =	vpop (xrf2);
	v0 =	vbroadcast v0, $0xF;
	(xrf2) =	vadd.scan.msk.f32 $0xffff, v63  }
0x33d: {  	v23 =	vld [tilespmem:s7+$0x8790];
	[tilespmem:s7+$0x84D0] =	vst v1;
	v3 =	vadd.f32 v20, v3;
	v22, _, _ =	vpop (xrf2);
	v1 =	vbroadcast v1, $0xF;
	(xrf2) =	vadd.scan.msk.f32 $0xffff, v13  }
0x33e: {  	v25 =	vld [tilespmem:s7+$0x8620];
	[tilespmem:s7+$0x8550] =	vst v2;
	v0 =	vadd.f32 v22, v0;
	v24, _, _ =	vpop (xrf2);
	v2 =	vbroadcast v2, $0xF;
	(xrf2) =	vadd.scan.msk.f32 $0xffff, v15  }
0x33f: {  	v27 =	vld [tilespmem:s7+$0x86A0];
	[tilespmem:s7+$0x85D0] =	vst v3;
	v1 =	vadd.f32 v24, v1;
	v26, _, _ =	vpop (xrf2);
	v3 =	vbroadcast v3, $0xF;
	(xrf2) =	vadd.scan.msk.f32 $0xffff, v17  }
0x340: {  	v29 =	vld [tilespmem:s7+$0x8720];
	[tilespmem:s7+$0x8460] =	vst v0;
	v2 =	vadd.f32 v26, v2;
	v28, _, _ =	vpop (xrf2);
	v0 =	vbroadcast v0, $0xF;
	(xrf2) =	vadd.scan.msk.f32 $0xffff, v19  }
0x341: {  	v31 =	vld [tilespmem:s7+$0x87A0];
	[tilespmem:s7+$0x84E0] =	vst v1;
	v3 =	vadd.f32 v28, v3;
	v30, _, _ =	vpop (xrf2);
	v1 =	vbroadcast v1, $0xF;
	(xrf2) =	vadd.scan.msk.f32 $0xffff, v21  }
0x342: {  	v33 =	vld [tilespmem:s7+$0x8630];
	[tilespmem:s7+$0x8560] =	vst v2;
	v0 =	vadd.f32 v30, v0;
	v32, _, _ =	vpop (xrf2);
	v2 =	vbroadcast v2, $0xF;
	(xrf2) =	vadd.scan.msk.f32 $0xffff, v23  }
0x343: {  	v35 =	vld [tilespmem:s7+$0x86B0];
	[tilespmem:s7+$0x85E0] =	vst v3;
	v1 =	vadd.f32 v32, v1;
	v34, _, _ =	vpop (xrf2);
	v3 =	vbroadcast v3, $0xF;
	(xrf2) =	vadd.scan.msk.f32 $0xffff, v25  }
0x344: {  	v37 =	vld [tilespmem:s7+$0x8730];
	[tilespmem:s7+$0x8470] =	vst v0;
	v2 =	vadd.f32 v34, v2;
	v36, _, _ =	vpop (xrf2);
	v0 =	vbroadcast v0, $0xF;
	(xrf2) =	vadd.scan.msk.f32 $0xffff, v27  }
0x345: {  	v39 =	vld [tilespmem:s7+$0x87B0];
	[tilespmem:s7+$0x84F0] =	vst v1;
	v3 =	vadd.f32 v36, v3;
	v38, _, _ =	vpop (xrf2);
	v1 =	vbroadcast v1, $0xF;
	(xrf2) =	vadd.scan.msk.f32 $0xffff, v29  }
0x346: {  	v41 =	vld [tilespmem:s7+$0x8640];
	[tilespmem:s7+$0x8570] =	vst v2;
	v0 =	vadd.f32 v38, v0;
	v40, _, _ =	vpop (xrf2);
	v2 =	vbroadcast v2, $0xF;
	(xrf2) =	vadd.scan.msk.f32 $0xffff, v31  }
0x347: {  	v43 =	vld [tilespmem:s7+$0x86C0];
	[tilespmem:s7+$0x85F0] =	vst v3;
	v1 =	vadd.f32 v40, v1;
	v42, _, _ =	vpop (xrf2);
	v3 =	vbroadcast v3, $0xF;
	(xrf2) =	vadd.scan.msk.f32 $0xffff, v33  }
0x348: {  	v45 =	vld [tilespmem:s7+$0x8740];
	[tilespmem:s7+$0x8600] =	vst v0;
	v2 =	vadd.f32 v42, v2;
	v44, _, _ =	vpop (xrf2);
	v0 =	vbroadcast v0, $0xF;
	(xrf2) =	vadd.scan.msk.f32 $0xffff, v35  }
0x349: {  	v47 =	vld [tilespmem:s7+$0x87C0];
	[tilespmem:s7+$0x8680] =	vst v1;
	v3 =	vadd.f32 v44, v3;
	v46, _, _ =	vpop (xrf2);
	v1 =	vbroadcast v1, $0xF;
	(xrf2) =	vadd.scan.msk.f32 $0xffff, v37  }
0x34a: {  	v49 =	vld [tilespmem:s7+$0x8650];
	[tilespmem:s7+$0x8700] =	vst v2;
	v0 =	vadd.f32 v46, v0;
	v48, _, _ =	vpop (xrf2);
	v2 =	vbroadcast v2, $0xF;
	(xrf2) =	vadd.scan.msk.f32 $0xffff, v39  }
0x34b: {  	v51 =	vld [tilespmem:s7+$0x86D0];
	[tilespmem:s7+$0x8780] =	vst v3;
	v1 =	vadd.f32 v48, v1;
	v50, _, _ =	vpop (xrf2);
	v3 =	vbroadcast v3, $0xF;
	(xrf2) =	vadd.scan.msk.f32 $0xffff, v41  }
0x34c: {  	v53 =	vld [tilespmem:s7+$0x8750];
	[tilespmem:s7+$0x8610] =	vst v0;
	v2 =	vadd.f32 v50, v2;
	v52, _, _ =	vpop (xrf2);
	v0 =	vbroadcast v0, $0xF;
	(xrf2) =	vadd.scan.msk.f32 $0xffff, v43  }
0x34d: {  	v55 =	vld [tilespmem:s7+$0x87D0];
	[tilespmem:s7+$0x8690] =	vst v1;
	v3 =	vadd.f32 v52, v3;
	v54, _, _ =	vpop (xrf2);
	v1 =	vbroadcast v1, $0xF;
	(xrf2) =	vadd.scan.msk.f32 $0xffff, v45  }
0x34e: {  	v57 =	vld [tilespmem:s7+$0x8660];
	[tilespmem:s7+$0x8710] =	vst v2;
	v0 =	vadd.f32 v54, v0;
	v56, _, _ =	vpop (xrf2);
	v2 =	vbroadcast v2, $0xF;
	(xrf2) =	vadd.scan.msk.f32 $0xffff, v47  }
0x34f: {  	v59 =	vld [tilespmem:s7+$0x86E0];
	[tilespmem:s7+$0x8790] =	vst v3;
	v1 =	vadd.f32 v56, v1;
	v58, _, _ =	vpop (xrf2);
	v3 =	vbroadcast v3, $0xF;
	(xrf2) =	vadd.scan.msk.f32 $0xffff, v49  }
0x350: {  	v61 =	vld [tilespmem:s7+$0x8760];
	[tilespmem:s7+$0x8620] =	vst v0;
	v2 =	vadd.f32 v58, v2;
	v60, _, _ =	vpop (xrf2);
	v0 =	vbroadcast v0, $0xF;
	(xrf2) =	vadd.scan.msk.f32 $0xffff, v51  }
0x351: {  	v63 =	vld [tilespmem:s7+$0x87E0];
	[tilespmem:s7+$0x86A0] =	vst v1;
	v3 =	vadd.f32 v60, v3;
	v62, _, _ =	vpop (xrf2);
	v1 =	vbroadcast v1, $0xF;
	(xrf2) =	vadd.scan.msk.f32 $0xffff, v53  }
0x352: {  	v13 =	vld [tilespmem:s7+$0x8670];
	[tilespmem:s7+$0x8720] =	vst v2;
	v0 =	vadd.f32 v62, v0;
	v12, _, _ =	vpop (xrf2);
	v2 =	vbroadcast v2, $0xF;
	(xrf2) =	vadd.scan.msk.f32 $0xffff, v55  }
0x353: {  	v15 =	vld [tilespmem:s7+$0x86F0];
	[tilespmem:s7+$0x87A0] =	vst v3;
	v1 =	vadd.f32 v12, v1;
	v14, _, _ =	vpop (xrf2);
	v3 =	vbroadcast v3, $0xF;
	(xrf2) =	vadd.scan.msk.f32 $0xffff, v57  }
0x354: {  	v17 =	vld [tilespmem:s7+$0x8770];
	[tilespmem:s7+$0x8630] =	vst v0;
	v2 =	vadd.f32 v14, v2;
	v16, _, _ =	vpop (xrf2);
	v0 =	vbroadcast v0, $0xF;
	(xrf2) =	vadd.scan.msk.f32 $0xffff, v59  }
0x355: {  	v19 =	vld [tilespmem:s7+$0x87F0];
	[tilespmem:s7+$0x86B0] =	vst v1;
	v3 =	vadd.f32 v16, v3;
	v18, _, _ =	vpop (xrf2);
	v1 =	vbroadcast v1, $0xF;
	(xrf2) =	vadd.scan.msk.f32 $0xffff, v61  }
0x356: {  	v21 =	vld [tilespmem:s7+$0x8800];
	[tilespmem:s7+$0x8730] =	vst v2;
	v0 =	vadd.f32 v18, v0;
	v20, _, _ =	vpop (xrf2);
	v2 =	vbroadcast v2, $0xF;
	(xrf2) =	vadd.scan.msk.f32 $0xffff, v63  }
0x357: {  	v23 =	vld [tilespmem:s7+$0x8880];
	[tilespmem:s7+$0x87B0] =	vst v3;
	v1 =	vadd.f32 v20, v1;
	v22, _, _ =	vpop (xrf2);
	v3 =	vbroadcast v3, $0xF;
	(xrf2) =	vadd.scan.msk.f32 $0xffff, v13  }
0x358: {  	v25 =	vld [tilespmem:s7+$0x8900];
	[tilespmem:s7+$0x8640] =	vst v0;
	v2 =	vadd.f32 v22, v2;
	v24, _, _ =	vpop (xrf2);
	v0 =	vbroadcast v0, $0xF;
	(xrf2) =	vadd.scan.msk.f32 $0xffff, v15  }
0x359: {  	v27 =	vld [tilespmem:s7+$0x8980];
	[tilespmem:s7+$0x86C0] =	vst v1;
	v3 =	vadd.f32 v24, v3;
	v26, _, _ =	vpop (xrf2);
	v1 =	vbroadcast v1, $0xF;
	(xrf2) =	vadd.scan.msk.f32 $0xffff, v17  }
0x35a: {  	v29 =	vld [tilespmem:s7+$0x8810];
	[tilespmem:s7+$0x8740] =	vst v2;
	v0 =	vadd.f32 v26, v0;
	v28, _, _ =	vpop (xrf2);
	v2 =	vbroadcast v2, $0xF;
	(xrf2) =	vadd.scan.msk.f32 $0xffff, v19  }
0x35b: {  	[tilespmem:s7+$0x87C0] =	vst v3;
	v1 =	vadd.f32 v28, v1;
	v30, _, _ =	vpop (xrf2);
	v3 =	vbroadcast v3, $0xF;
	(xrf2) =	vadd.scan.msk.f32 $0xffff, v21  }
0x35c: {  	[tilespmem:s7+$0x8650] =	vst v0;
	v2 =	vadd.f32 v30, v2;
	v31, _, _ =	vpop (xrf2);
	v0 =	vbroadcast v0, $0xF;
	(xrf2) =	vadd.scan.msk.f32 $0xffff, v23  }
0x35d: {  	[tilespmem:s7+$0x86D0] =	vst v1;
	v3 =	vadd.f32 v31, v3;
	v32, _, _ =	vpop (xrf2);
	v1 =	vbroadcast v1, $0xF;
	(xrf2) =	vadd.scan.msk.f32 $0xffff, v25  }
0x35e: {  	[tilespmem:s7+$0x8750] =	vst v2;
	v0 =	vadd.f32 v32, v0;
	v33, _, _ =	vpop (xrf2);
	v2 =	vbroadcast v2, $0xF;
	(xrf2) =	vadd.scan.msk.f32 $0xffff, v27  }
0x35f: {  	[tilespmem:s7+$0x87D0] =	vst v3;
	v1 =	vadd.f32 v33, v1;
	v34, _, _ =	vpop (xrf2);
	v3 =	vbroadcast v3, $0xF;
	(xrf2) =	vadd.scan.msk.f32 $0xffff, v29  }
0x360: {  	[tilespmem:s7+$0x8660] =	vst v0;
	v2 =	vadd.f32 v34, v2;
	v35, _, _ =	vpop (xrf2);
	v0 =	vbroadcast v0, $0xF  }
0x361: {  	[tilespmem:s7+$0x86E0] =	vst v1;
	v3 =	vadd.f32 v35, v3;
	v36, _, _ =	vpop (xrf2);
	v1 =	vbroadcast v1, $0xF  }
0x362: {  	[tilespmem:s7+$0x8760] =	vst v2;
	v0 =	vadd.f32 v36, v0;
	v37, _, _ =	vpop (xrf2);
	v2 =	vbroadcast v2, $0xF  }
0x363: {  	[tilespmem:s7+$0x87E0] =	vst v3;
	v1 =	vadd.f32 v37, v1;
	v38, _, _ =	vpop (xrf2);
	v3 =	vbroadcast v3, $0xF  }
0x364: {  	[tilespmem:s7+$0x8670] =	vst v0;
	v2 =	vadd.f32 v38, v2;
	v39, _, _ =	vpop (xrf2);
	v0 =	vbroadcast v0, $0xF  }
0x365: {  	[tilespmem:s7+$0x86F0] =	vst v1;
	v3 =	vadd.f32 v39, v3;
	v40, _, _ =	vpop (xrf2);
	v1 =	vbroadcast v1, $0xF  }
0x366: {  	[tilespmem:s7+$0x8770] =	vst v2;
	v0 =	vadd.f32 v40, v0;
	v41, _, _ =	vpop (xrf2);
	v2 =	vbroadcast v2, $0xF  }
0x367: {  	[tilespmem:s7+$0x87F0] =	vst v3;
	v1 =	vadd.f32 v41, v1;
	v42, _, _ =	vpop (xrf2);
	v3 =	vbroadcast v3, $0xF  }
0x368: {  	[tilespmem:s7+$0x8800] =	vst v0;
	v2 =	vadd.f32 v42, v2;
	v43, _, _ =	vpop (xrf2);
	v0 =	vbroadcast v0, $0xF  }
0x369: {  	[tilespmem:s7+$0x8880] =	vst v1;
	v3 =	vadd.f32 v43, v3;
	v44, _, _ =	vpop (xrf2)  }
0x36a: {  	[tilespmem:s7+$0x8900] =	vst v2;
	v0 =	vadd.f32 v44, v0  }
0x36b: {  	[tilespmem:s7+$0x8980] =	vst v3  }
0x36c: {  	[tilespmem:s7+$0x8810] =	vst v0  }
0x36d: {  	v45 =	vld [tilespmem:s7+$0x8890]  }
0x36e: {  	v46 =	vld [tilespmem:s7+$0x8910]  }
0x36f: {  	v47 =	vld [tilespmem:s7+$0x8990]  }
0x370: {  	v48 =	vld [tilespmem:s7+$0x8820]  }
0x371: {  	v49 =	vld [tilespmem:s7+$0x88A0]  }
0x372: {  	v50 =	vld [tilespmem:s7+$0x8920];
	(xrf2) =	vadd.scan.msk.f32 $0xffff, v45  }
0x373: {  	v51 =	vld [tilespmem:s7+$0x89A0];
	(xrf2) =	vadd.scan.msk.f32 $0xffff, v46  }
0x374: {  	v52 =	vld [tilespmem:s7+$0x8830];
	(xrf2) =	vadd.scan.msk.f32 $0xffff, v47  }
0x375: {  	v53 =	vld [tilespmem:s7+$0x88B0];
	(xrf2) =	vadd.scan.msk.f32 $0xffff, v48  }
0x376: {  	v54 =	vld [tilespmem:s7+$0x8930];
	(xrf2) =	vadd.scan.msk.f32 $0xffff, v49  }
0x377: {  	v55 =	vld [tilespmem:s7+$0x89B0];
	(xrf2) =	vadd.scan.msk.f32 $0xffff, v50  }
0x378: {  	v56 =	vld [tilespmem:s7+$0x8840];
	(xrf2) =	vadd.scan.msk.f32 $0xffff, v51  }
0x379: {  	v57 =	vld [tilespmem:s7+$0x88C0];
	(xrf2) =	vadd.scan.msk.f32 $0xffff, v52  }
0x37a: {  	v58 =	vld [tilespmem:s7+$0x8940];
	(xrf2) =	vadd.scan.msk.f32 $0xffff, v53  }
0x37b: {  	v1 =	vbroadcast v1, $0xF;
	v59 =	vld [tilespmem:s7+$0x89C0];
	(xrf2) =	vadd.scan.msk.f32 $0xffff, v54  }
0x37c: {  	v2 =	vbroadcast v2, $0xF;
	v61 =	vld [tilespmem:s7+$0x8850];
	v60, _, _ =	vpop (xrf2);
	(xrf2) =	vadd.scan.msk.f32 $0xffff, v55  }
0x37d: {  	v3 =	vbroadcast v3, $0xF;
	v63 =	vld [tilespmem:s7+$0x88D0];
	v1 =	vadd.f32 v60, v1;
	v62, _, _ =	vpop (xrf2);
	(xrf2) =	vadd.scan.msk.f32 $0xffff, v56  }
0x37e: {  	v0 =	vbroadcast v0, $0xF;
	v16 =	vld [tilespmem:s7+$0x8950];
	v2 =	vadd.f32 v62, v2;
	v15, _, _ =	vpop (xrf2);
	(xrf2) =	vadd.scan.msk.f32 $0xffff, v57  }
0x37f: {  	v18 =	vld [tilespmem:s7+$0x89D0];
	v3 =	vadd.f32 v15, v3;
	v17, _, _ =	vpop (xrf2);
	v10 =	vbroadcast v1, $0xF;
	(xrf2) =	vadd.scan.msk.f32 $0xffff, v58  }
0x380: {  	v20 =	vld [tilespmem:s7+$0x8860];
	v0 =	vadd.f32 v17, v0;
	v19, _, _ =	vpop (xrf2);
	v11 =	vbroadcast v2, $0xF;
	(xrf2) =	vadd.scan.msk.f32 $0xffff, v59  }
0x381: {  	v22 =	vld [tilespmem:s7+$0x88E0];
	v9 =	vadd.f32 v19, v10;
	v21, _, _ =	vpop (xrf2);
	v12 =	vbroadcast v3, $0xF;
	(xrf2) =	vadd.scan.msk.f32 $0xffff, v61  }
0x382: {  	v24 =	vld [tilespmem:s7+$0x8960];
	v10 =	vadd.f32 v21, v11;
	v23, _, _ =	vpop (xrf2);
	v13 =	vbroadcast v0, $0xF;
	(xrf2) =	vadd.scan.msk.f32 $0xffff, v63  }
0x383: {  	v26 =	vld [tilespmem:s7+$0x89E0];
	v11 =	vadd.f32 v23, v12;
	v25, _, _ =	vpop (xrf2);
	v14 =	vbroadcast v9, $0xF;
	(xrf2) =	vadd.scan.msk.f32 $0xffff, v16  }
0x384: {  	v28 =	vld [tilespmem:s7+$0x8870];
	v12 =	vadd.f32 v25, v13;
	v27, _, _ =	vpop (xrf2);
	v15 =	vbroadcast v10, $0xF;
	(xrf2) =	vadd.scan.msk.f32 $0xffff, v18  }
0x385: {  	v30 =	vld [tilespmem:s7+$0x88F0];
	v13 =	vadd.f32 v27, v14;
	v29, _, _ =	vpop (xrf2);
	v16 =	vbroadcast v11, $0xF;
	(xrf2) =	vadd.scan.msk.f32 $0xffff, v20  }
0x386: {  	v32 =	vld [tilespmem:s7+$0x8970];
	v14 =	vadd.f32 v29, v15;
	v31, _, _ =	vpop (xrf2);
	v17 =	vbroadcast v12, $0xF;
	(xrf2) =	vadd.scan.msk.f32 $0xffff, v22  }
0x387: {  	v34 =	vld [tilespmem:s7+$0x89F0];
	v15 =	vadd.f32 v31, v16;
	v33, _, _ =	vpop (xrf2);
	v18 =	vbroadcast v13, $0xF;
	(xrf2) =	vadd.scan.msk.f32 $0xffff, v24  }
0x388: {  	v36 =	vld [tilespmem:s7+$0x8A00];
	v16 =	vadd.f32 v33, v17;
	v35, _, _ =	vpop (xrf2);
	v19 =	vbroadcast v14, $0xF;
	(xrf2) =	vadd.scan.msk.f32 $0xffff, v26  }
0x389: {  	v38 =	vld [tilespmem:s7+$0x8A80];
	v17 =	vadd.f32 v35, v18;
	v37, _, _ =	vpop (xrf2);
	v20 =	vbroadcast v15, $0xF;
	(xrf2) =	vadd.scan.msk.f32 $0xffff, v28  }
0x38a: {  	v40 =	vld [tilespmem:s7+$0x8B00];
	v18 =	vadd.f32 v37, v19;
	v39, _, _ =	vpop (xrf2);
	v21 =	vbroadcast v16, $0xF;
	(xrf2) =	vadd.scan.msk.f32 $0xffff, v30  }
0x38b: {  	v42 =	vld [tilespmem:s7+$0x8B80];
	v19 =	vadd.f32 v39, v20;
	v41, _, _ =	vpop (xrf2);
	v22 =	vbroadcast v17, $0xF;
	(xrf2) =	vadd.scan.msk.f32 $0xffff, v32  }
0x38c: {  	v44 =	vld [tilespmem:s7+$0x8A10];
	v20 =	vadd.f32 v41, v21;
	v43, _, _ =	vpop (xrf2);
	v23 =	vbroadcast v18, $0xF;
	(xrf2) =	vadd.scan.msk.f32 $0xffff, v34  }
0x38d: {  	v46 =	vld [tilespmem:s7+$0x8A90];
	v21 =	vadd.f32 v43, v22;
	v45, _, _ =	vpop (xrf2);
	v24 =	vbroadcast v19, $0xF;
	(xrf2) =	vadd.scan.msk.f32 $0xffff, v36  }
0x38e: {  	v49 =	vld [tilespmem:s7+$0x8B10];
	[tilespmem:s7+$0x8890] =	vst v1;
	v1 =	vadd.f32 v45, v23;
	v47, _, _ =	vpop (xrf2);
	v48 =	vbroadcast v20, $0xF;
	(xrf2) =	vadd.scan.msk.f32 $0xffff, v38  }
0x38f: {  	v52 =	vld [tilespmem:s7+$0x8B90];
	[tilespmem:s7+$0x8910] =	vst v2;
	v2 =	vadd.f32 v47, v24;
	v50, _, _ =	vpop (xrf2);
	v51 =	vbroadcast v21, $0xF;
	(xrf2) =	vadd.scan.msk.f32 $0xffff, v40  }
0x390: {  	v55 =	vld [tilespmem:s7+$0x8A20];
	[tilespmem:s7+$0x8990] =	vst v3;
	v3 =	vadd.f32 v50, v48;
	v53, _, _ =	vpop (xrf2);
	v54 =	vbroadcast v1, $0xF;
	(xrf2) =	vadd.scan.msk.f32 $0xffff, v42  }
0x391: {  	v58 =	vld [tilespmem:s7+$0x8AA0];
	[tilespmem:s7+$0x8820] =	vst v0;
	v0 =	vadd.f32 v53, v51;
	v56, _, _ =	vpop (xrf2);
	v57 =	vbroadcast v2, $0xF;
	(xrf2) =	vadd.scan.msk.f32 $0xffff, v44  }
0x392: {  	v61 =	vld [tilespmem:s7+$0x8B20];
	[tilespmem:s7+$0x88A0] =	vst v9;
	v9 =	vadd.f32 v56, v54;
	v59, _, _ =	vpop (xrf2);
	v60 =	vbroadcast v3, $0xF;
	(xrf2) =	vadd.scan.msk.f32 $0xffff, v46  }
0x393: {  	[tilespmem:s7+$0x8920] =	vst v10;
	v28 =	vld [tilespmem:s7+$0x8BA0];
	v10 =	vadd.f32 v59, v57;
	v62, _, _ =	vpop (xrf2);
	v63 =	vbroadcast v0, $0xF;
	(xrf2) =	vadd.scan.msk.f32 $0xffff, v49  }
0x394: {  	[tilespmem:s7+$0x89A0] =	vst v11;
	v31 =	vld [tilespmem:s7+$0x8A30];
	v11 =	vadd.f32 v62, v60;
	v29, _, _ =	vpop (xrf2);
	v30 =	vbroadcast v9, $0xF;
	(xrf2) =	vadd.scan.msk.f32 $0xffff, v52  }
0x395: {  	[tilespmem:s7+$0x8830] =	vst v12;
	v34 =	vld [tilespmem:s7+$0x8AB0];
	v12 =	vadd.f32 v29, v63;
	v32, _, _ =	vpop (xrf2);
	v33 =	vbroadcast v10, $0xF;
	(xrf2) =	vadd.scan.msk.f32 $0xffff, v55  }
0x396: {  	[tilespmem:s7+$0x88B0] =	vst v13;
	v37 =	vld [tilespmem:s7+$0x8B30];
	v13 =	vadd.f32 v32, v30;
	v35, _, _ =	vpop (xrf2);
	v36 =	vbroadcast v11, $0xF;
	(xrf2) =	vadd.scan.msk.f32 $0xffff, v58  }
0x397: {  	[tilespmem:s7+$0x8930] =	vst v14;
	v40 =	vld [tilespmem:s7+$0x8BB0];
	v14 =	vadd.f32 v35, v33;
	v38, _, _ =	vpop (xrf2);
	v39 =	vbroadcast v12, $0xF;
	(xrf2) =	vadd.scan.msk.f32 $0xffff, v61  }
0x398: {  	[tilespmem:s7+$0x89B0] =	vst v15;
	v43 =	vld [tilespmem:s7+$0x8A40];
	v15 =	vadd.f32 v38, v36;
	v41, _, _ =	vpop (xrf2);
	v42 =	vbroadcast v13, $0xF;
	(xrf2) =	vadd.scan.msk.f32 $0xffff, v28  }
0x399: {  	[tilespmem:s7+$0x8840] =	vst v16;
	v46 =	vld [tilespmem:s7+$0x8AC0];
	v16 =	vadd.f32 v41, v39;
	v44, _, _ =	vpop (xrf2);
	v45 =	vbroadcast v14, $0xF;
	(xrf2) =	vadd.scan.msk.f32 $0xffff, v31  }
0x39a: {  	[tilespmem:s7+$0x88C0] =	vst v17;
	v49 =	vld [tilespmem:s7+$0x8B40];
	v17 =	vadd.f32 v44, v42;
	v47, _, _ =	vpop (xrf2);
	v48 =	vbroadcast v15, $0xF;
	(xrf2) =	vadd.scan.msk.f32 $0xffff, v34  }
0x39b: {  	[tilespmem:s7+$0x8940] =	vst v18;
	v52 =	vld [tilespmem:s7+$0x8BC0];
	v18 =	vadd.f32 v47, v45;
	v50, _, _ =	vpop (xrf2);
	v51 =	vbroadcast v16, $0xF;
	(xrf2) =	vadd.scan.msk.f32 $0xffff, v37  }
0x39c: {  	[tilespmem:s7+$0x89C0] =	vst v19;
	v55 =	vld [tilespmem:s7+$0x8A50];
	v19 =	vadd.f32 v50, v48;
	v53, _, _ =	vpop (xrf2);
	v54 =	vbroadcast v17, $0xF;
	(xrf2) =	vadd.scan.msk.f32 $0xffff, v40  }
0x39d: {  	[tilespmem:s7+$0x8850] =	vst v20;
	v58 =	vld [tilespmem:s7+$0x8AD0];
	v20 =	vadd.f32 v53, v51;
	v56, _, _ =	vpop (xrf2);
	v57 =	vbroadcast v18, $0xF;
	(xrf2) =	vadd.scan.msk.f32 $0xffff, v43  }
0x39e: {  	[tilespmem:s7+$0x88D0] =	vst v21;
	v61 =	vld [tilespmem:s7+$0x8B50];
	v21 =	vadd.f32 v56, v54;
	v59, _, _ =	vpop (xrf2);
	v60 =	vbroadcast v19, $0xF;
	(xrf2) =	vadd.scan.msk.f32 $0xffff, v46  }
0x39f: {  	[tilespmem:s7+$0x8950] =	vst v1;
	v28 =	vld [tilespmem:s7+$0x8BD0];
	v1 =	vadd.f32 v59, v57;
	v62, _, _ =	vpop (xrf2);
	v63 =	vbroadcast v20, $0xF;
	(xrf2) =	vadd.scan.msk.f32 $0xffff, v49  }
0x3a0: {  	[tilespmem:s7+$0x89D0] =	vst v2;
	v31 =	vld [tilespmem:s7+$0x8A60];
	v2 =	vadd.f32 v62, v60;
	v29, _, _ =	vpop (xrf2);
	v30 =	vbroadcast v21, $0xF;
	(xrf2) =	vadd.scan.msk.f32 $0xffff, v52  }
0x3a1: {  	[tilespmem:s7+$0x8860] =	vst v3;
	v34 =	vld [tilespmem:s7+$0x8AE0];
	v3 =	vadd.f32 v29, v63;
	v32, _, _ =	vpop (xrf2);
	v33 =	vbroadcast v1, $0xF;
	(xrf2) =	vadd.scan.msk.f32 $0xffff, v55  }
0x3a2: {  	[tilespmem:s7+$0x88E0] =	vst v0;
	v37 =	vld [tilespmem:s7+$0x8B60];
	v0 =	vadd.f32 v32, v30;
	v35, _, _ =	vpop (xrf2);
	v36 =	vbroadcast v2, $0xF;
	(xrf2) =	vadd.scan.msk.f32 $0xffff, v58  }
0x3a3: {  	[tilespmem:s7+$0x8960] =	vst v9;
	v40 =	vld [tilespmem:s7+$0x8BE0];
	v9 =	vadd.f32 v35, v33;
	v38, _, _ =	vpop (xrf2);
	v39 =	vbroadcast v3, $0xF;
	(xrf2) =	vadd.scan.msk.f32 $0xffff, v61  }
0x3a4: {  	[tilespmem:s7+$0x89E0] =	vst v10;
	v43 =	vld [tilespmem:s7+$0x8A70];
	v10 =	vadd.f32 v38, v36;
	v41, _, _ =	vpop (xrf2);
	v42 =	vbroadcast v0, $0xF;
	(xrf2) =	vadd.scan.msk.f32 $0xffff, v28  }
0x3a5: {  	[tilespmem:s7+$0x8870] =	vst v11;
	v46 =	vld [tilespmem:s7+$0x8AF0];
	v11 =	vadd.f32 v41, v39;
	v44, _, _ =	vpop (xrf2);
	v45 =	vbroadcast v9, $0xF;
	(xrf2) =	vadd.scan.msk.f32 $0xffff, v31  }
0x3a6: {  	[tilespmem:s7+$0x88F0] =	vst v12;
	v49 =	vld [tilespmem:s7+$0x8B70];
	v12 =	vadd.f32 v44, v42;
	v47, _, _ =	vpop (xrf2);
	v48 =	vbroadcast v10, $0xF;
	(xrf2) =	vadd.scan.msk.f32 $0xffff, v34  }
0x3a7: {  	[tilespmem:s7+$0x8970] =	vst v13;
	v52 =	vld [tilespmem:s7+$0x8BF0];
	v13 =	vadd.f32 v47, v45;
	v50, _, _ =	vpop (xrf2);
	v51 =	vbroadcast v11, $0xF;
	(xrf2) =	vadd.scan.msk.f32 $0xffff, v37  }
0x3a8: {  	[tilespmem:s7+$0x89F0] =	vst v14;
	v55 =	vld [tilespmem:s7+$0x8C00];
	v14 =	vadd.f32 v50, v48;
	v53, _, _ =	vpop (xrf2);
	v54 =	vbroadcast v12, $0xF;
	(xrf2) =	vadd.scan.msk.f32 $0xffff, v40  }
0x3a9: {  	[tilespmem:s7+$0x8A00] =	vst v15;
	v58 =	vld [tilespmem:s7+$0x8C80];
	v15 =	vadd.f32 v53, v51;
	v56, _, _ =	vpop (xrf2);
	v57 =	vbroadcast v13, $0xF;
	(xrf2) =	vadd.scan.msk.f32 $0xffff, v43  }
0x3aa: {  	[tilespmem:s7+$0x8A80] =	vst v16;
	v61 =	vld [tilespmem:s7+$0x8D00];
	v16 =	vadd.f32 v56, v54;
	v59, _, _ =	vpop (xrf2);
	v60 =	vbroadcast v14, $0xF;
	(xrf2) =	vadd.scan.msk.f32 $0xffff, v46  }
0x3ab: {  	[tilespmem:s7+$0x8B00] =	vst v17;
	v28 =	vld [tilespmem:s7+$0x8D80];
	v17 =	vadd.f32 v59, v57;
	v62, _, _ =	vpop (xrf2);
	v63 =	vbroadcast v15, $0xF;
	(xrf2) =	vadd.scan.msk.f32 $0xffff, v49  }
0x3ac: {  	[tilespmem:s7+$0x8B80] =	vst v18;
	v31 =	vld [tilespmem:s7+$0x8C10];
	v18 =	vadd.f32 v62, v60;
	v29, _, _ =	vpop (xrf2);
	v30 =	vbroadcast v16, $0xF;
	(xrf2) =	vadd.scan.msk.f32 $0xffff, v52  }
0x3ad: {  	[tilespmem:s7+$0x8A10] =	vst v19;
	v34 =	vld [tilespmem:s7+$0x8C90];
	v19 =	vadd.f32 v29, v63;
	v32, _, _ =	vpop (xrf2);
	v33 =	vbroadcast v17, $0xF;
	(xrf2) =	vadd.scan.msk.f32 $0xffff, v55  }
0x3ae: {  	[tilespmem:s7+$0x8A90] =	vst v20;
	v37 =	vld [tilespmem:s7+$0x8D10];
	v20 =	vadd.f32 v32, v30;
	v35, _, _ =	vpop (xrf2);
	v36 =	vbroadcast v18, $0xF;
	(xrf2) =	vadd.scan.msk.f32 $0xffff, v58  }
0x3af: {  	[tilespmem:s7+$0x8B10] =	vst v21;
	v40 =	vld [tilespmem:s7+$0x8D90];
	v21 =	vadd.f32 v35, v33;
	v38, _, _ =	vpop (xrf2);
	v39 =	vbroadcast v19, $0xF;
	(xrf2) =	vadd.scan.msk.f32 $0xffff, v61  }
0x3b0: {  	[tilespmem:s7+$0x8B90] =	vst v1;
	v43 =	vld [tilespmem:s7+$0x8C20];
	v1 =	vadd.f32 v38, v36;
	v41, _, _ =	vpop (xrf2);
	v42 =	vbroadcast v20, $0xF;
	(xrf2) =	vadd.scan.msk.f32 $0xffff, v28  }
0x3b1: {  	[tilespmem:s7+$0x8A20] =	vst v2;
	v46 =	vld [tilespmem:s7+$0x8CA0];
	v2 =	vadd.f32 v41, v39;
	v44, _, _ =	vpop (xrf2);
	v45 =	vbroadcast v21, $0xF;
	(xrf2) =	vadd.scan.msk.f32 $0xffff, v31  }
0x3b2: {  	[tilespmem:s7+$0x8AA0] =	vst v3;
	v49 =	vld [tilespmem:s7+$0x8D20];
	v3 =	vadd.f32 v44, v42;
	v47, _, _ =	vpop (xrf2);
	v48 =	vbroadcast v1, $0xF;
	(xrf2) =	vadd.scan.msk.f32 $0xffff, v34  }
0x3b3: {  	[tilespmem:s7+$0x8B20] =	vst v0;
	v52 =	vld [tilespmem:s7+$0x8DA0];
	v0 =	vadd.f32 v47, v45;
	v50, _, _ =	vpop (xrf2);
	v51 =	vbroadcast v2, $0xF;
	(xrf2) =	vadd.scan.msk.f32 $0xffff, v37  }
0x3b4: {  	[tilespmem:s7+$0x8BA0] =	vst v9;
	v55 =	vld [tilespmem:s7+$0x8C30];
	v9 =	vadd.f32 v50, v48;
	v53, _, _ =	vpop (xrf2);
	v54 =	vbroadcast v3, $0xF;
	(xrf2) =	vadd.scan.msk.f32 $0xffff, v40  }
0x3b5: {  	[tilespmem:s7+$0x8A30] =	vst v10;
	v58 =	vld [tilespmem:s7+$0x8CB0];
	v10 =	vadd.f32 v53, v51;
	v56, _, _ =	vpop (xrf2);
	v57 =	vbroadcast v0, $0xF;
	(xrf2) =	vadd.scan.msk.f32 $0xffff, v43  }
0x3b6: {  	[tilespmem:s7+$0x8AB0] =	vst v11;
	v61 =	vld [tilespmem:s7+$0x8D30];
	v11 =	vadd.f32 v56, v54;
	v59, _, _ =	vpop (xrf2);
	v60 =	vbroadcast v9, $0xF;
	(xrf2) =	vadd.scan.msk.f32 $0xffff, v46  }
0x3b7: {  	[tilespmem:s7+$0x8B30] =	vst v12;
	v28 =	vld [tilespmem:s7+$0x8DB0];
	v12 =	vadd.f32 v59, v57;
	v62, _, _ =	vpop (xrf2);
	v63 =	vbroadcast v10, $0xF;
	(xrf2) =	vadd.scan.msk.f32 $0xffff, v49  }
0x3b8: {  	[tilespmem:s7+$0x8BB0] =	vst v13;
	v31 =	vld [tilespmem:s7+$0x8C40];
	v13 =	vadd.f32 v62, v60;
	v29, _, _ =	vpop (xrf2);
	v30 =	vbroadcast v11, $0xF;
	(xrf2) =	vadd.scan.msk.f32 $0xffff, v52  }
0x3b9: {  	[tilespmem:s7+$0x8A40] =	vst v14;
	v34 =	vld [tilespmem:s7+$0x8CC0];
	v14 =	vadd.f32 v29, v63;
	v32, _, _ =	vpop (xrf2);
	v33 =	vbroadcast v12, $0xF;
	(xrf2) =	vadd.scan.msk.f32 $0xffff, v55  }
0x3ba: {  	[tilespmem:s7+$0x8AC0] =	vst v15;
	v37 =	vld [tilespmem:s7+$0x8D40];
	v15 =	vadd.f32 v32, v30;
	v35, _, _ =	vpop (xrf2);
	v36 =	vbroadcast v13, $0xF;
	(xrf2) =	vadd.scan.msk.f32 $0xffff, v58  }
0x3bb: {  	[tilespmem:s7+$0x8B40] =	vst v16;
	v40 =	vld [tilespmem:s7+$0x8DC0];
	v16 =	vadd.f32 v35, v33;
	v38, _, _ =	vpop (xrf2);
	v39 =	vbroadcast v14, $0xF;
	(xrf2) =	vadd.scan.msk.f32 $0xffff, v61  }
0x3bc: {  	[tilespmem:s7+$0x8BC0] =	vst v17;
	v43 =	vld [tilespmem:s7+$0x8C50];
	v17 =	vadd.f32 v38, v36;
	v41, _, _ =	vpop (xrf2);
	v42 =	vbroadcast v15, $0xF;
	(xrf2) =	vadd.scan.msk.f32 $0xffff, v28  }
0x3bd: {  	[tilespmem:s7+$0x8A50] =	vst v18;
	v46 =	vld [tilespmem:s7+$0x8CD0];
	v18 =	vadd.f32 v41, v39;
	v44, _, _ =	vpop (xrf2);
	v45 =	vbroadcast v16, $0xF;
	(xrf2) =	vadd.scan.msk.f32 $0xffff, v31  }
0x3be: {  	[tilespmem:s7+$0x8AD0] =	vst v19;
	v49 =	vld [tilespmem:s7+$0x8D50];
	v19 =	vadd.f32 v44, v42;
	v47, _, _ =	vpop (xrf2);
	v48 =	vbroadcast v17, $0xF;
	(xrf2) =	vadd.scan.msk.f32 $0xffff, v34  }
0x3bf: {  	[tilespmem:s7+$0x8B50] =	vst v20;
	v52 =	vld [tilespmem:s7+$0x8DD0];
	v20 =	vadd.f32 v47, v45;
	v50, _, _ =	vpop (xrf2);
	v51 =	vbroadcast v18, $0xF;
	(xrf2) =	vadd.scan.msk.f32 $0xffff, v37  }
0x3c0: {  	[tilespmem:s7+$0x8BD0] =	vst v21;
	v55 =	vld [tilespmem:s7+$0x8C60];
	v21 =	vadd.f32 v50, v48;
	v53, _, _ =	vpop (xrf2);
	v54 =	vbroadcast v19, $0xF;
	(xrf2) =	vadd.scan.msk.f32 $0xffff, v40  }
0x3c1: {  	[tilespmem:s7+$0x8A60] =	vst v1;
	v58 =	vld [tilespmem:s7+$0x8CE0];
	v1 =	vadd.f32 v53, v51;
	v56, _, _ =	vpop (xrf2);
	v57 =	vbroadcast v20, $0xF;
	(xrf2) =	vadd.scan.msk.f32 $0xffff, v43  }
0x3c2: {  	[tilespmem:s7+$0x8AE0] =	vst v2;
	v61 =	vld [tilespmem:s7+$0x8D60];
	v2 =	vadd.f32 v56, v54;
	v59, _, _ =	vpop (xrf2);
	v60 =	vbroadcast v21, $0xF;
	(xrf2) =	vadd.scan.msk.f32 $0xffff, v46  }
0x3c3: {  	[tilespmem:s7+$0x8B60] =	vst v3;
	v28 =	vld [tilespmem:s7+$0x8DE0];
	v3 =	vadd.f32 v59, v57;
	v62, _, _ =	vpop (xrf2);
	v63 =	vbroadcast v1, $0xF;
	(xrf2) =	vadd.scan.msk.f32 $0xffff, v49  }
0x3c4: {  	[tilespmem:s7+$0x8BE0] =	vst v0;
	v31 =	vld [tilespmem:s7+$0x8C70];
	v0 =	vadd.f32 v62, v60;
	v29, _, _ =	vpop (xrf2);
	v30 =	vbroadcast v2, $0xF;
	(xrf2) =	vadd.scan.msk.f32 $0xffff, v52  }
0x3c5: {  	[tilespmem:s7+$0x8A70] =	vst v9;
	v34 =	vld [tilespmem:s7+$0x8CF0];
	v9 =	vadd.f32 v29, v63;
	v32, _, _ =	vpop (xrf2);
	v33 =	vbroadcast v3, $0xF;
	(xrf2) =	vadd.scan.msk.f32 $0xffff, v55  }
0x3c6: {  	[tilespmem:s7+$0x8AF0] =	vst v10;
	v37 =	vld [tilespmem:s7+$0x8D70];
	v10 =	vadd.f32 v32, v30;
	v35, _, _ =	vpop (xrf2);
	v36 =	vbroadcast v0, $0xF;
	(xrf2) =	vadd.scan.msk.f32 $0xffff, v58  }
0x3c7: {  	[tilespmem:s7+$0x8B70] =	vst v11;
	v40 =	vld [tilespmem:s7+$0x8DF0];
	v11 =	vadd.f32 v35, v33;
	v38, _, _ =	vpop (xrf2);
	v39 =	vbroadcast v9, $0xF;
	(xrf2) =	vadd.scan.msk.f32 $0xffff, v61  }
0x3c8: {  	[tilespmem:s7+$0x8BF0] =	vst v12;
	v43 =	vld [tilespmem:s7+$0x8E00];
	v12 =	vadd.f32 v38, v36;
	v41, _, _ =	vpop (xrf2);
	v42 =	vbroadcast v10, $0xF;
	(xrf2) =	vadd.scan.msk.f32 $0xffff, v28  }
0x3c9: {  	[tilespmem:s7+$0x8C00] =	vst v13;
	v46 =	vld [tilespmem:s7+$0x8E80];
	v13 =	vadd.f32 v41, v39;
	v44, _, _ =	vpop (xrf2);
	v45 =	vbroadcast v11, $0xF;
	(xrf2) =	vadd.scan.msk.f32 $0xffff, v31  }
0x3ca: {  	[tilespmem:s7+$0x8C80] =	vst v14;
	v49 =	vld [tilespmem:s7+$0x8F00];
	v14 =	vadd.f32 v44, v42;
	v47, _, _ =	vpop (xrf2);
	v48 =	vbroadcast v12, $0xF;
	(xrf2) =	vadd.scan.msk.f32 $0xffff, v34  }
0x3cb: {  	[tilespmem:s7+$0x8D00] =	vst v15;
	v52 =	vld [tilespmem:s7+$0x8F80];
	v15 =	vadd.f32 v47, v45;
	v50, _, _ =	vpop (xrf2);
	v51 =	vbroadcast v13, $0xF;
	(xrf2) =	vadd.scan.msk.f32 $0xffff, v37  }
0x3cc: {  	[tilespmem:s7+$0x8D80] =	vst v16;
	v55 =	vld [tilespmem:s7+$0x8E10];
	v16 =	vadd.f32 v50, v48;
	v53, _, _ =	vpop (xrf2);
	v54 =	vbroadcast v14, $0xF;
	(xrf2) =	vadd.scan.msk.f32 $0xffff, v40  }
0x3cd: {  	[tilespmem:s7+$0x8C10] =	vst v17;
	v58 =	vld [tilespmem:s7+$0x8E90];
	v17 =	vadd.f32 v53, v51;
	v56, _, _ =	vpop (xrf2);
	v57 =	vbroadcast v15, $0xF;
	(xrf2) =	vadd.scan.msk.f32 $0xffff, v43  }
0x3ce: {  	[tilespmem:s7+$0x8C90] =	vst v18;
	v61 =	vld [tilespmem:s7+$0x8F10];
	v18 =	vadd.f32 v56, v54;
	v59, _, _ =	vpop (xrf2);
	v60 =	vbroadcast v16, $0xF;
	(xrf2) =	vadd.scan.msk.f32 $0xffff, v46  }
0x3cf: {  	[tilespmem:s7+$0x8D10] =	vst v19;
	v28 =	vld [tilespmem:s7+$0x8F90];
	v19 =	vadd.f32 v59, v57;
	v62, _, _ =	vpop (xrf2);
	v63 =	vbroadcast v17, $0xF;
	(xrf2) =	vadd.scan.msk.f32 $0xffff, v49  }
0x3d0: {  	[tilespmem:s7+$0x8D90] =	vst v20;
	v31 =	vld [tilespmem:s7+$0x8E20];
	v20 =	vadd.f32 v62, v60;
	v29, _, _ =	vpop (xrf2);
	v30 =	vbroadcast v18, $0xF;
	(xrf2) =	vadd.scan.msk.f32 $0xffff, v52  }
0x3d1: {  	[tilespmem:s7+$0x8C20] =	vst v21;
	v34 =	vld [tilespmem:s7+$0x8EA0];
	v21 =	vadd.f32 v29, v63;
	v32, _, _ =	vpop (xrf2);
	v33 =	vbroadcast v19, $0xF;
	(xrf2) =	vadd.scan.msk.f32 $0xffff, v55  }
0x3d2: {  	[tilespmem:s7+$0x8CA0] =	vst v1;
	v37 =	vld [tilespmem:s7+$0x8F20];
	v1 =	vadd.f32 v32, v30;
	v35, _, _ =	vpop (xrf2);
	v36 =	vbroadcast v20, $0xF;
	(xrf2) =	vadd.scan.msk.f32 $0xffff, v58  }
0x3d3: {  	[tilespmem:s7+$0x8D20] =	vst v2;
	v40 =	vld [tilespmem:s7+$0x8FA0];
	v2 =	vadd.f32 v35, v33;
	v38, _, _ =	vpop (xrf2);
	v39 =	vbroadcast v21, $0xF;
	(xrf2) =	vadd.scan.msk.f32 $0xffff, v61  }
0x3d4: {  	[tilespmem:s7+$0x8DA0] =	vst v3;
	v43 =	vld [tilespmem:s7+$0x8E30];
	v3 =	vadd.f32 v38, v36;
	v41, _, _ =	vpop (xrf2);
	v42 =	vbroadcast v1, $0xF;
	(xrf2) =	vadd.scan.msk.f32 $0xffff, v28  }
0x3d5: {  	[tilespmem:s7+$0x8C30] =	vst v0;
	v46 =	vld [tilespmem:s7+$0x8EB0];
	v0 =	vadd.f32 v41, v39;
	v44, _, _ =	vpop (xrf2);
	v45 =	vbroadcast v2, $0xF;
	(xrf2) =	vadd.scan.msk.f32 $0xffff, v31  }
0x3d6: {  	[tilespmem:s7+$0x8CB0] =	vst v9;
	v49 =	vld [tilespmem:s7+$0x8F30];
	v9 =	vadd.f32 v44, v42;
	v47, _, _ =	vpop (xrf2);
	v48 =	vbroadcast v3, $0xF;
	(xrf2) =	vadd.scan.msk.f32 $0xffff, v34  }
0x3d7: {  	[tilespmem:s7+$0x8D30] =	vst v10;
	v52 =	vld [tilespmem:s7+$0x8FB0];
	v10 =	vadd.f32 v47, v45;
	v50, _, _ =	vpop (xrf2);
	v51 =	vbroadcast v0, $0xF;
	(xrf2) =	vadd.scan.msk.f32 $0xffff, v37  }
0x3d8: {  	[tilespmem:s7+$0x8DB0] =	vst v11;
	v55 =	vld [tilespmem:s7+$0x8E40];
	v11 =	vadd.f32 v50, v48;
	v53, _, _ =	vpop (xrf2);
	v54 =	vbroadcast v9, $0xF;
	(xrf2) =	vadd.scan.msk.f32 $0xffff, v40  }
0x3d9: {  	[tilespmem:s7+$0x8C40] =	vst v12;
	v58 =	vld [tilespmem:s7+$0x8EC0];
	v12 =	vadd.f32 v53, v51;
	v56, _, _ =	vpop (xrf2);
	v57 =	vbroadcast v10, $0xF;
	(xrf2) =	vadd.scan.msk.f32 $0xffff, v43  }
0x3da: {  	[tilespmem:s7+$0x8CC0] =	vst v13;
	v61 =	vld [tilespmem:s7+$0x8F40];
	v13 =	vadd.f32 v56, v54;
	v59, _, _ =	vpop (xrf2);
	v60 =	vbroadcast v11, $0xF;
	(xrf2) =	vadd.scan.msk.f32 $0xffff, v46  }
0x3db: {  	[tilespmem:s7+$0x8D40] =	vst v14;
	v28 =	vld [tilespmem:s7+$0x8FC0];
	v14 =	vadd.f32 v59, v57;
	v62, _, _ =	vpop (xrf2);
	v63 =	vbroadcast v12, $0xF;
	(xrf2) =	vadd.scan.msk.f32 $0xffff, v49  }
0x3dc: {  	[tilespmem:s7+$0x8DC0] =	vst v15;
	v31 =	vld [tilespmem:s7+$0x8E50];
	v15 =	vadd.f32 v62, v60;
	v29, _, _ =	vpop (xrf2);
	v30 =	vbroadcast v13, $0xF;
	(xrf2) =	vadd.scan.msk.f32 $0xffff, v52  }
0x3dd: {  	[tilespmem:s7+$0x8C50] =	vst v16;
	v34 =	vld [tilespmem:s7+$0x8ED0];
	v16 =	vadd.f32 v29, v63;
	v32, _, _ =	vpop (xrf2);
	v33 =	vbroadcast v14, $0xF;
	(xrf2) =	vadd.scan.msk.f32 $0xffff, v55  }
0x3de: {  	[tilespmem:s7+$0x8CD0] =	vst v17;
	v37 =	vld [tilespmem:s7+$0x8F50];
	v17 =	vadd.f32 v32, v30;
	v35, _, _ =	vpop (xrf2);
	v36 =	vbroadcast v15, $0xF;
	(xrf2) =	vadd.scan.msk.f32 $0xffff, v58  }
0x3df: {  	[tilespmem:s7+$0x8D50] =	vst v18;
	v40 =	vld [tilespmem:s7+$0x8FD0];
	v18 =	vadd.f32 v35, v33;
	v38, _, _ =	vpop (xrf2);
	v39 =	vbroadcast v16, $0xF;
	(xrf2) =	vadd.scan.msk.f32 $0xffff, v61  }
0x3e0: {  	[tilespmem:s7+$0x8DD0] =	vst v19;
	v43 =	vld [tilespmem:s7+$0x8E60];
	v19 =	vadd.f32 v38, v36;
	v41, _, _ =	vpop (xrf2);
	v42 =	vbroadcast v17, $0xF;
	(xrf2) =	vadd.scan.msk.f32 $0xffff, v28  }
0x3e1: {  	[tilespmem:s7+$0x8C60] =	vst v20;
	v46 =	vld [tilespmem:s7+$0x8EE0];
	v20 =	vadd.f32 v41, v39;
	v44, _, _ =	vpop (xrf2);
	v45 =	vbroadcast v18, $0xF;
	(xrf2) =	vadd.scan.msk.f32 $0xffff, v31  }
0x3e2: {  	[tilespmem:s7+$0x8CE0] =	vst v21;
	v49 =	vld [tilespmem:s7+$0x8F60];
	v21 =	vadd.f32 v44, v42;
	v47, _, _ =	vpop (xrf2);
	v48 =	vbroadcast v19, $0xF;
	(xrf2) =	vadd.scan.msk.f32 $0xffff, v34  }
0x3e3: {  	[tilespmem:s7+$0x8D60] =	vst v1;
	v52 =	vld [tilespmem:s7+$0x8FE0];
	v1 =	vadd.f32 v47, v45;
	v50, _, _ =	vpop (xrf2);
	v51 =	vbroadcast v20, $0xF;
	(xrf2) =	vadd.scan.msk.f32 $0xffff, v37  }
0x3e4: {  	[tilespmem:s7+$0x8DE0] =	vst v2;
	v55 =	vld [tilespmem:s7+$0x8E70];
	v2 =	vadd.f32 v50, v48;
	v53, _, _ =	vpop (xrf2);
	v54 =	vbroadcast v21, $0xF;
	(xrf2) =	vadd.scan.msk.f32 $0xffff, v40  }
0x3e5: {  	[tilespmem:s7+$0x8C70] =	vst v3;
	v58 =	vld [tilespmem:s7+$0x8EF0];
	v3 =	vadd.f32 v53, v51;
	v56, _, _ =	vpop (xrf2);
	v57 =	vbroadcast v1, $0xF;
	(xrf2) =	vadd.scan.msk.f32 $0xffff, v43  }
0x3e6: {  	[tilespmem:s7+$0x8CF0] =	vst v0;
	v61 =	vld [tilespmem:s7+$0x8F70];
	v0 =	vadd.f32 v56, v54;
	v59, _, _ =	vpop (xrf2);
	v60 =	vbroadcast v2, $0xF;
	(xrf2) =	vadd.scan.msk.f32 $0xffff, v46  }
0x3e7: {  	[tilespmem:s7+$0x8D70] =	vst v9;
	v28 =	vld [tilespmem:s7+$0x8FF0];
	v9 =	vadd.f32 v59, v57;
	v62, _, _ =	vpop (xrf2);
	v63 =	vbroadcast v3, $0xF;
	(xrf2) =	vadd.scan.msk.f32 $0xffff, v49  }
0x3e8: {  	[tilespmem:s7+$0x8DF0] =	vst v10;
	v29 =	vadd.f32 v62, v60;
	v30, _, _ =	vpop (xrf2);
	(xrf2) =	vadd.scan.msk.f32 $0xffff, v52;
	v31 =	vbroadcast v0, $0xF  }
0x3e9: {  	[tilespmem:s7+$0x8E00] =	vst v11;
	v32 =	vadd.f32 v30, v63;
	v33, _, _ =	vpop (xrf2);
	(xrf2) =	vadd.scan.msk.f32 $0xffff, v55;
	v34 =	vbroadcast v9, $0xF  }
0x3ea: {  	[tilespmem:s7+$0x8E80] =	vst v12;
	v7 =	vadd.f32 v33, v31;
	v35, _, _ =	vpop (xrf2);
	(xrf2) =	vadd.scan.msk.f32 $0xffff, v58;
	v36 =	vbroadcast v29, $0xF  }
0x3eb: {  	[tilespmem:s7+$0x8F00] =	vst v13;
	v8 =	vadd.f32 v35, v34;
	v37, _, _ =	vpop (xrf2);
	(xrf2) =	vadd.scan.msk.f32 $0xffff, v61;
	v38 =	vbroadcast v32, $0xF  }
0x3ec: {  	[tilespmem:s7+$0x8F80] =	vst v14;
	v4 =	vadd.f32 v37, v36;
	v39, _, _ =	vpop (xrf2);
	v40 =	vbroadcast v7, $0xF;
	(xrf2) =	vadd.scan.msk.f32 $0xffff, v28  }
0x3ed: {  	[tilespmem:s7+$0x8E10] =	vst v15;
	v41, _, _ =	vpop (xrf2);
	v5 =	vadd.f32 v39, v38;
	v42 =	vbroadcast v8, $0xF  }
0x3ee: {  	[tilespmem:s7+$0x8E90] =	vst v16;
	v43, _, _ =	vpop (xrf2);
	v6 =	vadd.f32 v41, v40;
	v44 =	vbroadcast v4, $0xF  }
0x3ef: {  	[tilespmem:s7+$0x8F10] =	vst v17;
	v45, _, _ =	vpop (xrf2);
	v12 =	vadd.f32 v43, v42;
	v46 =	vbroadcast v5, $0xF  }
0x3f0: {  	[tilespmem:s7+$0x8F90] =	vst v18;
	v47, _, _ =	vpop (xrf2);
	v13 =	vadd.f32 v45, v44;
	v48 =	vbroadcast v6, $0xF  }
0x3f1: {  	[tilespmem:s7+$0x8E20] =	vst v19;
	v49, _, _ =	vpop (xrf2);
	v14 =	vadd.f32 v47, v46;
	v50 =	vbroadcast v12, $0xF  }
0x3f2: {  	[tilespmem:s7+$0x8EA0] =	vst v20;
	v51, _, _ =	vpop (xrf2);
	v15 =	vadd.f32 v49, v48;
	v52 =	vbroadcast v13, $0xF  }
0x3f3: {  	[tilespmem:s7+$0x8F20] =	vst v21;
	v53, _, _ =	vpop (xrf2);
	v16 =	vadd.f32 v51, v50;
	v54 =	vbroadcast v14, $0xF  }
0x3f4: {  	[tilespmem:s7+$0x8FA0] =	vst v1;
	v55, _, _ =	vpop (xrf2);
	v56 =	vadd.f32 v53, v52;
	v57 =	vbroadcast v15, $0xF  }
0x3f5: {  	[tilespmem:s7+$0x8E30] =	vst v2;
	v58, _, _ =	vpop (xrf2);
	v59 =	vadd.f32 v55, v54;
	v60 =	vbroadcast v16, $0xF  }
0x3f6: {  	[tilespmem:s7+$0x8EB0] =	vst v3;
	(v2sf) =	vpush v56, $0xF;
	v61 =	vadd.f32 v58, v57;
	v62, _, _ =	vpop (xrf2)  }
0x3f7: {  	[tilespmem:s7+$0x8F30] =	vst v0;
	v63 =	vadd.f32 v62, v60;
	(v2sf) =	vpush v59, $0xF  }
0x3f8: {  	[tilespmem:s7+$0x8FB0] =	vst v9;
	(v2sf) =	vpush v61, $0xF  }
0x3f9: {  	[tilespmem:s7+$0x8E40] =	vst v29;
	(v2sf) =	vpush v63, $0xF  }
0x3fa: {  	[tilespmem:s7+$0x8EC0] =	vst v32  }
0x3fb: {  	[tilespmem:s7+$0x8F40] =	vst v7  }
0x3fc: {  	[tilespmem:s7+$0x8FC0] =	vst v8  }
0x3fd: {  	[tilespmem:s7+$0x8E50] =	vst v4  }
0x3fe: {  	[tilespmem:s7+$0x8ED0] =	vst v5  }
0x3ff: {  	[tilespmem:s7+$0x8F50] =	vst v6  }
0x400: {  	[tilespmem:s7+$0x8FD0] =	vst v12  }
0x401: {  	[tilespmem:s7+$0x8E60] =	vst v13  }
0x402: {  	[tilespmem:s7+$0x8EE0] =	vst v14  }
0x403: {  	p0 =	slt.u32 s12, $0xC0;
	[tilespmem:s7+$0x8F60] =	vst v15  }
.Ltmp2:
0x404: {  	[tilespmem:s7+$0x8FE0] =	vst v16;
	(pc) =	sbr.rel @p0 .LBB2_7-.Ltmp2, $4  }
0x405: {  	[tilespmem:s7+$0x8E70] =	vst v56;
	s29 =	spop (v2sf)  }
0x406: {  	[tilespmem:s7+$0x8EF0] =	vst v59;
	s28 =	spop (v2sf)  }
0x407: {  	s30 =	sadd.s32 $0x40, s12;
	[tilespmem:s7+$0x8F70] =	vst v61;
	s26 =	spop (v2sf)  }
0x408: {  	s12 =	smov.u32 s30;
	[tilespmem:s7+$0x8FF0] =	vst v63;
	s5 =	spop (v2sf)  }
0x409: {  	s5 =	sshll.u32 s9, $0xB;
	s2 =	sor.u32 $0x3, s2  }
0x40a: {  	s5 =	sadd.s32 s5, s11;
	p0 =	sgt.u32 s2, $0x7C  }
0x40b: {  	[hbm4b:s5+s17] =	stream.strided.scatter [tilespmem:s20], [sflag:$0x7], $0x4000, s18, s17, $0x38;
	[tilespmem:$0x10000] =	vst v63  }
0x40c: {  	s5 =	simm.s32 @!p0 $0x7  }
0x40d: {  	_ =	swait.ge @!p0 [sflag:s5], $0x4000  }
0x40e: {  	s7 =	simm.s32 @!p0 $0x200;
	s9 =	simm.s32 @!p0 $0x8000;
	[sflag:s5] =	ssyncset.done @!p0 $0x0  }
0x40f: {  	[sflag:s5] =	ssyncadd.s32 @!p0 $0xFFFFC000;
	s5 =	sadd.s32 @!p0 s16, s8;
	s8 =	simm.s32 @!p0 $0x400  }
0x410: {  	[tilespmem:s9], [sflag:$0x3] =	stream.strided.gather @!p0 [hbm4b:s5+s7], $0x4000, s8, s7, $0x38;
	[tilespmem:$0x10000] =	vst v63  }
0x411: {  	s12 =	simm.f32 $0.0e+00;
	_ =	swait.ge [sflag:s25], $0x4000  }
0x412: {  	s26 =	simm.f32 $0.0e+00;
	s8 =	simm.s32 $0x0;
	[sflag:s25] =	ssyncset.done $0x0  }
0x413: {  	s5 =	simm.f32 $0.0e+00;
	s9 =	simm.f32 $0.0e+00;
	[sflag:s25] =	ssyncadd.s32 $0xFFFFC000  }
.LBB2_9:
0x414: {  	s7 =	sshll.u32 s8, $0x6  }
0x415: {  	s7 =	sand.u32 $0x3FFFFFC0, s7  }
0x416: {  	v0 =	vld [tilespmem:s7+$0xC000]  }
0x417: {  	v1 =	vld [tilespmem:s7+$0xC080]  }
0x418: {  	v2 =	vld [tilespmem:s7+$0xC100]  }
0x419: {  	v3 =	vld [tilespmem:s7+$0xC180]  }
0x41a: {  	v4 =	vld [tilespmem:s7+$0xC010]  }
0x41b: {  	v51 =	vld [tilespmem:s7+$0xC090];
	(xrf2) =	vadd.scan.msk.f32 $0xffff, v0  }
0x41c: {  	v52 =	vld [tilespmem:s7+$0xC110];
	(xrf2) =	vadd.scan.msk.f32 $0xffff, v1  }
0x41d: {  	v53 =	vld [tilespmem:s7+$0xC190];
	(xrf2) =	vadd.scan.msk.f32 $0xffff, v2  }
0x41e: {  	(xrf2) =	vadd.scan.msk.f32 $0xffff, v3  }
0x41f: {  	(xrf2) =	vadd.scan.msk.f32 $0xffff, v4  }
0x420: {  	(xrf2) =	vadd.scan.msk.f32 $0xffff, v51  }
0x421: {  	(xrf2) =	vadd.scan.msk.f32 $0xffff, v52  }
0x422: {  	(xrf2) =	vadd.scan.msk.f32 $0xffff, v53;
	_ =	sdelay $0x2  }
0x423: {  	v54, _, _ =	vpop (xrf2)  }
0x424: {  	v0 =	vadd.f32 s26, v54;
	v55, _, _ =	vpop (xrf2)  }
0x425: {  	v1 =	vadd.f32 s12, v55;
	v56, _, _ =	vpop (xrf2)  }
0x426: {  	[tilespmem:s7+$0xC000] =	vst v0;
	v2 =	vadd.f32 s9, v56;
	v3, _, _ =	vpop (xrf2);
	v0 =	vbroadcast v0, $0xF  }
0x427: {  	[tilespmem:s7+$0xC080] =	vst v1;
	v3 =	vadd.f32 s5, v3;
	v4, _, _ =	vpop (xrf2);
	v1 =	vbroadcast v1, $0xF  }
0x428: {  	[tilespmem:s7+$0xC100] =	vst v2;
	v0 =	vadd.f32 v4, v0;
	v57, _, _ =	vpop (xrf2);
	v2 =	vbroadcast v2, $0xF  }
0x429: {  	[tilespmem:s7+$0xC180] =	vst v3;
	v1 =	vadd.f32 v57, v1;
	v58, _, _ =	vpop (xrf2);
	v3 =	vbroadcast v3, $0xF  }
0x42a: {  	[tilespmem:s7+$0xC010] =	vst v0;
	v2 =	vadd.f32 v58, v2;
	v59, _, _ =	vpop (xrf2)  }
0x42b: {  	[tilespmem:s7+$0xC090] =	vst v1;
	v3 =	vadd.f32 v59, v3  }
0x42c: {  	[tilespmem:s7+$0xC110] =	vst v2  }
0x42d: {  	[tilespmem:s7+$0xC190] =	vst v3  }
0x42e: {  	v60 =	vld [tilespmem:s7+$0xC020]  }
0x42f: {  	v5 =	vld [tilespmem:s7+$0xC0A0]  }
0x430: {  	v6 =	vld [tilespmem:s7+$0xC120]  }
0x431: {  	v7 =	vld [tilespmem:s7+$0xC1A0]  }
0x432: {  	v8 =	vld [tilespmem:s7+$0xC030]  }
0x433: {  	v61 =	vld [tilespmem:s7+$0xC0B0];
	(xrf2) =	vadd.scan.msk.f32 $0xffff, v60  }
0x434: {  	v62 =	vld [tilespmem:s7+$0xC130];
	(xrf2) =	vadd.scan.msk.f32 $0xffff, v5  }
0x435: {  	v63 =	vld [tilespmem:s7+$0xC1B0];
	(xrf2) =	vadd.scan.msk.f32 $0xffff, v6  }
0x436: {  	v12 =	vld [tilespmem:s7+$0xC040];
	(xrf2) =	vadd.scan.msk.f32 $0xffff, v7  }
0x437: {  	v13 =	vld [tilespmem:s7+$0xC0C0];
	(xrf2) =	vadd.scan.msk.f32 $0xffff, v8  }
0x438: {  	v14 =	vld [tilespmem:s7+$0xC140];
	(xrf2) =	vadd.scan.msk.f32 $0xffff, v61  }
0x439: {  	v15 =	vld [tilespmem:s7+$0xC1C0];
	(xrf2) =	vadd.scan.msk.f32 $0xffff, v62  }
0x43a: {  	v16 =	vld [tilespmem:s7+$0xC050];
	(xrf2) =	vadd.scan.msk.f32 $0xffff, v63  }
0x43b: {  	v17 =	vld [tilespmem:s7+$0xC0D0];
	(xrf2) =	vadd.scan.msk.f32 $0xffff, v12  }
0x43c: {  	v0 =	vbroadcast v0, $0xF;
	v18 =	vld [tilespmem:s7+$0xC150];
	(xrf2) =	vadd.scan.msk.f32 $0xffff, v13  }
0x43d: {  	v1 =	vbroadcast v1, $0xF;
	v19 =	vld [tilespmem:s7+$0xC1D0];
	v9, _, _ =	vpop (xrf2);
	(xrf2) =	vadd.scan.msk.f32 $0xffff, v14  }
0x43e: {  	v2 =	vbroadcast v2, $0xF;
	v21 =	vld [tilespmem:s7+$0xC060];
	v0 =	vadd.f32 v9, v0;
	v20, _, _ =	vpop (xrf2);
	(xrf2) =	vadd.scan.msk.f32 $0xffff, v15  }
0x43f: {  	v3 =	vbroadcast v3, $0xF;
	v23 =	vld [tilespmem:s7+$0xC0E0];
	v1 =	vadd.f32 v20, v1;
	v22, _, _ =	vpop (xrf2);
	(xrf2) =	vadd.scan.msk.f32 $0xffff, v16  }
0x440: {  	v25 =	vld [tilespmem:s7+$0xC160];
	[tilespmem:s7+$0xC020] =	vst v0;
	v2 =	vadd.f32 v22, v2;
	v24, _, _ =	vpop (xrf2);
	v0 =	vbroadcast v0, $0xF;
	(xrf2) =	vadd.scan.msk.f32 $0xffff, v17  }
0x441: {  	v27 =	vld [tilespmem:s7+$0xC1E0];
	[tilespmem:s7+$0xC0A0] =	vst v1;
	v3 =	vadd.f32 v24, v3;
	v26, _, _ =	vpop (xrf2);
	v1 =	vbroadcast v1, $0xF;
	(xrf2) =	vadd.scan.msk.f32 $0xffff, v18  }
0x442: {  	v29 =	vld [tilespmem:s7+$0xC070];
	[tilespmem:s7+$0xC120] =	vst v2;
	v0 =	vadd.f32 v26, v0;
	v28, _, _ =	vpop (xrf2);
	v2 =	vbroadcast v2, $0xF;
	(xrf2) =	vadd.scan.msk.f32 $0xffff, v19  }
0x443: {  	v31 =	vld [tilespmem:s7+$0xC0F0];
	[tilespmem:s7+$0xC1A0] =	vst v3;
	v1 =	vadd.f32 v28, v1;
	v30, _, _ =	vpop (xrf2);
	v3 =	vbroadcast v3, $0xF;
	(xrf2) =	vadd.scan.msk.f32 $0xffff, v21  }
0x444: {  	v33 =	vld [tilespmem:s7+$0xC170];
	[tilespmem:s7+$0xC030] =	vst v0;
	v2 =	vadd.f32 v30, v2;
	v32, _, _ =	vpop (xrf2);
	v0 =	vbroadcast v0, $0xF;
	(xrf2) =	vadd.scan.msk.f32 $0xffff, v23  }
0x445: {  	v35 =	vld [tilespmem:s7+$0xC1F0];
	[tilespmem:s7+$0xC0B0] =	vst v1;
	v3 =	vadd.f32 v32, v3;
	v34, _, _ =	vpop (xrf2);
	v1 =	vbroadcast v1, $0xF;
	(xrf2) =	vadd.scan.msk.f32 $0xffff, v25  }
0x446: {  	v37 =	vld [tilespmem:s7+$0xC200];
	[tilespmem:s7+$0xC130] =	vst v2;
	v0 =	vadd.f32 v34, v0;
	v36, _, _ =	vpop (xrf2);
	v2 =	vbroadcast v2, $0xF;
	(xrf2) =	vadd.scan.msk.f32 $0xffff, v27  }
0x447: {  	v39 =	vld [tilespmem:s7+$0xC280];
	[tilespmem:s7+$0xC1B0] =	vst v3;
	v1 =	vadd.f32 v36, v1;
	v38, _, _ =	vpop (xrf2);
	v3 =	vbroadcast v3, $0xF;
	(xrf2) =	vadd.scan.msk.f32 $0xffff, v29  }
0x448: {  	v41 =	vld [tilespmem:s7+$0xC300];
	[tilespmem:s7+$0xC040] =	vst v0;
	v2 =	vadd.f32 v38, v2;
	v40, _, _ =	vpop (xrf2);
	v0 =	vbroadcast v0, $0xF;
	(xrf2) =	vadd.scan.msk.f32 $0xffff, v31  }
0x449: {  	v43 =	vld [tilespmem:s7+$0xC380];
	[tilespmem:s7+$0xC0C0] =	vst v1;
	v3 =	vadd.f32 v40, v3;
	v42, _, _ =	vpop (xrf2);
	v1 =	vbroadcast v1, $0xF;
	(xrf2) =	vadd.scan.msk.f32 $0xffff, v33  }
0x44a: {  	v45 =	vld [tilespmem:s7+$0xC210];
	[tilespmem:s7+$0xC140] =	vst v2;
	v0 =	vadd.f32 v42, v0;
	v44, _, _ =	vpop (xrf2);
	v2 =	vbroadcast v2, $0xF;
	(xrf2) =	vadd.scan.msk.f32 $0xffff, v35  }
0x44b: {  	v47 =	vld [tilespmem:s7+$0xC290];
	[tilespmem:s7+$0xC1C0] =	vst v3;
	v1 =	vadd.f32 v44, v1;
	v46, _, _ =	vpop (xrf2);
	v3 =	vbroadcast v3, $0xF;
	(xrf2) =	vadd.scan.msk.f32 $0xffff, v37  }
0x44c: {  	v49 =	vld [tilespmem:s7+$0xC310];
	[tilespmem:s7+$0xC050] =	vst v0;
	v2 =	vadd.f32 v46, v2;
	v48, _, _ =	vpop (xrf2);
	v0 =	vbroadcast v0, $0xF;
	(xrf2) =	vadd.scan.msk.f32 $0xffff, v39  }
0x44d: {  	v51 =	vld [tilespmem:s7+$0xC390];
	[tilespmem:s7+$0xC0D0] =	vst v1;
	v3 =	vadd.f32 v48, v3;
	v50, _, _ =	vpop (xrf2);
	v1 =	vbroadcast v1, $0xF;
	(xrf2) =	vadd.scan.msk.f32 $0xffff, v41  }
0x44e: {  	v53 =	vld [tilespmem:s7+$0xC220];
	[tilespmem:s7+$0xC150] =	vst v2;
	v0 =	vadd.f32 v50, v0;
	v52, _, _ =	vpop (xrf2);
	v2 =	vbroadcast v2, $0xF;
	(xrf2) =	vadd.scan.msk.f32 $0xffff, v43  }
0x44f: {  	v55 =	vld [tilespmem:s7+$0xC2A0];
	[tilespmem:s7+$0xC1D0] =	vst v3;
	v1 =	vadd.f32 v52, v1;
	v54, _, _ =	vpop (xrf2);
	v3 =	vbroadcast v3, $0xF;
	(xrf2) =	vadd.scan.msk.f32 $0xffff, v45  }
0x450: {  	v57 =	vld [tilespmem:s7+$0xC320];
	[tilespmem:s7+$0xC060] =	vst v0;
	v2 =	vadd.f32 v54, v2;
	v56, _, _ =	vpop (xrf2);
	v0 =	vbroadcast v0, $0xF;
	(xrf2) =	vadd.scan.msk.f32 $0xffff, v47  }
0x451: {  	v59 =	vld [tilespmem:s7+$0xC3A0];
	[tilespmem:s7+$0xC0E0] =	vst v1;
	v3 =	vadd.f32 v56, v3;
	v58, _, _ =	vpop (xrf2);
	v1 =	vbroadcast v1, $0xF;
	(xrf2) =	vadd.scan.msk.f32 $0xffff, v49  }
0x452: {  	v61 =	vld [tilespmem:s7+$0xC230];
	[tilespmem:s7+$0xC160] =	vst v2;
	v0 =	vadd.f32 v58, v0;
	v60, _, _ =	vpop (xrf2);
	v2 =	vbroadcast v2, $0xF;
	(xrf2) =	vadd.scan.msk.f32 $0xffff, v51  }
0x453: {  	v63 =	vld [tilespmem:s7+$0xC2B0];
	[tilespmem:s7+$0xC1E0] =	vst v3;
	v1 =	vadd.f32 v60, v1;
	v62, _, _ =	vpop (xrf2);
	v3 =	vbroadcast v3, $0xF;
	(xrf2) =	vadd.scan.msk.f32 $0xffff, v53  }
0x454: {  	v13 =	vld [tilespmem:s7+$0xC330];
	[tilespmem:s7+$0xC070] =	vst v0;
	v2 =	vadd.f32 v62, v2;
	v12, _, _ =	vpop (xrf2);
	v0 =	vbroadcast v0, $0xF;
	(xrf2) =	vadd.scan.msk.f32 $0xffff, v55  }
0x455: {  	v15 =	vld [tilespmem:s7+$0xC3B0];
	[tilespmem:s7+$0xC0F0] =	vst v1;
	v3 =	vadd.f32 v12, v3;
	v14, _, _ =	vpop (xrf2);
	v1 =	vbroadcast v1, $0xF;
	(xrf2) =	vadd.scan.msk.f32 $0xffff, v57  }
0x456: {  	v17 =	vld [tilespmem:s7+$0xC240];
	[tilespmem:s7+$0xC170] =	vst v2;
	v0 =	vadd.f32 v14, v0;
	v16, _, _ =	vpop (xrf2);
	v2 =	vbroadcast v2, $0xF;
	(xrf2) =	vadd.scan.msk.f32 $0xffff, v59  }
0x457: {  	v19 =	vld [tilespmem:s7+$0xC2C0];
	[tilespmem:s7+$0xC1F0] =	vst v3;
	v1 =	vadd.f32 v16, v1;
	v18, _, _ =	vpop (xrf2);
	v3 =	vbroadcast v3, $0xF;
	(xrf2) =	vadd.scan.msk.f32 $0xffff, v61  }
0x458: {  	v21 =	vld [tilespmem:s7+$0xC340];
	[tilespmem:s7+$0xC200] =	vst v0;
	v2 =	vadd.f32 v18, v2;
	v20, _, _ =	vpop (xrf2);
	v0 =	vbroadcast v0, $0xF;
	(xrf2) =	vadd.scan.msk.f32 $0xffff, v63  }
0x459: {  	v23 =	vld [tilespmem:s7+$0xC3C0];
	[tilespmem:s7+$0xC280] =	vst v1;
	v3 =	vadd.f32 v20, v3;
	v22, _, _ =	vpop (xrf2);
	v1 =	vbroadcast v1, $0xF;
	(xrf2) =	vadd.scan.msk.f32 $0xffff, v13  }
0x45a: {  	v25 =	vld [tilespmem:s7+$0xC250];
	[tilespmem:s7+$0xC300] =	vst v2;
	v0 =	vadd.f32 v22, v0;
	v24, _, _ =	vpop (xrf2);
	v2 =	vbroadcast v2, $0xF;
	(xrf2) =	vadd.scan.msk.f32 $0xffff, v15  }
0x45b: {  	v27 =	vld [tilespmem:s7+$0xC2D0];
	[tilespmem:s7+$0xC380] =	vst v3;
	v1 =	vadd.f32 v24, v1;
	v26, _, _ =	vpop (xrf2);
	v3 =	vbroadcast v3, $0xF;
	(xrf2) =	vadd.scan.msk.f32 $0xffff, v17  }
0x45c: {  	v29 =	vld [tilespmem:s7+$0xC350];
	[tilespmem:s7+$0xC210] =	vst v0;
	v2 =	vadd.f32 v26, v2;
	v28, _, _ =	vpop (xrf2);
	v0 =	vbroadcast v0, $0xF;
	(xrf2) =	vadd.scan.msk.f32 $0xffff, v19  }
0x45d: {  	v31 =	vld [tilespmem:s7+$0xC3D0];
	[tilespmem:s7+$0xC290] =	vst v1;
	v3 =	vadd.f32 v28, v3;
	v30, _, _ =	vpop (xrf2);
	v1 =	vbroadcast v1, $0xF;
	(xrf2) =	vadd.scan.msk.f32 $0xffff, v21  }
0x45e: {  	v33 =	vld [tilespmem:s7+$0xC260];
	[tilespmem:s7+$0xC310] =	vst v2;
	v0 =	vadd.f32 v30, v0;
	v32, _, _ =	vpop (xrf2);
	v2 =	vbroadcast v2, $0xF;
	(xrf2) =	vadd.scan.msk.f32 $0xffff, v23  }
0x45f: {  	v35 =	vld [tilespmem:s7+$0xC2E0];
	[tilespmem:s7+$0xC390] =	vst v3;
	v1 =	vadd.f32 v32, v1;
	v34, _, _ =	vpop (xrf2);
	v3 =	vbroadcast v3, $0xF;
	(xrf2) =	vadd.scan.msk.f32 $0xffff, v25  }
0x460: {  	v37 =	vld [tilespmem:s7+$0xC360];
	[tilespmem:s7+$0xC220] =	vst v0;
	v2 =	vadd.f32 v34, v2;
	v36, _, _ =	vpop (xrf2);
	v0 =	vbroadcast v0, $0xF;
	(xrf2) =	vadd.scan.msk.f32 $0xffff, v27  }
0x461: {  	v39 =	vld [tilespmem:s7+$0xC3E0];
	[tilespmem:s7+$0xC2A0] =	vst v1;
	v3 =	vadd.f32 v36, v3;
	v38, _, _ =	vpop (xrf2);
	v1 =	vbroadcast v1, $0xF;
	(xrf2) =	vadd.scan.msk.f32 $0xffff, v29  }
0x462: {  	v41 =	vld [tilespmem:s7+$0xC270];
	[tilespmem:s7+$0xC320] =	vst v2;
	v0 =	vadd.f32 v38, v0;
	v40, _, _ =	vpop (xrf2);
	v2 =	vbroadcast v2, $0xF;
	(xrf2) =	vadd.scan.msk.f32 $0xffff, v31  }
0x463: {  	v43 =	vld [tilespmem:s7+$0xC2F0];
	[tilespmem:s7+$0xC3A0] =	vst v3;
	v1 =	vadd.f32 v40, v1;
	v42, _, _ =	vpop (xrf2);
	v3 =	vbroadcast v3, $0xF;
	(xrf2) =	vadd.scan.msk.f32 $0xffff, v33  }
0x464: {  	v45 =	vld [tilespmem:s7+$0xC370];
	[tilespmem:s7+$0xC230] =	vst v0;
	v2 =	vadd.f32 v42, v2;
	v44, _, _ =	vpop (xrf2);
	v0 =	vbroadcast v0, $0xF;
	(xrf2) =	vadd.scan.msk.f32 $0xffff, v35  }
0x465: {  	v47 =	vld [tilespmem:s7+$0xC3F0];
	[tilespmem:s7+$0xC2B0] =	vst v1;
	v3 =	vadd.f32 v44, v3;
	v46, _, _ =	vpop (xrf2);
	v1 =	vbroadcast v1, $0xF;
	(xrf2) =	vadd.scan.msk.f32 $0xffff, v37  }
0x466: {  	v49 =	vld [tilespmem:s7+$0xC400];
	[tilespmem:s7+$0xC330] =	vst v2;
	v0 =	vadd.f32 v46, v0;
	v48, _, _ =	vpop (xrf2);
	v2 =	vbroadcast v2, $0xF;
	(xrf2) =	vadd.scan.msk.f32 $0xffff, v39  }
0x467: {  	v51 =	vld [tilespmem:s7+$0xC480];
	[tilespmem:s7+$0xC3B0] =	vst v3;
	v1 =	vadd.f32 v48, v1;
	v50, _, _ =	vpop (xrf2);
	v3 =	vbroadcast v3, $0xF;
	(xrf2) =	vadd.scan.msk.f32 $0xffff, v41  }
0x468: {  	v53 =	vld [tilespmem:s7+$0xC500];
	[tilespmem:s7+$0xC240] =	vst v0;
	v2 =	vadd.f32 v50, v2;
	v52, _, _ =	vpop (xrf2);
	v0 =	vbroadcast v0, $0xF;
	(xrf2) =	vadd.scan.msk.f32 $0xffff, v43  }
0x469: {  	v55 =	vld [tilespmem:s7+$0xC580];
	[tilespmem:s7+$0xC2C0] =	vst v1;
	v3 =	vadd.f32 v52, v3;
	v54, _, _ =	vpop (xrf2);
	v1 =	vbroadcast v1, $0xF;
	(xrf2) =	vadd.scan.msk.f32 $0xffff, v45  }
0x46a: {  	v57 =	vld [tilespmem:s7+$0xC410];
	[tilespmem:s7+$0xC340] =	vst v2;
	v0 =	vadd.f32 v54, v0;
	v56, _, _ =	vpop (xrf2);
	v2 =	vbroadcast v2, $0xF;
	(xrf2) =	vadd.scan.msk.f32 $0xffff, v47  }
0x46b: {  	v59 =	vld [tilespmem:s7+$0xC490];
	[tilespmem:s7+$0xC3C0] =	vst v3;
	v1 =	vadd.f32 v56, v1;
	v58, _, _ =	vpop (xrf2);
	v3 =	vbroadcast v3, $0xF;
	(xrf2) =	vadd.scan.msk.f32 $0xffff, v49  }
0x46c: {  	v61 =	vld [tilespmem:s7+$0xC510];
	[tilespmem:s7+$0xC250] =	vst v0;
	v2 =	vadd.f32 v58, v2;
	v60, _, _ =	vpop (xrf2);
	v0 =	vbroadcast v0, $0xF;
	(xrf2) =	vadd.scan.msk.f32 $0xffff, v51  }
0x46d: {  	v63 =	vld [tilespmem:s7+$0xC590];
	[tilespmem:s7+$0xC2D0] =	vst v1;
	v3 =	vadd.f32 v60, v3;
	v62, _, _ =	vpop (xrf2);
	v1 =	vbroadcast v1, $0xF;
	(xrf2) =	vadd.scan.msk.f32 $0xffff, v53  }
0x46e: {  	v13 =	vld [tilespmem:s7+$0xC420];
	[tilespmem:s7+$0xC350] =	vst v2;
	v0 =	vadd.f32 v62, v0;
	v12, _, _ =	vpop (xrf2);
	v2 =	vbroadcast v2, $0xF;
	(xrf2) =	vadd.scan.msk.f32 $0xffff, v55  }
0x46f: {  	v15 =	vld [tilespmem:s7+$0xC4A0];
	[tilespmem:s7+$0xC3D0] =	vst v3;
	v1 =	vadd.f32 v12, v1;
	v14, _, _ =	vpop (xrf2);
	v3 =	vbroadcast v3, $0xF;
	(xrf2) =	vadd.scan.msk.f32 $0xffff, v57  }
0x470: {  	v17 =	vld [tilespmem:s7+$0xC520];
	[tilespmem:s7+$0xC260] =	vst v0;
	v2 =	vadd.f32 v14, v2;
	v16, _, _ =	vpop (xrf2);
	v0 =	vbroadcast v0, $0xF;
	(xrf2) =	vadd.scan.msk.f32 $0xffff, v59  }
0x471: {  	v19 =	vld [tilespmem:s7+$0xC5A0];
	[tilespmem:s7+$0xC2E0] =	vst v1;
	v3 =	vadd.f32 v16, v3;
	v18, _, _ =	vpop (xrf2);
	v1 =	vbroadcast v1, $0xF;
	(xrf2) =	vadd.scan.msk.f32 $0xffff, v61  }
0x472: {  	v21 =	vld [tilespmem:s7+$0xC430];
	[tilespmem:s7+$0xC360] =	vst v2;
	v0 =	vadd.f32 v18, v0;
	v20, _, _ =	vpop (xrf2);
	v2 =	vbroadcast v2, $0xF;
	(xrf2) =	vadd.scan.msk.f32 $0xffff, v63  }
0x473: {  	v23 =	vld [tilespmem:s7+$0xC4B0];
	[tilespmem:s7+$0xC3E0] =	vst v3;
	v1 =	vadd.f32 v20, v1;
	v22, _, _ =	vpop (xrf2);
	v3 =	vbroadcast v3, $0xF;
	(xrf2) =	vadd.scan.msk.f32 $0xffff, v13  }
0x474: {  	v25 =	vld [tilespmem:s7+$0xC530];
	[tilespmem:s7+$0xC270] =	vst v0;
	v2 =	vadd.f32 v22, v2;
	v24, _, _ =	vpop (xrf2);
	v0 =	vbroadcast v0, $0xF;
	(xrf2) =	vadd.scan.msk.f32 $0xffff, v15  }
0x475: {  	v27 =	vld [tilespmem:s7+$0xC5B0];
	[tilespmem:s7+$0xC2F0] =	vst v1;
	v3 =	vadd.f32 v24, v3;
	v26, _, _ =	vpop (xrf2);
	v1 =	vbroadcast v1, $0xF;
	(xrf2) =	vadd.scan.msk.f32 $0xffff, v17  }
0x476: {  	v29 =	vld [tilespmem:s7+$0xC440];
	[tilespmem:s7+$0xC370] =	vst v2;
	v0 =	vadd.f32 v26, v0;
	v28, _, _ =	vpop (xrf2);
	v2 =	vbroadcast v2, $0xF;
	(xrf2) =	vadd.scan.msk.f32 $0xffff, v19  }
0x477: {  	v31 =	vld [tilespmem:s7+$0xC4C0];
	[tilespmem:s7+$0xC3F0] =	vst v3;
	v1 =	vadd.f32 v28, v1;
	v30, _, _ =	vpop (xrf2);
	v3 =	vbroadcast v3, $0xF;
	(xrf2) =	vadd.scan.msk.f32 $0xffff, v21  }
0x478: {  	v33 =	vld [tilespmem:s7+$0xC540];
	[tilespmem:s7+$0xC400] =	vst v0;
	v2 =	vadd.f32 v30, v2;
	v32, _, _ =	vpop (xrf2);
	v0 =	vbroadcast v0, $0xF;
	(xrf2) =	vadd.scan.msk.f32 $0xffff, v23  }
0x479: {  	v35 =	vld [tilespmem:s7+$0xC5C0];
	[tilespmem:s7+$0xC480] =	vst v1;
	v3 =	vadd.f32 v32, v3;
	v34, _, _ =	vpop (xrf2);
	v1 =	vbroadcast v1, $0xF;
	(xrf2) =	vadd.scan.msk.f32 $0xffff, v25  }
0x47a: {  	v37 =	vld [tilespmem:s7+$0xC450];
	[tilespmem:s7+$0xC500] =	vst v2;
	v0 =	vadd.f32 v34, v0;
	v36, _, _ =	vpop (xrf2);
	v2 =	vbroadcast v2, $0xF;
	(xrf2) =	vadd.scan.msk.f32 $0xffff, v27  }
0x47b: {  	v39 =	vld [tilespmem:s7+$0xC4D0];
	[tilespmem:s7+$0xC580] =	vst v3;
	v1 =	vadd.f32 v36, v1;
	v38, _, _ =	vpop (xrf2);
	v3 =	vbroadcast v3, $0xF;
	(xrf2) =	vadd.scan.msk.f32 $0xffff, v29  }
0x47c: {  	v41 =	vld [tilespmem:s7+$0xC550];
	[tilespmem:s7+$0xC410] =	vst v0;
	v2 =	vadd.f32 v38, v2;
	v40, _, _ =	vpop (xrf2);
	v0 =	vbroadcast v0, $0xF;
	(xrf2) =	vadd.scan.msk.f32 $0xffff, v31  }
0x47d: {  	v43 =	vld [tilespmem:s7+$0xC5D0];
	[tilespmem:s7+$0xC490] =	vst v1;
	v3 =	vadd.f32 v40, v3;
	v42, _, _ =	vpop (xrf2);
	v1 =	vbroadcast v1, $0xF;
	(xrf2) =	vadd.scan.msk.f32 $0xffff, v33  }
0x47e: {  	v45 =	vld [tilespmem:s7+$0xC460];
	[tilespmem:s7+$0xC510] =	vst v2;
	v0 =	vadd.f32 v42, v0;
	v44, _, _ =	vpop (xrf2);
	v2 =	vbroadcast v2, $0xF;
	(xrf2) =	vadd.scan.msk.f32 $0xffff, v35  }
0x47f: {  	v47 =	vld [tilespmem:s7+$0xC4E0];
	[tilespmem:s7+$0xC590] =	vst v3;
	v1 =	vadd.f32 v44, v1;
	v46, _, _ =	vpop (xrf2);
	v3 =	vbroadcast v3, $0xF;
	(xrf2) =	vadd.scan.msk.f32 $0xffff, v37  }
0x480: {  	v49 =	vld [tilespmem:s7+$0xC560];
	[tilespmem:s7+$0xC420] =	vst v0;
	v2 =	vadd.f32 v46, v2;
	v48, _, _ =	vpop (xrf2);
	v0 =	vbroadcast v0, $0xF;
	(xrf2) =	vadd.scan.msk.f32 $0xffff, v39  }
0x481: {  	v51 =	vld [tilespmem:s7+$0xC5E0];
	[tilespmem:s7+$0xC4A0] =	vst v1;
	v3 =	vadd.f32 v48, v3;
	v50, _, _ =	vpop (xrf2);
	v1 =	vbroadcast v1, $0xF;
	(xrf2) =	vadd.scan.msk.f32 $0xffff, v41  }
0x482: {  	v53 =	vld [tilespmem:s7+$0xC470];
	[tilespmem:s7+$0xC520] =	vst v2;
	v0 =	vadd.f32 v50, v0;
	v52, _, _ =	vpop (xrf2);
	v2 =	vbroadcast v2, $0xF;
	(xrf2) =	vadd.scan.msk.f32 $0xffff, v43  }
0x483: {  	v55 =	vld [tilespmem:s7+$0xC4F0];
	[tilespmem:s7+$0xC5A0] =	vst v3;
	v1 =	vadd.f32 v52, v1;
	v54, _, _ =	vpop (xrf2);
	v3 =	vbroadcast v3, $0xF;
	(xrf2) =	vadd.scan.msk.f32 $0xffff, v45  }
0x484: {  	v57 =	vld [tilespmem:s7+$0xC570];
	[tilespmem:s7+$0xC430] =	vst v0;
	v2 =	vadd.f32 v54, v2;
	v56, _, _ =	vpop (xrf2);
	v0 =	vbroadcast v0, $0xF;
	(xrf2) =	vadd.scan.msk.f32 $0xffff, v47  }
0x485: {  	v59 =	vld [tilespmem:s7+$0xC5F0];
	[tilespmem:s7+$0xC4B0] =	vst v1;
	v3 =	vadd.f32 v56, v3;
	v58, _, _ =	vpop (xrf2);
	v1 =	vbroadcast v1, $0xF;
	(xrf2) =	vadd.scan.msk.f32 $0xffff, v49  }
0x486: {  	v61 =	vld [tilespmem:s7+$0xC600];
	[tilespmem:s7+$0xC530] =	vst v2;
	v0 =	vadd.f32 v58, v0;
	v60, _, _ =	vpop (xrf2);
	v2 =	vbroadcast v2, $0xF;
	(xrf2) =	vadd.scan.msk.f32 $0xffff, v51  }
0x487: {  	v63 =	vld [tilespmem:s7+$0xC680];
	[tilespmem:s7+$0xC5B0] =	vst v3;
	v1 =	vadd.f32 v60, v1;
	v62, _, _ =	vpop (xrf2);
	v3 =	vbroadcast v3, $0xF;
	(xrf2) =	vadd.scan.msk.f32 $0xffff, v53  }
0x488: {  	v13 =	vld [tilespmem:s7+$0xC700];
	[tilespmem:s7+$0xC440] =	vst v0;
	v2 =	vadd.f32 v62, v2;
	v12, _, _ =	vpop (xrf2);
	v0 =	vbroadcast v0, $0xF;
	(xrf2) =	vadd.scan.msk.f32 $0xffff, v55  }
0x489: {  	v15 =	vld [tilespmem:s7+$0xC780];
	[tilespmem:s7+$0xC4C0] =	vst v1;
	v3 =	vadd.f32 v12, v3;
	v14, _, _ =	vpop (xrf2);
	v1 =	vbroadcast v1, $0xF;
	(xrf2) =	vadd.scan.msk.f32 $0xffff, v57  }
0x48a: {  	v17 =	vld [tilespmem:s7+$0xC610];
	[tilespmem:s7+$0xC540] =	vst v2;
	v0 =	vadd.f32 v14, v0;
	v16, _, _ =	vpop (xrf2);
	v2 =	vbroadcast v2, $0xF;
	(xrf2) =	vadd.scan.msk.f32 $0xffff, v59  }
0x48b: {  	v19 =	vld [tilespmem:s7+$0xC690];
	[tilespmem:s7+$0xC5C0] =	vst v3;
	v1 =	vadd.f32 v16, v1;
	v18, _, _ =	vpop (xrf2);
	v3 =	vbroadcast v3, $0xF;
	(xrf2) =	vadd.scan.msk.f32 $0xffff, v61  }
0x48c: {  	v21 =	vld [tilespmem:s7+$0xC710];
	[tilespmem:s7+$0xC450] =	vst v0;
	v2 =	vadd.f32 v18, v2;
	v20, _, _ =	vpop (xrf2);
	v0 =	vbroadcast v0, $0xF;
	(xrf2) =	vadd.scan.msk.f32 $0xffff, v63  }
0x48d: {  	v23 =	vld [tilespmem:s7+$0xC790];
	[tilespmem:s7+$0xC4D0] =	vst v1;
	v3 =	vadd.f32 v20, v3;
	v22, _, _ =	vpop (xrf2);
	v1 =	vbroadcast v1, $0xF;
	(xrf2) =	vadd.scan.msk.f32 $0xffff, v13  }
0x48e: {  	v25 =	vld [tilespmem:s7+$0xC620];
	[tilespmem:s7+$0xC550] =	vst v2;
	v0 =	vadd.f32 v22, v0;
	v24, _, _ =	vpop (xrf2);
	v2 =	vbroadcast v2, $0xF;
	(xrf2) =	vadd.scan.msk.f32 $0xffff, v15  }
0x48f: {  	v27 =	vld [tilespmem:s7+$0xC6A0];
	[tilespmem:s7+$0xC5D0] =	vst v3;
	v1 =	vadd.f32 v24, v1;
	v26, _, _ =	vpop (xrf2);
	v3 =	vbroadcast v3, $0xF;
	(xrf2) =	vadd.scan.msk.f32 $0xffff, v17  }
0x490: {  	v29 =	vld [tilespmem:s7+$0xC720];
	[tilespmem:s7+$0xC460] =	vst v0;
	v2 =	vadd.f32 v26, v2;
	v28, _, _ =	vpop (xrf2);
	v0 =	vbroadcast v0, $0xF;
	(xrf2) =	vadd.scan.msk.f32 $0xffff, v19  }
0x491: {  	v31 =	vld [tilespmem:s7+$0xC7A0];
	[tilespmem:s7+$0xC4E0] =	vst v1;
	v3 =	vadd.f32 v28, v3;
	v30, _, _ =	vpop (xrf2);
	v1 =	vbroadcast v1, $0xF;
	(xrf2) =	vadd.scan.msk.f32 $0xffff, v21  }
0x492: {  	v33 =	vld [tilespmem:s7+$0xC630];
	[tilespmem:s7+$0xC560] =	vst v2;
	v0 =	vadd.f32 v30, v0;
	v32, _, _ =	vpop (xrf2);
	v2 =	vbroadcast v2, $0xF;
	(xrf2) =	vadd.scan.msk.f32 $0xffff, v23  }
0x493: {  	v35 =	vld [tilespmem:s7+$0xC6B0];
	[tilespmem:s7+$0xC5E0] =	vst v3;
	v1 =	vadd.f32 v32, v1;
	v34, _, _ =	vpop (xrf2);
	v3 =	vbroadcast v3, $0xF;
	(xrf2) =	vadd.scan.msk.f32 $0xffff, v25  }
0x494: {  	v37 =	vld [tilespmem:s7+$0xC730];
	[tilespmem:s7+$0xC470] =	vst v0;
	v2 =	vadd.f32 v34, v2;
	v36, _, _ =	vpop (xrf2);
	v0 =	vbroadcast v0, $0xF;
	(xrf2) =	vadd.scan.msk.f32 $0xffff, v27  }
0x495: {  	v39 =	vld [tilespmem:s7+$0xC7B0];
	[tilespmem:s7+$0xC4F0] =	vst v1;
	v3 =	vadd.f32 v36, v3;
	v38, _, _ =	vpop (xrf2);
	v1 =	vbroadcast v1, $0xF;
	(xrf2) =	vadd.scan.msk.f32 $0xffff, v29  }
0x496: {  	v41 =	vld [tilespmem:s7+$0xC640];
	[tilespmem:s7+$0xC570] =	vst v2;
	v0 =	vadd.f32 v38, v0;
	v40, _, _ =	vpop (xrf2);
	v2 =	vbroadcast v2, $0xF;
	(xrf2) =	vadd.scan.msk.f32 $0xffff, v31  }
0x497: {  	v43 =	vld [tilespmem:s7+$0xC6C0];
	[tilespmem:s7+$0xC5F0] =	vst v3;
	v1 =	vadd.f32 v40, v1;
	v42, _, _ =	vpop (xrf2);
	v3 =	vbroadcast v3, $0xF;
	(xrf2) =	vadd.scan.msk.f32 $0xffff, v33  }
0x498: {  	v45 =	vld [tilespmem:s7+$0xC740];
	[tilespmem:s7+$0xC600] =	vst v0;
	v2 =	vadd.f32 v42, v2;
	v44, _, _ =	vpop (xrf2);
	v0 =	vbroadcast v0, $0xF;
	(xrf2) =	vadd.scan.msk.f32 $0xffff, v35  }
0x499: {  	v47 =	vld [tilespmem:s7+$0xC7C0];
	[tilespmem:s7+$0xC680] =	vst v1;
	v3 =	vadd.f32 v44, v3;
	v46, _, _ =	vpop (xrf2);
	v1 =	vbroadcast v1, $0xF;
	(xrf2) =	vadd.scan.msk.f32 $0xffff, v37  }
0x49a: {  	v49 =	vld [tilespmem:s7+$0xC650];
	[tilespmem:s7+$0xC700] =	vst v2;
	v0 =	vadd.f32 v46, v0;
	v48, _, _ =	vpop (xrf2);
	v2 =	vbroadcast v2, $0xF;
	(xrf2) =	vadd.scan.msk.f32 $0xffff, v39  }
0x49b: {  	v51 =	vld [tilespmem:s7+$0xC6D0];
	[tilespmem:s7+$0xC780] =	vst v3;
	v1 =	vadd.f32 v48, v1;
	v50, _, _ =	vpop (xrf2);
	v3 =	vbroadcast v3, $0xF;
	(xrf2) =	vadd.scan.msk.f32 $0xffff, v41  }
0x49c: {  	v53 =	vld [tilespmem:s7+$0xC750];
	[tilespmem:s7+$0xC610] =	vst v0;
	v2 =	vadd.f32 v50, v2;
	v52, _, _ =	vpop (xrf2);
	v0 =	vbroadcast v0, $0xF;
	(xrf2) =	vadd.scan.msk.f32 $0xffff, v43  }
0x49d: {  	v55 =	vld [tilespmem:s7+$0xC7D0];
	[tilespmem:s7+$0xC690] =	vst v1;
	v3 =	vadd.f32 v52, v3;
	v54, _, _ =	vpop (xrf2);
	v1 =	vbroadcast v1, $0xF;
	(xrf2) =	vadd.scan.msk.f32 $0xffff, v45  }
0x49e: {  	v57 =	vld [tilespmem:s7+$0xC660];
	[tilespmem:s7+$0xC710] =	vst v2;
	v0 =	vadd.f32 v54, v0;
	v56, _, _ =	vpop (xrf2);
	v2 =	vbroadcast v2, $0xF;
	(xrf2) =	vadd.scan.msk.f32 $0xffff, v47  }
0x49f: {  	v59 =	vld [tilespmem:s7+$0xC6E0];
	[tilespmem:s7+$0xC790] =	vst v3;
	v1 =	vadd.f32 v56, v1;
	v58, _, _ =	vpop (xrf2);
	v3 =	vbroadcast v3, $0xF;
	(xrf2) =	vadd.scan.msk.f32 $0xffff, v49  }
0x4a0: {  	v61 =	vld [tilespmem:s7+$0xC760];
	[tilespmem:s7+$0xC620] =	vst v0;
	v2 =	vadd.f32 v58, v2;
	v60, _, _ =	vpop (xrf2);
	v0 =	vbroadcast v0, $0xF;
	(xrf2) =	vadd.scan.msk.f32 $0xffff, v51  }
0x4a1: {  	v63 =	vld [tilespmem:s7+$0xC7E0];
	[tilespmem:s7+$0xC6A0] =	vst v1;
	v3 =	vadd.f32 v60, v3;
	v62, _, _ =	vpop (xrf2);
	v1 =	vbroadcast v1, $0xF;
	(xrf2) =	vadd.scan.msk.f32 $0xffff, v53  }
0x4a2: {  	v13 =	vld [tilespmem:s7+$0xC670];
	[tilespmem:s7+$0xC720] =	vst v2;
	v0 =	vadd.f32 v62, v0;
	v12, _, _ =	vpop (xrf2);
	v2 =	vbroadcast v2, $0xF;
	(xrf2) =	vadd.scan.msk.f32 $0xffff, v55  }
0x4a3: {  	v15 =	vld [tilespmem:s7+$0xC6F0];
	[tilespmem:s7+$0xC7A0] =	vst v3;
	v1 =	vadd.f32 v12, v1;
	v14, _, _ =	vpop (xrf2);
	v3 =	vbroadcast v3, $0xF;
	(xrf2) =	vadd.scan.msk.f32 $0xffff, v57  }
0x4a4: {  	v17 =	vld [tilespmem:s7+$0xC770];
	[tilespmem:s7+$0xC630] =	vst v0;
	v2 =	vadd.f32 v14, v2;
	v16, _, _ =	vpop (xrf2);
	v0 =	vbroadcast v0, $0xF;
	(xrf2) =	vadd.scan.msk.f32 $0xffff, v59  }
0x4a5: {  	v19 =	vld [tilespmem:s7+$0xC7F0];
	[tilespmem:s7+$0xC6B0] =	vst v1;
	v3 =	vadd.f32 v16, v3;
	v18, _, _ =	vpop (xrf2);
	v1 =	vbroadcast v1, $0xF;
	(xrf2) =	vadd.scan.msk.f32 $0xffff, v61  }
0x4a6: {  	v21 =	vld [tilespmem:s7+$0xC800];
	[tilespmem:s7+$0xC730] =	vst v2;
	v0 =	vadd.f32 v18, v0;
	v20, _, _ =	vpop (xrf2);
	v2 =	vbroadcast v2, $0xF;
	(xrf2) =	vadd.scan.msk.f32 $0xffff, v63  }
0x4a7: {  	v23 =	vld [tilespmem:s7+$0xC880];
	[tilespmem:s7+$0xC7B0] =	vst v3;
	v1 =	vadd.f32 v20, v1;
	v22, _, _ =	vpop (xrf2);
	v3 =	vbroadcast v3, $0xF;
	(xrf2) =	vadd.scan.msk.f32 $0xffff, v13  }
0x4a8: {  	v25 =	vld [tilespmem:s7+$0xC900];
	[tilespmem:s7+$0xC640] =	vst v0;
	v2 =	vadd.f32 v22, v2;
	v24, _, _ =	vpop (xrf2);
	v0 =	vbroadcast v0, $0xF;
	(xrf2) =	vadd.scan.msk.f32 $0xffff, v15  }
0x4a9: {  	v27 =	vld [tilespmem:s7+$0xC980];
	[tilespmem:s7+$0xC6C0] =	vst v1;
	v3 =	vadd.f32 v24, v3;
	v26, _, _ =	vpop (xrf2);
	v1 =	vbroadcast v1, $0xF;
	(xrf2) =	vadd.scan.msk.f32 $0xffff, v17  }
0x4aa: {  	v29 =	vld [tilespmem:s7+$0xC810];
	[tilespmem:s7+$0xC740] =	vst v2;
	v0 =	vadd.f32 v26, v0;
	v28, _, _ =	vpop (xrf2);
	v2 =	vbroadcast v2, $0xF;
	(xrf2) =	vadd.scan.msk.f32 $0xffff, v19  }
0x4ab: {  	[tilespmem:s7+$0xC7C0] =	vst v3;
	v1 =	vadd.f32 v28, v1;
	v30, _, _ =	vpop (xrf2);
	v3 =	vbroadcast v3, $0xF;
	(xrf2) =	vadd.scan.msk.f32 $0xffff, v21  }
0x4ac: {  	[tilespmem:s7+$0xC650] =	vst v0;
	v2 =	vadd.f32 v30, v2;
	v31, _, _ =	vpop (xrf2);
	v0 =	vbroadcast v0, $0xF;
	(xrf2) =	vadd.scan.msk.f32 $0xffff, v23  }
0x4ad: {  	[tilespmem:s7+$0xC6D0] =	vst v1;
	v3 =	vadd.f32 v31, v3;
	v32, _, _ =	vpop (xrf2);
	v1 =	vbroadcast v1, $0xF;
	(xrf2) =	vadd.scan.msk.f32 $0xffff, v25  }
0x4ae: {  	[tilespmem:s7+$0xC750] =	vst v2;
	v0 =	vadd.f32 v32, v0;
	v33, _, _ =	vpop (xrf2);
	v2 =	vbroadcast v2, $0xF;
	(xrf2) =	vadd.scan.msk.f32 $0xffff, v27  }
0x4af: {  	[tilespmem:s7+$0xC7D0] =	vst v3;
	v1 =	vadd.f32 v33, v1;
	v34, _, _ =	vpop (xrf2);
	v3 =	vbroadcast v3, $0xF;
	(xrf2) =	vadd.scan.msk.f32 $0xffff, v29  }
0x4b0: {  	[tilespmem:s7+$0xC660] =	vst v0;
	v2 =	vadd.f32 v34, v2;
	v35, _, _ =	vpop (xrf2);
	v0 =	vbroadcast v0, $0xF  }
0x4b1: {  	[tilespmem:s7+$0xC6E0] =	vst v1;
	v3 =	vadd.f32 v35, v3;
	v36, _, _ =	vpop (xrf2);
	v1 =	vbroadcast v1, $0xF  }
0x4b2: {  	[tilespmem:s7+$0xC760] =	vst v2;
	v0 =	vadd.f32 v36, v0;
	v37, _, _ =	vpop (xrf2);
	v2 =	vbroadcast v2, $0xF  }
0x4b3: {  	[tilespmem:s7+$0xC7E0] =	vst v3;
	v1 =	vadd.f32 v37, v1;
	v38, _, _ =	vpop (xrf2);
	v3 =	vbroadcast v3, $0xF  }
0x4b4: {  	[tilespmem:s7+$0xC670] =	vst v0;
	v2 =	vadd.f32 v38, v2;
	v39, _, _ =	vpop (xrf2);
	v0 =	vbroadcast v0, $0xF  }
0x4b5: {  	[tilespmem:s7+$0xC6F0] =	vst v1;
	v3 =	vadd.f32 v39, v3;
	v40, _, _ =	vpop (xrf2);
	v1 =	vbroadcast v1, $0xF  }
0x4b6: {  	[tilespmem:s7+$0xC770] =	vst v2;
	v0 =	vadd.f32 v40, v0;
	v41, _, _ =	vpop (xrf2);
	v2 =	vbroadcast v2, $0xF  }
0x4b7: {  	[tilespmem:s7+$0xC7F0] =	vst v3;
	v1 =	vadd.f32 v41, v1;
	v42, _, _ =	vpop (xrf2);
	v3 =	vbroadcast v3, $0xF  }
0x4b8: {  	[tilespmem:s7+$0xC800] =	vst v0;
	v2 =	vadd.f32 v42, v2;
	v43, _, _ =	vpop (xrf2);
	v0 =	vbroadcast v0, $0xF  }
0x4b9: {  	[tilespmem:s7+$0xC880] =	vst v1;
	v3 =	vadd.f32 v43, v3;
	v44, _, _ =	vpop (xrf2)  }
0x4ba: {  	[tilespmem:s7+$0xC900] =	vst v2;
	v0 =	vadd.f32 v44, v0  }
0x4bb: {  	[tilespmem:s7+$0xC980] =	vst v3  }
0x4bc: {  	[tilespmem:s7+$0xC810] =	vst v0  }
0x4bd: {  	v45 =	vld [tilespmem:s7+$0xC890]  }
0x4be: {  	v46 =	vld [tilespmem:s7+$0xC910]  }
0x4bf: {  	v47 =	vld [tilespmem:s7+$0xC990]  }
0x4c0: {  	v48 =	vld [tilespmem:s7+$0xC820]  }
0x4c1: {  	v49 =	vld [tilespmem:s7+$0xC8A0]  }
0x4c2: {  	v50 =	vld [tilespmem:s7+$0xC920];
	(xrf2) =	vadd.scan.msk.f32 $0xffff, v45  }
0x4c3: {  	v51 =	vld [tilespmem:s7+$0xC9A0];
	(xrf2) =	vadd.scan.msk.f32 $0xffff, v46  }
0x4c4: {  	v52 =	vld [tilespmem:s7+$0xC830];
	(xrf2) =	vadd.scan.msk.f32 $0xffff, v47  }
0x4c5: {  	v53 =	vld [tilespmem:s7+$0xC8B0];
	(xrf2) =	vadd.scan.msk.f32 $0xffff, v48  }
0x4c6: {  	v54 =	vld [tilespmem:s7+$0xC930];
	(xrf2) =	vadd.scan.msk.f32 $0xffff, v49  }
0x4c7: {  	v55 =	vld [tilespmem:s7+$0xC9B0];
	(xrf2) =	vadd.scan.msk.f32 $0xffff, v50  }
0x4c8: {  	v56 =	vld [tilespmem:s7+$0xC840];
	(xrf2) =	vadd.scan.msk.f32 $0xffff, v51  }
0x4c9: {  	v57 =	vld [tilespmem:s7+$0xC8C0];
	(xrf2) =	vadd.scan.msk.f32 $0xffff, v52  }
0x4ca: {  	v58 =	vld [tilespmem:s7+$0xC940];
	(xrf2) =	vadd.scan.msk.f32 $0xffff, v53  }
0x4cb: {  	v1 =	vbroadcast v1, $0xF;
	v59 =	vld [tilespmem:s7+$0xC9C0];
	(xrf2) =	vadd.scan.msk.f32 $0xffff, v54  }
0x4cc: {  	v2 =	vbroadcast v2, $0xF;
	v61 =	vld [tilespmem:s7+$0xC850];
	v60, _, _ =	vpop (xrf2);
	(xrf2) =	vadd.scan.msk.f32 $0xffff, v55  }
0x4cd: {  	v3 =	vbroadcast v3, $0xF;
	v63 =	vld [tilespmem:s7+$0xC8D0];
	v1 =	vadd.f32 v60, v1;
	v62, _, _ =	vpop (xrf2);
	(xrf2) =	vadd.scan.msk.f32 $0xffff, v56  }
0x4ce: {  	v0 =	vbroadcast v0, $0xF;
	v16 =	vld [tilespmem:s7+$0xC950];
	v2 =	vadd.f32 v62, v2;
	v15, _, _ =	vpop (xrf2);
	(xrf2) =	vadd.scan.msk.f32 $0xffff, v57  }
0x4cf: {  	v18 =	vld [tilespmem:s7+$0xC9D0];
	v3 =	vadd.f32 v15, v3;
	v17, _, _ =	vpop (xrf2);
	v10 =	vbroadcast v1, $0xF;
	(xrf2) =	vadd.scan.msk.f32 $0xffff, v58  }
0x4d0: {  	v20 =	vld [tilespmem:s7+$0xC860];
	v0 =	vadd.f32 v17, v0;
	v19, _, _ =	vpop (xrf2);
	v11 =	vbroadcast v2, $0xF;
	(xrf2) =	vadd.scan.msk.f32 $0xffff, v59  }
0x4d1: {  	v22 =	vld [tilespmem:s7+$0xC8E0];
	v9 =	vadd.f32 v19, v10;
	v21, _, _ =	vpop (xrf2);
	v12 =	vbroadcast v3, $0xF;
	(xrf2) =	vadd.scan.msk.f32 $0xffff, v61  }
0x4d2: {  	v24 =	vld [tilespmem:s7+$0xC960];
	v10 =	vadd.f32 v21, v11;
	v23, _, _ =	vpop (xrf2);
	v13 =	vbroadcast v0, $0xF;
	(xrf2) =	vadd.scan.msk.f32 $0xffff, v63  }
0x4d3: {  	v26 =	vld [tilespmem:s7+$0xC9E0];
	v11 =	vadd.f32 v23, v12;
	v25, _, _ =	vpop (xrf2);
	v14 =	vbroadcast v9, $0xF;
	(xrf2) =	vadd.scan.msk.f32 $0xffff, v16  }
0x4d4: {  	v28 =	vld [tilespmem:s7+$0xC870];
	v12 =	vadd.f32 v25, v13;
	v27, _, _ =	vpop (xrf2);
	v15 =	vbroadcast v10, $0xF;
	(xrf2) =	vadd.scan.msk.f32 $0xffff, v18  }
0x4d5: {  	v30 =	vld [tilespmem:s7+$0xC8F0];
	v13 =	vadd.f32 v27, v14;
	v29, _, _ =	vpop (xrf2);
	v16 =	vbroadcast v11, $0xF;
	(xrf2) =	vadd.scan.msk.f32 $0xffff, v20  }
0x4d6: {  	v32 =	vld [tilespmem:s7+$0xC970];
	v14 =	vadd.f32 v29, v15;
	v31, _, _ =	vpop (xrf2);
	v17 =	vbroadcast v12, $0xF;
	(xrf2) =	vadd.scan.msk.f32 $0xffff, v22  }
0x4d7: {  	v34 =	vld [tilespmem:s7+$0xC9F0];
	v15 =	vadd.f32 v31, v16;
	v33, _, _ =	vpop (xrf2);
	v18 =	vbroadcast v13, $0xF;
	(xrf2) =	vadd.scan.msk.f32 $0xffff, v24  }
0x4d8: {  	v36 =	vld [tilespmem:s7+$0xCA00];
	v16 =	vadd.f32 v33, v17;
	v35, _, _ =	vpop (xrf2);
	v19 =	vbroadcast v14, $0xF;
	(xrf2) =	vadd.scan.msk.f32 $0xffff, v26  }
0x4d9: {  	v38 =	vld [tilespmem:s7+$0xCA80];
	v17 =	vadd.f32 v35, v18;
	v37, _, _ =	vpop (xrf2);
	v20 =	vbroadcast v15, $0xF;
	(xrf2) =	vadd.scan.msk.f32 $0xffff, v28  }
0x4da: {  	v40 =	vld [tilespmem:s7+$0xCB00];
	v18 =	vadd.f32 v37, v19;
	v39, _, _ =	vpop (xrf2);
	v21 =	vbroadcast v16, $0xF;
	(xrf2) =	vadd.scan.msk.f32 $0xffff, v30  }
0x4db: {  	v42 =	vld [tilespmem:s7+$0xCB80];
	v19 =	vadd.f32 v39, v20;
	v41, _, _ =	vpop (xrf2);
	v22 =	vbroadcast v17, $0xF;
	(xrf2) =	vadd.scan.msk.f32 $0xffff, v32  }
0x4dc: {  	v44 =	vld [tilespmem:s7+$0xCA10];
	v20 =	vadd.f32 v41, v21;
	v43, _, _ =	vpop (xrf2);
	v23 =	vbroadcast v18, $0xF;
	(xrf2) =	vadd.scan.msk.f32 $0xffff, v34  }
0x4dd: {  	v46 =	vld [tilespmem:s7+$0xCA90];
	v21 =	vadd.f32 v43, v22;
	v45, _, _ =	vpop (xrf2);
	v24 =	vbroadcast v19, $0xF;
	(xrf2) =	vadd.scan.msk.f32 $0xffff, v36  }
0x4de: {  	v49 =	vld [tilespmem:s7+$0xCB10];
	[tilespmem:s7+$0xC890] =	vst v1;
	v1 =	vadd.f32 v45, v23;
	v47, _, _ =	vpop (xrf2);
	v48 =	vbroadcast v20, $0xF;
	(xrf2) =	vadd.scan.msk.f32 $0xffff, v38  }
0x4df: {  	v52 =	vld [tilespmem:s7+$0xCB90];
	[tilespmem:s7+$0xC910] =	vst v2;
	v2 =	vadd.f32 v47, v24;
	v50, _, _ =	vpop (xrf2);
	v51 =	vbroadcast v21, $0xF;
	(xrf2) =	vadd.scan.msk.f32 $0xffff, v40  }
0x4e0: {  	v55 =	vld [tilespmem:s7+$0xCA20];
	[tilespmem:s7+$0xC990] =	vst v3;
	v3 =	vadd.f32 v50, v48;
	v53, _, _ =	vpop (xrf2);
	v54 =	vbroadcast v1, $0xF;
	(xrf2) =	vadd.scan.msk.f32 $0xffff, v42  }
0x4e1: {  	v58 =	vld [tilespmem:s7+$0xCAA0];
	[tilespmem:s7+$0xC820] =	vst v0;
	v0 =	vadd.f32 v53, v51;
	v56, _, _ =	vpop (xrf2);
	v57 =	vbroadcast v2, $0xF;
	(xrf2) =	vadd.scan.msk.f32 $0xffff, v44  }
0x4e2: {  	v61 =	vld [tilespmem:s7+$0xCB20];
	[tilespmem:s7+$0xC8A0] =	vst v9;
	v9 =	vadd.f32 v56, v54;
	v59, _, _ =	vpop (xrf2);
	v60 =	vbroadcast v3, $0xF;
	(xrf2) =	vadd.scan.msk.f32 $0xffff, v46  }
0x4e3: {  	[tilespmem:s7+$0xC920] =	vst v10;
	v28 =	vld [tilespmem:s7+$0xCBA0];
	v10 =	vadd.f32 v59, v57;
	v62, _, _ =	vpop (xrf2);
	v63 =	vbroadcast v0, $0xF;
	(xrf2) =	vadd.scan.msk.f32 $0xffff, v49  }
0x4e4: {  	[tilespmem:s7+$0xC9A0] =	vst v11;
	v31 =	vld [tilespmem:s7+$0xCA30];
	v11 =	vadd.f32 v62, v60;
	v29, _, _ =	vpop (xrf2);
	v30 =	vbroadcast v9, $0xF;
	(xrf2) =	vadd.scan.msk.f32 $0xffff, v52  }
0x4e5: {  	[tilespmem:s7+$0xC830] =	vst v12;
	v34 =	vld [tilespmem:s7+$0xCAB0];
	v12 =	vadd.f32 v29, v63;
	v32, _, _ =	vpop (xrf2);
	v33 =	vbroadcast v10, $0xF;
	(xrf2) =	vadd.scan.msk.f32 $0xffff, v55  }
0x4e6: {  	[tilespmem:s7+$0xC8B0] =	vst v13;
	v37 =	vld [tilespmem:s7+$0xCB30];
	v13 =	vadd.f32 v32, v30;
	v35, _, _ =	vpop (xrf2);
	v36 =	vbroadcast v11, $0xF;
	(xrf2) =	vadd.scan.msk.f32 $0xffff, v58  }
0x4e7: {  	[tilespmem:s7+$0xC930] =	vst v14;
	v40 =	vld [tilespmem:s7+$0xCBB0];
	v14 =	vadd.f32 v35, v33;
	v38, _, _ =	vpop (xrf2);
	v39 =	vbroadcast v12, $0xF;
	(xrf2) =	vadd.scan.msk.f32 $0xffff, v61  }
0x4e8: {  	[tilespmem:s7+$0xC9B0] =	vst v15;
	v43 =	vld [tilespmem:s7+$0xCA40];
	v15 =	vadd.f32 v38, v36;
	v41, _, _ =	vpop (xrf2);
	v42 =	vbroadcast v13, $0xF;
	(xrf2) =	vadd.scan.msk.f32 $0xffff, v28  }
0x4e9: {  	[tilespmem:s7+$0xC840] =	vst v16;
	v46 =	vld [tilespmem:s7+$0xCAC0];
	v16 =	vadd.f32 v41, v39;
	v44, _, _ =	vpop (xrf2);
	v45 =	vbroadcast v14, $0xF;
	(xrf2) =	vadd.scan.msk.f32 $0xffff, v31  }
0x4ea: {  	[tilespmem:s7+$0xC8C0] =	vst v17;
	v49 =	vld [tilespmem:s7+$0xCB40];
	v17 =	vadd.f32 v44, v42;
	v47, _, _ =	vpop (xrf2);
	v48 =	vbroadcast v15, $0xF;
	(xrf2) =	vadd.scan.msk.f32 $0xffff, v34  }
0x4eb: {  	[tilespmem:s7+$0xC940] =	vst v18;
	v52 =	vld [tilespmem:s7+$0xCBC0];
	v18 =	vadd.f32 v47, v45;
	v50, _, _ =	vpop (xrf2);
	v51 =	vbroadcast v16, $0xF;
	(xrf2) =	vadd.scan.msk.f32 $0xffff, v37  }
0x4ec: {  	[tilespmem:s7+$0xC9C0] =	vst v19;
	v55 =	vld [tilespmem:s7+$0xCA50];
	v19 =	vadd.f32 v50, v48;
	v53, _, _ =	vpop (xrf2);
	v54 =	vbroadcast v17, $0xF;
	(xrf2) =	vadd.scan.msk.f32 $0xffff, v40  }
0x4ed: {  	[tilespmem:s7+$0xC850] =	vst v20;
	v58 =	vld [tilespmem:s7+$0xCAD0];
	v20 =	vadd.f32 v53, v51;
	v56, _, _ =	vpop (xrf2);
	v57 =	vbroadcast v18, $0xF;
	(xrf2) =	vadd.scan.msk.f32 $0xffff, v43  }
0x4ee: {  	[tilespmem:s7+$0xC8D0] =	vst v21;
	v61 =	vld [tilespmem:s7+$0xCB50];
	v21 =	vadd.f32 v56, v54;
	v59, _, _ =	vpop (xrf2);
	v60 =	vbroadcast v19, $0xF;
	(xrf2) =	vadd.scan.msk.f32 $0xffff, v46  }
0x4ef: {  	[tilespmem:s7+$0xC950] =	vst v1;
	v28 =	vld [tilespmem:s7+$0xCBD0];
	v1 =	vadd.f32 v59, v57;
	v62, _, _ =	vpop (xrf2);
	v63 =	vbroadcast v20, $0xF;
	(xrf2) =	vadd.scan.msk.f32 $0xffff, v49  }
0x4f0: {  	[tilespmem:s7+$0xC9D0] =	vst v2;
	v31 =	vld [tilespmem:s7+$0xCA60];
	v2 =	vadd.f32 v62, v60;
	v29, _, _ =	vpop (xrf2);
	v30 =	vbroadcast v21, $0xF;
	(xrf2) =	vadd.scan.msk.f32 $0xffff, v52  }
0x4f1: {  	[tilespmem:s7+$0xC860] =	vst v3;
	v34 =	vld [tilespmem:s7+$0xCAE0];
	v3 =	vadd.f32 v29, v63;
	v32, _, _ =	vpop (xrf2);
	v33 =	vbroadcast v1, $0xF;
	(xrf2) =	vadd.scan.msk.f32 $0xffff, v55  }
0x4f2: {  	[tilespmem:s7+$0xC8E0] =	vst v0;
	v37 =	vld [tilespmem:s7+$0xCB60];
	v0 =	vadd.f32 v32, v30;
	v35, _, _ =	vpop (xrf2);
	v36 =	vbroadcast v2, $0xF;
	(xrf2) =	vadd.scan.msk.f32 $0xffff, v58  }
0x4f3: {  	[tilespmem:s7+$0xC960] =	vst v9;
	v40 =	vld [tilespmem:s7+$0xCBE0];
	v9 =	vadd.f32 v35, v33;
	v38, _, _ =	vpop (xrf2);
	v39 =	vbroadcast v3, $0xF;
	(xrf2) =	vadd.scan.msk.f32 $0xffff, v61  }
0x4f4: {  	[tilespmem:s7+$0xC9E0] =	vst v10;
	v43 =	vld [tilespmem:s7+$0xCA70];
	v10 =	vadd.f32 v38, v36;
	v41, _, _ =	vpop (xrf2);
	v42 =	vbroadcast v0, $0xF;
	(xrf2) =	vadd.scan.msk.f32 $0xffff, v28  }
0x4f5: {  	[tilespmem:s7+$0xC870] =	vst v11;
	v46 =	vld [tilespmem:s7+$0xCAF0];
	v11 =	vadd.f32 v41, v39;
	v44, _, _ =	vpop (xrf2);
	v45 =	vbroadcast v9, $0xF;
	(xrf2) =	vadd.scan.msk.f32 $0xffff, v31  }
0x4f6: {  	[tilespmem:s7+$0xC8F0] =	vst v12;
	v49 =	vld [tilespmem:s7+$0xCB70];
	v12 =	vadd.f32 v44, v42;
	v47, _, _ =	vpop (xrf2);
	v48 =	vbroadcast v10, $0xF;
	(xrf2) =	vadd.scan.msk.f32 $0xffff, v34  }
0x4f7: {  	[tilespmem:s7+$0xC970] =	vst v13;
	v52 =	vld [tilespmem:s7+$0xCBF0];
	v13 =	vadd.f32 v47, v45;
	v50, _, _ =	vpop (xrf2);
	v51 =	vbroadcast v11, $0xF;
	(xrf2) =	vadd.scan.msk.f32 $0xffff, v37  }
0x4f8: {  	[tilespmem:s7+$0xC9F0] =	vst v14;
	v55 =	vld [tilespmem:s7+$0xCC00];
	v14 =	vadd.f32 v50, v48;
	v53, _, _ =	vpop (xrf2);
	v54 =	vbroadcast v12, $0xF;
	(xrf2) =	vadd.scan.msk.f32 $0xffff, v40  }
0x4f9: {  	[tilespmem:s7+$0xCA00] =	vst v15;
	v58 =	vld [tilespmem:s7+$0xCC80];
	v15 =	vadd.f32 v53, v51;
	v56, _, _ =	vpop (xrf2);
	v57 =	vbroadcast v13, $0xF;
	(xrf2) =	vadd.scan.msk.f32 $0xffff, v43  }
0x4fa: {  	[tilespmem:s7+$0xCA80] =	vst v16;
	v61 =	vld [tilespmem:s7+$0xCD00];
	v16 =	vadd.f32 v56, v54;
	v59, _, _ =	vpop (xrf2);
	v60 =	vbroadcast v14, $0xF;
	(xrf2) =	vadd.scan.msk.f32 $0xffff, v46  }
0x4fb: {  	[tilespmem:s7+$0xCB00] =	vst v17;
	v28 =	vld [tilespmem:s7+$0xCD80];
	v17 =	vadd.f32 v59, v57;
	v62, _, _ =	vpop (xrf2);
	v63 =	vbroadcast v15, $0xF;
	(xrf2) =	vadd.scan.msk.f32 $0xffff, v49  }
0x4fc: {  	[tilespmem:s7+$0xCB80] =	vst v18;
	v31 =	vld [tilespmem:s7+$0xCC10];
	v18 =	vadd.f32 v62, v60;
	v29, _, _ =	vpop (xrf2);
	v30 =	vbroadcast v16, $0xF;
	(xrf2) =	vadd.scan.msk.f32 $0xffff, v52  }
0x4fd: {  	[tilespmem:s7+$0xCA10] =	vst v19;
	v34 =	vld [tilespmem:s7+$0xCC90];
	v19 =	vadd.f32 v29, v63;
	v32, _, _ =	vpop (xrf2);
	v33 =	vbroadcast v17, $0xF;
	(xrf2) =	vadd.scan.msk.f32 $0xffff, v55  }
0x4fe: {  	[tilespmem:s7+$0xCA90] =	vst v20;
	v37 =	vld [tilespmem:s7+$0xCD10];
	v20 =	vadd.f32 v32, v30;
	v35, _, _ =	vpop (xrf2);
	v36 =	vbroadcast v18, $0xF;
	(xrf2) =	vadd.scan.msk.f32 $0xffff, v58  }
0x4ff: {  	[tilespmem:s7+$0xCB10] =	vst v21;
	v40 =	vld [tilespmem:s7+$0xCD90];
	v21 =	vadd.f32 v35, v33;
	v38, _, _ =	vpop (xrf2);
	v39 =	vbroadcast v19, $0xF;
	(xrf2) =	vadd.scan.msk.f32 $0xffff, v61  }
0x500: {  	[tilespmem:s7+$0xCB90] =	vst v1;
	v43 =	vld [tilespmem:s7+$0xCC20];
	v1 =	vadd.f32 v38, v36;
	v41, _, _ =	vpop (xrf2);
	v42 =	vbroadcast v20, $0xF;
	(xrf2) =	vadd.scan.msk.f32 $0xffff, v28  }
0x501: {  	[tilespmem:s7+$0xCA20] =	vst v2;
	v46 =	vld [tilespmem:s7+$0xCCA0];
	v2 =	vadd.f32 v41, v39;
	v44, _, _ =	vpop (xrf2);
	v45 =	vbroadcast v21, $0xF;
	(xrf2) =	vadd.scan.msk.f32 $0xffff, v31  }
0x502: {  	[tilespmem:s7+$0xCAA0] =	vst v3;
	v49 =	vld [tilespmem:s7+$0xCD20];
	v3 =	vadd.f32 v44, v42;
	v47, _, _ =	vpop (xrf2);
	v48 =	vbroadcast v1, $0xF;
	(xrf2) =	vadd.scan.msk.f32 $0xffff, v34  }
0x503: {  	[tilespmem:s7+$0xCB20] =	vst v0;
	v52 =	vld [tilespmem:s7+$0xCDA0];
	v0 =	vadd.f32 v47, v45;
	v50, _, _ =	vpop (xrf2);
	v51 =	vbroadcast v2, $0xF;
	(xrf2) =	vadd.scan.msk.f32 $0xffff, v37  }
0x504: {  	[tilespmem:s7+$0xCBA0] =	vst v9;
	v55 =	vld [tilespmem:s7+$0xCC30];
	v9 =	vadd.f32 v50, v48;
	v53, _, _ =	vpop (xrf2);
	v54 =	vbroadcast v3, $0xF;
	(xrf2) =	vadd.scan.msk.f32 $0xffff, v40  }
0x505: {  	[tilespmem:s7+$0xCA30] =	vst v10;
	v58 =	vld [tilespmem:s7+$0xCCB0];
	v10 =	vadd.f32 v53, v51;
	v56, _, _ =	vpop (xrf2);
	v57 =	vbroadcast v0, $0xF;
	(xrf2) =	vadd.scan.msk.f32 $0xffff, v43  }
0x506: {  	[tilespmem:s7+$0xCAB0] =	vst v11;
	v61 =	vld [tilespmem:s7+$0xCD30];
	v11 =	vadd.f32 v56, v54;
	v59, _, _ =	vpop (xrf2);
	v60 =	vbroadcast v9, $0xF;
	(xrf2) =	vadd.scan.msk.f32 $0xffff, v46  }
0x507: {  	[tilespmem:s7+$0xCB30] =	vst v12;
	v28 =	vld [tilespmem:s7+$0xCDB0];
	v12 =	vadd.f32 v59, v57;
	v62, _, _ =	vpop (xrf2);
	v63 =	vbroadcast v10, $0xF;
	(xrf2) =	vadd.scan.msk.f32 $0xffff, v49  }
0x508: {  	[tilespmem:s7+$0xCBB0] =	vst v13;
	v31 =	vld [tilespmem:s7+$0xCC40];
	v13 =	vadd.f32 v62, v60;
	v29, _, _ =	vpop (xrf2);
	v30 =	vbroadcast v11, $0xF;
	(xrf2) =	vadd.scan.msk.f32 $0xffff, v52  }
0x509: {  	[tilespmem:s7+$0xCA40] =	vst v14;
	v34 =	vld [tilespmem:s7+$0xCCC0];
	v14 =	vadd.f32 v29, v63;
	v32, _, _ =	vpop (xrf2);
	v33 =	vbroadcast v12, $0xF;
	(xrf2) =	vadd.scan.msk.f32 $0xffff, v55  }
0x50a: {  	[tilespmem:s7+$0xCAC0] =	vst v15;
	v37 =	vld [tilespmem:s7+$0xCD40];
	v15 =	vadd.f32 v32, v30;
	v35, _, _ =	vpop (xrf2);
	v36 =	vbroadcast v13, $0xF;
	(xrf2) =	vadd.scan.msk.f32 $0xffff, v58  }
0x50b: {  	[tilespmem:s7+$0xCB40] =	vst v16;
	v40 =	vld [tilespmem:s7+$0xCDC0];
	v16 =	vadd.f32 v35, v33;
	v38, _, _ =	vpop (xrf2);
	v39 =	vbroadcast v14, $0xF;
	(xrf2) =	vadd.scan.msk.f32 $0xffff, v61  }
0x50c: {  	[tilespmem:s7+$0xCBC0] =	vst v17;
	v43 =	vld [tilespmem:s7+$0xCC50];
	v17 =	vadd.f32 v38, v36;
	v41, _, _ =	vpop (xrf2);
	v42 =	vbroadcast v15, $0xF;
	(xrf2) =	vadd.scan.msk.f32 $0xffff, v28  }
0x50d: {  	[tilespmem:s7+$0xCA50] =	vst v18;
	v46 =	vld [tilespmem:s7+$0xCCD0];
	v18 =	vadd.f32 v41, v39;
	v44, _, _ =	vpop (xrf2);
	v45 =	vbroadcast v16, $0xF;
	(xrf2) =	vadd.scan.msk.f32 $0xffff, v31  }
0x50e: {  	[tilespmem:s7+$0xCAD0] =	vst v19;
	v49 =	vld [tilespmem:s7+$0xCD50];
	v19 =	vadd.f32 v44, v42;
	v47, _, _ =	vpop (xrf2);
	v48 =	vbroadcast v17, $0xF;
	(xrf2) =	vadd.scan.msk.f32 $0xffff, v34  }
0x50f: {  	[tilespmem:s7+$0xCB50] =	vst v20;
	v52 =	vld [tilespmem:s7+$0xCDD0];
	v20 =	vadd.f32 v47, v45;
	v50, _, _ =	vpop (xrf2);
	v51 =	vbroadcast v18, $0xF;
	(xrf2) =	vadd.scan.msk.f32 $0xffff, v37  }
0x510: {  	[tilespmem:s7+$0xCBD0] =	vst v21;
	v55 =	vld [tilespmem:s7+$0xCC60];
	v21 =	vadd.f32 v50, v48;
	v53, _, _ =	vpop (xrf2);
	v54 =	vbroadcast v19, $0xF;
	(xrf2) =	vadd.scan.msk.f32 $0xffff, v40  }
0x511: {  	[tilespmem:s7+$0xCA60] =	vst v1;
	v58 =	vld [tilespmem:s7+$0xCCE0];
	v1 =	vadd.f32 v53, v51;
	v56, _, _ =	vpop (xrf2);
	v57 =	vbroadcast v20, $0xF;
	(xrf2) =	vadd.scan.msk.f32 $0xffff, v43  }
0x512: {  	[tilespmem:s7+$0xCAE0] =	vst v2;
	v61 =	vld [tilespmem:s7+$0xCD60];
	v2 =	vadd.f32 v56, v54;
	v59, _, _ =	vpop (xrf2);
	v60 =	vbroadcast v21, $0xF;
	(xrf2) =	vadd.scan.msk.f32 $0xffff, v46  }
0x513: {  	[tilespmem:s7+$0xCB60] =	vst v3;
	v28 =	vld [tilespmem:s7+$0xCDE0];
	v3 =	vadd.f32 v59, v57;
	v62, _, _ =	vpop (xrf2);
	v63 =	vbroadcast v1, $0xF;
	(xrf2) =	vadd.scan.msk.f32 $0xffff, v49  }
0x514: {  	[tilespmem:s7+$0xCBE0] =	vst v0;
	v31 =	vld [tilespmem:s7+$0xCC70];
	v0 =	vadd.f32 v62, v60;
	v29, _, _ =	vpop (xrf2);
	v30 =	vbroadcast v2, $0xF;
	(xrf2) =	vadd.scan.msk.f32 $0xffff, v52  }
0x515: {  	[tilespmem:s7+$0xCA70] =	vst v9;
	v34 =	vld [tilespmem:s7+$0xCCF0];
	v9 =	vadd.f32 v29, v63;
	v32, _, _ =	vpop (xrf2);
	v33 =	vbroadcast v3, $0xF;
	(xrf2) =	vadd.scan.msk.f32 $0xffff, v55  }
0x516: {  	[tilespmem:s7+$0xCAF0] =	vst v10;
	v37 =	vld [tilespmem:s7+$0xCD70];
	v10 =	vadd.f32 v32, v30;
	v35, _, _ =	vpop (xrf2);
	v36 =	vbroadcast v0, $0xF;
	(xrf2) =	vadd.scan.msk.f32 $0xffff, v58  }
0x517: {  	[tilespmem:s7+$0xCB70] =	vst v11;
	v40 =	vld [tilespmem:s7+$0xCDF0];
	v11 =	vadd.f32 v35, v33;
	v38, _, _ =	vpop (xrf2);
	v39 =	vbroadcast v9, $0xF;
	(xrf2) =	vadd.scan.msk.f32 $0xffff, v61  }
0x518: {  	[tilespmem:s7+$0xCBF0] =	vst v12;
	v43 =	vld [tilespmem:s7+$0xCE00];
	v12 =	vadd.f32 v38, v36;
	v41, _, _ =	vpop (xrf2);
	v42 =	vbroadcast v10, $0xF;
	(xrf2) =	vadd.scan.msk.f32 $0xffff, v28  }
0x519: {  	[tilespmem:s7+$0xCC00] =	vst v13;
	v46 =	vld [tilespmem:s7+$0xCE80];
	v13 =	vadd.f32 v41, v39;
	v44, _, _ =	vpop (xrf2);
	v45 =	vbroadcast v11, $0xF;
	(xrf2) =	vadd.scan.msk.f32 $0xffff, v31  }
0x51a: {  	[tilespmem:s7+$0xCC80] =	vst v14;
	v49 =	vld [tilespmem:s7+$0xCF00];
	v14 =	vadd.f32 v44, v42;
	v47, _, _ =	vpop (xrf2);
	v48 =	vbroadcast v12, $0xF;
	(xrf2) =	vadd.scan.msk.f32 $0xffff, v34  }
0x51b: {  	[tilespmem:s7+$0xCD00] =	vst v15;
	v52 =	vld [tilespmem:s7+$0xCF80];
	v15 =	vadd.f32 v47, v45;
	v50, _, _ =	vpop (xrf2);
	v51 =	vbroadcast v13, $0xF;
	(xrf2) =	vadd.scan.msk.f32 $0xffff, v37  }
0x51c: {  	[tilespmem:s7+$0xCD80] =	vst v16;
	v55 =	vld [tilespmem:s7+$0xCE10];
	v16 =	vadd.f32 v50, v48;
	v53, _, _ =	vpop (xrf2);
	v54 =	vbroadcast v14, $0xF;
	(xrf2) =	vadd.scan.msk.f32 $0xffff, v40  }
0x51d: {  	[tilespmem:s7+$0xCC10] =	vst v17;
	v58 =	vld [tilespmem:s7+$0xCE90];
	v17 =	vadd.f32 v53, v51;
	v56, _, _ =	vpop (xrf2);
	v57 =	vbroadcast v15, $0xF;
	(xrf2) =	vadd.scan.msk.f32 $0xffff, v43  }
0x51e: {  	[tilespmem:s7+$0xCC90] =	vst v18;
	v61 =	vld [tilespmem:s7+$0xCF10];
	v18 =	vadd.f32 v56, v54;
	v59, _, _ =	vpop (xrf2);
	v60 =	vbroadcast v16, $0xF;
	(xrf2) =	vadd.scan.msk.f32 $0xffff, v46  }
0x51f: {  	[tilespmem:s7+$0xCD10] =	vst v19;
	v28 =	vld [tilespmem:s7+$0xCF90];
	v19 =	vadd.f32 v59, v57;
	v62, _, _ =	vpop (xrf2);
	v63 =	vbroadcast v17, $0xF;
	(xrf2) =	vadd.scan.msk.f32 $0xffff, v49  }
0x520: {  	[tilespmem:s7+$0xCD90] =	vst v20;
	v31 =	vld [tilespmem:s7+$0xCE20];
	v20 =	vadd.f32 v62, v60;
	v29, _, _ =	vpop (xrf2);
	v30 =	vbroadcast v18, $0xF;
	(xrf2) =	vadd.scan.msk.f32 $0xffff, v52  }
0x521: {  	[tilespmem:s7+$0xCC20] =	vst v21;
	v34 =	vld [tilespmem:s7+$0xCEA0];
	v21 =	vadd.f32 v29, v63;
	v32, _, _ =	vpop (xrf2);
	v33 =	vbroadcast v19, $0xF;
	(xrf2) =	vadd.scan.msk.f32 $0xffff, v55  }
0x522: {  	[tilespmem:s7+$0xCCA0] =	vst v1;
	v37 =	vld [tilespmem:s7+$0xCF20];
	v1 =	vadd.f32 v32, v30;
	v35, _, _ =	vpop (xrf2);
	v36 =	vbroadcast v20, $0xF;
	(xrf2) =	vadd.scan.msk.f32 $0xffff, v58  }
0x523: {  	[tilespmem:s7+$0xCD20] =	vst v2;
	v40 =	vld [tilespmem:s7+$0xCFA0];
	v2 =	vadd.f32 v35, v33;
	v38, _, _ =	vpop (xrf2);
	v39 =	vbroadcast v21, $0xF;
	(xrf2) =	vadd.scan.msk.f32 $0xffff, v61  }
0x524: {  	[tilespmem:s7+$0xCDA0] =	vst v3;
	v43 =	vld [tilespmem:s7+$0xCE30];
	v3 =	vadd.f32 v38, v36;
	v41, _, _ =	vpop (xrf2);
	v42 =	vbroadcast v1, $0xF;
	(xrf2) =	vadd.scan.msk.f32 $0xffff, v28  }
0x525: {  	[tilespmem:s7+$0xCC30] =	vst v0;
	v46 =	vld [tilespmem:s7+$0xCEB0];
	v0 =	vadd.f32 v41, v39;
	v44, _, _ =	vpop (xrf2);
	v45 =	vbroadcast v2, $0xF;
	(xrf2) =	vadd.scan.msk.f32 $0xffff, v31  }
0x526: {  	[tilespmem:s7+$0xCCB0] =	vst v9;
	v49 =	vld [tilespmem:s7+$0xCF30];
	v9 =	vadd.f32 v44, v42;
	v47, _, _ =	vpop (xrf2);
	v48 =	vbroadcast v3, $0xF;
	(xrf2) =	vadd.scan.msk.f32 $0xffff, v34  }
0x527: {  	[tilespmem:s7+$0xCD30] =	vst v10;
	v52 =	vld [tilespmem:s7+$0xCFB0];
	v10 =	vadd.f32 v47, v45;
	v50, _, _ =	vpop (xrf2);
	v51 =	vbroadcast v0, $0xF;
	(xrf2) =	vadd.scan.msk.f32 $0xffff, v37  }
0x528: {  	[tilespmem:s7+$0xCDB0] =	vst v11;
	v55 =	vld [tilespmem:s7+$0xCE40];
	v11 =	vadd.f32 v50, v48;
	v53, _, _ =	vpop (xrf2);
	v54 =	vbroadcast v9, $0xF;
	(xrf2) =	vadd.scan.msk.f32 $0xffff, v40  }
0x529: {  	[tilespmem:s7+$0xCC40] =	vst v12;
	v58 =	vld [tilespmem:s7+$0xCEC0];
	v12 =	vadd.f32 v53, v51;
	v56, _, _ =	vpop (xrf2);
	v57 =	vbroadcast v10, $0xF;
	(xrf2) =	vadd.scan.msk.f32 $0xffff, v43  }
0x52a: {  	[tilespmem:s7+$0xCCC0] =	vst v13;
	v61 =	vld [tilespmem:s7+$0xCF40];
	v13 =	vadd.f32 v56, v54;
	v59, _, _ =	vpop (xrf2);
	v60 =	vbroadcast v11, $0xF;
	(xrf2) =	vadd.scan.msk.f32 $0xffff, v46  }
0x52b: {  	[tilespmem:s7+$0xCD40] =	vst v14;
	v28 =	vld [tilespmem:s7+$0xCFC0];
	v14 =	vadd.f32 v59, v57;
	v62, _, _ =	vpop (xrf2);
	v63 =	vbroadcast v12, $0xF;
	(xrf2) =	vadd.scan.msk.f32 $0xffff, v49  }
0x52c: {  	[tilespmem:s7+$0xCDC0] =	vst v15;
	v31 =	vld [tilespmem:s7+$0xCE50];
	v15 =	vadd.f32 v62, v60;
	v29, _, _ =	vpop (xrf2);
	v30 =	vbroadcast v13, $0xF;
	(xrf2) =	vadd.scan.msk.f32 $0xffff, v52  }
0x52d: {  	[tilespmem:s7+$0xCC50] =	vst v16;
	v34 =	vld [tilespmem:s7+$0xCED0];
	v16 =	vadd.f32 v29, v63;
	v32, _, _ =	vpop (xrf2);
	v33 =	vbroadcast v14, $0xF;
	(xrf2) =	vadd.scan.msk.f32 $0xffff, v55  }
0x52e: {  	[tilespmem:s7+$0xCCD0] =	vst v17;
	v37 =	vld [tilespmem:s7+$0xCF50];
	v17 =	vadd.f32 v32, v30;
	v35, _, _ =	vpop (xrf2);
	v36 =	vbroadcast v15, $0xF;
	(xrf2) =	vadd.scan.msk.f32 $0xffff, v58  }
0x52f: {  	[tilespmem:s7+$0xCD50] =	vst v18;
	v40 =	vld [tilespmem:s7+$0xCFD0];
	v18 =	vadd.f32 v35, v33;
	v38, _, _ =	vpop (xrf2);
	v39 =	vbroadcast v16, $0xF;
	(xrf2) =	vadd.scan.msk.f32 $0xffff, v61  }
0x530: {  	[tilespmem:s7+$0xCDD0] =	vst v19;
	v43 =	vld [tilespmem:s7+$0xCE60];
	v19 =	vadd.f32 v38, v36;
	v41, _, _ =	vpop (xrf2);
	v42 =	vbroadcast v17, $0xF;
	(xrf2) =	vadd.scan.msk.f32 $0xffff, v28  }
0x531: {  	[tilespmem:s7+$0xCC60] =	vst v20;
	v46 =	vld [tilespmem:s7+$0xCEE0];
	v20 =	vadd.f32 v41, v39;
	v44, _, _ =	vpop (xrf2);
	v45 =	vbroadcast v18, $0xF;
	(xrf2) =	vadd.scan.msk.f32 $0xffff, v31  }
0x532: {  	[tilespmem:s7+$0xCCE0] =	vst v21;
	v49 =	vld [tilespmem:s7+$0xCF60];
	v21 =	vadd.f32 v44, v42;
	v47, _, _ =	vpop (xrf2);
	v48 =	vbroadcast v19, $0xF;
	(xrf2) =	vadd.scan.msk.f32 $0xffff, v34  }
0x533: {  	[tilespmem:s7+$0xCD60] =	vst v1;
	v52 =	vld [tilespmem:s7+$0xCFE0];
	v1 =	vadd.f32 v47, v45;
	v50, _, _ =	vpop (xrf2);
	v51 =	vbroadcast v20, $0xF;
	(xrf2) =	vadd.scan.msk.f32 $0xffff, v37  }
0x534: {  	[tilespmem:s7+$0xCDE0] =	vst v2;
	v55 =	vld [tilespmem:s7+$0xCE70];
	v2 =	vadd.f32 v50, v48;
	v53, _, _ =	vpop (xrf2);
	v54 =	vbroadcast v21, $0xF;
	(xrf2) =	vadd.scan.msk.f32 $0xffff, v40  }
0x535: {  	[tilespmem:s7+$0xCC70] =	vst v3;
	v58 =	vld [tilespmem:s7+$0xCEF0];
	v3 =	vadd.f32 v53, v51;
	v56, _, _ =	vpop (xrf2);
	v57 =	vbroadcast v1, $0xF;
	(xrf2) =	vadd.scan.msk.f32 $0xffff, v43  }
0x536: {  	[tilespmem:s7+$0xCCF0] =	vst v0;
	v61 =	vld [tilespmem:s7+$0xCF70];
	v0 =	vadd.f32 v56, v54;
	v59, _, _ =	vpop (xrf2);
	v60 =	vbroadcast v2, $0xF;
	(xrf2) =	vadd.scan.msk.f32 $0xffff, v46  }
0x537: {  	[tilespmem:s7+$0xCD70] =	vst v9;
	v28 =	vld [tilespmem:s7+$0xCFF0];
	v9 =	vadd.f32 v59, v57;
	v62, _, _ =	vpop (xrf2);
	v63 =	vbroadcast v3, $0xF;
	(xrf2) =	vadd.scan.msk.f32 $0xffff, v49  }
0x538: {  	[tilespmem:s7+$0xCDF0] =	vst v10;
	v29 =	vadd.f32 v62, v60;
	v30, _, _ =	vpop (xrf2);
	(xrf2) =	vadd.scan.msk.f32 $0xffff, v52;
	v31 =	vbroadcast v0, $0xF  }
0x539: {  	[tilespmem:s7+$0xCE00] =	vst v11;
	v32 =	vadd.f32 v30, v63;
	v33, _, _ =	vpop (xrf2);
	(xrf2) =	vadd.scan.msk.f32 $0xffff, v55;
	v34 =	vbroadcast v9, $0xF  }
0x53a: {  	[tilespmem:s7+$0xCE80] =	vst v12;
	v7 =	vadd.f32 v33, v31;
	v35, _, _ =	vpop (xrf2);
	(xrf2) =	vadd.scan.msk.f32 $0xffff, v58;
	v36 =	vbroadcast v29, $0xF  }
0x53b: {  	[tilespmem:s7+$0xCF00] =	vst v13;
	v8 =	vadd.f32 v35, v34;
	v37, _, _ =	vpop (xrf2);
	(xrf2) =	vadd.scan.msk.f32 $0xffff, v61;
	v38 =	vbroadcast v32, $0xF  }
0x53c: {  	[tilespmem:s7+$0xCF80] =	vst v14;
	v4 =	vadd.f32 v37, v36;
	v39, _, _ =	vpop (xrf2);
	v40 =	vbroadcast v7, $0xF;
	(xrf2) =	vadd.scan.msk.f32 $0xffff, v28  }
0x53d: {  	[tilespmem:s7+$0xCE10] =	vst v15;
	v41, _, _ =	vpop (xrf2);
	v5 =	vadd.f32 v39, v38;
	v42 =	vbroadcast v8, $0xF  }
0x53e: {  	[tilespmem:s7+$0xCE90] =	vst v16;
	v43, _, _ =	vpop (xrf2);
	v6 =	vadd.f32 v41, v40;
	v44 =	vbroadcast v4, $0xF  }
0x53f: {  	[tilespmem:s7+$0xCF10] =	vst v17;
	v45, _, _ =	vpop (xrf2);
	v12 =	vadd.f32 v43, v42;
	v46 =	vbroadcast v5, $0xF  }
0x540: {  	[tilespmem:s7+$0xCF90] =	vst v18;
	v47, _, _ =	vpop (xrf2);
	v13 =	vadd.f32 v45, v44;
	v48 =	vbroadcast v6, $0xF  }
0x541: {  	[tilespmem:s7+$0xCE20] =	vst v19;
	v49, _, _ =	vpop (xrf2);
	v14 =	vadd.f32 v47, v46;
	v50 =	vbroadcast v12, $0xF  }
0x542: {  	[tilespmem:s7+$0xCEA0] =	vst v20;
	v51, _, _ =	vpop (xrf2);
	v15 =	vadd.f32 v49, v48;
	v52 =	vbroadcast v13, $0xF  }
0x543: {  	[tilespmem:s7+$0xCF20] =	vst v21;
	v53, _, _ =	vpop (xrf2);
	v16 =	vadd.f32 v51, v50;
	v54 =	vbroadcast v14, $0xF  }
0x544: {  	[tilespmem:s7+$0xCFA0] =	vst v1;
	v55, _, _ =	vpop (xrf2);
	v56 =	vadd.f32 v53, v52;
	v57 =	vbroadcast v15, $0xF  }
0x545: {  	[tilespmem:s7+$0xCE30] =	vst v2;
	v58, _, _ =	vpop (xrf2);
	v59 =	vadd.f32 v55, v54;
	v60 =	vbroadcast v16, $0xF  }
0x546: {  	[tilespmem:s7+$0xCEB0] =	vst v3;
	(v2sf) =	vpush v56, $0xF;
	v61 =	vadd.f32 v58, v57;
	v62, _, _ =	vpop (xrf2)  }
0x547: {  	[tilespmem:s7+$0xCF30] =	vst v0;
	v63 =	vadd.f32 v62, v60;
	(v2sf) =	vpush v59, $0xF  }
0x548: {  	[tilespmem:s7+$0xCFB0] =	vst v9;
	(v2sf) =	vpush v61, $0xF  }
0x549: {  	[tilespmem:s7+$0xCE40] =	vst v29;
	(v2sf) =	vpush v63, $0xF  }
0x54a: {  	[tilespmem:s7+$0xCEC0] =	vst v32  }
0x54b: {  	[tilespmem:s7+$0xCF40] =	vst v7  }
0x54c: {  	[tilespmem:s7+$0xCFC0] =	vst v8  }
0x54d: {  	[tilespmem:s7+$0xCE50] =	vst v4  }
0x54e: {  	[tilespmem:s7+$0xCED0] =	vst v5  }
0x54f: {  	[tilespmem:s7+$0xCF50] =	vst v6  }
0x550: {  	[tilespmem:s7+$0xCFD0] =	vst v12  }
0x551: {  	[tilespmem:s7+$0xCE60] =	vst v13  }
0x552: {  	[tilespmem:s7+$0xCEE0] =	vst v14  }
0x553: {  	p0 =	slt.u32 s8, $0xC0;
	[tilespmem:s7+$0xCF60] =	vst v15  }
.Ltmp3:
0x554: {  	[tilespmem:s7+$0xCFE0] =	vst v16;
	(pc) =	sbr.rel @p0 .LBB2_9-.Ltmp3, $4  }
0x555: {  	[tilespmem:s7+$0xCE70] =	vst v56;
	s26 =	spop (v2sf)  }
0x556: {  	[tilespmem:s7+$0xCEF0] =	vst v59;
	s12 =	spop (v2sf)  }
0x557: {  	s28 =	sadd.s32 $0x40, s8;
	[tilespmem:s7+$0xCF70] =	vst v61;
	s9 =	spop (v2sf)  }
0x558: {  	s8 =	smov.u32 s28;
	[tilespmem:s7+$0xCFF0] =	vst v63;
	s5 =	spop (v2sf)  }
0x559: {  	s0 =	sadd.s32 $0x1, s0  }
0x55a: {  	p0 =	sne.s32 s0, $0x20  }
.Ltmp4:
0x55b: {  	s2 =	sshll.u32 s2, $0xB;
	(pc) =	sbr.rel @p0 .LBB2_2-.Ltmp4, $4  }
0x55c: {  	s2 =	sand.u32 $0x3F000, s2  }
0x55d: {  	s2 =	sor.u32 s2, s4  }
0x55e: {  	s2 =	sadd.s32 s2, s10  }
0x55f: {  	[hbm4b:s2+s17] =	stream.strided.scatter [tilespmem:s21], [sflag:$0x8], $0x4000, s18, s17, $0x38;
	[tilespmem:$0x10000] =	vst v63  }
0x560: {  	s0 =	simm.s32 $0x5  }
0x561: {  	_ =	swait.ge [sflag:s0], $0x4000  }
0x562: {  	[sflag:s0] =	ssyncset.done $0x0  }
0x563: {  	s28 =	simm.s32 $0x6;
	[sflag:s0] =	ssyncadd.s32 $0xFFFFC000  }
0x564: {  	_ =	swait.ge [sflag:s28], $0x4000  }
0x565: {  	[sflag:s28] =	ssyncset.done $0x0  }
0x566: {  	s29 =	simm.s32 $0x7;
	[sflag:s28] =	ssyncadd.s32 $0xFFFFC000  }
0x567: {  	_ =	swait.ge [sflag:s29], $0x4000  }
0x568: {  	[sflag:s29] =	ssyncset.done $0x0  }
0x569: {  	s2 =	simm.s32 $0x8;
	[sflag:s29] =	ssyncadd.s32 $0xFFFFC000  }
0x56a: {  	_ =	swait.ge [sflag:s2], $0x4000  }
0x56b: {  	s31 =	sadd.s32 $0x1, s31;
	s30 =	rddreg [dreg:$0x7]  }
0x56c: {  	p0 =	sne.s32 s31, s30  }
.Ltmp5:
0x56d: {  	_ = 	snop;
	(pc) =	sbr.rel @p0 .LBB2_1-.Ltmp5, $3  }
0x56e: {  	_ =	sdelay $0x1  }
0x56f: {  	[sflag:s2] =	ssyncset.done $0x0  }
0x570: {  	[sflag:s2] =	ssyncadd.s32 $0xFFFFC000  }
0x571: {  	_ =	sfence.sel $0x180000  }
0x572: {  	[bflag:$0x0] =	sbarrier.arrive $0xFFFF  }
0x573: {  	_ =	strace $0x90000047  }
0x574: {  	s0 =	stileid.u32;
	[bflag:$0x2] =	sbarrier.arrive $0xFFFF  }
0x575: {  	p0 =	sne.s32 s0, $0x0;
	s0 =	rddreg [dreg:$0x2]  }
0x576: {  	s0 =	sadd.s32 @!p0 $0x100000, s0  }
0x577: {  	[sflag:s0] =	ssyncadd.tile.s32 @!p0 $0x1;
	_ =	shalt  }
.Lfunc_end2:
_tile_overlayer_lowered:
.L_overlay_start_2:
0x578: {  	(tag) =	ssettag $0x2  }
0x579: {  	s0 =	rddreg [dreg:$0x0];
	s2 =	stileid.u32  }
0x57a: {  	s1 =	rddreg [dreg:$0x1];
	p0 =	sne.s32 s2, $0x0  }
0x57b: {  	s3 =	rddreg [dreg:$0x2];
	[bflag:$0x3] =	sbarrier.arrive $0xFFFF;
	s2 =	simm.s32 @!p0 $0x1C09  }
0x57c: {  	[timem:s3], [sflag:s2] =	dma.local @!p0 [hbm:s0], s1  }
0x57d: {  	s0 =	simm.s32 @!p0 $0x9  }
0x57e: {  	_ =	swait.ge @!p0 [sflag:s0], s1  }
0x57f: {  	s1 =	ssub.s32 @!p0 $0x0, s1;
	[sflag:s0] =	ssyncset.done @!p0 $0x0  }
0x580: {  	[sflag:s0] =	ssyncadd.s32 @!p0 s1  }
0x581: {  	[bflag:$0x3] =	sbarrier.arrive $0xFFFF  }
0x582: {  	_ =	shalt  }

</sc_bundles>
